<compile_context>
chip_gen: v7x
topology: tpu7x:2x2x1
jax: 0.10.2.dev20260603
libtpu: 0.0.44.dev20260713+nightly
codegen_flags: <defaults>
</compile_context>

<pallas_src>
import functools

import jax
import jax.numpy as jnp
from jax import lax
from jax.experimental import pallas as pl
from jax.experimental.pallas import tpu as pltpu
from jax.experimental.pallas import tpu_sc as plsc

NC = 2
NS = 16
EB = 128

_BN_SCALE = 1.0 / (1.0 + 1e-5) ** 0.5


def _dense_tail(h, As_ref, Ad_ref, hlo_ref, hhi_ref, asrc_ref, adst_ref,
                m_ref, ms_s, md_s, i, last):
    fh = h.shape[1] // 2
    hlo_ref[...] = h[:, :fh]
    hhi_ref[...] = h[:, fh:]
    asrc = jnp.dot(h, As_ref[...], preferred_element_type=jnp.float32)
    adst = jnp.dot(h, Ad_ref[...], preferred_element_type=jnp.float32)
    asrc_ref[...] = asrc
    adst_ref[...] = adst
    ms = jnp.max(asrc, axis=0, keepdims=True)
    md = jnp.max(adst, axis=0, keepdims=True)

    @pl.when(i == 0)
    def _():
        ms_s[...] = ms
        md_s[...] = md

    @pl.when(i > 0)
    def _():
        ms_s[...] = jnp.maximum(ms_s[...], ms)
        md_s[...] = jnp.maximum(md_s[...], md)

    @pl.when(i == last)
    def _():
        t = ms_s[...] + md_s[...]
        m_ref[...] = jnp.where(t >= 0, t, 0.2 * t)


def _make_pre(n, rows, in_dim, f, heads):
    g = n // rows
    fh = f // 2

    def body(x_ref, W_ref, As_ref, Ad_ref, hlo_ref, hhi_ref, asrc_ref,
             adst_ref, m_ref, ms_s, md_s):
        i = pl.program_id(0)
        h = jnp.dot(x_ref[...], W_ref[...], preferred_element_type=jnp.float32)
        _dense_tail(h, As_ref, Ad_ref, hlo_ref, hhi_ref, asrc_ref, adst_ref,
                    m_ref, ms_s, md_s, i, g - 1)

    full = lambda shape: pl.BlockSpec(shape, lambda i: (0, 0))
    rb = lambda shape: pl.BlockSpec(shape, lambda i: (i, 0))
    return pl.pallas_call(
        body,
        grid=(g,),
        in_specs=[rb((rows, in_dim)), full((in_dim, f)), full((f, 16)),
                  full((f, 16))],
        out_specs=[rb((rows, fh)), rb((rows, fh)), rb((rows, 16)),
                   rb((rows, 16)), full((1, 16))],
        out_shape=[
            jax.ShapeDtypeStruct((n, fh), jnp.float32),
            jax.ShapeDtypeStruct((n, fh), jnp.float32),
            jax.ShapeDtypeStruct((n, 16), jnp.float32),
            jax.ShapeDtypeStruct((n, 16), jnp.float32),
            jax.ShapeDtypeStruct((1, 16), jnp.float32),
        ],
        scratch_shapes=[pltpu.VMEM((1, 16), jnp.float32),
                        pltpu.VMEM((1, 16), jnp.float32)],
    )


def _make_mid(n, rows, hp, cp, f_next, heads_next, final_only=False):
    g = n // rows
    fp = hp * cp

    def norm(lo_ref, hi_ref, den_ref, b_ref):
        acc = jnp.concatenate([lo_ref[...], hi_ref[...]], axis=1)
        parts = [acc[:, h * cp:(h + 1) * cp] / (den_ref[:, h:h + 1] + 1e-16)
                 for h in range(hp)]
        return jnp.concatenate(parts, axis=1) + b_ref[...]

    if final_only:
        def body(lo_ref, hi_ref, den_ref, b_ref, out_ref):
            y = norm(lo_ref, hi_ref, den_ref, b_ref)
            y = y - jnp.max(y, axis=1, keepdims=True)
            out_ref[...] = y - jnp.log(
                jnp.sum(jnp.exp(y), axis=1, keepdims=True))

        full = lambda shape: pl.BlockSpec(shape, lambda i: (0, 0))
        rb = lambda shape: pl.BlockSpec(shape, lambda i: (i, 0))
        return pl.pallas_call(
            body,
            grid=(g,),
            in_specs=[rb((rows, fp // 2)), rb((rows, fp // 2)),
                      rb((rows, 16)), full((1, fp))],
            out_specs=[rb((rows, fp))],
            out_shape=[jax.ShapeDtypeStruct((n, fp), jnp.float32)],
        )

    fh = f_next // 2

    def body(lo_ref, hi_ref, den_ref, b_ref, g_ref, be_ref, W_ref, As_ref,
             Ad_ref, hlo_ref, hhi_ref, asrc_ref, adst_ref, m_ref, ms_s, md_s):
        i = pl.program_id(0)
        y = norm(lo_ref, hi_ref, den_ref, b_ref)
        y = y * _BN_SCALE * g_ref[...] + be_ref[...]
        hcur = jnp.where(y > 0, y, jnp.exp(y) - 1.0)
        h = jnp.dot(hcur, W_ref[...], preferred_element_type=jnp.float32)
        _dense_tail(h, As_ref, Ad_ref, hlo_ref, hhi_ref, asrc_ref, adst_ref,
                    m_ref, ms_s, md_s, i, g - 1)

    full = lambda shape: pl.BlockSpec(shape, lambda i: (0, 0))
    rb = lambda shape: pl.BlockSpec(shape, lambda i: (i, 0))
    return pl.pallas_call(
        body,
        grid=(g,),
        in_specs=[rb((rows, fp // 2)), rb((rows, fp // 2)), rb((rows, 16)),
                  full((1, fp)), full((1, fp)), full((1, fp)),
                  full((fp, f_next)), full((f_next, 16)),
                  full((f_next, 16))],
        out_specs=[rb((rows, fh)), rb((rows, fh)), rb((rows, 16)),
                   rb((rows, 16)), full((1, 16))],
        out_shape=[
            jax.ShapeDtypeStruct((n, fh), jnp.float32),
            jax.ShapeDtypeStruct((n, fh), jnp.float32),
            jax.ShapeDtypeStruct((n, 16), jnp.float32),
            jax.ShapeDtypeStruct((n, 16), jnp.float32),
            jax.ShapeDtypeStruct((1, 16), jnp.float32),
        ],
        scratch_shapes=[pltpu.VMEM((1, 16), jnp.float32),
                        pltpu.VMEM((1, 16), jnp.float32)],
    )


def _make_edge(n, e, f, heads):
    fh = f // 2
    nblk = e // EB
    base_blk, rem_blk = nblk // NS, nblk % NS
    rows_a = (n // NS) // 8 * 8
    rows_b = n - (NS - 1) * rows_a
    chunks = fh // 16
    heads_local = max(1, heads // 2)
    cpj = chunks // heads_local

    mesh = plsc.VectorSubcoreMesh(core_axis_name="c", subcore_axis_name="s",
                                  num_cores=NC, num_subcores=NS)

    @functools.partial(
        pl.kernel,
        mesh=mesh,
        compiler_params=pltpu.CompilerParams(use_tc_tiling_on_sc=False),
        out_type=[
            jax.ShapeDtypeStruct((n, fh), jnp.float32),
            jax.ShapeDtypeStruct((n, fh), jnp.float32),
            jax.ShapeDtypeStruct((n, 16), jnp.float32),
        ],
        scratch_types=[
            pltpu.VMEM((1, 16), jnp.float32),
            pltpu.VMEM((EB,), jnp.int32),
            pltpu.VMEM((EB,), jnp.int32),
            pltpu.VMEM((EB, 16), jnp.float32),
            pltpu.VMEM((EB, 16), jnp.float32),
            pltpu.VMEM((EB, 16), jnp.float32),
            pltpu.VMEM((EB, fh), jnp.float32),
            pltpu.VMEM_SHARED((n, fh), jnp.float32),
            pltpu.VMEM_SHARED((n, 16), jnp.float32),
            pltpu.SemaphoreType.DMA,
        ],
    )
    def k(hlo_hbm, hhi_hbm, asrc_hbm, adst_hbm, m_hbm, src_hbm, dst_hbm,
          zf_hbm, zh_hbm, out_lo, out_hi, den_out,
          m_v, src_v, dst_v, sg_v, dg_v, w_v, rows_v, acc_s, dacc_s, sem):
        c = lax.axis_index("c")
        s = lax.axis_index("s")

        def stripe_copy(fn):
            @pl.when(s < NS - 1)
            def _():
                fn(pl.ds(s * rows_a, rows_a))

            @pl.when(s == NS - 1)
            def _():
                fn(pl.ds((NS - 1) * rows_a, rows_b))

        pltpu.sync_copy(m_hbm, m_v)
        stripe_copy(lambda st: pltpu.sync_copy(zf_hbm.at[st], acc_s.at[st]))

        @pl.when(c == 0)
        def _():
            stripe_copy(
                lambda st: pltpu.sync_copy(zh_hbm.at[st], dacc_s.at[st]))

        plsc.subcore_barrier()

        mvec = m_v[0, :]

        def edge_loop(h_hbm, head_base, do_den):
            def blk_body(i, _):
                eoff = (i * NS + s) * EB
                pltpu.sync_copy(src_hbm.at[pl.ds(eoff, EB)], src_v)
                pltpu.sync_copy(dst_hbm.at[pl.ds(eoff, EB)], dst_v)
                pltpu.async_copy(asrc_hbm.at[src_v], sg_v, sem).wait()
                pltpu.async_copy(adst_hbm.at[dst_v], dg_v, sem).wait()
                pltpu.async_copy(h_hbm.at[src_v], rows_v, sem).wait()

                def edge(ei, _):
                    av = sg_v[ei, :] + dg_v[ei, :]
                    l = jnp.where(av >= 0, av, 0.2 * av)
                    w16 = jnp.exp(l - mvec)
                    if do_den:
                        w_v[ei, :] = w16
                    for hl in range(heads_local):
                        wv = w16[head_base + hl]
                        for kc in range(cpj):
                            sl = pl.ds((hl * cpj + kc) * 16, 16)
                            rows_v[ei, sl] = rows_v[ei, sl] * wv
                    return 0

                lax.fori_loop(0, EB, edge, 0)
                pltpu.sync_copy(rows_v, acc_s.at[dst_v], add=True)
                if do_den:
                    pltpu.sync_copy(w_v, dacc_s.at[dst_v], add=True)
                return 0

            lax.fori_loop(0, base_blk, blk_body, 0)

            @pl.when(s < rem_blk)
            def _():
                blk_body(base_blk, 0)

        @pl.when(c == 0)
        def _():
            edge_loop(hlo_hbm, 0, True)

        @pl.when(c == 1)
        def _():
            edge_loop(hhi_hbm, heads - heads_local if heads > 1 else 0,
                      False)

        plsc.subcore_barrier()

        @pl.when(c == 0)
        def _():
            stripe_copy(lambda st: pltpu.sync_copy(acc_s.at[st],
                                                   out_lo.at[st]))
            stripe_copy(lambda st: pltpu.sync_copy(dacc_s.at[st],
                                                   den_out.at[st]))

        @pl.when(c == 1)
        def _():
            stripe_copy(lambda st: pltpu.sync_copy(acc_s.at[st],
                                                   out_hi.at[st]))

    return k


def _att_mat(a):
    h, c = a.shape
    m = jnp.zeros((h, c, 16), jnp.float32)
    m = m.at[jnp.arange(h), :, jnp.arange(h)].set(a)
    return m.reshape(h * c, 16)


def kernel(x, edge_index, W1, as1, ad1, b1, g1, be1, W2, as2, ad2, b2, g2,
           be2, W3, as3, ad3, b3):
    n, in_dim = x.shape
    e = edge_index.shape[1]
    f1 = W1.shape[1]
    h1_heads = as1.shape[0]
    f2 = W2.shape[1]
    f3 = W3.shape[1]
    rows = 1000

    src = edge_index[0]
    dst = edge_index[1]
    As1, Ad1 = _att_mat(as1), _att_mat(ad1)
    As2, Ad2 = _att_mat(as2), _att_mat(ad2)
    As3, Ad3 = _att_mat(as3), _att_mat(ad3)

    hlo, hhi, a_s, a_d, m = _make_pre(n, rows, in_dim, f1, h1_heads)(
        x, W1, As1, Ad1)
    zf1 = jnp.zeros((n, f1 // 2), jnp.float32)
    zh16 = jnp.zeros((n, 16), jnp.float32)
    acc_lo, acc_hi, den = _make_edge(n, e, f1, h1_heads)(
        hlo, hhi, a_s, a_d, m, src, dst, zf1, zh16)

    hlo, hhi, a_s, a_d, m = _make_mid(n, rows, h1_heads, f1 // h1_heads,
                                      f2, 1)(
        acc_lo, acc_hi, den, b1.reshape(1, -1), g1.reshape(1, -1),
        be1.reshape(1, -1), W2, As2, Ad2)
    zf2 = jnp.zeros((n, f2 // 2), jnp.float32)
    acc_lo, acc_hi, den = _make_edge(n, e, f2, 1)(
        hlo, hhi, a_s, a_d, m, src, dst, zf2, zh16)

    hlo, hhi, a_s, a_d, m = _make_mid(n, rows, 1, f2, f3, 1)(
        acc_lo, acc_hi, den, b2.reshape(1, -1), g2.reshape(1, -1),
        be2.reshape(1, -1), W3, As3, Ad3)
    zf3 = jnp.zeros((n, f3 // 2), jnp.float32)
    acc_lo, acc_hi, den = _make_edge(n, e, f3, 1)(
        hlo, hhi, a_s, a_d, m, src, dst, zf3, zh16)

    (out,) = _make_mid(n, rows, 1, f3, 0, 0, final_only=True)(
        acc_lo, acc_hi, den, b3.reshape(1, -1))
    return out

# --- scband reference (transcript-rebuilt; emitter-appended) ---
"""Pipeline reference for scband-gatmem-efficient-5497558138997 (READ-ONLY COPY).

The authoritative reference and input builder live on the scoring server;
editing this copy changes nothing except your own understanding.
"""

import jax, jax.numpy as jnp
import numpy as np

N = 10000
E = 320000
IN_DIM = 128
HID = 64
HEADS = 4
OUT = 32


def _glorot(key, shape, fan_in):
    return jax.random.normal(key, shape, dtype=jnp.float32) / np.sqrt(fan_in)


def setup_inputs(seed: int = 0):
    key = jax.random.key(seed)
    k = lambda i: jax.random.fold_in(key, i)
    inp = {}
    inp["x"] = jax.random.normal(k(0), (N, IN_DIM), dtype=jnp.float32)
    inp["edge_index"] = jax.random.randint(k(1), (2, E), 0, N, dtype=jnp.int32)
    inp["W1"] = _glorot(k(2), (IN_DIM, HEADS * HID), IN_DIM)
    inp["as1"] = _glorot(k(3), (HEADS, HID), HID)
    inp["ad1"] = _glorot(k(4), (HEADS, HID), HID)
    inp["b1"] = jnp.zeros((HEADS * HID,), dtype=jnp.float32)
    inp["g1"] = jnp.ones((HEADS * HID,), dtype=jnp.float32)
    inp["be1"] = jnp.zeros((HEADS * HID,), dtype=jnp.float32)
    inp["W2"] = _glorot(k(5), (HEADS * HID, HID), HEADS * HID)
    inp["as2"] = _glorot(k(6), (1, HID), HID)
    inp["ad2"] = _glorot(k(7), (1, HID), HID)
    inp["b2"] = jnp.zeros((HID,), dtype=jnp.float32)
    inp["g2"] = jnp.ones((HID,), dtype=jnp.float32)
    inp["be2"] = jnp.zeros((HID,), dtype=jnp.float32)
    inp["W3"] = _glorot(k(8), (HID, OUT), HID)
    inp["as3"] = _glorot(k(9), (1, OUT), OUT)
    inp["ad3"] = _glorot(k(10), (1, OUT), OUT)
    inp["b3"] = jnp.zeros((OUT,), dtype=jnp.float32)
    return inp


def _gat_conv(x, W, a_src, a_dst, bias, src, dst, heads, out_ch, concat):
    n = x.shape[0]
    h = (x @ W).reshape(n, heads, out_ch)
    alpha_src = (h * a_src[None, :, :]).sum(-1)
    alpha_dst = (h * a_dst[None, :, :]).sum(-1)
    logits = jax.nn.leaky_relu(alpha_src[src] + alpha_dst[dst], negative_slope=0.2)
    m = jax.ops.segment_max(logits, dst, num_segments=n)
    m = jnp.where(jnp.isfinite(m), m, 0.0)
    ex = jnp.exp(logits - jax.lax.stop_gradient(m)[dst])
    denom = jax.ops.segment_sum(ex, dst, num_segments=n)
    alpha = ex / (denom[dst] + 1e-16)
    out = jax.ops.segment_sum(h[src] * alpha[:, :, None], dst, num_segments=n)
    if concat:
        out = out.reshape(n, heads * out_ch)
    else:
        out = out.mean(axis=1)
    return out + bias


def _bn_eval(x, gamma, beta):
    # BatchNorm1d in eval mode with fresh running stats (mean=0, var=1)
    return x / np.float32(np.sqrt(1.0 + 1e-5)) * gamma + beta


def reference(x, edge_index, W1, as1, ad1, b1, g1, be1, W2, as2, ad2, b2, g2, be2, W3, as3, ad3, b3):
    src = edge_index[0]
    dst = edge_index[1]
    h1 = jax.nn.elu(_bn_eval(_gat_conv(x, W1, as1, ad1, b1, src, dst, HEADS, HID, True), g1, be1))
    # dropout is a no-op in eval mode
    h2 = jax.nn.elu(_bn_eval(_gat_conv(h1, W2, as2, ad2, b2, src, dst, 1, HID, False), g2, be2))
    out = _gat_conv(h2, W3, as3, ad3, b3, src, dst, 1, OUT, False)
    return jax.nn.log_softmax(out, axis=1)

if __name__ == "__main__":
    import jax
    _d = setup_inputs()
    print(jax.jit(kernel)(*tuple(_d.values())))

</pallas_src>

<mosaic_0001>
#map = affine_map<(d0, d1) -> (0, 0)>
#map1 = affine_map<(d0, d1) -> (0)>
module attributes {stable_mosaic.version = 14 : i64} {
  func.func @k(%arg0: i32, %arg1: i32, %arg2: memref<10000x128xf32, #tpu.memory_space<hbm>>, %arg3: memref<10000x128xf32, #tpu.memory_space<hbm>>, %arg4: memref<10000x16xf32, #tpu.memory_space<hbm>>, %arg5: memref<10000x16xf32, #tpu.memory_space<hbm>>, %arg6: memref<1x16xf32, #tpu.memory_space<hbm>>, %arg7: memref<320000xi32, #tpu.memory_space<hbm>>, %arg8: memref<320000xi32, #tpu.memory_space<hbm>>, %arg9: memref<10000x128xf32, #tpu.memory_space<hbm>>, %arg10: memref<10000x16xf32, #tpu.memory_space<hbm>>, %arg11: memref<10000x128xf32, #tpu.memory_space<hbm>>, %arg12: memref<10000x128xf32, #tpu.memory_space<hbm>>, %arg13: memref<10000x16xf32, #tpu.memory_space<hbm>>, %arg14: memref<1x16xf32, #tpu.memory_space<vmem>>, %arg15: memref<128xi32, #tpu.memory_space<vmem>>, %arg16: memref<128xi32, #tpu.memory_space<vmem>>, %arg17: memref<128x16xf32, #tpu.memory_space<vmem>>, %arg18: memref<128x16xf32, #tpu.memory_space<vmem>>, %arg19: memref<128x16xf32, #tpu.memory_space<vmem>>, %arg20: memref<128x128xf32, #tpu.memory_space<vmem>>, %arg21: memref<10000x128xf32, #tpu.memory_space<vmem_shared>>, %arg22: memref<10000x16xf32, #tpu.memory_space<vmem_shared>>, %arg23: memref<!tpu.dma_semaphore, #tpu.memory_space<semaphore_mem>>) attributes {dimension_semantics = [#tpu.dimension_semantics<core_parallel>, #tpu.dimension_semantics<subcore_parallel>], iteration_bounds = array<i64: 2, 16>, scalar_prefetch = 0 : i64, scratch_operands = 10 : i64, tpu.core_type = #tpu.core_type<sc_vector_subcore>, window_params = [{transform_indices = #map}, {transform_indices = #map}, {transform_indices = #map}, {transform_indices = #map}, {transform_indices = #map}, {transform_indices = #map1}, {transform_indices = #map1}, {transform_indices = #map}, {transform_indices = #map}, {transform_indices = #map}, {transform_indices = #map}, {transform_indices = #map}]} {
    "tpu.region"() ({
      %run_scoped3A = tpu.sem_alloc : memref<!tpu.dma_semaphore, #tpu.memory_space<semaphore_mem>>
      tpu.enqueue_dma source(%arg6 : memref<1x16xf32, #tpu.memory_space<hbm>>) target(%arg14 : memref<1x16xf32, #tpu.memory_space<vmem>>) target_semaphore(%run_scoped3A : memref<!tpu.dma_semaphore, #tpu.memory_space<semaphore_mem>>)
      tpu.wait_dma2 semaphore(%run_scoped3A : memref<!tpu.dma_semaphore, #tpu.memory_space<semaphore_mem>>) src(%arg6 : memref<1x16xf32, #tpu.memory_space<hbm>>) dst(%arg14 : memref<1x16xf32, #tpu.memory_space<vmem>>)
      tpu.yield
    }) : () -> ()
    %lt3A = arith.constant 15 : i32
    %lt3A_0 = arith.cmpi slt, %arg1, %lt3A : i32
    %convert_element_type3A = arith.extui %lt3A_0 : i1 to i32
    %cond3A = arith.constant 0 : i32
    %cond3A_1 = arith.cmpi ne, %convert_element_type3A, %cond3A : i32
    scf.if %cond3A_1 {
      %mul3A = arith.constant 624 : i32
      %mul3A_36 = arith.muli %arg1, %mul3A : i32
      "tpu.region"() ({
        %run_scoped3A = tpu.sem_alloc : memref<!tpu.dma_semaphore, #tpu.memory_space<semaphore_mem>>
        %dma_start3A = arith.constant 0 : i32
        %dma_start3A_37 = tpu.memref_slice %arg21[%mul3A_36, %dma_start3A] : memref<10000x128xf32, #tpu.memory_space<vmem_shared>> -> memref<624x128xf32, #tpu.memory_space<vmem_shared>>
        %dma_start3A_38 = arith.constant 0 : i32
        %dma_start3A_39 = tpu.memref_slice %arg9[%mul3A_36, %dma_start3A_38] : memref<10000x128xf32, #tpu.memory_space<hbm>> -> memref<624x128xf32, #tpu.memory_space<hbm>>
        tpu.enqueue_dma source(%dma_start3A_39 : memref<624x128xf32, #tpu.memory_space<hbm>>) target(%dma_start3A_37 : memref<624x128xf32, #tpu.memory_space<vmem_shared>>) target_semaphore(%run_scoped3A : memref<!tpu.dma_semaphore, #tpu.memory_space<semaphore_mem>>)
        %dma_wait3A = arith.constant 0 : i32
        %dma_wait3A_40 = tpu.memref_slice %arg21[%mul3A_36, %dma_wait3A] : memref<10000x128xf32, #tpu.memory_space<vmem_shared>> -> memref<624x128xf32, #tpu.memory_space<vmem_shared>>
        %dma_wait3A_41 = arith.constant 0 : i32
        %dma_wait3A_42 = tpu.memref_slice %arg9[%mul3A_36, %dma_wait3A_41] : memref<10000x128xf32, #tpu.memory_space<hbm>> -> memref<624x128xf32, #tpu.memory_space<hbm>>
        tpu.wait_dma2 semaphore(%run_scoped3A : memref<!tpu.dma_semaphore, #tpu.memory_space<semaphore_mem>>) src(%dma_wait3A_42 : memref<624x128xf32, #tpu.memory_space<hbm>>) dst(%dma_wait3A_40 : memref<624x128xf32, #tpu.memory_space<vmem_shared>>)
        tpu.yield
      }) : () -> ()
    } else {
    }
    %eq3A = arith.constant 15 : i32
    %eq3A_2 = arith.cmpi eq, %arg1, %eq3A : i32
    %convert_element_type3A_3 = arith.extui %eq3A_2 : i1 to i32
    %cond3A_4 = arith.constant 0 : i32
    %cond3A_5 = arith.cmpi ne, %convert_element_type3A_3, %cond3A_4 : i32
    scf.if %cond3A_5 {
      "tpu.region"() ({
        %run_scoped3A = tpu.sem_alloc : memref<!tpu.dma_semaphore, #tpu.memory_space<semaphore_mem>>
        %dma_start3A = arith.constant 9360 : i32
        %dma_start3A_36 = arith.constant 0 : i32
        %dma_start3A_37 = tpu.memref_slice %arg21[%dma_start3A, %dma_start3A_36] : memref<10000x128xf32, #tpu.memory_space<vmem_shared>> -> memref<640x128xf32, #tpu.memory_space<vmem_shared>>
        %dma_start3A_38 = arith.constant 9360 : i32
        %dma_start3A_39 = arith.constant 0 : i32
        %dma_start3A_40 = tpu.memref_slice %arg9[%dma_start3A_38, %dma_start3A_39] : memref<10000x128xf32, #tpu.memory_space<hbm>> -> memref<640x128xf32, #tpu.memory_space<hbm>>
        tpu.enqueue_dma source(%dma_start3A_40 : memref<640x128xf32, #tpu.memory_space<hbm>>) target(%dma_start3A_37 : memref<640x128xf32, #tpu.memory_space<vmem_shared>>) target_semaphore(%run_scoped3A : memref<!tpu.dma_semaphore, #tpu.memory_space<semaphore_mem>>)
        %dma_wait3A = arith.constant 9360 : i32
        %dma_wait3A_41 = arith.constant 0 : i32
        %dma_wait3A_42 = tpu.memref_slice %arg21[%dma_wait3A, %dma_wait3A_41] : memref<10000x128xf32, #tpu.memory_space<vmem_shared>> -> memref<640x128xf32, #tpu.memory_space<vmem_shared>>
        %dma_wait3A_43 = arith.constant 9360 : i32
        %dma_wait3A_44 = arith.constant 0 : i32
        %dma_wait3A_45 = tpu.memref_slice %arg9[%dma_wait3A_43, %dma_wait3A_44] : memref<10000x128xf32, #tpu.memory_space<hbm>> -> memref<640x128xf32, #tpu.memory_space<hbm>>
        tpu.wait_dma2 semaphore(%run_scoped3A : memref<!tpu.dma_semaphore, #tpu.memory_space<semaphore_mem>>) src(%dma_wait3A_45 : memref<640x128xf32, #tpu.memory_space<hbm>>) dst(%dma_wait3A_42 : memref<640x128xf32, #tpu.memory_space<vmem_shared>>)
        tpu.yield
      }) : () -> ()
    } else {
    }
    %eq3A_6 = arith.constant 0 : i32
    %eq3A_7 = arith.cmpi eq, %arg0, %eq3A_6 : i32
    %convert_element_type3A_8 = arith.extui %eq3A_7 : i1 to i32
    %cond3A_9 = arith.constant 0 : i32
    %cond3A_10 = arith.cmpi ne, %convert_element_type3A_8, %cond3A_9 : i32
    scf.if %cond3A_10 {
      %lt3A_36 = arith.constant 15 : i32
      %lt3A_37 = arith.cmpi slt, %arg1, %lt3A_36 : i32
      %convert_element_type3A_38 = arith.extui %lt3A_37 : i1 to i32
      %cond3A_39 = arith.constant 0 : i32
      %cond3A_40 = arith.cmpi ne, %convert_element_type3A_38, %cond3A_39 : i32
      scf.if %cond3A_40 {
        %mul3A = arith.constant 624 : i32
        %mul3A_46 = arith.muli %arg1, %mul3A : i32
        "tpu.region"() ({
          %run_scoped3A = tpu.sem_alloc : memref<!tpu.dma_semaphore, #tpu.memory_space<semaphore_mem>>
          %dma_start3A = arith.constant 0 : i32
          %dma_start3A_47 = tpu.memref_slice %arg22[%mul3A_46, %dma_start3A] : memref<10000x16xf32, #tpu.memory_space<vmem_shared>> -> memref<624x16xf32, #tpu.memory_space<vmem_shared>>
          %dma_start3A_48 = arith.constant 0 : i32
          %dma_start3A_49 = tpu.memref_slice %arg10[%mul3A_46, %dma_start3A_48] : memref<10000x16xf32, #tpu.memory_space<hbm>> -> memref<624x16xf32, #tpu.memory_space<hbm>>
          tpu.enqueue_dma source(%dma_start3A_49 : memref<624x16xf32, #tpu.memory_space<hbm>>) target(%dma_start3A_47 : memref<624x16xf32, #tpu.memory_space<vmem_shared>>) target_semaphore(%run_scoped3A : memref<!tpu.dma_semaphore, #tpu.memory_space<semaphore_mem>>)
          %dma_wait3A = arith.constant 0 : i32
          %dma_wait3A_50 = tpu.memref_slice %arg22[%mul3A_46, %dma_wait3A] : memref<10000x16xf32, #tpu.memory_space<vmem_shared>> -> memref<624x16xf32, #tpu.memory_space<vmem_shared>>
          %dma_wait3A_51 = arith.constant 0 : i32
          %dma_wait3A_52 = tpu.memref_slice %arg10[%mul3A_46, %dma_wait3A_51] : memref<10000x16xf32, #tpu.memory_space<hbm>> -> memref<624x16xf32, #tpu.memory_space<hbm>>
          tpu.wait_dma2 semaphore(%run_scoped3A : memref<!tpu.dma_semaphore, #tpu.memory_space<semaphore_mem>>) src(%dma_wait3A_52 : memref<624x16xf32, #tpu.memory_space<hbm>>) dst(%dma_wait3A_50 : memref<624x16xf32, #tpu.memory_space<vmem_shared>>)
          tpu.yield
        }) : () -> ()
      } else {
      }
      %eq3A_41 = arith.constant 15 : i32
      %eq3A_42 = arith.cmpi eq, %arg1, %eq3A_41 : i32
      %convert_element_type3A_43 = arith.extui %eq3A_42 : i1 to i32
      %cond3A_44 = arith.constant 0 : i32
      %cond3A_45 = arith.cmpi ne, %convert_element_type3A_43, %cond3A_44 : i32
      scf.if %cond3A_45 {
        "tpu.region"() ({
          %run_scoped3A = tpu.sem_alloc : memref<!tpu.dma_semaphore, #tpu.memory_space<semaphore_mem>>
          %dma_start3A = arith.constant 9360 : i32
          %dma_start3A_46 = arith.constant 0 : i32
          %dma_start3A_47 = tpu.memref_slice %arg22[%dma_start3A, %dma_start3A_46] : memref<10000x16xf32, #tpu.memory_space<vmem_shared>> -> memref<640x16xf32, #tpu.memory_space<vmem_shared>>
          %dma_start3A_48 = arith.constant 9360 : i32
          %dma_start3A_49 = arith.constant 0 : i32
          %dma_start3A_50 = tpu.memref_slice %arg10[%dma_start3A_48, %dma_start3A_49] : memref<10000x16xf32, #tpu.memory_space<hbm>> -> memref<640x16xf32, #tpu.memory_space<hbm>>
          tpu.enqueue_dma source(%dma_start3A_50 : memref<640x16xf32, #tpu.memory_space<hbm>>) target(%dma_start3A_47 : memref<640x16xf32, #tpu.memory_space<vmem_shared>>) target_semaphore(%run_scoped3A : memref<!tpu.dma_semaphore, #tpu.memory_space<semaphore_mem>>)
          %dma_wait3A = arith.constant 9360 : i32
          %dma_wait3A_51 = arith.constant 0 : i32
          %dma_wait3A_52 = tpu.memref_slice %arg22[%dma_wait3A, %dma_wait3A_51] : memref<10000x16xf32, #tpu.memory_space<vmem_shared>> -> memref<640x16xf32, #tpu.memory_space<vmem_shared>>
          %dma_wait3A_53 = arith.constant 9360 : i32
          %dma_wait3A_54 = arith.constant 0 : i32
          %dma_wait3A_55 = tpu.memref_slice %arg10[%dma_wait3A_53, %dma_wait3A_54] : memref<10000x16xf32, #tpu.memory_space<hbm>> -> memref<640x16xf32, #tpu.memory_space<hbm>>
          tpu.wait_dma2 semaphore(%run_scoped3A : memref<!tpu.dma_semaphore, #tpu.memory_space<semaphore_mem>>) src(%dma_wait3A_55 : memref<640x16xf32, #tpu.memory_space<hbm>>) dst(%dma_wait3A_52 : memref<640x16xf32, #tpu.memory_space<vmem_shared>>)
          tpu.yield
        }) : () -> ()
      } else {
      }
    } else {
    }
    %barrier3A = arith.constant 0 : index
    tpu.barrier barrier_id(%barrier3A)
    %get3A = arith.constant 0 : i32
    %get3A_11 = arith.index_cast %get3A : i32 to index
    %get3A_12 = arith.constant 0 : index
    %get3A_13 = tpu.vector_load %arg14[%get3A_11, %get3A_12] {strides = array<i32>} : memref<1x16xf32, #tpu.memory_space<vmem>>, vector<1x16xf32>,
    %get3A_14 = vector.shape_cast %get3A_13 : vector<1x16xf32> to vector<16xf32>
    %eq3A_15 = arith.constant 0 : i32
    %eq3A_16 = arith.cmpi eq, %arg0, %eq3A_15 : i32
    %convert_element_type3A_17 = arith.extui %eq3A_16 : i1 to i32
    %cond3A_18 = arith.constant 0 : i32
    %cond3A_19 = arith.cmpi ne, %convert_element_type3A_17, %cond3A_18 : i32
    scf.if %cond3A_19 {
      %scan3A = arith.constant 0 : i32
      %scan3A_36 = arith.constant 0 : i32
      %scan3A_37 = arith.constant 156 : i32
      %scan3A_38 = arith.addi %scan3A_36, %scan3A_37 : i32
      %scan3A_39 = arith.constant 1 : i32
      %scan3A_40 = scf.for %scan3A_47 = %scan3A_36 to %scan3A_38 step %scan3A_39 iter_args(%scan3A_48 = %scan3A) -> (i32)  : i32 {
        %mul3A = arith.constant 16 : i32
        %mul3A_49 = arith.muli %scan3A_47, %mul3A : i32
        %add3A = arith.addi %mul3A_49, %arg1 : i32
        %mul3A_50 = arith.constant 128 : i32
        %mul3A_51 = arith.muli %add3A, %mul3A_50 : i32
        "tpu.region"() ({
          %run_scoped3A = tpu.sem_alloc : memref<!tpu.dma_semaphore, #tpu.memory_space<semaphore_mem>>
          %dma_start3A_76 = tpu.memref_slice %arg7[%mul3A_51] : memref<320000xi32, #tpu.memory_space<hbm>> -> memref<128xi32, #tpu.memory_space<hbm>>
          %dma_start3A_77 = tpu.memref_slice %arg7[%mul3A_51] : memref<320000xi32, #tpu.memory_space<hbm>> -> memref<128xi32, #tpu.memory_space<hbm>>
          tpu.enqueue_dma source(%dma_start3A_77 : memref<128xi32, #tpu.memory_space<hbm>>) target(%arg15 : memref<128xi32, #tpu.memory_space<vmem>>) target_semaphore(%run_scoped3A : memref<!tpu.dma_semaphore, #tpu.memory_space<semaphore_mem>>)
          %dma_wait3A_78 = tpu.memref_slice %arg7[%mul3A_51] : memref<320000xi32, #tpu.memory_space<hbm>> -> memref<128xi32, #tpu.memory_space<hbm>>
          %dma_wait3A_79 = tpu.memref_slice %arg7[%mul3A_51] : memref<320000xi32, #tpu.memory_space<hbm>> -> memref<128xi32, #tpu.memory_space<hbm>>
          tpu.wait_dma2 semaphore(%run_scoped3A : memref<!tpu.dma_semaphore, #tpu.memory_space<semaphore_mem>>) src(%dma_wait3A_79 : memref<128xi32, #tpu.memory_space<hbm>>) dst(%arg15 : memref<128xi32, #tpu.memory_space<vmem>>)
          tpu.yield
        }) : () -> ()
        "tpu.region"() ({
          %run_scoped3A = tpu.sem_alloc : memref<!tpu.dma_semaphore, #tpu.memory_space<semaphore_mem>>
          %dma_start3A_76 = tpu.memref_slice %arg8[%mul3A_51] : memref<320000xi32, #tpu.memory_space<hbm>> -> memref<128xi32, #tpu.memory_space<hbm>>
          %dma_start3A_77 = tpu.memref_slice %arg8[%mul3A_51] : memref<320000xi32, #tpu.memory_space<hbm>> -> memref<128xi32, #tpu.memory_space<hbm>>
          tpu.enqueue_dma source(%dma_start3A_77 : memref<128xi32, #tpu.memory_space<hbm>>) target(%arg16 : memref<128xi32, #tpu.memory_space<vmem>>) target_semaphore(%run_scoped3A : memref<!tpu.dma_semaphore, #tpu.memory_space<semaphore_mem>>)
          %dma_wait3A_78 = tpu.memref_slice %arg8[%mul3A_51] : memref<320000xi32, #tpu.memory_space<hbm>> -> memref<128xi32, #tpu.memory_space<hbm>>
          %dma_wait3A_79 = tpu.memref_slice %arg8[%mul3A_51] : memref<320000xi32, #tpu.memory_space<hbm>> -> memref<128xi32, #tpu.memory_space<hbm>>
          tpu.wait_dma2 semaphore(%run_scoped3A : memref<!tpu.dma_semaphore, #tpu.memory_space<semaphore_mem>>) src(%dma_wait3A_79 : memref<128xi32, #tpu.memory_space<hbm>>) dst(%arg16 : memref<128xi32, #tpu.memory_space<vmem>>)
          tpu.yield
        }) : () -> ()
        %dma_start3A = arith.constant 0 : i32
        %dma_start3A_52 = arith.constant 0 : i32
        %dma_start3A_53 = tpu.memref_slice %arg4[%dma_start3A, %dma_start3A_52] : memref<10000x16xf32, #tpu.memory_space<hbm>> -> memref<10000x16xf32, #tpu.memory_space<hbm>>
        tpu.enqueue_indirect_dma source(%dma_start3A_53 : memref<10000x16xf32, #tpu.memory_space<hbm>>) target(%arg17 : memref<128x16xf32, #tpu.memory_space<vmem>>) offsets(%arg15 : memref<128xi32, #tpu.memory_space<vmem>>) semaphore(%arg23 : memref<!tpu.dma_semaphore, #tpu.memory_space<semaphore_mem>>)
        %dma_wait3A = arith.constant 0 : i32
        %dma_wait3A_54 = arith.constant 0 : i32
        %dma_wait3A_55 = tpu.memref_slice %arg4[%dma_wait3A, %dma_wait3A_54] : memref<10000x16xf32, #tpu.memory_space<hbm>> -> memref<10000x16xf32, #tpu.memory_space<hbm>>
        tpu.wait_indirect_dma semaphore(%arg23 : memref<!tpu.dma_semaphore, #tpu.memory_space<semaphore_mem>>) src(%dma_wait3A_55 : memref<10000x16xf32, #tpu.memory_space<hbm>>) dst(%arg17 : memref<128x16xf32, #tpu.memory_space<vmem>>)
        %dma_start3A_56 = arith.constant 0 : i32
        %dma_start3A_57 = arith.constant 0 : i32
        %dma_start3A_58 = tpu.memref_slice %arg5[%dma_start3A_56, %dma_start3A_57] : memref<10000x16xf32, #tpu.memory_space<hbm>> -> memref<10000x16xf32, #tpu.memory_space<hbm>>
        tpu.enqueue_indirect_dma source(%dma_start3A_58 : memref<10000x16xf32, #tpu.memory_space<hbm>>) target(%arg18 : memref<128x16xf32, #tpu.memory_space<vmem>>) offsets(%arg16 : memref<128xi32, #tpu.memory_space<vmem>>) semaphore(%arg23 : memref<!tpu.dma_semaphore, #tpu.memory_space<semaphore_mem>>)
        %dma_wait3A_59 = arith.constant 0 : i32
        %dma_wait3A_60 = arith.constant 0 : i32
        %dma_wait3A_61 = tpu.memref_slice %arg5[%dma_wait3A_59, %dma_wait3A_60] : memref<10000x16xf32, #tpu.memory_space<hbm>> -> memref<10000x16xf32, #tpu.memory_space<hbm>>
        tpu.wait_indirect_dma semaphore(%arg23 : memref<!tpu.dma_semaphore, #tpu.memory_space<semaphore_mem>>) src(%dma_wait3A_61 : memref<10000x16xf32, #tpu.memory_space<hbm>>) dst(%arg18 : memref<128x16xf32, #tpu.memory_space<vmem>>)
        %dma_start3A_62 = arith.constant 0 : i32
        %dma_start3A_63 = arith.constant 0 : i32
        %dma_start3A_64 = tpu.memref_slice %arg2[%dma_start3A_62, %dma_start3A_63] : memref<10000x128xf32, #tpu.memory_space<hbm>> -> memref<10000x128xf32, #tpu.memory_space<hbm>>
        tpu.enqueue_indirect_dma source(%dma_start3A_64 : memref<10000x128xf32, #tpu.memory_space<hbm>>) target(%arg20 : memref<128x128xf32, #tpu.memory_space<vmem>>) offsets(%arg15 : memref<128xi32, #tpu.memory_space<vmem>>) semaphore(%arg23 : memref<!tpu.dma_semaphore, #tpu.memory_space<semaphore_mem>>)
        %dma_wait3A_65 = arith.constant 0 : i32
        %dma_wait3A_66 = arith.constant 0 : i32
        %dma_wait3A_67 = tpu.memref_slice %arg2[%dma_wait3A_65, %dma_wait3A_66] : memref<10000x128xf32, #tpu.memory_space<hbm>> -> memref<10000x128xf32, #tpu.memory_space<hbm>>
        tpu.wait_indirect_dma semaphore(%arg23 : memref<!tpu.dma_semaphore, #tpu.memory_space<semaphore_mem>>) src(%dma_wait3A_67 : memref<10000x128xf32, #tpu.memory_space<hbm>>) dst(%arg20 : memref<128x128xf32, #tpu.memory_space<vmem>>)
        %scan3A_68 = arith.constant 0 : i32
        %scan3A_69 = arith.constant 0 : i32
        %scan3A_70 = arith.constant 128 : i32
        %scan3A_71 = arith.addi %scan3A_69, %scan3A_70 : i32
        %scan3A_72 = arith.constant 1 : i32
        %scan3A_73 = scf.for %scan3A_76 = %scan3A_69 to %scan3A_71 step %scan3A_72 iter_args(%scan3A_77 = %scan3A_68) -> (i32)  : i32 {
          %get3A_78 = arith.index_cast %scan3A_76 : i32 to index
          %get3A_79 = arith.constant 0 : index
          %get3A_80 = tpu.vector_load %arg17[%get3A_78, %get3A_79] {strides = array<i32>} : memref<128x16xf32, #tpu.memory_space<vmem>>, vector<1x16xf32>,
          %get3A_81 = vector.shape_cast %get3A_80 : vector<1x16xf32> to vector<16xf32>
          %get3A_82 = arith.index_cast %scan3A_76 : i32 to index
          %get3A_83 = arith.constant 0 : index
          %get3A_84 = tpu.vector_load %arg18[%get3A_82, %get3A_83] {strides = array<i32>} : memref<128x16xf32, #tpu.memory_space<vmem>>, vector<1x16xf32>,
          %get3A_85 = vector.shape_cast %get3A_84 : vector<1x16xf32> to vector<16xf32>
          %add3A_86 = arith.addf %get3A_81, %get3A_85 : vector<16xf32>
          %ge3A = arith.constant 0.000000e+00 : f32
          %ge3A_87 = vector.broadcast %ge3A : f32 to vector<16xf32>
          %ge3A_88 = arith.cmpf oge, %add3A_86, %ge3A_87 : vector<16xf32>
          %mul3A_89 = arith.constant 2.000000e-01 : f32
          %mul3A_90 = vector.broadcast %mul3A_89 : f32 to vector<16xf32>
          %mul3A_91 = arith.mulf %mul3A_90, %add3A_86 : vector<16xf32>
          %select_n3A = arith.select %ge3A_88, %add3A_86, %mul3A_91 : vector<16xi1>, vector<16xf32>
          %sub3A = arith.subf %select_n3A, %get3A_14 : vector<16xf32>
          %exp3A = math.exp %sub3A : vector<16xf32>
          %swap3A = arith.index_cast %scan3A_76 : i32 to index
          %swap3A_92 = arith.constant 0 : index
          %swap3A_93 = tpu.vector_load %arg19[%swap3A, %swap3A_92] {strides = array<i32>} : memref<128x16xf32, #tpu.memory_space<vmem>>, vector<1x16xf32>,
          %swap3A_94 = vector.shape_cast %swap3A_93 : vector<1x16xf32> to vector<16xf32>
          %swap3A_95 = vector.shape_cast %exp3A : vector<16xf32> to vector<1x16xf32>
          tpu.vector_store %arg19[%swap3A, %swap3A_92], %swap3A_95 {strides = array<i32>} : memref<128x16xf32, #tpu.memory_space<vmem>>, vector<1x16xf32>,
          %slice3A = vector.extract_strided_slice %exp3A {offsets = [0], sizes = [1], strides = [1]} : vector<16xf32> to vector<1xf32>
          %squeeze3A = vector.extract %slice3A[0] : f32 from vector<1xf32>
          %get3A_96 = arith.index_cast %scan3A_76 : i32 to index
          %get3A_97 = arith.constant 0 : index
          %get3A_98 = tpu.vector_load %arg20[%get3A_96, %get3A_97] {strides = array<i32>} : memref<128x128xf32, #tpu.memory_space<vmem>>, vector<1x16xf32>,
          %get3A_99 = vector.shape_cast %get3A_98 : vector<1x16xf32> to vector<16xf32>
          %mul3A_100 = vector.broadcast %squeeze3A : f32 to vector<16xf32>
          %mul3A_101 = arith.mulf %get3A_99, %mul3A_100 : vector<16xf32>
          %swap3A_102 = arith.index_cast %scan3A_76 : i32 to index
          %swap3A_103 = arith.constant 0 : index
          %swap3A_104 = tpu.vector_load %arg20[%swap3A_102, %swap3A_103] {strides = array<i32>} : memref<128x128xf32, #tpu.memory_space<vmem>>, vector<1x16xf32>,
          %swap3A_105 = vector.shape_cast %swap3A_104 : vector<1x16xf32> to vector<16xf32>
          %swap3A_106 = vector.shape_cast %mul3A_101 : vector<16xf32> to vector<1x16xf32>
          tpu.vector_store %arg20[%swap3A_102, %swap3A_103], %swap3A_106 {strides = array<i32>} : memref<128x128xf32, #tpu.memory_space<vmem>>, vector<1x16xf32>,
          %get3A_107 = arith.index_cast %scan3A_76 : i32 to index
          %get3A_108 = arith.constant 16 : index
          %get3A_109 = tpu.vector_load %arg20[%get3A_107, %get3A_108] {strides = array<i32>} : memref<128x128xf32, #tpu.memory_space<vmem>>, vector<1x16xf32>,
          %get3A_110 = vector.shape_cast %get3A_109 : vector<1x16xf32> to vector<16xf32>
          %mul3A_111 = vector.broadcast %squeeze3A : f32 to vector<16xf32>
          %mul3A_112 = arith.mulf %get3A_110, %mul3A_111 : vector<16xf32>
          %swap3A_113 = arith.index_cast %scan3A_76 : i32 to index
          %swap3A_114 = arith.constant 16 : index
          %swap3A_115 = tpu.vector_load %arg20[%swap3A_113, %swap3A_114] {strides = array<i32>} : memref<128x128xf32, #tpu.memory_space<vmem>>, vector<1x16xf32>,
          %swap3A_116 = vector.shape_cast %swap3A_115 : vector<1x16xf32> to vector<16xf32>
          %swap3A_117 = vector.shape_cast %mul3A_112 : vector<16xf32> to vector<1x16xf32>
          tpu.vector_store %arg20[%swap3A_113, %swap3A_114], %swap3A_117 {strides = array<i32>} : memref<128x128xf32, #tpu.memory_space<vmem>>, vector<1x16xf32>,
          %get3A_118 = arith.index_cast %scan3A_76 : i32 to index
          %get3A_119 = arith.constant 32 : index
          %get3A_120 = tpu.vector_load %arg20[%get3A_118, %get3A_119] {strides = array<i32>} : memref<128x128xf32, #tpu.memory_space<vmem>>, vector<1x16xf32>,
          %get3A_121 = vector.shape_cast %get3A_120 : vector<1x16xf32> to vector<16xf32>
          %mul3A_122 = vector.broadcast %squeeze3A : f32 to vector<16xf32>
          %mul3A_123 = arith.mulf %get3A_121, %mul3A_122 : vector<16xf32>
          %swap3A_124 = arith.index_cast %scan3A_76 : i32 to index
          %swap3A_125 = arith.constant 32 : index
          %swap3A_126 = tpu.vector_load %arg20[%swap3A_124, %swap3A_125] {strides = array<i32>} : memref<128x128xf32, #tpu.memory_space<vmem>>, vector<1x16xf32>,
          %swap3A_127 = vector.shape_cast %swap3A_126 : vector<1x16xf32> to vector<16xf32>
          %swap3A_128 = vector.shape_cast %mul3A_123 : vector<16xf32> to vector<1x16xf32>
          tpu.vector_store %arg20[%swap3A_124, %swap3A_125], %swap3A_128 {strides = array<i32>} : memref<128x128xf32, #tpu.memory_space<vmem>>, vector<1x16xf32>,
          %get3A_129 = arith.index_cast %scan3A_76 : i32 to index
          %get3A_130 = arith.constant 48 : index
          %get3A_131 = tpu.vector_load %arg20[%get3A_129, %get3A_130] {strides = array<i32>} : memref<128x128xf32, #tpu.memory_space<vmem>>, vector<1x16xf32>,
          %get3A_132 = vector.shape_cast %get3A_131 : vector<1x16xf32> to vector<16xf32>
          %mul3A_133 = vector.broadcast %squeeze3A : f32 to vector<16xf32>
          %mul3A_134 = arith.mulf %get3A_132, %mul3A_133 : vector<16xf32>
          %swap3A_135 = arith.index_cast %scan3A_76 : i32 to index
          %swap3A_136 = arith.constant 48 : index
          %swap3A_137 = tpu.vector_load %arg20[%swap3A_135, %swap3A_136] {strides = array<i32>} : memref<128x128xf32, #tpu.memory_space<vmem>>, vector<1x16xf32>,
          %swap3A_138 = vector.shape_cast %swap3A_137 : vector<1x16xf32> to vector<16xf32>
          %swap3A_139 = vector.shape_cast %mul3A_134 : vector<16xf32> to vector<1x16xf32>
          tpu.vector_store %arg20[%swap3A_135, %swap3A_136], %swap3A_139 {strides = array<i32>} : memref<128x128xf32, #tpu.memory_space<vmem>>, vector<1x16xf32>,
          %slice3A_140 = vector.extract_strided_slice %exp3A {offsets = [1], sizes = [1], strides = [1]} : vector<16xf32> to vector<1xf32>
          %squeeze3A_141 = vector.extract %slice3A_140[0] : f32 from vector<1xf32>
          %get3A_142 = arith.index_cast %scan3A_76 : i32 to index
          %get3A_143 = arith.constant 64 : index
          %get3A_144 = tpu.vector_load %arg20[%get3A_142, %get3A_143] {strides = array<i32>} : memref<128x128xf32, #tpu.memory_space<vmem>>, vector<1x16xf32>,
          %get3A_145 = vector.shape_cast %get3A_144 : vector<1x16xf32> to vector<16xf32>
          %mul3A_146 = vector.broadcast %squeeze3A_141 : f32 to vector<16xf32>
          %mul3A_147 = arith.mulf %get3A_145, %mul3A_146 : vector<16xf32>
          %swap3A_148 = arith.index_cast %scan3A_76 : i32 to index
          %swap3A_149 = arith.constant 64 : index
          %swap3A_150 = tpu.vector_load %arg20[%swap3A_148, %swap3A_149] {strides = array<i32>} : memref<128x128xf32, #tpu.memory_space<vmem>>, vector<1x16xf32>,
          %swap3A_151 = vector.shape_cast %swap3A_150 : vector<1x16xf32> to vector<16xf32>
          %swap3A_152 = vector.shape_cast %mul3A_147 : vector<16xf32> to vector<1x16xf32>
          tpu.vector_store %arg20[%swap3A_148, %swap3A_149], %swap3A_152 {strides = array<i32>} : memref<128x128xf32, #tpu.memory_space<vmem>>, vector<1x16xf32>,
          %get3A_153 = arith.index_cast %scan3A_76 : i32 to index
          %get3A_154 = arith.constant 80 : index
          %get3A_155 = tpu.vector_load %arg20[%get3A_153, %get3A_154] {strides = array<i32>} : memref<128x128xf32, #tpu.memory_space<vmem>>, vector<1x16xf32>,
          %get3A_156 = vector.shape_cast %get3A_155 : vector<1x16xf32> to vector<16xf32>
          %mul3A_157 = vector.broadcast %squeeze3A_141 : f32 to vector<16xf32>
          %mul3A_158 = arith.mulf %get3A_156, %mul3A_157 : vector<16xf32>
          %swap3A_159 = arith.index_cast %scan3A_76 : i32 to index
          %swap3A_160 = arith.constant 80 : index
          %swap3A_161 = tpu.vector_load %arg20[%swap3A_159, %swap3A_160] {strides = array<i32>} : memref<128x128xf32, #tpu.memory_space<vmem>>, vector<1x16xf32>,
          %swap3A_162 = vector.shape_cast %swap3A_161 : vector<1x16xf32> to vector<16xf32>
          %swap3A_163 = vector.shape_cast %mul3A_158 : vector<16xf32> to vector<1x16xf32>
          tpu.vector_store %arg20[%swap3A_159, %swap3A_160], %swap3A_163 {strides = array<i32>} : memref<128x128xf32, #tpu.memory_space<vmem>>, vector<1x16xf32>,
          %get3A_164 = arith.index_cast %scan3A_76 : i32 to index
          %get3A_165 = arith.constant 96 : index
          %get3A_166 = tpu.vector_load %arg20[%get3A_164, %get3A_165] {strides = array<i32>} : memref<128x128xf32, #tpu.memory_space<vmem>>, vector<1x16xf32>,
          %get3A_167 = vector.shape_cast %get3A_166 : vector<1x16xf32> to vector<16xf32>
          %mul3A_168 = vector.broadcast %squeeze3A_141 : f32 to vector<16xf32>
          %mul3A_169 = arith.mulf %get3A_167, %mul3A_168 : vector<16xf32>
          %swap3A_170 = arith.index_cast %scan3A_76 : i32 to index
          %swap3A_171 = arith.constant 96 : index
          %swap3A_172 = tpu.vector_load %arg20[%swap3A_170, %swap3A_171] {strides = array<i32>} : memref<128x128xf32, #tpu.memory_space<vmem>>, vector<1x16xf32>,
          %swap3A_173 = vector.shape_cast %swap3A_172 : vector<1x16xf32> to vector<16xf32>
          %swap3A_174 = vector.shape_cast %mul3A_169 : vector<16xf32> to vector<1x16xf32>
          tpu.vector_store %arg20[%swap3A_170, %swap3A_171], %swap3A_174 {strides = array<i32>} : memref<128x128xf32, #tpu.memory_space<vmem>>, vector<1x16xf32>,
          %get3A_175 = arith.index_cast %scan3A_76 : i32 to index
          %get3A_176 = arith.constant 112 : index
          %get3A_177 = tpu.vector_load %arg20[%get3A_175, %get3A_176] {strides = array<i32>} : memref<128x128xf32, #tpu.memory_space<vmem>>, vector<1x16xf32>,
          %get3A_178 = vector.shape_cast %get3A_177 : vector<1x16xf32> to vector<16xf32>
          %mul3A_179 = vector.broadcast %squeeze3A_141 : f32 to vector<16xf32>
          %mul3A_180 = arith.mulf %get3A_178, %mul3A_179 : vector<16xf32>
          %swap3A_181 = arith.index_cast %scan3A_76 : i32 to index
          %swap3A_182 = arith.constant 112 : index
          %swap3A_183 = tpu.vector_load %arg20[%swap3A_181, %swap3A_182] {strides = array<i32>} : memref<128x128xf32, #tpu.memory_space<vmem>>, vector<1x16xf32>,
          %swap3A_184 = vector.shape_cast %swap3A_183 : vector<1x16xf32> to vector<16xf32>
          %swap3A_185 = vector.shape_cast %mul3A_180 : vector<16xf32> to vector<1x16xf32>
          tpu.vector_store %arg20[%swap3A_181, %swap3A_182], %swap3A_185 {strides = array<i32>} : memref<128x128xf32, #tpu.memory_space<vmem>>, vector<1x16xf32>,
          %scan3A_186 = arith.constant 0 : i32
          scf.yield %scan3A_186 : i32
        }
        %scan3A_74 = arith.constant 128 : i32
        "tpu.region"() ({
          %run_scoped3A = tpu.sem_alloc : memref<!tpu.dma_semaphore, #tpu.memory_space<semaphore_mem>>
          %dma_start3A_76 = arith.constant 0 : i32
          %dma_start3A_77 = arith.constant 0 : i32
          %dma_start3A_78 = tpu.memref_slice %arg21[%dma_start3A_76, %dma_start3A_77] : memref<10000x128xf32, #tpu.memory_space<vmem_shared>> -> memref<10000x128xf32, #tpu.memory_space<vmem_shared>>
          tpu.enqueue_indirect_dma source(%arg20 : memref<128x128xf32, #tpu.memory_space<vmem>>) target(%dma_start3A_78 : memref<10000x128xf32, #tpu.memory_space<vmem_shared>>) offsets(%arg16 : memref<128xi32, #tpu.memory_space<vmem>>) semaphore(%run_scoped3A : memref<!tpu.dma_semaphore, #tpu.memory_space<semaphore_mem>>) {add = true}
          %dma_wait3A_79 = arith.constant 0 : i32
          %dma_wait3A_80 = arith.constant 0 : i32
          %dma_wait3A_81 = tpu.memref_slice %arg21[%dma_wait3A_79, %dma_wait3A_80] : memref<10000x128xf32, #tpu.memory_space<vmem_shared>> -> memref<10000x128xf32, #tpu.memory_space<vmem_shared>>
          tpu.wait_indirect_dma semaphore(%run_scoped3A : memref<!tpu.dma_semaphore, #tpu.memory_space<semaphore_mem>>) src(%arg20 : memref<128x128xf32, #tpu.memory_space<vmem>>) dst(%dma_wait3A_81 : memref<10000x128xf32, #tpu.memory_space<vmem_shared>>)
          tpu.yield
        }) : () -> ()
        "tpu.region"() ({
          %run_scoped3A = tpu.sem_alloc : memref<!tpu.dma_semaphore, #tpu.memory_space<semaphore_mem>>
          %dma_start3A_76 = arith.constant 0 : i32
          %dma_start3A_77 = arith.constant 0 : i32
          %dma_start3A_78 = tpu.memref_slice %arg22[%dma_start3A_76, %dma_start3A_77] : memref<10000x16xf32, #tpu.memory_space<vmem_shared>> -> memref<10000x16xf32, #tpu.memory_space<vmem_shared>>
          tpu.enqueue_indirect_dma source(%arg19 : memref<128x16xf32, #tpu.memory_space<vmem>>) target(%dma_start3A_78 : memref<10000x16xf32, #tpu.memory_space<vmem_shared>>) offsets(%arg16 : memref<128xi32, #tpu.memory_space<vmem>>) semaphore(%run_scoped3A : memref<!tpu.dma_semaphore, #tpu.memory_space<semaphore_mem>>) {add = true}
          %dma_wait3A_79 = arith.constant 0 : i32
          %dma_wait3A_80 = arith.constant 0 : i32
          %dma_wait3A_81 = tpu.memref_slice %arg22[%dma_wait3A_79, %dma_wait3A_80] : memref<10000x16xf32, #tpu.memory_space<vmem_shared>> -> memref<10000x16xf32, #tpu.memory_space<vmem_shared>>
          tpu.wait_indirect_dma semaphore(%run_scoped3A : memref<!tpu.dma_semaphore, #tpu.memory_space<semaphore_mem>>) src(%arg19 : memref<128x16xf32, #tpu.memory_space<vmem>>) dst(%dma_wait3A_81 : memref<10000x16xf32, #tpu.memory_space<vmem_shared>>)
          tpu.yield
        }) : () -> ()
        %scan3A_75 = arith.constant 0 : i32
        scf.yield %scan3A_75 : i32
      }
      %scan3A_41 = arith.constant 156 : i32
      %lt3A_42 = arith.constant 4 : i32
      %lt3A_43 = arith.cmpi slt, %arg1, %lt3A_42 : i32
      %convert_element_type3A_44 = arith.extui %lt3A_43 : i1 to i32
      %cond3A_45 = arith.constant 0 : i32
      %cond3A_46 = arith.cmpi ne, %convert_element_type3A_44, %cond3A_45 : i32
      scf.if %cond3A_46 {
        %add3A = arith.constant 2496 : i32
        %add3A_47 = arith.addi %add3A, %arg1 : i32
        %mul3A = arith.constant 128 : i32
        %mul3A_48 = arith.muli %add3A_47, %mul3A : i32
        "tpu.region"() ({
          %run_scoped3A = tpu.sem_alloc : memref<!tpu.dma_semaphore, #tpu.memory_space<semaphore_mem>>
          %dma_start3A_72 = tpu.memref_slice %arg7[%mul3A_48] : memref<320000xi32, #tpu.memory_space<hbm>> -> memref<128xi32, #tpu.memory_space<hbm>>
          %dma_start3A_73 = tpu.memref_slice %arg7[%mul3A_48] : memref<320000xi32, #tpu.memory_space<hbm>> -> memref<128xi32, #tpu.memory_space<hbm>>
          tpu.enqueue_dma source(%dma_start3A_73 : memref<128xi32, #tpu.memory_space<hbm>>) target(%arg15 : memref<128xi32, #tpu.memory_space<vmem>>) target_semaphore(%run_scoped3A : memref<!tpu.dma_semaphore, #tpu.memory_space<semaphore_mem>>)
          %dma_wait3A_74 = tpu.memref_slice %arg7[%mul3A_48] : memref<320000xi32, #tpu.memory_space<hbm>> -> memref<128xi32, #tpu.memory_space<hbm>>
          %dma_wait3A_75 = tpu.memref_slice %arg7[%mul3A_48] : memref<320000xi32, #tpu.memory_space<hbm>> -> memref<128xi32, #tpu.memory_space<hbm>>
          tpu.wait_dma2 semaphore(%run_scoped3A : memref<!tpu.dma_semaphore, #tpu.memory_space<semaphore_mem>>) src(%dma_wait3A_75 : memref<128xi32, #tpu.memory_space<hbm>>) dst(%arg15 : memref<128xi32, #tpu.memory_space<vmem>>)
          tpu.yield
        }) : () -> ()
        "tpu.region"() ({
          %run_scoped3A = tpu.sem_alloc : memref<!tpu.dma_semaphore, #tpu.memory_space<semaphore_mem>>
          %dma_start3A_72 = tpu.memref_slice %arg8[%mul3A_48] : memref<320000xi32, #tpu.memory_space<hbm>> -> memref<128xi32, #tpu.memory_space<hbm>>
          %dma_start3A_73 = tpu.memref_slice %arg8[%mul3A_48] : memref<320000xi32, #tpu.memory_space<hbm>> -> memref<128xi32, #tpu.memory_space<hbm>>
          tpu.enqueue_dma source(%dma_start3A_73 : memref<128xi32, #tpu.memory_space<hbm>>) target(%arg16 : memref<128xi32, #tpu.memory_space<vmem>>) target_semaphore(%run_scoped3A : memref<!tpu.dma_semaphore, #tpu.memory_space<semaphore_mem>>)
          %dma_wait3A_74 = tpu.memref_slice %arg8[%mul3A_48] : memref<320000xi32, #tpu.memory_space<hbm>> -> memref<128xi32, #tpu.memory_space<hbm>>
          %dma_wait3A_75 = tpu.memref_slice %arg8[%mul3A_48] : memref<320000xi32, #tpu.memory_space<hbm>> -> memref<128xi32, #tpu.memory_space<hbm>>
          tpu.wait_dma2 semaphore(%run_scoped3A : memref<!tpu.dma_semaphore, #tpu.memory_space<semaphore_mem>>) src(%dma_wait3A_75 : memref<128xi32, #tpu.memory_space<hbm>>) dst(%arg16 : memref<128xi32, #tpu.memory_space<vmem>>)
          tpu.yield
        }) : () -> ()
        %dma_start3A = arith.constant 0 : i32
        %dma_start3A_49 = arith.constant 0 : i32
        %dma_start3A_50 = tpu.memref_slice %arg4[%dma_start3A, %dma_start3A_49] : memref<10000x16xf32, #tpu.memory_space<hbm>> -> memref<10000x16xf32, #tpu.memory_space<hbm>>
        tpu.enqueue_indirect_dma source(%dma_start3A_50 : memref<10000x16xf32, #tpu.memory_space<hbm>>) target(%arg17 : memref<128x16xf32, #tpu.memory_space<vmem>>) offsets(%arg15 : memref<128xi32, #tpu.memory_space<vmem>>) semaphore(%arg23 : memref<!tpu.dma_semaphore, #tpu.memory_space<semaphore_mem>>)
        %dma_wait3A = arith.constant 0 : i32
        %dma_wait3A_51 = arith.constant 0 : i32
        %dma_wait3A_52 = tpu.memref_slice %arg4[%dma_wait3A, %dma_wait3A_51] : memref<10000x16xf32, #tpu.memory_space<hbm>> -> memref<10000x16xf32, #tpu.memory_space<hbm>>
        tpu.wait_indirect_dma semaphore(%arg23 : memref<!tpu.dma_semaphore, #tpu.memory_space<semaphore_mem>>) src(%dma_wait3A_52 : memref<10000x16xf32, #tpu.memory_space<hbm>>) dst(%arg17 : memref<128x16xf32, #tpu.memory_space<vmem>>)
        %dma_start3A_53 = arith.constant 0 : i32
        %dma_start3A_54 = arith.constant 0 : i32
        %dma_start3A_55 = tpu.memref_slice %arg5[%dma_start3A_53, %dma_start3A_54] : memref<10000x16xf32, #tpu.memory_space<hbm>> -> memref<10000x16xf32, #tpu.memory_space<hbm>>
        tpu.enqueue_indirect_dma source(%dma_start3A_55 : memref<10000x16xf32, #tpu.memory_space<hbm>>) target(%arg18 : memref<128x16xf32, #tpu.memory_space<vmem>>) offsets(%arg16 : memref<128xi32, #tpu.memory_space<vmem>>) semaphore(%arg23 : memref<!tpu.dma_semaphore, #tpu.memory_space<semaphore_mem>>)
        %dma_wait3A_56 = arith.constant 0 : i32
        %dma_wait3A_57 = arith.constant 0 : i32
        %dma_wait3A_58 = tpu.memref_slice %arg5[%dma_wait3A_56, %dma_wait3A_57] : memref<10000x16xf32, #tpu.memory_space<hbm>> -> memref<10000x16xf32, #tpu.memory_space<hbm>>
        tpu.wait_indirect_dma semaphore(%arg23 : memref<!tpu.dma_semaphore, #tpu.memory_space<semaphore_mem>>) src(%dma_wait3A_58 : memref<10000x16xf32, #tpu.memory_space<hbm>>) dst(%arg18 : memref<128x16xf32, #tpu.memory_space<vmem>>)
        %dma_start3A_59 = arith.constant 0 : i32
        %dma_start3A_60 = arith.constant 0 : i32
        %dma_start3A_61 = tpu.memref_slice %arg2[%dma_start3A_59, %dma_start3A_60] : memref<10000x128xf32, #tpu.memory_space<hbm>> -> memref<10000x128xf32, #tpu.memory_space<hbm>>
        tpu.enqueue_indirect_dma source(%dma_start3A_61 : memref<10000x128xf32, #tpu.memory_space<hbm>>) target(%arg20 : memref<128x128xf32, #tpu.memory_space<vmem>>) offsets(%arg15 : memref<128xi32, #tpu.memory_space<vmem>>) semaphore(%arg23 : memref<!tpu.dma_semaphore, #tpu.memory_space<semaphore_mem>>)
        %dma_wait3A_62 = arith.constant 0 : i32
        %dma_wait3A_63 = arith.constant 0 : i32
        %dma_wait3A_64 = tpu.memref_slice %arg2[%dma_wait3A_62, %dma_wait3A_63] : memref<10000x128xf32, #tpu.memory_space<hbm>> -> memref<10000x128xf32, #tpu.memory_space<hbm>>
        tpu.wait_indirect_dma semaphore(%arg23 : memref<!tpu.dma_semaphore, #tpu.memory_space<semaphore_mem>>) src(%dma_wait3A_64 : memref<10000x128xf32, #tpu.memory_space<hbm>>) dst(%arg20 : memref<128x128xf32, #tpu.memory_space<vmem>>)
        %scan3A_65 = arith.constant 0 : i32
        %scan3A_66 = arith.constant 0 : i32
        %scan3A_67 = arith.constant 128 : i32
        %scan3A_68 = arith.addi %scan3A_66, %scan3A_67 : i32
        %scan3A_69 = arith.constant 1 : i32
        %scan3A_70 = scf.for %scan3A_72 = %scan3A_66 to %scan3A_68 step %scan3A_69 iter_args(%scan3A_73 = %scan3A_65) -> (i32)  : i32 {
          %get3A_74 = arith.index_cast %scan3A_72 : i32 to index
          %get3A_75 = arith.constant 0 : index
          %get3A_76 = tpu.vector_load %arg17[%get3A_74, %get3A_75] {strides = array<i32>} : memref<128x16xf32, #tpu.memory_space<vmem>>, vector<1x16xf32>,
          %get3A_77 = vector.shape_cast %get3A_76 : vector<1x16xf32> to vector<16xf32>
          %get3A_78 = arith.index_cast %scan3A_72 : i32 to index
          %get3A_79 = arith.constant 0 : index
          %get3A_80 = tpu.vector_load %arg18[%get3A_78, %get3A_79] {strides = array<i32>} : memref<128x16xf32, #tpu.memory_space<vmem>>, vector<1x16xf32>,
          %get3A_81 = vector.shape_cast %get3A_80 : vector<1x16xf32> to vector<16xf32>
          %add3A_82 = arith.addf %get3A_77, %get3A_81 : vector<16xf32>
          %ge3A = arith.constant 0.000000e+00 : f32
          %ge3A_83 = vector.broadcast %ge3A : f32 to vector<16xf32>
          %ge3A_84 = arith.cmpf oge, %add3A_82, %ge3A_83 : vector<16xf32>
          %mul3A_85 = arith.constant 2.000000e-01 : f32
          %mul3A_86 = vector.broadcast %mul3A_85 : f32 to vector<16xf32>
          %mul3A_87 = arith.mulf %mul3A_86, %add3A_82 : vector<16xf32>
          %select_n3A = arith.select %ge3A_84, %add3A_82, %mul3A_87 : vector<16xi1>, vector<16xf32>
          %sub3A = arith.subf %select_n3A, %get3A_14 : vector<16xf32>
          %exp3A = math.exp %sub3A : vector<16xf32>
          %swap3A = arith.index_cast %scan3A_72 : i32 to index
          %swap3A_88 = arith.constant 0 : index
          %swap3A_89 = tpu.vector_load %arg19[%swap3A, %swap3A_88] {strides = array<i32>} : memref<128x16xf32, #tpu.memory_space<vmem>>, vector<1x16xf32>,
          %swap3A_90 = vector.shape_cast %swap3A_89 : vector<1x16xf32> to vector<16xf32>
          %swap3A_91 = vector.shape_cast %exp3A : vector<16xf32> to vector<1x16xf32>
          tpu.vector_store %arg19[%swap3A, %swap3A_88], %swap3A_91 {strides = array<i32>} : memref<128x16xf32, #tpu.memory_space<vmem>>, vector<1x16xf32>,
          %slice3A = vector.extract_strided_slice %exp3A {offsets = [0], sizes = [1], strides = [1]} : vector<16xf32> to vector<1xf32>
          %squeeze3A = vector.extract %slice3A[0] : f32 from vector<1xf32>
          %get3A_92 = arith.index_cast %scan3A_72 : i32 to index
          %get3A_93 = arith.constant 0 : index
          %get3A_94 = tpu.vector_load %arg20[%get3A_92, %get3A_93] {strides = array<i32>} : memref<128x128xf32, #tpu.memory_space<vmem>>, vector<1x16xf32>,
          %get3A_95 = vector.shape_cast %get3A_94 : vector<1x16xf32> to vector<16xf32>
          %mul3A_96 = vector.broadcast %squeeze3A : f32 to vector<16xf32>
          %mul3A_97 = arith.mulf %get3A_95, %mul3A_96 : vector<16xf32>
          %swap3A_98 = arith.index_cast %scan3A_72 : i32 to index
          %swap3A_99 = arith.constant 0 : index
          %swap3A_100 = tpu.vector_load %arg20[%swap3A_98, %swap3A_99] {strides = array<i32>} : memref<128x128xf32, #tpu.memory_space<vmem>>, vector<1x16xf32>,
          %swap3A_101 = vector.shape_cast %swap3A_100 : vector<1x16xf32> to vector<16xf32>
          %swap3A_102 = vector.shape_cast %mul3A_97 : vector<16xf32> to vector<1x16xf32>
          tpu.vector_store %arg20[%swap3A_98, %swap3A_99], %swap3A_102 {strides = array<i32>} : memref<128x128xf32, #tpu.memory_space<vmem>>, vector<1x16xf32>,
          %get3A_103 = arith.index_cast %scan3A_72 : i32 to index
          %get3A_104 = arith.constant 16 : index
          %get3A_105 = tpu.vector_load %arg20[%get3A_103, %get3A_104] {strides = array<i32>} : memref<128x128xf32, #tpu.memory_space<vmem>>, vector<1x16xf32>,
          %get3A_106 = vector.shape_cast %get3A_105 : vector<1x16xf32> to vector<16xf32>
          %mul3A_107 = vector.broadcast %squeeze3A : f32 to vector<16xf32>
          %mul3A_108 = arith.mulf %get3A_106, %mul3A_107 : vector<16xf32>
          %swap3A_109 = arith.index_cast %scan3A_72 : i32 to index
          %swap3A_110 = arith.constant 16 : index
          %swap3A_111 = tpu.vector_load %arg20[%swap3A_109, %swap3A_110] {strides = array<i32>} : memref<128x128xf32, #tpu.memory_space<vmem>>, vector<1x16xf32>,
          %swap3A_112 = vector.shape_cast %swap3A_111 : vector<1x16xf32> to vector<16xf32>
          %swap3A_113 = vector.shape_cast %mul3A_108 : vector<16xf32> to vector<1x16xf32>
          tpu.vector_store %arg20[%swap3A_109, %swap3A_110], %swap3A_113 {strides = array<i32>} : memref<128x128xf32, #tpu.memory_space<vmem>>, vector<1x16xf32>,
          %get3A_114 = arith.index_cast %scan3A_72 : i32 to index
          %get3A_115 = arith.constant 32 : index
          %get3A_116 = tpu.vector_load %arg20[%get3A_114, %get3A_115] {strides = array<i32>} : memref<128x128xf32, #tpu.memory_space<vmem>>, vector<1x16xf32>,
          %get3A_117 = vector.shape_cast %get3A_116 : vector<1x16xf32> to vector<16xf32>
          %mul3A_118 = vector.broadcast %squeeze3A : f32 to vector<16xf32>
          %mul3A_119 = arith.mulf %get3A_117, %mul3A_118 : vector<16xf32>
          %swap3A_120 = arith.index_cast %scan3A_72 : i32 to index
          %swap3A_121 = arith.constant 32 : index
          %swap3A_122 = tpu.vector_load %arg20[%swap3A_120, %swap3A_121] {strides = array<i32>} : memref<128x128xf32, #tpu.memory_space<vmem>>, vector<1x16xf32>,
          %swap3A_123 = vector.shape_cast %swap3A_122 : vector<1x16xf32> to vector<16xf32>
          %swap3A_124 = vector.shape_cast %mul3A_119 : vector<16xf32> to vector<1x16xf32>
          tpu.vector_store %arg20[%swap3A_120, %swap3A_121], %swap3A_124 {strides = array<i32>} : memref<128x128xf32, #tpu.memory_space<vmem>>, vector<1x16xf32>,
          %get3A_125 = arith.index_cast %scan3A_72 : i32 to index
          %get3A_126 = arith.constant 48 : index
          %get3A_127 = tpu.vector_load %arg20[%get3A_125, %get3A_126] {strides = array<i32>} : memref<128x128xf32, #tpu.memory_space<vmem>>, vector<1x16xf32>,
          %get3A_128 = vector.shape_cast %get3A_127 : vector<1x16xf32> to vector<16xf32>
          %mul3A_129 = vector.broadcast %squeeze3A : f32 to vector<16xf32>
          %mul3A_130 = arith.mulf %get3A_128, %mul3A_129 : vector<16xf32>
          %swap3A_131 = arith.index_cast %scan3A_72 : i32 to index
          %swap3A_132 = arith.constant 48 : index
          %swap3A_133 = tpu.vector_load %arg20[%swap3A_131, %swap3A_132] {strides = array<i32>} : memref<128x128xf32, #tpu.memory_space<vmem>>, vector<1x16xf32>,
          %swap3A_134 = vector.shape_cast %swap3A_133 : vector<1x16xf32> to vector<16xf32>
          %swap3A_135 = vector.shape_cast %mul3A_130 : vector<16xf32> to vector<1x16xf32>
          tpu.vector_store %arg20[%swap3A_131, %swap3A_132], %swap3A_135 {strides = array<i32>} : memref<128x128xf32, #tpu.memory_space<vmem>>, vector<1x16xf32>,
          %slice3A_136 = vector.extract_strided_slice %exp3A {offsets = [1], sizes = [1], strides = [1]} : vector<16xf32> to vector<1xf32>
          %squeeze3A_137 = vector.extract %slice3A_136[0] : f32 from vector<1xf32>
          %get3A_138 = arith.index_cast %scan3A_72 : i32 to index
          %get3A_139 = arith.constant 64 : index
          %get3A_140 = tpu.vector_load %arg20[%get3A_138, %get3A_139] {strides = array<i32>} : memref<128x128xf32, #tpu.memory_space<vmem>>, vector<1x16xf32>,
          %get3A_141 = vector.shape_cast %get3A_140 : vector<1x16xf32> to vector<16xf32>
          %mul3A_142 = vector.broadcast %squeeze3A_137 : f32 to vector<16xf32>
          %mul3A_143 = arith.mulf %get3A_141, %mul3A_142 : vector<16xf32>
          %swap3A_144 = arith.index_cast %scan3A_72 : i32 to index
          %swap3A_145 = arith.constant 64 : index
          %swap3A_146 = tpu.vector_load %arg20[%swap3A_144, %swap3A_145] {strides = array<i32>} : memref<128x128xf32, #tpu.memory_space<vmem>>, vector<1x16xf32>,
          %swap3A_147 = vector.shape_cast %swap3A_146 : vector<1x16xf32> to vector<16xf32>
          %swap3A_148 = vector.shape_cast %mul3A_143 : vector<16xf32> to vector<1x16xf32>
          tpu.vector_store %arg20[%swap3A_144, %swap3A_145], %swap3A_148 {strides = array<i32>} : memref<128x128xf32, #tpu.memory_space<vmem>>, vector<1x16xf32>,
          %get3A_149 = arith.index_cast %scan3A_72 : i32 to index
          %get3A_150 = arith.constant 80 : index
          %get3A_151 = tpu.vector_load %arg20[%get3A_149, %get3A_150] {strides = array<i32>} : memref<128x128xf32, #tpu.memory_space<vmem>>, vector<1x16xf32>,
          %get3A_152 = vector.shape_cast %get3A_151 : vector<1x16xf32> to vector<16xf32>
          %mul3A_153 = vector.broadcast %squeeze3A_137 : f32 to vector<16xf32>
          %mul3A_154 = arith.mulf %get3A_152, %mul3A_153 : vector<16xf32>
          %swap3A_155 = arith.index_cast %scan3A_72 : i32 to index
          %swap3A_156 = arith.constant 80 : index
          %swap3A_157 = tpu.vector_load %arg20[%swap3A_155, %swap3A_156] {strides = array<i32>} : memref<128x128xf32, #tpu.memory_space<vmem>>, vector<1x16xf32>,
          %swap3A_158 = vector.shape_cast %swap3A_157 : vector<1x16xf32> to vector<16xf32>
          %swap3A_159 = vector.shape_cast %mul3A_154 : vector<16xf32> to vector<1x16xf32>
          tpu.vector_store %arg20[%swap3A_155, %swap3A_156], %swap3A_159 {strides = array<i32>} : memref<128x128xf32, #tpu.memory_space<vmem>>, vector<1x16xf32>,
          %get3A_160 = arith.index_cast %scan3A_72 : i32 to index
          %get3A_161 = arith.constant 96 : index
          %get3A_162 = tpu.vector_load %arg20[%get3A_160, %get3A_161] {strides = array<i32>} : memref<128x128xf32, #tpu.memory_space<vmem>>, vector<1x16xf32>,
          %get3A_163 = vector.shape_cast %get3A_162 : vector<1x16xf32> to vector<16xf32>
          %mul3A_164 = vector.broadcast %squeeze3A_137 : f32 to vector<16xf32>
          %mul3A_165 = arith.mulf %get3A_163, %mul3A_164 : vector<16xf32>
          %swap3A_166 = arith.index_cast %scan3A_72 : i32 to index
          %swap3A_167 = arith.constant 96 : index
          %swap3A_168 = tpu.vector_load %arg20[%swap3A_166, %swap3A_167] {strides = array<i32>} : memref<128x128xf32, #tpu.memory_space<vmem>>, vector<1x16xf32>,
          %swap3A_169 = vector.shape_cast %swap3A_168 : vector<1x16xf32> to vector<16xf32>
          %swap3A_170 = vector.shape_cast %mul3A_165 : vector<16xf32> to vector<1x16xf32>
          tpu.vector_store %arg20[%swap3A_166, %swap3A_167], %swap3A_170 {strides = array<i32>} : memref<128x128xf32, #tpu.memory_space<vmem>>, vector<1x16xf32>,
          %get3A_171 = arith.index_cast %scan3A_72 : i32 to index
          %get3A_172 = arith.constant 112 : index
          %get3A_173 = tpu.vector_load %arg20[%get3A_171, %get3A_172] {strides = array<i32>} : memref<128x128xf32, #tpu.memory_space<vmem>>, vector<1x16xf32>,
          %get3A_174 = vector.shape_cast %get3A_173 : vector<1x16xf32> to vector<16xf32>
          %mul3A_175 = vector.broadcast %squeeze3A_137 : f32 to vector<16xf32>
          %mul3A_176 = arith.mulf %get3A_174, %mul3A_175 : vector<16xf32>
          %swap3A_177 = arith.index_cast %scan3A_72 : i32 to index
          %swap3A_178 = arith.constant 112 : index
          %swap3A_179 = tpu.vector_load %arg20[%swap3A_177, %swap3A_178] {strides = array<i32>} : memref<128x128xf32, #tpu.memory_space<vmem>>, vector<1x16xf32>,
          %swap3A_180 = vector.shape_cast %swap3A_179 : vector<1x16xf32> to vector<16xf32>
          %swap3A_181 = vector.shape_cast %mul3A_176 : vector<16xf32> to vector<1x16xf32>
          tpu.vector_store %arg20[%swap3A_177, %swap3A_178], %swap3A_181 {strides = array<i32>} : memref<128x128xf32, #tpu.memory_space<vmem>>, vector<1x16xf32>,
          %scan3A_182 = arith.constant 0 : i32
          scf.yield %scan3A_182 : i32
        }
        %scan3A_71 = arith.constant 128 : i32
        "tpu.region"() ({
          %run_scoped3A = tpu.sem_alloc : memref<!tpu.dma_semaphore, #tpu.memory_space<semaphore_mem>>
          %dma_start3A_72 = arith.constant 0 : i32
          %dma_start3A_73 = arith.constant 0 : i32
          %dma_start3A_74 = tpu.memref_slice %arg21[%dma_start3A_72, %dma_start3A_73] : memref<10000x128xf32, #tpu.memory_space<vmem_shared>> -> memref<10000x128xf32, #tpu.memory_space<vmem_shared>>
          tpu.enqueue_indirect_dma source(%arg20 : memref<128x128xf32, #tpu.memory_space<vmem>>) target(%dma_start3A_74 : memref<10000x128xf32, #tpu.memory_space<vmem_shared>>) offsets(%arg16 : memref<128xi32, #tpu.memory_space<vmem>>) semaphore(%run_scoped3A : memref<!tpu.dma_semaphore, #tpu.memory_space<semaphore_mem>>) {add = true}
          %dma_wait3A_75 = arith.constant 0 : i32
          %dma_wait3A_76 = arith.constant 0 : i32
          %dma_wait3A_77 = tpu.memref_slice %arg21[%dma_wait3A_75, %dma_wait3A_76] : memref<10000x128xf32, #tpu.memory_space<vmem_shared>> -> memref<10000x128xf32, #tpu.memory_space<vmem_shared>>
          tpu.wait_indirect_dma semaphore(%run_scoped3A : memref<!tpu.dma_semaphore, #tpu.memory_space<semaphore_mem>>) src(%arg20 : memref<128x128xf32, #tpu.memory_space<vmem>>) dst(%dma_wait3A_77 : memref<10000x128xf32, #tpu.memory_space<vmem_shared>>)
          tpu.yield
        }) : () -> ()
        "tpu.region"() ({
          %run_scoped3A = tpu.sem_alloc : memref<!tpu.dma_semaphore, #tpu.memory_space<semaphore_mem>>
          %dma_start3A_72 = arith.constant 0 : i32
          %dma_start3A_73 = arith.constant 0 : i32
          %dma_start3A_74 = tpu.memref_slice %arg22[%dma_start3A_72, %dma_start3A_73] : memref<10000x16xf32, #tpu.memory_space<vmem_shared>> -> memref<10000x16xf32, #tpu.memory_space<vmem_shared>>
          tpu.enqueue_indirect_dma source(%arg19 : memref<128x16xf32, #tpu.memory_space<vmem>>) target(%dma_start3A_74 : memref<10000x16xf32, #tpu.memory_space<vmem_shared>>) offsets(%arg16 : memref<128xi32, #tpu.memory_space<vmem>>) semaphore(%run_scoped3A : memref<!tpu.dma_semaphore, #tpu.memory_space<semaphore_mem>>) {add = true}
          %dma_wait3A_75 = arith.constant 0 : i32
          %dma_wait3A_76 = arith.constant 0 : i32
          %dma_wait3A_77 = tpu.memref_slice %arg22[%dma_wait3A_75, %dma_wait3A_76] : memref<10000x16xf32, #tpu.memory_space<vmem_shared>> -> memref<10000x16xf32, #tpu.memory_space<vmem_shared>>
          tpu.wait_indirect_dma semaphore(%run_scoped3A : memref<!tpu.dma_semaphore, #tpu.memory_space<semaphore_mem>>) src(%arg19 : memref<128x16xf32, #tpu.memory_space<vmem>>) dst(%dma_wait3A_77 : memref<10000x16xf32, #tpu.memory_space<vmem_shared>>)
          tpu.yield
        }) : () -> ()
      } else {
      }
    } else {
    }
    %eq3A_20 = arith.constant 1 : i32
    %eq3A_21 = arith.cmpi eq, %arg0, %eq3A_20 : i32
    %convert_element_type3A_22 = arith.extui %eq3A_21 : i1 to i32
    %cond3A_23 = arith.constant 0 : i32
    %cond3A_24 = arith.cmpi ne, %convert_element_type3A_22, %cond3A_23 : i32
    scf.if %cond3A_24 {
      %scan3A = arith.constant 0 : i32
      %scan3A_36 = arith.constant 0 : i32
      %scan3A_37 = arith.constant 156 : i32
      %scan3A_38 = arith.addi %scan3A_36, %scan3A_37 : i32
      %scan3A_39 = arith.constant 1 : i32
      %scan3A_40 = scf.for %scan3A_47 = %scan3A_36 to %scan3A_38 step %scan3A_39 iter_args(%scan3A_48 = %scan3A) -> (i32)  : i32 {
        %mul3A = arith.constant 16 : i32
        %mul3A_49 = arith.muli %scan3A_47, %mul3A : i32
        %add3A = arith.addi %mul3A_49, %arg1 : i32
        %mul3A_50 = arith.constant 128 : i32
        %mul3A_51 = arith.muli %add3A, %mul3A_50 : i32
        "tpu.region"() ({
          %run_scoped3A = tpu.sem_alloc : memref<!tpu.dma_semaphore, #tpu.memory_space<semaphore_mem>>
          %dma_start3A_76 = tpu.memref_slice %arg7[%mul3A_51] : memref<320000xi32, #tpu.memory_space<hbm>> -> memref<128xi32, #tpu.memory_space<hbm>>
          %dma_start3A_77 = tpu.memref_slice %arg7[%mul3A_51] : memref<320000xi32, #tpu.memory_space<hbm>> -> memref<128xi32, #tpu.memory_space<hbm>>
          tpu.enqueue_dma source(%dma_start3A_77 : memref<128xi32, #tpu.memory_space<hbm>>) target(%arg15 : memref<128xi32, #tpu.memory_space<vmem>>) target_semaphore(%run_scoped3A : memref<!tpu.dma_semaphore, #tpu.memory_space<semaphore_mem>>)
          %dma_wait3A_78 = tpu.memref_slice %arg7[%mul3A_51] : memref<320000xi32, #tpu.memory_space<hbm>> -> memref<128xi32, #tpu.memory_space<hbm>>
          %dma_wait3A_79 = tpu.memref_slice %arg7[%mul3A_51] : memref<320000xi32, #tpu.memory_space<hbm>> -> memref<128xi32, #tpu.memory_space<hbm>>
          tpu.wait_dma2 semaphore(%run_scoped3A : memref<!tpu.dma_semaphore, #tpu.memory_space<semaphore_mem>>) src(%dma_wait3A_79 : memref<128xi32, #tpu.memory_space<hbm>>) dst(%arg15 : memref<128xi32, #tpu.memory_space<vmem>>)
          tpu.yield
        }) : () -> ()
        "tpu.region"() ({
          %run_scoped3A = tpu.sem_alloc : memref<!tpu.dma_semaphore, #tpu.memory_space<semaphore_mem>>
          %dma_start3A_76 = tpu.memref_slice %arg8[%mul3A_51] : memref<320000xi32, #tpu.memory_space<hbm>> -> memref<128xi32, #tpu.memory_space<hbm>>
          %dma_start3A_77 = tpu.memref_slice %arg8[%mul3A_51] : memref<320000xi32, #tpu.memory_space<hbm>> -> memref<128xi32, #tpu.memory_space<hbm>>
          tpu.enqueue_dma source(%dma_start3A_77 : memref<128xi32, #tpu.memory_space<hbm>>) target(%arg16 : memref<128xi32, #tpu.memory_space<vmem>>) target_semaphore(%run_scoped3A : memref<!tpu.dma_semaphore, #tpu.memory_space<semaphore_mem>>)
          %dma_wait3A_78 = tpu.memref_slice %arg8[%mul3A_51] : memref<320000xi32, #tpu.memory_space<hbm>> -> memref<128xi32, #tpu.memory_space<hbm>>
          %dma_wait3A_79 = tpu.memref_slice %arg8[%mul3A_51] : memref<320000xi32, #tpu.memory_space<hbm>> -> memref<128xi32, #tpu.memory_space<hbm>>
          tpu.wait_dma2 semaphore(%run_scoped3A : memref<!tpu.dma_semaphore, #tpu.memory_space<semaphore_mem>>) src(%dma_wait3A_79 : memref<128xi32, #tpu.memory_space<hbm>>) dst(%arg16 : memref<128xi32, #tpu.memory_space<vmem>>)
          tpu.yield
        }) : () -> ()
        %dma_start3A = arith.constant 0 : i32
        %dma_start3A_52 = arith.constant 0 : i32
        %dma_start3A_53 = tpu.memref_slice %arg4[%dma_start3A, %dma_start3A_52] : memref<10000x16xf32, #tpu.memory_space<hbm>> -> memref<10000x16xf32, #tpu.memory_space<hbm>>
        tpu.enqueue_indirect_dma source(%dma_start3A_53 : memref<10000x16xf32, #tpu.memory_space<hbm>>) target(%arg17 : memref<128x16xf32, #tpu.memory_space<vmem>>) offsets(%arg15 : memref<128xi32, #tpu.memory_space<vmem>>) semaphore(%arg23 : memref<!tpu.dma_semaphore, #tpu.memory_space<semaphore_mem>>)
        %dma_wait3A = arith.constant 0 : i32
        %dma_wait3A_54 = arith.constant 0 : i32
        %dma_wait3A_55 = tpu.memref_slice %arg4[%dma_wait3A, %dma_wait3A_54] : memref<10000x16xf32, #tpu.memory_space<hbm>> -> memref<10000x16xf32, #tpu.memory_space<hbm>>
        tpu.wait_indirect_dma semaphore(%arg23 : memref<!tpu.dma_semaphore, #tpu.memory_space<semaphore_mem>>) src(%dma_wait3A_55 : memref<10000x16xf32, #tpu.memory_space<hbm>>) dst(%arg17 : memref<128x16xf32, #tpu.memory_space<vmem>>)
        %dma_start3A_56 = arith.constant 0 : i32
        %dma_start3A_57 = arith.constant 0 : i32
        %dma_start3A_58 = tpu.memref_slice %arg5[%dma_start3A_56, %dma_start3A_57] : memref<10000x16xf32, #tpu.memory_space<hbm>> -> memref<10000x16xf32, #tpu.memory_space<hbm>>
        tpu.enqueue_indirect_dma source(%dma_start3A_58 : memref<10000x16xf32, #tpu.memory_space<hbm>>) target(%arg18 : memref<128x16xf32, #tpu.memory_space<vmem>>) offsets(%arg16 : memref<128xi32, #tpu.memory_space<vmem>>) semaphore(%arg23 : memref<!tpu.dma_semaphore, #tpu.memory_space<semaphore_mem>>)
        %dma_wait3A_59 = arith.constant 0 : i32
        %dma_wait3A_60 = arith.constant 0 : i32
        %dma_wait3A_61 = tpu.memref_slice %arg5[%dma_wait3A_59, %dma_wait3A_60] : memref<10000x16xf32, #tpu.memory_space<hbm>> -> memref<10000x16xf32, #tpu.memory_space<hbm>>
        tpu.wait_indirect_dma semaphore(%arg23 : memref<!tpu.dma_semaphore, #tpu.memory_space<semaphore_mem>>) src(%dma_wait3A_61 : memref<10000x16xf32, #tpu.memory_space<hbm>>) dst(%arg18 : memref<128x16xf32, #tpu.memory_space<vmem>>)
        %dma_start3A_62 = arith.constant 0 : i32
        %dma_start3A_63 = arith.constant 0 : i32
        %dma_start3A_64 = tpu.memref_slice %arg3[%dma_start3A_62, %dma_start3A_63] : memref<10000x128xf32, #tpu.memory_space<hbm>> -> memref<10000x128xf32, #tpu.memory_space<hbm>>
        tpu.enqueue_indirect_dma source(%dma_start3A_64 : memref<10000x128xf32, #tpu.memory_space<hbm>>) target(%arg20 : memref<128x128xf32, #tpu.memory_space<vmem>>) offsets(%arg15 : memref<128xi32, #tpu.memory_space<vmem>>) semaphore(%arg23 : memref<!tpu.dma_semaphore, #tpu.memory_space<semaphore_mem>>)
        %dma_wait3A_65 = arith.constant 0 : i32
        %dma_wait3A_66 = arith.constant 0 : i32
        %dma_wait3A_67 = tpu.memref_slice %arg3[%dma_wait3A_65, %dma_wait3A_66] : memref<10000x128xf32, #tpu.memory_space<hbm>> -> memref<10000x128xf32, #tpu.memory_space<hbm>>
        tpu.wait_indirect_dma semaphore(%arg23 : memref<!tpu.dma_semaphore, #tpu.memory_space<semaphore_mem>>) src(%dma_wait3A_67 : memref<10000x128xf32, #tpu.memory_space<hbm>>) dst(%arg20 : memref<128x128xf32, #tpu.memory_space<vmem>>)
        %scan3A_68 = arith.constant 0 : i32
        %scan3A_69 = arith.constant 0 : i32
        %scan3A_70 = arith.constant 128 : i32
        %scan3A_71 = arith.addi %scan3A_69, %scan3A_70 : i32
        %scan3A_72 = arith.constant 1 : i32
        %scan3A_73 = scf.for %scan3A_76 = %scan3A_69 to %scan3A_71 step %scan3A_72 iter_args(%scan3A_77 = %scan3A_68) -> (i32)  : i32 {
          %get3A_78 = arith.index_cast %scan3A_76 : i32 to index
          %get3A_79 = arith.constant 0 : index
          %get3A_80 = tpu.vector_load %arg17[%get3A_78, %get3A_79] {strides = array<i32>} : memref<128x16xf32, #tpu.memory_space<vmem>>, vector<1x16xf32>,
          %get3A_81 = vector.shape_cast %get3A_80 : vector<1x16xf32> to vector<16xf32>
          %get3A_82 = arith.index_cast %scan3A_76 : i32 to index
          %get3A_83 = arith.constant 0 : index
          %get3A_84 = tpu.vector_load %arg18[%get3A_82, %get3A_83] {strides = array<i32>} : memref<128x16xf32, #tpu.memory_space<vmem>>, vector<1x16xf32>,
          %get3A_85 = vector.shape_cast %get3A_84 : vector<1x16xf32> to vector<16xf32>
          %add3A_86 = arith.addf %get3A_81, %get3A_85 : vector<16xf32>
          %ge3A = arith.constant 0.000000e+00 : f32
          %ge3A_87 = vector.broadcast %ge3A : f32 to vector<16xf32>
          %ge3A_88 = arith.cmpf oge, %add3A_86, %ge3A_87 : vector<16xf32>
          %mul3A_89 = arith.constant 2.000000e-01 : f32
          %mul3A_90 = vector.broadcast %mul3A_89 : f32 to vector<16xf32>
          %mul3A_91 = arith.mulf %mul3A_90, %add3A_86 : vector<16xf32>
          %select_n3A = arith.select %ge3A_88, %add3A_86, %mul3A_91 : vector<16xi1>, vector<16xf32>
          %sub3A = arith.subf %select_n3A, %get3A_14 : vector<16xf32>
          %exp3A = math.exp %sub3A : vector<16xf32>
          %slice3A = vector.extract_strided_slice %exp3A {offsets = [2], sizes = [1], strides = [1]} : vector<16xf32> to vector<1xf32>
          %squeeze3A = vector.extract %slice3A[0] : f32 from vector<1xf32>
          %get3A_92 = arith.index_cast %scan3A_76 : i32 to index
          %get3A_93 = arith.constant 0 : index
          %get3A_94 = tpu.vector_load %arg20[%get3A_92, %get3A_93] {strides = array<i32>} : memref<128x128xf32, #tpu.memory_space<vmem>>, vector<1x16xf32>,
          %get3A_95 = vector.shape_cast %get3A_94 : vector<1x16xf32> to vector<16xf32>
          %mul3A_96 = vector.broadcast %squeeze3A : f32 to vector<16xf32>
          %mul3A_97 = arith.mulf %get3A_95, %mul3A_96 : vector<16xf32>
          %swap3A = arith.index_cast %scan3A_76 : i32 to index
          %swap3A_98 = arith.constant 0 : index
          %swap3A_99 = tpu.vector_load %arg20[%swap3A, %swap3A_98] {strides = array<i32>} : memref<128x128xf32, #tpu.memory_space<vmem>>, vector<1x16xf32>,
          %swap3A_100 = vector.shape_cast %swap3A_99 : vector<1x16xf32> to vector<16xf32>
          %swap3A_101 = vector.shape_cast %mul3A_97 : vector<16xf32> to vector<1x16xf32>
          tpu.vector_store %arg20[%swap3A, %swap3A_98], %swap3A_101 {strides = array<i32>} : memref<128x128xf32, #tpu.memory_space<vmem>>, vector<1x16xf32>,
          %get3A_102 = arith.index_cast %scan3A_76 : i32 to index
          %get3A_103 = arith.constant 16 : index
          %get3A_104 = tpu.vector_load %arg20[%get3A_102, %get3A_103] {strides = array<i32>} : memref<128x128xf32, #tpu.memory_space<vmem>>, vector<1x16xf32>,
          %get3A_105 = vector.shape_cast %get3A_104 : vector<1x16xf32> to vector<16xf32>
          %mul3A_106 = vector.broadcast %squeeze3A : f32 to vector<16xf32>
          %mul3A_107 = arith.mulf %get3A_105, %mul3A_106 : vector<16xf32>
          %swap3A_108 = arith.index_cast %scan3A_76 : i32 to index
          %swap3A_109 = arith.constant 16 : index
          %swap3A_110 = tpu.vector_load %arg20[%swap3A_108, %swap3A_109] {strides = array<i32>} : memref<128x128xf32, #tpu.memory_space<vmem>>, vector<1x16xf32>,
          %swap3A_111 = vector.shape_cast %swap3A_110 : vector<1x16xf32> to vector<16xf32>
          %swap3A_112 = vector.shape_cast %mul3A_107 : vector<16xf32> to vector<1x16xf32>
          tpu.vector_store %arg20[%swap3A_108, %swap3A_109], %swap3A_112 {strides = array<i32>} : memref<128x128xf32, #tpu.memory_space<vmem>>, vector<1x16xf32>,
          %get3A_113 = arith.index_cast %scan3A_76 : i32 to index
          %get3A_114 = arith.constant 32 : index
          %get3A_115 = tpu.vector_load %arg20[%get3A_113, %get3A_114] {strides = array<i32>} : memref<128x128xf32, #tpu.memory_space<vmem>>, vector<1x16xf32>,
          %get3A_116 = vector.shape_cast %get3A_115 : vector<1x16xf32> to vector<16xf32>
          %mul3A_117 = vector.broadcast %squeeze3A : f32 to vector<16xf32>
          %mul3A_118 = arith.mulf %get3A_116, %mul3A_117 : vector<16xf32>
          %swap3A_119 = arith.index_cast %scan3A_76 : i32 to index
          %swap3A_120 = arith.constant 32 : index
          %swap3A_121 = tpu.vector_load %arg20[%swap3A_119, %swap3A_120] {strides = array<i32>} : memref<128x128xf32, #tpu.memory_space<vmem>>, vector<1x16xf32>,
          %swap3A_122 = vector.shape_cast %swap3A_121 : vector<1x16xf32> to vector<16xf32>
          %swap3A_123 = vector.shape_cast %mul3A_118 : vector<16xf32> to vector<1x16xf32>
          tpu.vector_store %arg20[%swap3A_119, %swap3A_120], %swap3A_123 {strides = array<i32>} : memref<128x128xf32, #tpu.memory_space<vmem>>, vector<1x16xf32>,
          %get3A_124 = arith.index_cast %scan3A_76 : i32 to index
          %get3A_125 = arith.constant 48 : index
          %get3A_126 = tpu.vector_load %arg20[%get3A_124, %get3A_125] {strides = array<i32>} : memref<128x128xf32, #tpu.memory_space<vmem>>, vector<1x16xf32>,
          %get3A_127 = vector.shape_cast %get3A_126 : vector<1x16xf32> to vector<16xf32>
          %mul3A_128 = vector.broadcast %squeeze3A : f32 to vector<16xf32>
          %mul3A_129 = arith.mulf %get3A_127, %mul3A_128 : vector<16xf32>
          %swap3A_130 = arith.index_cast %scan3A_76 : i32 to index
          %swap3A_131 = arith.constant 48 : index
          %swap3A_132 = tpu.vector_load %arg20[%swap3A_130, %swap3A_131] {strides = array<i32>} : memref<128x128xf32, #tpu.memory_space<vmem>>, vector<1x16xf32>,
          %swap3A_133 = vector.shape_cast %swap3A_132 : vector<1x16xf32> to vector<16xf32>
          %swap3A_134 = vector.shape_cast %mul3A_129 : vector<16xf32> to vector<1x16xf32>
          tpu.vector_store %arg20[%swap3A_130, %swap3A_131], %swap3A_134 {strides = array<i32>} : memref<128x128xf32, #tpu.memory_space<vmem>>, vector<1x16xf32>,
          %slice3A_135 = vector.extract_strided_slice %exp3A {offsets = [3], sizes = [1], strides = [1]} : vector<16xf32> to vector<1xf32>
          %squeeze3A_136 = vector.extract %slice3A_135[0] : f32 from vector<1xf32>
          %get3A_137 = arith.index_cast %scan3A_76 : i32 to index
          %get3A_138 = arith.constant 64 : index
          %get3A_139 = tpu.vector_load %arg20[%get3A_137, %get3A_138] {strides = array<i32>} : memref<128x128xf32, #tpu.memory_space<vmem>>, vector<1x16xf32>,
          %get3A_140 = vector.shape_cast %get3A_139 : vector<1x16xf32> to vector<16xf32>
          %mul3A_141 = vector.broadcast %squeeze3A_136 : f32 to vector<16xf32>
          %mul3A_142 = arith.mulf %get3A_140, %mul3A_141 : vector<16xf32>
          %swap3A_143 = arith.index_cast %scan3A_76 : i32 to index
          %swap3A_144 = arith.constant 64 : index
          %swap3A_145 = tpu.vector_load %arg20[%swap3A_143, %swap3A_144] {strides = array<i32>} : memref<128x128xf32, #tpu.memory_space<vmem>>, vector<1x16xf32>,
          %swap3A_146 = vector.shape_cast %swap3A_145 : vector<1x16xf32> to vector<16xf32>
          %swap3A_147 = vector.shape_cast %mul3A_142 : vector<16xf32> to vector<1x16xf32>
          tpu.vector_store %arg20[%swap3A_143, %swap3A_144], %swap3A_147 {strides = array<i32>} : memref<128x128xf32, #tpu.memory_space<vmem>>, vector<1x16xf32>,
          %get3A_148 = arith.index_cast %scan3A_76 : i32 to index
          %get3A_149 = arith.constant 80 : index
          %get3A_150 = tpu.vector_load %arg20[%get3A_148, %get3A_149] {strides = array<i32>} : memref<128x128xf32, #tpu.memory_space<vmem>>, vector<1x16xf32>,
          %get3A_151 = vector.shape_cast %get3A_150 : vector<1x16xf32> to vector<16xf32>
          %mul3A_152 = vector.broadcast %squeeze3A_136 : f32 to vector<16xf32>
          %mul3A_153 = arith.mulf %get3A_151, %mul3A_152 : vector<16xf32>
          %swap3A_154 = arith.index_cast %scan3A_76 : i32 to index
          %swap3A_155 = arith.constant 80 : index
          %swap3A_156 = tpu.vector_load %arg20[%swap3A_154, %swap3A_155] {strides = array<i32>} : memref<128x128xf32, #tpu.memory_space<vmem>>, vector<1x16xf32>,
          %swap3A_157 = vector.shape_cast %swap3A_156 : vector<1x16xf32> to vector<16xf32>
          %swap3A_158 = vector.shape_cast %mul3A_153 : vector<16xf32> to vector<1x16xf32>
          tpu.vector_store %arg20[%swap3A_154, %swap3A_155], %swap3A_158 {strides = array<i32>} : memref<128x128xf32, #tpu.memory_space<vmem>>, vector<1x16xf32>,
          %get3A_159 = arith.index_cast %scan3A_76 : i32 to index
          %get3A_160 = arith.constant 96 : index
          %get3A_161 = tpu.vector_load %arg20[%get3A_159, %get3A_160] {strides = array<i32>} : memref<128x128xf32, #tpu.memory_space<vmem>>, vector<1x16xf32>,
          %get3A_162 = vector.shape_cast %get3A_161 : vector<1x16xf32> to vector<16xf32>
          %mul3A_163 = vector.broadcast %squeeze3A_136 : f32 to vector<16xf32>
          %mul3A_164 = arith.mulf %get3A_162, %mul3A_163 : vector<16xf32>
          %swap3A_165 = arith.index_cast %scan3A_76 : i32 to index
          %swap3A_166 = arith.constant 96 : index
          %swap3A_167 = tpu.vector_load %arg20[%swap3A_165, %swap3A_166] {strides = array<i32>} : memref<128x128xf32, #tpu.memory_space<vmem>>, vector<1x16xf32>,
          %swap3A_168 = vector.shape_cast %swap3A_167 : vector<1x16xf32> to vector<16xf32>
          %swap3A_169 = vector.shape_cast %mul3A_164 : vector<16xf32> to vector<1x16xf32>
          tpu.vector_store %arg20[%swap3A_165, %swap3A_166], %swap3A_169 {strides = array<i32>} : memref<128x128xf32, #tpu.memory_space<vmem>>, vector<1x16xf32>,
          %get3A_170 = arith.index_cast %scan3A_76 : i32 to index
          %get3A_171 = arith.constant 112 : index
          %get3A_172 = tpu.vector_load %arg20[%get3A_170, %get3A_171] {strides = array<i32>} : memref<128x128xf32, #tpu.memory_space<vmem>>, vector<1x16xf32>,
          %get3A_173 = vector.shape_cast %get3A_172 : vector<1x16xf32> to vector<16xf32>
          %mul3A_174 = vector.broadcast %squeeze3A_136 : f32 to vector<16xf32>
          %mul3A_175 = arith.mulf %get3A_173, %mul3A_174 : vector<16xf32>
          %swap3A_176 = arith.index_cast %scan3A_76 : i32 to index
          %swap3A_177 = arith.constant 112 : index
          %swap3A_178 = tpu.vector_load %arg20[%swap3A_176, %swap3A_177] {strides = array<i32>} : memref<128x128xf32, #tpu.memory_space<vmem>>, vector<1x16xf32>,
          %swap3A_179 = vector.shape_cast %swap3A_178 : vector<1x16xf32> to vector<16xf32>
          %swap3A_180 = vector.shape_cast %mul3A_175 : vector<16xf32> to vector<1x16xf32>
          tpu.vector_store %arg20[%swap3A_176, %swap3A_177], %swap3A_180 {strides = array<i32>} : memref<128x128xf32, #tpu.memory_space<vmem>>, vector<1x16xf32>,
          %scan3A_181 = arith.constant 0 : i32
          scf.yield %scan3A_181 : i32
        }
        %scan3A_74 = arith.constant 128 : i32
        "tpu.region"() ({
          %run_scoped3A = tpu.sem_alloc : memref<!tpu.dma_semaphore, #tpu.memory_space<semaphore_mem>>
          %dma_start3A_76 = arith.constant 0 : i32
          %dma_start3A_77 = arith.constant 0 : i32
          %dma_start3A_78 = tpu.memref_slice %arg21[%dma_start3A_76, %dma_start3A_77] : memref<10000x128xf32, #tpu.memory_space<vmem_shared>> -> memref<10000x128xf32, #tpu.memory_space<vmem_shared>>
          tpu.enqueue_indirect_dma source(%arg20 : memref<128x128xf32, #tpu.memory_space<vmem>>) target(%dma_start3A_78 : memref<10000x128xf32, #tpu.memory_space<vmem_shared>>) offsets(%arg16 : memref<128xi32, #tpu.memory_space<vmem>>) semaphore(%run_scoped3A : memref<!tpu.dma_semaphore, #tpu.memory_space<semaphore_mem>>) {add = true}
          %dma_wait3A_79 = arith.constant 0 : i32
          %dma_wait3A_80 = arith.constant 0 : i32
          %dma_wait3A_81 = tpu.memref_slice %arg21[%dma_wait3A_79, %dma_wait3A_80] : memref<10000x128xf32, #tpu.memory_space<vmem_shared>> -> memref<10000x128xf32, #tpu.memory_space<vmem_shared>>
          tpu.wait_indirect_dma semaphore(%run_scoped3A : memref<!tpu.dma_semaphore, #tpu.memory_space<semaphore_mem>>) src(%arg20 : memref<128x128xf32, #tpu.memory_space<vmem>>) dst(%dma_wait3A_81 : memref<10000x128xf32, #tpu.memory_space<vmem_shared>>)
          tpu.yield
        }) : () -> ()
        %scan3A_75 = arith.constant 0 : i32
        scf.yield %scan3A_75 : i32
      }
      %scan3A_41 = arith.constant 156 : i32
      %lt3A_42 = arith.constant 4 : i32
      %lt3A_43 = arith.cmpi slt, %arg1, %lt3A_42 : i32
      %convert_element_type3A_44 = arith.extui %lt3A_43 : i1 to i32
      %cond3A_45 = arith.constant 0 : i32
      %cond3A_46 = arith.cmpi ne, %convert_element_type3A_44, %cond3A_45 : i32
      scf.if %cond3A_46 {
        %add3A = arith.constant 2496 : i32
        %add3A_47 = arith.addi %add3A, %arg1 : i32
        %mul3A = arith.constant 128 : i32
        %mul3A_48 = arith.muli %add3A_47, %mul3A : i32
        "tpu.region"() ({
          %run_scoped3A = tpu.sem_alloc : memref<!tpu.dma_semaphore, #tpu.memory_space<semaphore_mem>>
          %dma_start3A_72 = tpu.memref_slice %arg7[%mul3A_48] : memref<320000xi32, #tpu.memory_space<hbm>> -> memref<128xi32, #tpu.memory_space<hbm>>
          %dma_start3A_73 = tpu.memref_slice %arg7[%mul3A_48] : memref<320000xi32, #tpu.memory_space<hbm>> -> memref<128xi32, #tpu.memory_space<hbm>>
          tpu.enqueue_dma source(%dma_start3A_73 : memref<128xi32, #tpu.memory_space<hbm>>) target(%arg15 : memref<128xi32, #tpu.memory_space<vmem>>) target_semaphore(%run_scoped3A : memref<!tpu.dma_semaphore, #tpu.memory_space<semaphore_mem>>)
          %dma_wait3A_74 = tpu.memref_slice %arg7[%mul3A_48] : memref<320000xi32, #tpu.memory_space<hbm>> -> memref<128xi32, #tpu.memory_space<hbm>>
          %dma_wait3A_75 = tpu.memref_slice %arg7[%mul3A_48] : memref<320000xi32, #tpu.memory_space<hbm>> -> memref<128xi32, #tpu.memory_space<hbm>>
          tpu.wait_dma2 semaphore(%run_scoped3A : memref<!tpu.dma_semaphore, #tpu.memory_space<semaphore_mem>>) src(%dma_wait3A_75 : memref<128xi32, #tpu.memory_space<hbm>>) dst(%arg15 : memref<128xi32, #tpu.memory_space<vmem>>)
          tpu.yield
        }) : () -> ()
        "tpu.region"() ({
          %run_scoped3A = tpu.sem_alloc : memref<!tpu.dma_semaphore, #tpu.memory_space<semaphore_mem>>
          %dma_start3A_72 = tpu.memref_slice %arg8[%mul3A_48] : memref<320000xi32, #tpu.memory_space<hbm>> -> memref<128xi32, #tpu.memory_space<hbm>>
          %dma_start3A_73 = tpu.memref_slice %arg8[%mul3A_48] : memref<320000xi32, #tpu.memory_space<hbm>> -> memref<128xi32, #tpu.memory_space<hbm>>
          tpu.enqueue_dma source(%dma_start3A_73 : memref<128xi32, #tpu.memory_space<hbm>>) target(%arg16 : memref<128xi32, #tpu.memory_space<vmem>>) target_semaphore(%run_scoped3A : memref<!tpu.dma_semaphore, #tpu.memory_space<semaphore_mem>>)
          %dma_wait3A_74 = tpu.memref_slice %arg8[%mul3A_48] : memref<320000xi32, #tpu.memory_space<hbm>> -> memref<128xi32, #tpu.memory_space<hbm>>
          %dma_wait3A_75 = tpu.memref_slice %arg8[%mul3A_48] : memref<320000xi32, #tpu.memory_space<hbm>> -> memref<128xi32, #tpu.memory_space<hbm>>
          tpu.wait_dma2 semaphore(%run_scoped3A : memref<!tpu.dma_semaphore, #tpu.memory_space<semaphore_mem>>) src(%dma_wait3A_75 : memref<128xi32, #tpu.memory_space<hbm>>) dst(%arg16 : memref<128xi32, #tpu.memory_space<vmem>>)
          tpu.yield
        }) : () -> ()
        %dma_start3A = arith.constant 0 : i32
        %dma_start3A_49 = arith.constant 0 : i32
        %dma_start3A_50 = tpu.memref_slice %arg4[%dma_start3A, %dma_start3A_49] : memref<10000x16xf32, #tpu.memory_space<hbm>> -> memref<10000x16xf32, #tpu.memory_space<hbm>>
        tpu.enqueue_indirect_dma source(%dma_start3A_50 : memref<10000x16xf32, #tpu.memory_space<hbm>>) target(%arg17 : memref<128x16xf32, #tpu.memory_space<vmem>>) offsets(%arg15 : memref<128xi32, #tpu.memory_space<vmem>>) semaphore(%arg23 : memref<!tpu.dma_semaphore, #tpu.memory_space<semaphore_mem>>)
        %dma_wait3A = arith.constant 0 : i32
        %dma_wait3A_51 = arith.constant 0 : i32
        %dma_wait3A_52 = tpu.memref_slice %arg4[%dma_wait3A, %dma_wait3A_51] : memref<10000x16xf32, #tpu.memory_space<hbm>> -> memref<10000x16xf32, #tpu.memory_space<hbm>>
        tpu.wait_indirect_dma semaphore(%arg23 : memref<!tpu.dma_semaphore, #tpu.memory_space<semaphore_mem>>) src(%dma_wait3A_52 : memref<10000x16xf32, #tpu.memory_space<hbm>>) dst(%arg17 : memref<128x16xf32, #tpu.memory_space<vmem>>)
        %dma_start3A_53 = arith.constant 0 : i32
        %dma_start3A_54 = arith.constant 0 : i32
        %dma_start3A_55 = tpu.memref_slice %arg5[%dma_start3A_53, %dma_start3A_54] : memref<10000x16xf32, #tpu.memory_space<hbm>> -> memref<10000x16xf32, #tpu.memory_space<hbm>>
        tpu.enqueue_indirect_dma source(%dma_start3A_55 : memref<10000x16xf32, #tpu.memory_space<hbm>>) target(%arg18 : memref<128x16xf32, #tpu.memory_space<vmem>>) offsets(%arg16 : memref<128xi32, #tpu.memory_space<vmem>>) semaphore(%arg23 : memref<!tpu.dma_semaphore, #tpu.memory_space<semaphore_mem>>)
        %dma_wait3A_56 = arith.constant 0 : i32
        %dma_wait3A_57 = arith.constant 0 : i32
        %dma_wait3A_58 = tpu.memref_slice %arg5[%dma_wait3A_56, %dma_wait3A_57] : memref<10000x16xf32, #tpu.memory_space<hbm>> -> memref<10000x16xf32, #tpu.memory_space<hbm>>
        tpu.wait_indirect_dma semaphore(%arg23 : memref<!tpu.dma_semaphore, #tpu.memory_space<semaphore_mem>>) src(%dma_wait3A_58 : memref<10000x16xf32, #tpu.memory_space<hbm>>) dst(%arg18 : memref<128x16xf32, #tpu.memory_space<vmem>>)
        %dma_start3A_59 = arith.constant 0 : i32
        %dma_start3A_60 = arith.constant 0 : i32
        %dma_start3A_61 = tpu.memref_slice %arg3[%dma_start3A_59, %dma_start3A_60] : memref<10000x128xf32, #tpu.memory_space<hbm>> -> memref<10000x128xf32, #tpu.memory_space<hbm>>
        tpu.enqueue_indirect_dma source(%dma_start3A_61 : memref<10000x128xf32, #tpu.memory_space<hbm>>) target(%arg20 : memref<128x128xf32, #tpu.memory_space<vmem>>) offsets(%arg15 : memref<128xi32, #tpu.memory_space<vmem>>) semaphore(%arg23 : memref<!tpu.dma_semaphore, #tpu.memory_space<semaphore_mem>>)
        %dma_wait3A_62 = arith.constant 0 : i32
        %dma_wait3A_63 = arith.constant 0 : i32
        %dma_wait3A_64 = tpu.memref_slice %arg3[%dma_wait3A_62, %dma_wait3A_63] : memref<10000x128xf32, #tpu.memory_space<hbm>> -> memref<10000x128xf32, #tpu.memory_space<hbm>>
        tpu.wait_indirect_dma semaphore(%arg23 : memref<!tpu.dma_semaphore, #tpu.memory_space<semaphore_mem>>) src(%dma_wait3A_64 : memref<10000x128xf32, #tpu.memory_space<hbm>>) dst(%arg20 : memref<128x128xf32, #tpu.memory_space<vmem>>)
        %scan3A_65 = arith.constant 0 : i32
        %scan3A_66 = arith.constant 0 : i32
        %scan3A_67 = arith.constant 128 : i32
        %scan3A_68 = arith.addi %scan3A_66, %scan3A_67 : i32
        %scan3A_69 = arith.constant 1 : i32
        %scan3A_70 = scf.for %scan3A_72 = %scan3A_66 to %scan3A_68 step %scan3A_69 iter_args(%scan3A_73 = %scan3A_65) -> (i32)  : i32 {
          %get3A_74 = arith.index_cast %scan3A_72 : i32 to index
          %get3A_75 = arith.constant 0 : index
          %get3A_76 = tpu.vector_load %arg17[%get3A_74, %get3A_75] {strides = array<i32>} : memref<128x16xf32, #tpu.memory_space<vmem>>, vector<1x16xf32>,
          %get3A_77 = vector.shape_cast %get3A_76 : vector<1x16xf32> to vector<16xf32>
          %get3A_78 = arith.index_cast %scan3A_72 : i32 to index
          %get3A_79 = arith.constant 0 : index
          %get3A_80 = tpu.vector_load %arg18[%get3A_78, %get3A_79] {strides = array<i32>} : memref<128x16xf32, #tpu.memory_space<vmem>>, vector<1x16xf32>,
          %get3A_81 = vector.shape_cast %get3A_80 : vector<1x16xf32> to vector<16xf32>
          %add3A_82 = arith.addf %get3A_77, %get3A_81 : vector<16xf32>
          %ge3A = arith.constant 0.000000e+00 : f32
          %ge3A_83 = vector.broadcast %ge3A : f32 to vector<16xf32>
          %ge3A_84 = arith.cmpf oge, %add3A_82, %ge3A_83 : vector<16xf32>
          %mul3A_85 = arith.constant 2.000000e-01 : f32
          %mul3A_86 = vector.broadcast %mul3A_85 : f32 to vector<16xf32>
          %mul3A_87 = arith.mulf %mul3A_86, %add3A_82 : vector<16xf32>
          %select_n3A = arith.select %ge3A_84, %add3A_82, %mul3A_87 : vector<16xi1>, vector<16xf32>
          %sub3A = arith.subf %select_n3A, %get3A_14 : vector<16xf32>
          %exp3A = math.exp %sub3A : vector<16xf32>
          %slice3A = vector.extract_strided_slice %exp3A {offsets = [2], sizes = [1], strides = [1]} : vector<16xf32> to vector<1xf32>
          %squeeze3A = vector.extract %slice3A[0] : f32 from vector<1xf32>
          %get3A_88 = arith.index_cast %scan3A_72 : i32 to index
          %get3A_89 = arith.constant 0 : index
          %get3A_90 = tpu.vector_load %arg20[%get3A_88, %get3A_89] {strides = array<i32>} : memref<128x128xf32, #tpu.memory_space<vmem>>, vector<1x16xf32>,
          %get3A_91 = vector.shape_cast %get3A_90 : vector<1x16xf32> to vector<16xf32>
          %mul3A_92 = vector.broadcast %squeeze3A : f32 to vector<16xf32>
          %mul3A_93 = arith.mulf %get3A_91, %mul3A_92 : vector<16xf32>
          %swap3A = arith.index_cast %scan3A_72 : i32 to index
          %swap3A_94 = arith.constant 0 : index
          %swap3A_95 = tpu.vector_load %arg20[%swap3A, %swap3A_94] {strides = array<i32>} : memref<128x128xf32, #tpu.memory_space<vmem>>, vector<1x16xf32>,
          %swap3A_96 = vector.shape_cast %swap3A_95 : vector<1x16xf32> to vector<16xf32>
          %swap3A_97 = vector.shape_cast %mul3A_93 : vector<16xf32> to vector<1x16xf32>
          tpu.vector_store %arg20[%swap3A, %swap3A_94], %swap3A_97 {strides = array<i32>} : memref<128x128xf32, #tpu.memory_space<vmem>>, vector<1x16xf32>,
          %get3A_98 = arith.index_cast %scan3A_72 : i32 to index
          %get3A_99 = arith.constant 16 : index
          %get3A_100 = tpu.vector_load %arg20[%get3A_98, %get3A_99] {strides = array<i32>} : memref<128x128xf32, #tpu.memory_space<vmem>>, vector<1x16xf32>,
          %get3A_101 = vector.shape_cast %get3A_100 : vector<1x16xf32> to vector<16xf32>
          %mul3A_102 = vector.broadcast %squeeze3A : f32 to vector<16xf32>
          %mul3A_103 = arith.mulf %get3A_101, %mul3A_102 : vector<16xf32>
          %swap3A_104 = arith.index_cast %scan3A_72 : i32 to index
          %swap3A_105 = arith.constant 16 : index
          %swap3A_106 = tpu.vector_load %arg20[%swap3A_104, %swap3A_105] {strides = array<i32>} : memref<128x128xf32, #tpu.memory_space<vmem>>, vector<1x16xf32>,
          %swap3A_107 = vector.shape_cast %swap3A_106 : vector<1x16xf32> to vector<16xf32>
          %swap3A_108 = vector.shape_cast %mul3A_103 : vector<16xf32> to vector<1x16xf32>
          tpu.vector_store %arg20[%swap3A_104, %swap3A_105], %swap3A_108 {strides = array<i32>} : memref<128x128xf32, #tpu.memory_space<vmem>>, vector<1x16xf32>,
          %get3A_109 = arith.index_cast %scan3A_72 : i32 to index
          %get3A_110 = arith.constant 32 : index
          %get3A_111 = tpu.vector_load %arg20[%get3A_109, %get3A_110] {strides = array<i32>} : memref<128x128xf32, #tpu.memory_space<vmem>>, vector<1x16xf32>,
          %get3A_112 = vector.shape_cast %get3A_111 : vector<1x16xf32> to vector<16xf32>
          %mul3A_113 = vector.broadcast %squeeze3A : f32 to vector<16xf32>
          %mul3A_114 = arith.mulf %get3A_112, %mul3A_113 : vector<16xf32>
          %swap3A_115 = arith.index_cast %scan3A_72 : i32 to index
          %swap3A_116 = arith.constant 32 : index
          %swap3A_117 = tpu.vector_load %arg20[%swap3A_115, %swap3A_116] {strides = array<i32>} : memref<128x128xf32, #tpu.memory_space<vmem>>, vector<1x16xf32>,
          %swap3A_118 = vector.shape_cast %swap3A_117 : vector<1x16xf32> to vector<16xf32>
          %swap3A_119 = vector.shape_cast %mul3A_114 : vector<16xf32> to vector<1x16xf32>
          tpu.vector_store %arg20[%swap3A_115, %swap3A_116], %swap3A_119 {strides = array<i32>} : memref<128x128xf32, #tpu.memory_space<vmem>>, vector<1x16xf32>,
          %get3A_120 = arith.index_cast %scan3A_72 : i32 to index
          %get3A_121 = arith.constant 48 : index
          %get3A_122 = tpu.vector_load %arg20[%get3A_120, %get3A_121] {strides = array<i32>} : memref<128x128xf32, #tpu.memory_space<vmem>>, vector<1x16xf32>,
          %get3A_123 = vector.shape_cast %get3A_122 : vector<1x16xf32> to vector<16xf32>
          %mul3A_124 = vector.broadcast %squeeze3A : f32 to vector<16xf32>
          %mul3A_125 = arith.mulf %get3A_123, %mul3A_124 : vector<16xf32>
          %swap3A_126 = arith.index_cast %scan3A_72 : i32 to index
          %swap3A_127 = arith.constant 48 : index
          %swap3A_128 = tpu.vector_load %arg20[%swap3A_126, %swap3A_127] {strides = array<i32>} : memref<128x128xf32, #tpu.memory_space<vmem>>, vector<1x16xf32>,
          %swap3A_129 = vector.shape_cast %swap3A_128 : vector<1x16xf32> to vector<16xf32>
          %swap3A_130 = vector.shape_cast %mul3A_125 : vector<16xf32> to vector<1x16xf32>
          tpu.vector_store %arg20[%swap3A_126, %swap3A_127], %swap3A_130 {strides = array<i32>} : memref<128x128xf32, #tpu.memory_space<vmem>>, vector<1x16xf32>,
          %slice3A_131 = vector.extract_strided_slice %exp3A {offsets = [3], sizes = [1], strides = [1]} : vector<16xf32> to vector<1xf32>
          %squeeze3A_132 = vector.extract %slice3A_131[0] : f32 from vector<1xf32>
          %get3A_133 = arith.index_cast %scan3A_72 : i32 to index
          %get3A_134 = arith.constant 64 : index
          %get3A_135 = tpu.vector_load %arg20[%get3A_133, %get3A_134] {strides = array<i32>} : memref<128x128xf32, #tpu.memory_space<vmem>>, vector<1x16xf32>,
          %get3A_136 = vector.shape_cast %get3A_135 : vector<1x16xf32> to vector<16xf32>
          %mul3A_137 = vector.broadcast %squeeze3A_132 : f32 to vector<16xf32>
          %mul3A_138 = arith.mulf %get3A_136, %mul3A_137 : vector<16xf32>
          %swap3A_139 = arith.index_cast %scan3A_72 : i32 to index
          %swap3A_140 = arith.constant 64 : index
          %swap3A_141 = tpu.vector_load %arg20[%swap3A_139, %swap3A_140] {strides = array<i32>} : memref<128x128xf32, #tpu.memory_space<vmem>>, vector<1x16xf32>,
          %swap3A_142 = vector.shape_cast %swap3A_141 : vector<1x16xf32> to vector<16xf32>
          %swap3A_143 = vector.shape_cast %mul3A_138 : vector<16xf32> to vector<1x16xf32>
          tpu.vector_store %arg20[%swap3A_139, %swap3A_140], %swap3A_143 {strides = array<i32>} : memref<128x128xf32, #tpu.memory_space<vmem>>, vector<1x16xf32>,
          %get3A_144 = arith.index_cast %scan3A_72 : i32 to index
          %get3A_145 = arith.constant 80 : index
          %get3A_146 = tpu.vector_load %arg20[%get3A_144, %get3A_145] {strides = array<i32>} : memref<128x128xf32, #tpu.memory_space<vmem>>, vector<1x16xf32>,
          %get3A_147 = vector.shape_cast %get3A_146 : vector<1x16xf32> to vector<16xf32>
          %mul3A_148 = vector.broadcast %squeeze3A_132 : f32 to vector<16xf32>
          %mul3A_149 = arith.mulf %get3A_147, %mul3A_148 : vector<16xf32>
          %swap3A_150 = arith.index_cast %scan3A_72 : i32 to index
          %swap3A_151 = arith.constant 80 : index
          %swap3A_152 = tpu.vector_load %arg20[%swap3A_150, %swap3A_151] {strides = array<i32>} : memref<128x128xf32, #tpu.memory_space<vmem>>, vector<1x16xf32>,
          %swap3A_153 = vector.shape_cast %swap3A_152 : vector<1x16xf32> to vector<16xf32>
          %swap3A_154 = vector.shape_cast %mul3A_149 : vector<16xf32> to vector<1x16xf32>
          tpu.vector_store %arg20[%swap3A_150, %swap3A_151], %swap3A_154 {strides = array<i32>} : memref<128x128xf32, #tpu.memory_space<vmem>>, vector<1x16xf32>,
          %get3A_155 = arith.index_cast %scan3A_72 : i32 to index
          %get3A_156 = arith.constant 96 : index
          %get3A_157 = tpu.vector_load %arg20[%get3A_155, %get3A_156] {strides = array<i32>} : memref<128x128xf32, #tpu.memory_space<vmem>>, vector<1x16xf32>,
          %get3A_158 = vector.shape_cast %get3A_157 : vector<1x16xf32> to vector<16xf32>
          %mul3A_159 = vector.broadcast %squeeze3A_132 : f32 to vector<16xf32>
          %mul3A_160 = arith.mulf %get3A_158, %mul3A_159 : vector<16xf32>
          %swap3A_161 = arith.index_cast %scan3A_72 : i32 to index
          %swap3A_162 = arith.constant 96 : index
          %swap3A_163 = tpu.vector_load %arg20[%swap3A_161, %swap3A_162] {strides = array<i32>} : memref<128x128xf32, #tpu.memory_space<vmem>>, vector<1x16xf32>,
          %swap3A_164 = vector.shape_cast %swap3A_163 : vector<1x16xf32> to vector<16xf32>
          %swap3A_165 = vector.shape_cast %mul3A_160 : vector<16xf32> to vector<1x16xf32>
          tpu.vector_store %arg20[%swap3A_161, %swap3A_162], %swap3A_165 {strides = array<i32>} : memref<128x128xf32, #tpu.memory_space<vmem>>, vector<1x16xf32>,
          %get3A_166 = arith.index_cast %scan3A_72 : i32 to index
          %get3A_167 = arith.constant 112 : index
          %get3A_168 = tpu.vector_load %arg20[%get3A_166, %get3A_167] {strides = array<i32>} : memref<128x128xf32, #tpu.memory_space<vmem>>, vector<1x16xf32>,
          %get3A_169 = vector.shape_cast %get3A_168 : vector<1x16xf32> to vector<16xf32>
          %mul3A_170 = vector.broadcast %squeeze3A_132 : f32 to vector<16xf32>
          %mul3A_171 = arith.mulf %get3A_169, %mul3A_170 : vector<16xf32>
          %swap3A_172 = arith.index_cast %scan3A_72 : i32 to index
          %swap3A_173 = arith.constant 112 : index
          %swap3A_174 = tpu.vector_load %arg20[%swap3A_172, %swap3A_173] {strides = array<i32>} : memref<128x128xf32, #tpu.memory_space<vmem>>, vector<1x16xf32>,
          %swap3A_175 = vector.shape_cast %swap3A_174 : vector<1x16xf32> to vector<16xf32>
          %swap3A_176 = vector.shape_cast %mul3A_171 : vector<16xf32> to vector<1x16xf32>
          tpu.vector_store %arg20[%swap3A_172, %swap3A_173], %swap3A_176 {strides = array<i32>} : memref<128x128xf32, #tpu.memory_space<vmem>>, vector<1x16xf32>,
          %scan3A_177 = arith.constant 0 : i32
          scf.yield %scan3A_177 : i32
        }
        %scan3A_71 = arith.constant 128 : i32
        "tpu.region"() ({
          %run_scoped3A = tpu.sem_alloc : memref<!tpu.dma_semaphore, #tpu.memory_space<semaphore_mem>>
          %dma_start3A_72 = arith.constant 0 : i32
          %dma_start3A_73 = arith.constant 0 : i32
          %dma_start3A_74 = tpu.memref_slice %arg21[%dma_start3A_72, %dma_start3A_73] : memref<10000x128xf32, #tpu.memory_space<vmem_shared>> -> memref<10000x128xf32, #tpu.memory_space<vmem_shared>>
          tpu.enqueue_indirect_dma source(%arg20 : memref<128x128xf32, #tpu.memory_space<vmem>>) target(%dma_start3A_74 : memref<10000x128xf32, #tpu.memory_space<vmem_shared>>) offsets(%arg16 : memref<128xi32, #tpu.memory_space<vmem>>) semaphore(%run_scoped3A : memref<!tpu.dma_semaphore, #tpu.memory_space<semaphore_mem>>) {add = true}
          %dma_wait3A_75 = arith.constant 0 : i32
          %dma_wait3A_76 = arith.constant 0 : i32
          %dma_wait3A_77 = tpu.memref_slice %arg21[%dma_wait3A_75, %dma_wait3A_76] : memref<10000x128xf32, #tpu.memory_space<vmem_shared>> -> memref<10000x128xf32, #tpu.memory_space<vmem_shared>>
          tpu.wait_indirect_dma semaphore(%run_scoped3A : memref<!tpu.dma_semaphore, #tpu.memory_space<semaphore_mem>>) src(%arg20 : memref<128x128xf32, #tpu.memory_space<vmem>>) dst(%dma_wait3A_77 : memref<10000x128xf32, #tpu.memory_space<vmem_shared>>)
          tpu.yield
        }) : () -> ()
      } else {
      }
    } else {
    }
    %barrier3A_25 = arith.constant 0 : index
    tpu.barrier barrier_id(%barrier3A_25)
    %eq3A_26 = arith.constant 0 : i32
    %eq3A_27 = arith.cmpi eq, %arg0, %eq3A_26 : i32
    %convert_element_type3A_28 = arith.extui %eq3A_27 : i1 to i32
    %cond3A_29 = arith.constant 0 : i32
    %cond3A_30 = arith.cmpi ne, %convert_element_type3A_28, %cond3A_29 : i32
    scf.if %cond3A_30 {
      %lt3A_36 = arith.constant 15 : i32
      %lt3A_37 = arith.cmpi slt, %arg1, %lt3A_36 : i32
      %convert_element_type3A_38 = arith.extui %lt3A_37 : i1 to i32
      %cond3A_39 = arith.constant 0 : i32
      %cond3A_40 = arith.cmpi ne, %convert_element_type3A_38, %cond3A_39 : i32
      scf.if %cond3A_40 {
        %mul3A = arith.constant 624 : i32
        %mul3A_56 = arith.muli %arg1, %mul3A : i32
        "tpu.region"() ({
          %run_scoped3A = tpu.sem_alloc : memref<!tpu.dma_semaphore, #tpu.memory_space<semaphore_mem>>
          %dma_start3A = arith.constant 0 : i32
          %dma_start3A_57 = tpu.memref_slice %arg11[%mul3A_56, %dma_start3A] : memref<10000x128xf32, #tpu.memory_space<hbm>> -> memref<624x128xf32, #tpu.memory_space<hbm>>
          %dma_start3A_58 = arith.constant 0 : i32
          %dma_start3A_59 = tpu.memref_slice %arg21[%mul3A_56, %dma_start3A_58] : memref<10000x128xf32, #tpu.memory_space<vmem_shared>> -> memref<624x128xf32, #tpu.memory_space<vmem_shared>>
          tpu.enqueue_dma source(%dma_start3A_59 : memref<624x128xf32, #tpu.memory_space<vmem_shared>>) target(%dma_start3A_57 : memref<624x128xf32, #tpu.memory_space<hbm>>) target_semaphore(%run_scoped3A : memref<!tpu.dma_semaphore, #tpu.memory_space<semaphore_mem>>)
          %dma_wait3A = arith.constant 0 : i32
          %dma_wait3A_60 = tpu.memref_slice %arg11[%mul3A_56, %dma_wait3A] : memref<10000x128xf32, #tpu.memory_space<hbm>> -> memref<624x128xf32, #tpu.memory_space<hbm>>
          %dma_wait3A_61 = arith.constant 0 : i32
          %dma_wait3A_62 = tpu.memref_slice %arg21[%mul3A_56, %dma_wait3A_61] : memref<10000x128xf32, #tpu.memory_space<vmem_shared>> -> memref<624x128xf32, #tpu.memory_space<vmem_shared>>
          tpu.wait_dma2 semaphore(%run_scoped3A : memref<!tpu.dma_semaphore, #tpu.memory_space<semaphore_mem>>) src(%dma_wait3A_62 : memref<624x128xf32, #tpu.memory_space<vmem_shared>>) dst(%dma_wait3A_60 : memref<624x128xf32, #tpu.memory_space<hbm>>)
          tpu.yield
        }) : () -> ()
      } else {
      }
      %eq3A_41 = arith.constant 15 : i32
      %eq3A_42 = arith.cmpi eq, %arg1, %eq3A_41 : i32
      %convert_element_type3A_43 = arith.extui %eq3A_42 : i1 to i32
      %cond3A_44 = arith.constant 0 : i32
      %cond3A_45 = arith.cmpi ne, %convert_element_type3A_43, %cond3A_44 : i32
      scf.if %cond3A_45 {
        "tpu.region"() ({
          %run_scoped3A = tpu.sem_alloc : memref<!tpu.dma_semaphore, #tpu.memory_space<semaphore_mem>>
          %dma_start3A = arith.constant 9360 : i32
          %dma_start3A_56 = arith.constant 0 : i32
          %dma_start3A_57 = tpu.memref_slice %arg11[%dma_start3A, %dma_start3A_56] : memref<10000x128xf32, #tpu.memory_space<hbm>> -> memref<640x128xf32, #tpu.memory_space<hbm>>
          %dma_start3A_58 = arith.constant 9360 : i32
          %dma_start3A_59 = arith.constant 0 : i32
          %dma_start3A_60 = tpu.memref_slice %arg21[%dma_start3A_58, %dma_start3A_59] : memref<10000x128xf32, #tpu.memory_space<vmem_shared>> -> memref<640x128xf32, #tpu.memory_space<vmem_shared>>
          tpu.enqueue_dma source(%dma_start3A_60 : memref<640x128xf32, #tpu.memory_space<vmem_shared>>) target(%dma_start3A_57 : memref<640x128xf32, #tpu.memory_space<hbm>>) target_semaphore(%run_scoped3A : memref<!tpu.dma_semaphore, #tpu.memory_space<semaphore_mem>>)
          %dma_wait3A = arith.constant 9360 : i32
          %dma_wait3A_61 = arith.constant 0 : i32
          %dma_wait3A_62 = tpu.memref_slice %arg11[%dma_wait3A, %dma_wait3A_61] : memref<10000x128xf32, #tpu.memory_space<hbm>> -> memref<640x128xf32, #tpu.memory_space<hbm>>
          %dma_wait3A_63 = arith.constant 9360 : i32
          %dma_wait3A_64 = arith.constant 0 : i32
          %dma_wait3A_65 = tpu.memref_slice %arg21[%dma_wait3A_63, %dma_wait3A_64] : memref<10000x128xf32, #tpu.memory_space<vmem_shared>> -> memref<640x128xf32, #tpu.memory_space<vmem_shared>>
          tpu.wait_dma2 semaphore(%run_scoped3A : memref<!tpu.dma_semaphore, #tpu.memory_space<semaphore_mem>>) src(%dma_wait3A_65 : memref<640x128xf32, #tpu.memory_space<vmem_shared>>) dst(%dma_wait3A_62 : memref<640x128xf32, #tpu.memory_space<hbm>>)
          tpu.yield
        }) : () -> ()
      } else {
      }
      %lt3A_46 = arith.constant 15 : i32
      %lt3A_47 = arith.cmpi slt, %arg1, %lt3A_46 : i32
      %convert_element_type3A_48 = arith.extui %lt3A_47 : i1 to i32
      %cond3A_49 = arith.constant 0 : i32
      %cond3A_50 = arith.cmpi ne, %convert_element_type3A_48, %cond3A_49 : i32
      scf.if %cond3A_50 {
        %mul3A = arith.constant 624 : i32
        %mul3A_56 = arith.muli %arg1, %mul3A : i32
        "tpu.region"() ({
          %run_scoped3A = tpu.sem_alloc : memref<!tpu.dma_semaphore, #tpu.memory_space<semaphore_mem>>
          %dma_start3A = arith.constant 0 : i32
          %dma_start3A_57 = tpu.memref_slice %arg13[%mul3A_56, %dma_start3A] : memref<10000x16xf32, #tpu.memory_space<hbm>> -> memref<624x16xf32, #tpu.memory_space<hbm>>
          %dma_start3A_58 = arith.constant 0 : i32
          %dma_start3A_59 = tpu.memref_slice %arg22[%mul3A_56, %dma_start3A_58] : memref<10000x16xf32, #tpu.memory_space<vmem_shared>> -> memref<624x16xf32, #tpu.memory_space<vmem_shared>>
          tpu.enqueue_dma source(%dma_start3A_59 : memref<624x16xf32, #tpu.memory_space<vmem_shared>>) target(%dma_start3A_57 : memref<624x16xf32, #tpu.memory_space<hbm>>) target_semaphore(%run_scoped3A : memref<!tpu.dma_semaphore, #tpu.memory_space<semaphore_mem>>)
          %dma_wait3A = arith.constant 0 : i32
          %dma_wait3A_60 = tpu.memref_slice %arg13[%mul3A_56, %dma_wait3A] : memref<10000x16xf32, #tpu.memory_space<hbm>> -> memref<624x16xf32, #tpu.memory_space<hbm>>
          %dma_wait3A_61 = arith.constant 0 : i32
          %dma_wait3A_62 = tpu.memref_slice %arg22[%mul3A_56, %dma_wait3A_61] : memref<10000x16xf32, #tpu.memory_space<vmem_shared>> -> memref<624x16xf32, #tpu.memory_space<vmem_shared>>
          tpu.wait_dma2 semaphore(%run_scoped3A : memref<!tpu.dma_semaphore, #tpu.memory_space<semaphore_mem>>) src(%dma_wait3A_62 : memref<624x16xf32, #tpu.memory_space<vmem_shared>>) dst(%dma_wait3A_60 : memref<624x16xf32, #tpu.memory_space<hbm>>)
          tpu.yield
        }) : () -> ()
      } else {
      }
      %eq3A_51 = arith.constant 15 : i32
      %eq3A_52 = arith.cmpi eq, %arg1, %eq3A_51 : i32
      %convert_element_type3A_53 = arith.extui %eq3A_52 : i1 to i32
      %cond3A_54 = arith.constant 0 : i32
      %cond3A_55 = arith.cmpi ne, %convert_element_type3A_53, %cond3A_54 : i32
      scf.if %cond3A_55 {
        "tpu.region"() ({
          %run_scoped3A = tpu.sem_alloc : memref<!tpu.dma_semaphore, #tpu.memory_space<semaphore_mem>>
          %dma_start3A = arith.constant 9360 : i32
          %dma_start3A_56 = arith.constant 0 : i32
          %dma_start3A_57 = tpu.memref_slice %arg13[%dma_start3A, %dma_start3A_56] : memref<10000x16xf32, #tpu.memory_space<hbm>> -> memref<640x16xf32, #tpu.memory_space<hbm>>
          %dma_start3A_58 = arith.constant 9360 : i32
          %dma_start3A_59 = arith.constant 0 : i32
          %dma_start3A_60 = tpu.memref_slice %arg22[%dma_start3A_58, %dma_start3A_59] : memref<10000x16xf32, #tpu.memory_space<vmem_shared>> -> memref<640x16xf32, #tpu.memory_space<vmem_shared>>
          tpu.enqueue_dma source(%dma_start3A_60 : memref<640x16xf32, #tpu.memory_space<vmem_shared>>) target(%dma_start3A_57 : memref<640x16xf32, #tpu.memory_space<hbm>>) target_semaphore(%run_scoped3A : memref<!tpu.dma_semaphore, #tpu.memory_space<semaphore_mem>>)
          %dma_wait3A = arith.constant 9360 : i32
          %dma_wait3A_61 = arith.constant 0 : i32
          %dma_wait3A_62 = tpu.memref_slice %arg13[%dma_wait3A, %dma_wait3A_61] : memref<10000x16xf32, #tpu.memory_space<hbm>> -> memref<640x16xf32, #tpu.memory_space<hbm>>
          %dma_wait3A_63 = arith.constant 9360 : i32
          %dma_wait3A_64 = arith.constant 0 : i32
          %dma_wait3A_65 = tpu.memref_slice %arg22[%dma_wait3A_63, %dma_wait3A_64] : memref<10000x16xf32, #tpu.memory_space<vmem_shared>> -> memref<640x16xf32, #tpu.memory_space<vmem_shared>>
          tpu.wait_dma2 semaphore(%run_scoped3A : memref<!tpu.dma_semaphore, #tpu.memory_space<semaphore_mem>>) src(%dma_wait3A_65 : memref<640x16xf32, #tpu.memory_space<vmem_shared>>) dst(%dma_wait3A_62 : memref<640x16xf32, #tpu.memory_space<hbm>>)
          tpu.yield
        }) : () -> ()
      } else {
      }
    } else {
    }
    %eq3A_31 = arith.constant 1 : i32
    %eq3A_32 = arith.cmpi eq, %arg0, %eq3A_31 : i32
    %convert_element_type3A_33 = arith.extui %eq3A_32 : i1 to i32
    %cond3A_34 = arith.constant 0 : i32
    %cond3A_35 = arith.cmpi ne, %convert_element_type3A_33, %cond3A_34 : i32
    scf.if %cond3A_35 {
      %lt3A_36 = arith.constant 15 : i32
      %lt3A_37 = arith.cmpi slt, %arg1, %lt3A_36 : i32
      %convert_element_type3A_38 = arith.extui %lt3A_37 : i1 to i32
      %cond3A_39 = arith.constant 0 : i32
      %cond3A_40 = arith.cmpi ne, %convert_element_type3A_38, %cond3A_39 : i32
      scf.if %cond3A_40 {
        %mul3A = arith.constant 624 : i32
        %mul3A_46 = arith.muli %arg1, %mul3A : i32
        "tpu.region"() ({
          %run_scoped3A = tpu.sem_alloc : memref<!tpu.dma_semaphore, #tpu.memory_space<semaphore_mem>>
          %dma_start3A = arith.constant 0 : i32
          %dma_start3A_47 = tpu.memref_slice %arg12[%mul3A_46, %dma_start3A] : memref<10000x128xf32, #tpu.memory_space<hbm>> -> memref<624x128xf32, #tpu.memory_space<hbm>>
          %dma_start3A_48 = arith.constant 0 : i32
          %dma_start3A_49 = tpu.memref_slice %arg21[%mul3A_46, %dma_start3A_48] : memref<10000x128xf32, #tpu.memory_space<vmem_shared>> -> memref<624x128xf32, #tpu.memory_space<vmem_shared>>
          tpu.enqueue_dma source(%dma_start3A_49 : memref<624x128xf32, #tpu.memory_space<vmem_shared>>) target(%dma_start3A_47 : memref<624x128xf32, #tpu.memory_space<hbm>>) target_semaphore(%run_scoped3A : memref<!tpu.dma_semaphore, #tpu.memory_space<semaphore_mem>>)
          %dma_wait3A = arith.constant 0 : i32
          %dma_wait3A_50 = tpu.memref_slice %arg12[%mul3A_46, %dma_wait3A] : memref<10000x128xf32, #tpu.memory_space<hbm>> -> memref<624x128xf32, #tpu.memory_space<hbm>>
          %dma_wait3A_51 = arith.constant 0 : i32
          %dma_wait3A_52 = tpu.memref_slice %arg21[%mul3A_46, %dma_wait3A_51] : memref<10000x128xf32, #tpu.memory_space<vmem_shared>> -> memref<624x128xf32, #tpu.memory_space<vmem_shared>>
          tpu.wait_dma2 semaphore(%run_scoped3A : memref<!tpu.dma_semaphore, #tpu.memory_space<semaphore_mem>>) src(%dma_wait3A_52 : memref<624x128xf32, #tpu.memory_space<vmem_shared>>) dst(%dma_wait3A_50 : memref<624x128xf32, #tpu.memory_space<hbm>>)
          tpu.yield
        }) : () -> ()
      } else {
      }
      %eq3A_41 = arith.constant 15 : i32
      %eq3A_42 = arith.cmpi eq, %arg1, %eq3A_41 : i32
      %convert_element_type3A_43 = arith.extui %eq3A_42 : i1 to i32
      %cond3A_44 = arith.constant 0 : i32
      %cond3A_45 = arith.cmpi ne, %convert_element_type3A_43, %cond3A_44 : i32
      scf.if %cond3A_45 {
        "tpu.region"() ({
          %run_scoped3A = tpu.sem_alloc : memref<!tpu.dma_semaphore, #tpu.memory_space<semaphore_mem>>
          %dma_start3A = arith.constant 9360 : i32
          %dma_start3A_46 = arith.constant 0 : i32
          %dma_start3A_47 = tpu.memref_slice %arg12[%dma_start3A, %dma_start3A_46] : memref<10000x128xf32, #tpu.memory_space<hbm>> -> memref<640x128xf32, #tpu.memory_space<hbm>>
          %dma_start3A_48 = arith.constant 9360 : i32
          %dma_start3A_49 = arith.constant 0 : i32
          %dma_start3A_50 = tpu.memref_slice %arg21[%dma_start3A_48, %dma_start3A_49] : memref<10000x128xf32, #tpu.memory_space<vmem_shared>> -> memref<640x128xf32, #tpu.memory_space<vmem_shared>>
          tpu.enqueue_dma source(%dma_start3A_50 : memref<640x128xf32, #tpu.memory_space<vmem_shared>>) target(%dma_start3A_47 : memref<640x128xf32, #tpu.memory_space<hbm>>) target_semaphore(%run_scoped3A : memref<!tpu.dma_semaphore, #tpu.memory_space<semaphore_mem>>)
          %dma_wait3A = arith.constant 9360 : i32
          %dma_wait3A_51 = arith.constant 0 : i32
          %dma_wait3A_52 = tpu.memref_slice %arg12[%dma_wait3A, %dma_wait3A_51] : memref<10000x128xf32, #tpu.memory_space<hbm>> -> memref<640x128xf32, #tpu.memory_space<hbm>>
          %dma_wait3A_53 = arith.constant 9360 : i32
          %dma_wait3A_54 = arith.constant 0 : i32
          %dma_wait3A_55 = tpu.memref_slice %arg21[%dma_wait3A_53, %dma_wait3A_54] : memref<10000x128xf32, #tpu.memory_space<vmem_shared>> -> memref<640x128xf32, #tpu.memory_space<vmem_shared>>
          tpu.wait_dma2 semaphore(%run_scoped3A : memref<!tpu.dma_semaphore, #tpu.memory_space<semaphore_mem>>) src(%dma_wait3A_55 : memref<640x128xf32, #tpu.memory_space<vmem_shared>>) dst(%dma_wait3A_52 : memref<640x128xf32, #tpu.memory_space<hbm>>)
          tpu.yield
        }) : () -> ()
      } else {
      }
    } else {
    }
    return
  }
}

#map = affine_map<(d0, d1) -> (0, 0)>
#map1 = affine_map<(d0, d1) -> (0)>
module attributes {stable_mosaic.version = 14 : i64} {
  func.func @k(%arg0: i32, %arg1: i32, %arg2: memref<10000x32xf32, #tpu.memory_space<hbm>>, %arg3: memref<10000x32xf32, #tpu.memory_space<hbm>>, %arg4: memref<10000x16xf32, #tpu.memory_space<hbm>>, %arg5: memref<10000x16xf32, #tpu.memory_space<hbm>>, %arg6: memref<1x16xf32, #tpu.memory_space<hbm>>, %arg7: memref<320000xi32, #tpu.memory_space<hbm>>, %arg8: memref<320000xi32, #tpu.memory_space<hbm>>, %arg9: memref<10000x32xf32, #tpu.memory_space<hbm>>, %arg10: memref<10000x16xf32, #tpu.memory_space<hbm>>, %arg11: memref<10000x32xf32, #tpu.memory_space<hbm>>, %arg12: memref<10000x32xf32, #tpu.memory_space<hbm>>, %arg13: memref<10000x16xf32, #tpu.memory_space<hbm>>, %arg14: memref<1x16xf32, #tpu.memory_space<vmem>>, %arg15: memref<128xi32, #tpu.memory_space<vmem>>, %arg16: memref<128xi32, #tpu.memory_space<vmem>>, %arg17: memref<128x16xf32, #tpu.memory_space<vmem>>, %arg18: memref<128x16xf32, #tpu.memory_space<vmem>>, %arg19: memref<128x16xf32, #tpu.memory_space<vmem>>, %arg20: memref<128x32xf32, #tpu.memory_space<vmem>>, %arg21: memref<10000x32xf32, #tpu.memory_space<vmem_shared>>, %arg22: memref<10000x16xf32, #tpu.memory_space<vmem_shared>>, %arg23: memref<!tpu.dma_semaphore, #tpu.memory_space<semaphore_mem>>) attributes {dimension_semantics = [#tpu.dimension_semantics<core_parallel>, #tpu.dimension_semantics<subcore_parallel>], iteration_bounds = array<i64: 2, 16>, scalar_prefetch = 0 : i64, scratch_operands = 10 : i64, tpu.core_type = #tpu.core_type<sc_vector_subcore>, window_params = [{transform_indices = #map}, {transform_indices = #map}, {transform_indices = #map}, {transform_indices = #map}, {transform_indices = #map}, {transform_indices = #map1}, {transform_indices = #map1}, {transform_indices = #map}, {transform_indices = #map}, {transform_indices = #map}, {transform_indices = #map}, {transform_indices = #map}]} {
    "tpu.region"() ({
      %run_scoped3A = tpu.sem_alloc : memref<!tpu.dma_semaphore, #tpu.memory_space<semaphore_mem>>
      tpu.enqueue_dma source(%arg6 : memref<1x16xf32, #tpu.memory_space<hbm>>) target(%arg14 : memref<1x16xf32, #tpu.memory_space<vmem>>) target_semaphore(%run_scoped3A : memref<!tpu.dma_semaphore, #tpu.memory_space<semaphore_mem>>)
      tpu.wait_dma2 semaphore(%run_scoped3A : memref<!tpu.dma_semaphore, #tpu.memory_space<semaphore_mem>>) src(%arg6 : memref<1x16xf32, #tpu.memory_space<hbm>>) dst(%arg14 : memref<1x16xf32, #tpu.memory_space<vmem>>)
      tpu.yield
    }) : () -> ()
    %lt3A = arith.constant 15 : i32
    %lt3A_0 = arith.cmpi slt, %arg1, %lt3A : i32
    %convert_element_type3A = arith.extui %lt3A_0 : i1 to i32
    %cond3A = arith.constant 0 : i32
    %cond3A_1 = arith.cmpi ne, %convert_element_type3A, %cond3A : i32
    scf.if %cond3A_1 {
      %mul3A = arith.constant 624 : i32
      %mul3A_36 = arith.muli %arg1, %mul3A : i32
      "tpu.region"() ({
        %run_scoped3A = tpu.sem_alloc : memref<!tpu.dma_semaphore, #tpu.memory_space<semaphore_mem>>
        %dma_start3A = arith.constant 0 : i32
        %dma_start3A_37 = tpu.memref_slice %arg21[%mul3A_36, %dma_start3A] : memref<10000x32xf32, #tpu.memory_space<vmem_shared>> -> memref<624x32xf32, #tpu.memory_space<vmem_shared>>
        %dma_start3A_38 = arith.constant 0 : i32
        %dma_start3A_39 = tpu.memref_slice %arg9[%mul3A_36, %dma_start3A_38] : memref<10000x32xf32, #tpu.memory_space<hbm>> -> memref<624x32xf32, #tpu.memory_space<hbm>>
        tpu.enqueue_dma source(%dma_start3A_39 : memref<624x32xf32, #tpu.memory_space<hbm>>) target(%dma_start3A_37 : memref<624x32xf32, #tpu.memory_space<vmem_shared>>) target_semaphore(%run_scoped3A : memref<!tpu.dma_semaphore, #tpu.memory_space<semaphore_mem>>)
        %dma_wait3A = arith.constant 0 : i32
        %dma_wait3A_40 = tpu.memref_slice %arg21[%mul3A_36, %dma_wait3A] : memref<10000x32xf32, #tpu.memory_space<vmem_shared>> -> memref<624x32xf32, #tpu.memory_space<vmem_shared>>
        %dma_wait3A_41 = arith.constant 0 : i32
        %dma_wait3A_42 = tpu.memref_slice %arg9[%mul3A_36, %dma_wait3A_41] : memref<10000x32xf32, #tpu.memory_space<hbm>> -> memref<624x32xf32, #tpu.memory_space<hbm>>
        tpu.wait_dma2 semaphore(%run_scoped3A : memref<!tpu.dma_semaphore, #tpu.memory_space<semaphore_mem>>) src(%dma_wait3A_42 : memref<624x32xf32, #tpu.memory_space<hbm>>) dst(%dma_wait3A_40 : memref<624x32xf32, #tpu.memory_space<vmem_shared>>)
        tpu.yield
      }) : () -> ()
    } else {
    }
    %eq3A = arith.constant 15 : i32
    %eq3A_2 = arith.cmpi eq, %arg1, %eq3A : i32
    %convert_element_type3A_3 = arith.extui %eq3A_2 : i1 to i32
    %cond3A_4 = arith.constant 0 : i32
    %cond3A_5 = arith.cmpi ne, %convert_element_type3A_3, %cond3A_4 : i32
    scf.if %cond3A_5 {
      "tpu.region"() ({
        %run_scoped3A = tpu.sem_alloc : memref<!tpu.dma_semaphore, #tpu.memory_space<semaphore_mem>>
        %dma_start3A = arith.constant 9360 : i32
        %dma_start3A_36 = arith.constant 0 : i32
        %dma_start3A_37 = tpu.memref_slice %arg21[%dma_start3A, %dma_start3A_36] : memref<10000x32xf32, #tpu.memory_space<vmem_shared>> -> memref<640x32xf32, #tpu.memory_space<vmem_shared>>
        %dma_start3A_38 = arith.constant 9360 : i32
        %dma_start3A_39 = arith.constant 0 : i32
        %dma_start3A_40 = tpu.memref_slice %arg9[%dma_start3A_38, %dma_start3A_39] : memref<10000x32xf32, #tpu.memory_space<hbm>> -> memref<640x32xf32, #tpu.memory_space<hbm>>
        tpu.enqueue_dma source(%dma_start3A_40 : memref<640x32xf32, #tpu.memory_space<hbm>>) target(%dma_start3A_37 : memref<640x32xf32, #tpu.memory_space<vmem_shared>>) target_semaphore(%run_scoped3A : memref<!tpu.dma_semaphore, #tpu.memory_space<semaphore_mem>>)
        %dma_wait3A = arith.constant 9360 : i32
        %dma_wait3A_41 = arith.constant 0 : i32
        %dma_wait3A_42 = tpu.memref_slice %arg21[%dma_wait3A, %dma_wait3A_41] : memref<10000x32xf32, #tpu.memory_space<vmem_shared>> -> memref<640x32xf32, #tpu.memory_space<vmem_shared>>
        %dma_wait3A_43 = arith.constant 9360 : i32
        %dma_wait3A_44 = arith.constant 0 : i32
        %dma_wait3A_45 = tpu.memref_slice %arg9[%dma_wait3A_43, %dma_wait3A_44] : memref<10000x32xf32, #tpu.memory_space<hbm>> -> memref<640x32xf32, #tpu.memory_space<hbm>>
        tpu.wait_dma2 semaphore(%run_scoped3A : memref<!tpu.dma_semaphore, #tpu.memory_space<semaphore_mem>>) src(%dma_wait3A_45 : memref<640x32xf32, #tpu.memory_space<hbm>>) dst(%dma_wait3A_42 : memref<640x32xf32, #tpu.memory_space<vmem_shared>>)
        tpu.yield
      }) : () -> ()
    } else {
    }
    %eq3A_6 = arith.constant 0 : i32
    %eq3A_7 = arith.cmpi eq, %arg0, %eq3A_6 : i32
    %convert_element_type3A_8 = arith.extui %eq3A_7 : i1 to i32
    %cond3A_9 = arith.constant 0 : i32
    %cond3A_10 = arith.cmpi ne, %convert_element_type3A_8, %cond3A_9 : i32
    scf.if %cond3A_10 {
      %lt3A_36 = arith.constant 15 : i32
      %lt3A_37 = arith.cmpi slt, %arg1, %lt3A_36 : i32
      %convert_element_type3A_38 = arith.extui %lt3A_37 : i1 to i32
      %cond3A_39 = arith.constant 0 : i32
      %cond3A_40 = arith.cmpi ne, %convert_element_type3A_38, %cond3A_39 : i32
      scf.if %cond3A_40 {
        %mul3A = arith.constant 624 : i32
        %mul3A_46 = arith.muli %arg1, %mul3A : i32
        "tpu.region"() ({
          %run_scoped3A = tpu.sem_alloc : memref<!tpu.dma_semaphore, #tpu.memory_space<semaphore_mem>>
          %dma_start3A = arith.constant 0 : i32
          %dma_start3A_47 = tpu.memref_slice %arg22[%mul3A_46, %dma_start3A] : memref<10000x16xf32, #tpu.memory_space<vmem_shared>> -> memref<624x16xf32, #tpu.memory_space<vmem_shared>>
          %dma_start3A_48 = arith.constant 0 : i32
          %dma_start3A_49 = tpu.memref_slice %arg10[%mul3A_46, %dma_start3A_48] : memref<10000x16xf32, #tpu.memory_space<hbm>> -> memref<624x16xf32, #tpu.memory_space<hbm>>
          tpu.enqueue_dma source(%dma_start3A_49 : memref<624x16xf32, #tpu.memory_space<hbm>>) target(%dma_start3A_47 : memref<624x16xf32, #tpu.memory_space<vmem_shared>>) target_semaphore(%run_scoped3A : memref<!tpu.dma_semaphore, #tpu.memory_space<semaphore_mem>>)
          %dma_wait3A = arith.constant 0 : i32
          %dma_wait3A_50 = tpu.memref_slice %arg22[%mul3A_46, %dma_wait3A] : memref<10000x16xf32, #tpu.memory_space<vmem_shared>> -> memref<624x16xf32, #tpu.memory_space<vmem_shared>>
          %dma_wait3A_51 = arith.constant 0 : i32
          %dma_wait3A_52 = tpu.memref_slice %arg10[%mul3A_46, %dma_wait3A_51] : memref<10000x16xf32, #tpu.memory_space<hbm>> -> memref<624x16xf32, #tpu.memory_space<hbm>>
          tpu.wait_dma2 semaphore(%run_scoped3A : memref<!tpu.dma_semaphore, #tpu.memory_space<semaphore_mem>>) src(%dma_wait3A_52 : memref<624x16xf32, #tpu.memory_space<hbm>>) dst(%dma_wait3A_50 : memref<624x16xf32, #tpu.memory_space<vmem_shared>>)
          tpu.yield
        }) : () -> ()
      } else {
      }
      %eq3A_41 = arith.constant 15 : i32
      %eq3A_42 = arith.cmpi eq, %arg1, %eq3A_41 : i32
      %convert_element_type3A_43 = arith.extui %eq3A_42 : i1 to i32
      %cond3A_44 = arith.constant 0 : i32
      %cond3A_45 = arith.cmpi ne, %convert_element_type3A_43, %cond3A_44 : i32
      scf.if %cond3A_45 {
        "tpu.region"() ({
          %run_scoped3A = tpu.sem_alloc : memref<!tpu.dma_semaphore, #tpu.memory_space<semaphore_mem>>
          %dma_start3A = arith.constant 9360 : i32
          %dma_start3A_46 = arith.constant 0 : i32
          %dma_start3A_47 = tpu.memref_slice %arg22[%dma_start3A, %dma_start3A_46] : memref<10000x16xf32, #tpu.memory_space<vmem_shared>> -> memref<640x16xf32, #tpu.memory_space<vmem_shared>>
          %dma_start3A_48 = arith.constant 9360 : i32
          %dma_start3A_49 = arith.constant 0 : i32
          %dma_start3A_50 = tpu.memref_slice %arg10[%dma_start3A_48, %dma_start3A_49] : memref<10000x16xf32, #tpu.memory_space<hbm>> -> memref<640x16xf32, #tpu.memory_space<hbm>>
          tpu.enqueue_dma source(%dma_start3A_50 : memref<640x16xf32, #tpu.memory_space<hbm>>) target(%dma_start3A_47 : memref<640x16xf32, #tpu.memory_space<vmem_shared>>) target_semaphore(%run_scoped3A : memref<!tpu.dma_semaphore, #tpu.memory_space<semaphore_mem>>)
          %dma_wait3A = arith.constant 9360 : i32
          %dma_wait3A_51 = arith.constant 0 : i32
          %dma_wait3A_52 = tpu.memref_slice %arg22[%dma_wait3A, %dma_wait3A_51] : memref<10000x16xf32, #tpu.memory_space<vmem_shared>> -> memref<640x16xf32, #tpu.memory_space<vmem_shared>>
          %dma_wait3A_53 = arith.constant 9360 : i32
          %dma_wait3A_54 = arith.constant 0 : i32
          %dma_wait3A_55 = tpu.memref_slice %arg10[%dma_wait3A_53, %dma_wait3A_54] : memref<10000x16xf32, #tpu.memory_space<hbm>> -> memref<640x16xf32, #tpu.memory_space<hbm>>
          tpu.wait_dma2 semaphore(%run_scoped3A : memref<!tpu.dma_semaphore, #tpu.memory_space<semaphore_mem>>) src(%dma_wait3A_55 : memref<640x16xf32, #tpu.memory_space<hbm>>) dst(%dma_wait3A_52 : memref<640x16xf32, #tpu.memory_space<vmem_shared>>)
          tpu.yield
        }) : () -> ()
      } else {
      }
    } else {
    }
    %barrier3A = arith.constant 0 : index
    tpu.barrier barrier_id(%barrier3A)
    %get3A = arith.constant 0 : i32
    %get3A_11 = arith.index_cast %get3A : i32 to index
    %get3A_12 = arith.constant 0 : index
    %get3A_13 = tpu.vector_load %arg14[%get3A_11, %get3A_12] {strides = array<i32>} : memref<1x16xf32, #tpu.memory_space<vmem>>, vector<1x16xf32>,
    %get3A_14 = vector.shape_cast %get3A_13 : vector<1x16xf32> to vector<16xf32>
    %eq3A_15 = arith.constant 0 : i32
    %eq3A_16 = arith.cmpi eq, %arg0, %eq3A_15 : i32
    %convert_element_type3A_17 = arith.extui %eq3A_16 : i1 to i32
    %cond3A_18 = arith.constant 0 : i32
    %cond3A_19 = arith.cmpi ne, %convert_element_type3A_17, %cond3A_18 : i32
    scf.if %cond3A_19 {
      %scan3A = arith.constant 0 : i32
      %scan3A_36 = arith.constant 0 : i32
      %scan3A_37 = arith.constant 156 : i32
      %scan3A_38 = arith.addi %scan3A_36, %scan3A_37 : i32
      %scan3A_39 = arith.constant 1 : i32
      %scan3A_40 = scf.for %scan3A_47 = %scan3A_36 to %scan3A_38 step %scan3A_39 iter_args(%scan3A_48 = %scan3A) -> (i32)  : i32 {
        %mul3A = arith.constant 16 : i32
        %mul3A_49 = arith.muli %scan3A_47, %mul3A : i32
        %add3A = arith.addi %mul3A_49, %arg1 : i32
        %mul3A_50 = arith.constant 128 : i32
        %mul3A_51 = arith.muli %add3A, %mul3A_50 : i32
        "tpu.region"() ({
          %run_scoped3A = tpu.sem_alloc : memref<!tpu.dma_semaphore, #tpu.memory_space<semaphore_mem>>
          %dma_start3A_76 = tpu.memref_slice %arg7[%mul3A_51] : memref<320000xi32, #tpu.memory_space<hbm>> -> memref<128xi32, #tpu.memory_space<hbm>>
          %dma_start3A_77 = tpu.memref_slice %arg7[%mul3A_51] : memref<320000xi32, #tpu.memory_space<hbm>> -> memref<128xi32, #tpu.memory_space<hbm>>
          tpu.enqueue_dma source(%dma_start3A_77 : memref<128xi32, #tpu.memory_space<hbm>>) target(%arg15 : memref<128xi32, #tpu.memory_space<vmem>>) target_semaphore(%run_scoped3A : memref<!tpu.dma_semaphore, #tpu.memory_space<semaphore_mem>>)
          %dma_wait3A_78 = tpu.memref_slice %arg7[%mul3A_51] : memref<320000xi32, #tpu.memory_space<hbm>> -> memref<128xi32, #tpu.memory_space<hbm>>
          %dma_wait3A_79 = tpu.memref_slice %arg7[%mul3A_51] : memref<320000xi32, #tpu.memory_space<hbm>> -> memref<128xi32, #tpu.memory_space<hbm>>
          tpu.wait_dma2 semaphore(%run_scoped3A : memref<!tpu.dma_semaphore, #tpu.memory_space<semaphore_mem>>) src(%dma_wait3A_79 : memref<128xi32, #tpu.memory_space<hbm>>) dst(%arg15 : memref<128xi32, #tpu.memory_space<vmem>>)
          tpu.yield
        }) : () -> ()
        "tpu.region"() ({
          %run_scoped3A = tpu.sem_alloc : memref<!tpu.dma_semaphore, #tpu.memory_space<semaphore_mem>>
          %dma_start3A_76 = tpu.memref_slice %arg8[%mul3A_51] : memref<320000xi32, #tpu.memory_space<hbm>> -> memref<128xi32, #tpu.memory_space<hbm>>
          %dma_start3A_77 = tpu.memref_slice %arg8[%mul3A_51] : memref<320000xi32, #tpu.memory_space<hbm>> -> memref<128xi32, #tpu.memory_space<hbm>>
          tpu.enqueue_dma source(%dma_start3A_77 : memref<128xi32, #tpu.memory_space<hbm>>) target(%arg16 : memref<128xi32, #tpu.memory_space<vmem>>) target_semaphore(%run_scoped3A : memref<!tpu.dma_semaphore, #tpu.memory_space<semaphore_mem>>)
          %dma_wait3A_78 = tpu.memref_slice %arg8[%mul3A_51] : memref<320000xi32, #tpu.memory_space<hbm>> -> memref<128xi32, #tpu.memory_space<hbm>>
          %dma_wait3A_79 = tpu.memref_slice %arg8[%mul3A_51] : memref<320000xi32, #tpu.memory_space<hbm>> -> memref<128xi32, #tpu.memory_space<hbm>>
          tpu.wait_dma2 semaphore(%run_scoped3A : memref<!tpu.dma_semaphore, #tpu.memory_space<semaphore_mem>>) src(%dma_wait3A_79 : memref<128xi32, #tpu.memory_space<hbm>>) dst(%arg16 : memref<128xi32, #tpu.memory_space<vmem>>)
          tpu.yield
        }) : () -> ()
        %dma_start3A = arith.constant 0 : i32
        %dma_start3A_52 = arith.constant 0 : i32
        %dma_start3A_53 = tpu.memref_slice %arg4[%dma_start3A, %dma_start3A_52] : memref<10000x16xf32, #tpu.memory_space<hbm>> -> memref<10000x16xf32, #tpu.memory_space<hbm>>
        tpu.enqueue_indirect_dma source(%dma_start3A_53 : memref<10000x16xf32, #tpu.memory_space<hbm>>) target(%arg17 : memref<128x16xf32, #tpu.memory_space<vmem>>) offsets(%arg15 : memref<128xi32, #tpu.memory_space<vmem>>) semaphore(%arg23 : memref<!tpu.dma_semaphore, #tpu.memory_space<semaphore_mem>>)
        %dma_wait3A = arith.constant 0 : i32
        %dma_wait3A_54 = arith.constant 0 : i32
        %dma_wait3A_55 = tpu.memref_slice %arg4[%dma_wait3A, %dma_wait3A_54] : memref<10000x16xf32, #tpu.memory_space<hbm>> -> memref<10000x16xf32, #tpu.memory_space<hbm>>
        tpu.wait_indirect_dma semaphore(%arg23 : memref<!tpu.dma_semaphore, #tpu.memory_space<semaphore_mem>>) src(%dma_wait3A_55 : memref<10000x16xf32, #tpu.memory_space<hbm>>) dst(%arg17 : memref<128x16xf32, #tpu.memory_space<vmem>>)
        %dma_start3A_56 = arith.constant 0 : i32
        %dma_start3A_57 = arith.constant 0 : i32
        %dma_start3A_58 = tpu.memref_slice %arg5[%dma_start3A_56, %dma_start3A_57] : memref<10000x16xf32, #tpu.memory_space<hbm>> -> memref<10000x16xf32, #tpu.memory_space<hbm>>
        tpu.enqueue_indirect_dma source(%dma_start3A_58 : memref<10000x16xf32, #tpu.memory_space<hbm>>) target(%arg18 : memref<128x16xf32, #tpu.memory_space<vmem>>) offsets(%arg16 : memref<128xi32, #tpu.memory_space<vmem>>) semaphore(%arg23 : memref<!tpu.dma_semaphore, #tpu.memory_space<semaphore_mem>>)
        %dma_wait3A_59 = arith.constant 0 : i32
        %dma_wait3A_60 = arith.constant 0 : i32
        %dma_wait3A_61 = tpu.memref_slice %arg5[%dma_wait3A_59, %dma_wait3A_60] : memref<10000x16xf32, #tpu.memory_space<hbm>> -> memref<10000x16xf32, #tpu.memory_space<hbm>>
        tpu.wait_indirect_dma semaphore(%arg23 : memref<!tpu.dma_semaphore, #tpu.memory_space<semaphore_mem>>) src(%dma_wait3A_61 : memref<10000x16xf32, #tpu.memory_space<hbm>>) dst(%arg18 : memref<128x16xf32, #tpu.memory_space<vmem>>)
        %dma_start3A_62 = arith.constant 0 : i32
        %dma_start3A_63 = arith.constant 0 : i32
        %dma_start3A_64 = tpu.memref_slice %arg2[%dma_start3A_62, %dma_start3A_63] : memref<10000x32xf32, #tpu.memory_space<hbm>> -> memref<10000x32xf32, #tpu.memory_space<hbm>>
        tpu.enqueue_indirect_dma source(%dma_start3A_64 : memref<10000x32xf32, #tpu.memory_space<hbm>>) target(%arg20 : memref<128x32xf32, #tpu.memory_space<vmem>>) offsets(%arg15 : memref<128xi32, #tpu.memory_space<vmem>>) semaphore(%arg23 : memref<!tpu.dma_semaphore, #tpu.memory_space<semaphore_mem>>)
        %dma_wait3A_65 = arith.constant 0 : i32
        %dma_wait3A_66 = arith.constant 0 : i32
        %dma_wait3A_67 = tpu.memref_slice %arg2[%dma_wait3A_65, %dma_wait3A_66] : memref<10000x32xf32, #tpu.memory_space<hbm>> -> memref<10000x32xf32, #tpu.memory_space<hbm>>
        tpu.wait_indirect_dma semaphore(%arg23 : memref<!tpu.dma_semaphore, #tpu.memory_space<semaphore_mem>>) src(%dma_wait3A_67 : memref<10000x32xf32, #tpu.memory_space<hbm>>) dst(%arg20 : memref<128x32xf32, #tpu.memory_space<vmem>>)
        %scan3A_68 = arith.constant 0 : i32
        %scan3A_69 = arith.constant 0 : i32
        %scan3A_70 = arith.constant 128 : i32
        %scan3A_71 = arith.addi %scan3A_69, %scan3A_70 : i32
        %scan3A_72 = arith.constant 1 : i32
        %scan3A_73 = scf.for %scan3A_76 = %scan3A_69 to %scan3A_71 step %scan3A_72 iter_args(%scan3A_77 = %scan3A_68) -> (i32)  : i32 {
          %get3A_78 = arith.index_cast %scan3A_76 : i32 to index
          %get3A_79 = arith.constant 0 : index
          %get3A_80 = tpu.vector_load %arg17[%get3A_78, %get3A_79] {strides = array<i32>} : memref<128x16xf32, #tpu.memory_space<vmem>>, vector<1x16xf32>,
          %get3A_81 = vector.shape_cast %get3A_80 : vector<1x16xf32> to vector<16xf32>
          %get3A_82 = arith.index_cast %scan3A_76 : i32 to index
          %get3A_83 = arith.constant 0 : index
          %get3A_84 = tpu.vector_load %arg18[%get3A_82, %get3A_83] {strides = array<i32>} : memref<128x16xf32, #tpu.memory_space<vmem>>, vector<1x16xf32>,
          %get3A_85 = vector.shape_cast %get3A_84 : vector<1x16xf32> to vector<16xf32>
          %add3A_86 = arith.addf %get3A_81, %get3A_85 : vector<16xf32>
          %ge3A = arith.constant 0.000000e+00 : f32
          %ge3A_87 = vector.broadcast %ge3A : f32 to vector<16xf32>
          %ge3A_88 = arith.cmpf oge, %add3A_86, %ge3A_87 : vector<16xf32>
          %mul3A_89 = arith.constant 2.000000e-01 : f32
          %mul3A_90 = vector.broadcast %mul3A_89 : f32 to vector<16xf32>
          %mul3A_91 = arith.mulf %mul3A_90, %add3A_86 : vector<16xf32>
          %select_n3A = arith.select %ge3A_88, %add3A_86, %mul3A_91 : vector<16xi1>, vector<16xf32>
          %sub3A = arith.subf %select_n3A, %get3A_14 : vector<16xf32>
          %exp3A = math.exp %sub3A : vector<16xf32>
          %swap3A = arith.index_cast %scan3A_76 : i32 to index
          %swap3A_92 = arith.constant 0 : index
          %swap3A_93 = tpu.vector_load %arg19[%swap3A, %swap3A_92] {strides = array<i32>} : memref<128x16xf32, #tpu.memory_space<vmem>>, vector<1x16xf32>,
          %swap3A_94 = vector.shape_cast %swap3A_93 : vector<1x16xf32> to vector<16xf32>
          %swap3A_95 = vector.shape_cast %exp3A : vector<16xf32> to vector<1x16xf32>
          tpu.vector_store %arg19[%swap3A, %swap3A_92], %swap3A_95 {strides = array<i32>} : memref<128x16xf32, #tpu.memory_space<vmem>>, vector<1x16xf32>,
          %slice3A = vector.extract_strided_slice %exp3A {offsets = [0], sizes = [1], strides = [1]} : vector<16xf32> to vector<1xf32>
          %squeeze3A = vector.extract %slice3A[0] : f32 from vector<1xf32>
          %get3A_96 = arith.index_cast %scan3A_76 : i32 to index
          %get3A_97 = arith.constant 0 : index
          %get3A_98 = tpu.vector_load %arg20[%get3A_96, %get3A_97] {strides = array<i32>} : memref<128x32xf32, #tpu.memory_space<vmem>>, vector<1x16xf32>,
          %get3A_99 = vector.shape_cast %get3A_98 : vector<1x16xf32> to vector<16xf32>
          %mul3A_100 = vector.broadcast %squeeze3A : f32 to vector<16xf32>
          %mul3A_101 = arith.mulf %get3A_99, %mul3A_100 : vector<16xf32>
          %swap3A_102 = arith.index_cast %scan3A_76 : i32 to index
          %swap3A_103 = arith.constant 0 : index
          %swap3A_104 = tpu.vector_load %arg20[%swap3A_102, %swap3A_103] {strides = array<i32>} : memref<128x32xf32, #tpu.memory_space<vmem>>, vector<1x16xf32>,
          %swap3A_105 = vector.shape_cast %swap3A_104 : vector<1x16xf32> to vector<16xf32>
          %swap3A_106 = vector.shape_cast %mul3A_101 : vector<16xf32> to vector<1x16xf32>
          tpu.vector_store %arg20[%swap3A_102, %swap3A_103], %swap3A_106 {strides = array<i32>} : memref<128x32xf32, #tpu.memory_space<vmem>>, vector<1x16xf32>,
          %get3A_107 = arith.index_cast %scan3A_76 : i32 to index
          %get3A_108 = arith.constant 16 : index
          %get3A_109 = tpu.vector_load %arg20[%get3A_107, %get3A_108] {strides = array<i32>} : memref<128x32xf32, #tpu.memory_space<vmem>>, vector<1x16xf32>,
          %get3A_110 = vector.shape_cast %get3A_109 : vector<1x16xf32> to vector<16xf32>
          %mul3A_111 = vector.broadcast %squeeze3A : f32 to vector<16xf32>
          %mul3A_112 = arith.mulf %get3A_110, %mul3A_111 : vector<16xf32>
          %swap3A_113 = arith.index_cast %scan3A_76 : i32 to index
          %swap3A_114 = arith.constant 16 : index
          %swap3A_115 = tpu.vector_load %arg20[%swap3A_113, %swap3A_114] {strides = array<i32>} : memref<128x32xf32, #tpu.memory_space<vmem>>, vector<1x16xf32>,
          %swap3A_116 = vector.shape_cast %swap3A_115 : vector<1x16xf32> to vector<16xf32>
          %swap3A_117 = vector.shape_cast %mul3A_112 : vector<16xf32> to vector<1x16xf32>
          tpu.vector_store %arg20[%swap3A_113, %swap3A_114], %swap3A_117 {strides = array<i32>} : memref<128x32xf32, #tpu.memory_space<vmem>>, vector<1x16xf32>,
          %scan3A_118 = arith.constant 0 : i32
          scf.yield %scan3A_118 : i32
        }
        %scan3A_74 = arith.constant 128 : i32
        "tpu.region"() ({
          %run_scoped3A = tpu.sem_alloc : memref<!tpu.dma_semaphore, #tpu.memory_space<semaphore_mem>>
          %dma_start3A_76 = arith.constant 0 : i32
          %dma_start3A_77 = arith.constant 0 : i32
          %dma_start3A_78 = tpu.memref_slice %arg21[%dma_start3A_76, %dma_start3A_77] : memref<10000x32xf32, #tpu.memory_space<vmem_shared>> -> memref<10000x32xf32, #tpu.memory_space<vmem_shared>>
          tpu.enqueue_indirect_dma source(%arg20 : memref<128x32xf32, #tpu.memory_space<vmem>>) target(%dma_start3A_78 : memref<10000x32xf32, #tpu.memory_space<vmem_shared>>) offsets(%arg16 : memref<128xi32, #tpu.memory_space<vmem>>) semaphore(%run_scoped3A : memref<!tpu.dma_semaphore, #tpu.memory_space<semaphore_mem>>) {add = true}
          %dma_wait3A_79 = arith.constant 0 : i32
          %dma_wait3A_80 = arith.constant 0 : i32
          %dma_wait3A_81 = tpu.memref_slice %arg21[%dma_wait3A_79, %dma_wait3A_80] : memref<10000x32xf32, #tpu.memory_space<vmem_shared>> -> memref<10000x32xf32, #tpu.memory_space<vmem_shared>>
          tpu.wait_indirect_dma semaphore(%run_scoped3A : memref<!tpu.dma_semaphore, #tpu.memory_space<semaphore_mem>>) src(%arg20 : memref<128x32xf32, #tpu.memory_space<vmem>>) dst(%dma_wait3A_81 : memref<10000x32xf32, #tpu.memory_space<vmem_shared>>)
          tpu.yield
        }) : () -> ()
        "tpu.region"() ({
          %run_scoped3A = tpu.sem_alloc : memref<!tpu.dma_semaphore, #tpu.memory_space<semaphore_mem>>
          %dma_start3A_76 = arith.constant 0 : i32
          %dma_start3A_77 = arith.constant 0 : i32
          %dma_start3A_78 = tpu.memref_slice %arg22[%dma_start3A_76, %dma_start3A_77] : memref<10000x16xf32, #tpu.memory_space<vmem_shared>> -> memref<10000x16xf32, #tpu.memory_space<vmem_shared>>
          tpu.enqueue_indirect_dma source(%arg19 : memref<128x16xf32, #tpu.memory_space<vmem>>) target(%dma_start3A_78 : memref<10000x16xf32, #tpu.memory_space<vmem_shared>>) offsets(%arg16 : memref<128xi32, #tpu.memory_space<vmem>>) semaphore(%run_scoped3A : memref<!tpu.dma_semaphore, #tpu.memory_space<semaphore_mem>>) {add = true}
          %dma_wait3A_79 = arith.constant 0 : i32
          %dma_wait3A_80 = arith.constant 0 : i32
          %dma_wait3A_81 = tpu.memref_slice %arg22[%dma_wait3A_79, %dma_wait3A_80] : memref<10000x16xf32, #tpu.memory_space<vmem_shared>> -> memref<10000x16xf32, #tpu.memory_space<vmem_shared>>
          tpu.wait_indirect_dma semaphore(%run_scoped3A : memref<!tpu.dma_semaphore, #tpu.memory_space<semaphore_mem>>) src(%arg19 : memref<128x16xf32, #tpu.memory_space<vmem>>) dst(%dma_wait3A_81 : memref<10000x16xf32, #tpu.memory_space<vmem_shared>>)
          tpu.yield
        }) : () -> ()
        %scan3A_75 = arith.constant 0 : i32
        scf.yield %scan3A_75 : i32
      }
      %scan3A_41 = arith.constant 156 : i32
      %lt3A_42 = arith.constant 4 : i32
      %lt3A_43 = arith.cmpi slt, %arg1, %lt3A_42 : i32
      %convert_element_type3A_44 = arith.extui %lt3A_43 : i1 to i32
      %cond3A_45 = arith.constant 0 : i32
      %cond3A_46 = arith.cmpi ne, %convert_element_type3A_44, %cond3A_45 : i32
      scf.if %cond3A_46 {
        %add3A = arith.constant 2496 : i32
        %add3A_47 = arith.addi %add3A, %arg1 : i32
        %mul3A = arith.constant 128 : i32
        %mul3A_48 = arith.muli %add3A_47, %mul3A : i32
        "tpu.region"() ({
          %run_scoped3A = tpu.sem_alloc : memref<!tpu.dma_semaphore, #tpu.memory_space<semaphore_mem>>
          %dma_start3A_72 = tpu.memref_slice %arg7[%mul3A_48] : memref<320000xi32, #tpu.memory_space<hbm>> -> memref<128xi32, #tpu.memory_space<hbm>>
          %dma_start3A_73 = tpu.memref_slice %arg7[%mul3A_48] : memref<320000xi32, #tpu.memory_space<hbm>> -> memref<128xi32, #tpu.memory_space<hbm>>
          tpu.enqueue_dma source(%dma_start3A_73 : memref<128xi32, #tpu.memory_space<hbm>>) target(%arg15 : memref<128xi32, #tpu.memory_space<vmem>>) target_semaphore(%run_scoped3A : memref<!tpu.dma_semaphore, #tpu.memory_space<semaphore_mem>>)
          %dma_wait3A_74 = tpu.memref_slice %arg7[%mul3A_48] : memref<320000xi32, #tpu.memory_space<hbm>> -> memref<128xi32, #tpu.memory_space<hbm>>
          %dma_wait3A_75 = tpu.memref_slice %arg7[%mul3A_48] : memref<320000xi32, #tpu.memory_space<hbm>> -> memref<128xi32, #tpu.memory_space<hbm>>
          tpu.wait_dma2 semaphore(%run_scoped3A : memref<!tpu.dma_semaphore, #tpu.memory_space<semaphore_mem>>) src(%dma_wait3A_75 : memref<128xi32, #tpu.memory_space<hbm>>) dst(%arg15 : memref<128xi32, #tpu.memory_space<vmem>>)
          tpu.yield
        }) : () -> ()
        "tpu.region"() ({
          %run_scoped3A = tpu.sem_alloc : memref<!tpu.dma_semaphore, #tpu.memory_space<semaphore_mem>>
          %dma_start3A_72 = tpu.memref_slice %arg8[%mul3A_48] : memref<320000xi32, #tpu.memory_space<hbm>> -> memref<128xi32, #tpu.memory_space<hbm>>
          %dma_start3A_73 = tpu.memref_slice %arg8[%mul3A_48] : memref<320000xi32, #tpu.memory_space<hbm>> -> memref<128xi32, #tpu.memory_space<hbm>>
          tpu.enqueue_dma source(%dma_start3A_73 : memref<128xi32, #tpu.memory_space<hbm>>) target(%arg16 : memref<128xi32, #tpu.memory_space<vmem>>) target_semaphore(%run_scoped3A : memref<!tpu.dma_semaphore, #tpu.memory_space<semaphore_mem>>)
          %dma_wait3A_74 = tpu.memref_slice %arg8[%mul3A_48] : memref<320000xi32, #tpu.memory_space<hbm>> -> memref<128xi32, #tpu.memory_space<hbm>>
          %dma_wait3A_75 = tpu.memref_slice %arg8[%mul3A_48] : memref<320000xi32, #tpu.memory_space<hbm>> -> memref<128xi32, #tpu.memory_space<hbm>>
          tpu.wait_dma2 semaphore(%run_scoped3A : memref<!tpu.dma_semaphore, #tpu.memory_space<semaphore_mem>>) src(%dma_wait3A_75 : memref<128xi32, #tpu.memory_space<hbm>>) dst(%arg16 : memref<128xi32, #tpu.memory_space<vmem>>)
          tpu.yield
        }) : () -> ()
        %dma_start3A = arith.constant 0 : i32
        %dma_start3A_49 = arith.constant 0 : i32
        %dma_start3A_50 = tpu.memref_slice %arg4[%dma_start3A, %dma_start3A_49] : memref<10000x16xf32, #tpu.memory_space<hbm>> -> memref<10000x16xf32, #tpu.memory_space<hbm>>
        tpu.enqueue_indirect_dma source(%dma_start3A_50 : memref<10000x16xf32, #tpu.memory_space<hbm>>) target(%arg17 : memref<128x16xf32, #tpu.memory_space<vmem>>) offsets(%arg15 : memref<128xi32, #tpu.memory_space<vmem>>) semaphore(%arg23 : memref<!tpu.dma_semaphore, #tpu.memory_space<semaphore_mem>>)
        %dma_wait3A = arith.constant 0 : i32
        %dma_wait3A_51 = arith.constant 0 : i32
        %dma_wait3A_52 = tpu.memref_slice %arg4[%dma_wait3A, %dma_wait3A_51] : memref<10000x16xf32, #tpu.memory_space<hbm>> -> memref<10000x16xf32, #tpu.memory_space<hbm>>
        tpu.wait_indirect_dma semaphore(%arg23 : memref<!tpu.dma_semaphore, #tpu.memory_space<semaphore_mem>>) src(%dma_wait3A_52 : memref<10000x16xf32, #tpu.memory_space<hbm>>) dst(%arg17 : memref<128x16xf32, #tpu.memory_space<vmem>>)
        %dma_start3A_53 = arith.constant 0 : i32
        %dma_start3A_54 = arith.constant 0 : i32
        %dma_start3A_55 = tpu.memref_slice %arg5[%dma_start3A_53, %dma_start3A_54] : memref<10000x16xf32, #tpu.memory_space<hbm>> -> memref<10000x16xf32, #tpu.memory_space<hbm>>
        tpu.enqueue_indirect_dma source(%dma_start3A_55 : memref<10000x16xf32, #tpu.memory_space<hbm>>) target(%arg18 : memref<128x16xf32, #tpu.memory_space<vmem>>) offsets(%arg16 : memref<128xi32, #tpu.memory_space<vmem>>) semaphore(%arg23 : memref<!tpu.dma_semaphore, #tpu.memory_space<semaphore_mem>>)
        %dma_wait3A_56 = arith.constant 0 : i32
        %dma_wait3A_57 = arith.constant 0 : i32
        %dma_wait3A_58 = tpu.memref_slice %arg5[%dma_wait3A_56, %dma_wait3A_57] : memref<10000x16xf32, #tpu.memory_space<hbm>> -> memref<10000x16xf32, #tpu.memory_space<hbm>>
        tpu.wait_indirect_dma semaphore(%arg23 : memref<!tpu.dma_semaphore, #tpu.memory_space<semaphore_mem>>) src(%dma_wait3A_58 : memref<10000x16xf32, #tpu.memory_space<hbm>>) dst(%arg18 : memref<128x16xf32, #tpu.memory_space<vmem>>)
        %dma_start3A_59 = arith.constant 0 : i32
        %dma_start3A_60 = arith.constant 0 : i32
        %dma_start3A_61 = tpu.memref_slice %arg2[%dma_start3A_59, %dma_start3A_60] : memref<10000x32xf32, #tpu.memory_space<hbm>> -> memref<10000x32xf32, #tpu.memory_space<hbm>>
        tpu.enqueue_indirect_dma source(%dma_start3A_61 : memref<10000x32xf32, #tpu.memory_space<hbm>>) target(%arg20 : memref<128x32xf32, #tpu.memory_space<vmem>>) offsets(%arg15 : memref<128xi32, #tpu.memory_space<vmem>>) semaphore(%arg23 : memref<!tpu.dma_semaphore, #tpu.memory_space<semaphore_mem>>)
        %dma_wait3A_62 = arith.constant 0 : i32
        %dma_wait3A_63 = arith.constant 0 : i32
        %dma_wait3A_64 = tpu.memref_slice %arg2[%dma_wait3A_62, %dma_wait3A_63] : memref<10000x32xf32, #tpu.memory_space<hbm>> -> memref<10000x32xf32, #tpu.memory_space<hbm>>
        tpu.wait_indirect_dma semaphore(%arg23 : memref<!tpu.dma_semaphore, #tpu.memory_space<semaphore_mem>>) src(%dma_wait3A_64 : memref<10000x32xf32, #tpu.memory_space<hbm>>) dst(%arg20 : memref<128x32xf32, #tpu.memory_space<vmem>>)
        %scan3A_65 = arith.constant 0 : i32
        %scan3A_66 = arith.constant 0 : i32
        %scan3A_67 = arith.constant 128 : i32
        %scan3A_68 = arith.addi %scan3A_66, %scan3A_67 : i32
        %scan3A_69 = arith.constant 1 : i32
        %scan3A_70 = scf.for %scan3A_72 = %scan3A_66 to %scan3A_68 step %scan3A_69 iter_args(%scan3A_73 = %scan3A_65) -> (i32)  : i32 {
          %get3A_74 = arith.index_cast %scan3A_72 : i32 to index
          %get3A_75 = arith.constant 0 : index
          %get3A_76 = tpu.vector_load %arg17[%get3A_74, %get3A_75] {strides = array<i32>} : memref<128x16xf32, #tpu.memory_space<vmem>>, vector<1x16xf32>,
          %get3A_77 = vector.shape_cast %get3A_76 : vector<1x16xf32> to vector<16xf32>
          %get3A_78 = arith.index_cast %scan3A_72 : i32 to index
          %get3A_79 = arith.constant 0 : index
          %get3A_80 = tpu.vector_load %arg18[%get3A_78, %get3A_79] {strides = array<i32>} : memref<128x16xf32, #tpu.memory_space<vmem>>, vector<1x16xf32>,
          %get3A_81 = vector.shape_cast %get3A_80 : vector<1x16xf32> to vector<16xf32>
          %add3A_82 = arith.addf %get3A_77, %get3A_81 : vector<16xf32>
          %ge3A = arith.constant 0.000000e+00 : f32
          %ge3A_83 = vector.broadcast %ge3A : f32 to vector<16xf32>
          %ge3A_84 = arith.cmpf oge, %add3A_82, %ge3A_83 : vector<16xf32>
          %mul3A_85 = arith.constant 2.000000e-01 : f32
          %mul3A_86 = vector.broadcast %mul3A_85 : f32 to vector<16xf32>
          %mul3A_87 = arith.mulf %mul3A_86, %add3A_82 : vector<16xf32>
          %select_n3A = arith.select %ge3A_84, %add3A_82, %mul3A_87 : vector<16xi1>, vector<16xf32>
          %sub3A = arith.subf %select_n3A, %get3A_14 : vector<16xf32>
          %exp3A = math.exp %sub3A : vector<16xf32>
          %swap3A = arith.index_cast %scan3A_72 : i32 to index
          %swap3A_88 = arith.constant 0 : index
          %swap3A_89 = tpu.vector_load %arg19[%swap3A, %swap3A_88] {strides = array<i32>} : memref<128x16xf32, #tpu.memory_space<vmem>>, vector<1x16xf32>,
          %swap3A_90 = vector.shape_cast %swap3A_89 : vector<1x16xf32> to vector<16xf32>
          %swap3A_91 = vector.shape_cast %exp3A : vector<16xf32> to vector<1x16xf32>
          tpu.vector_store %arg19[%swap3A, %swap3A_88], %swap3A_91 {strides = array<i32>} : memref<128x16xf32, #tpu.memory_space<vmem>>, vector<1x16xf32>,
          %slice3A = vector.extract_strided_slice %exp3A {offsets = [0], sizes = [1], strides = [1]} : vector<16xf32> to vector<1xf32>
          %squeeze3A = vector.extract %slice3A[0] : f32 from vector<1xf32>
          %get3A_92 = arith.index_cast %scan3A_72 : i32 to index
          %get3A_93 = arith.constant 0 : index
          %get3A_94 = tpu.vector_load %arg20[%get3A_92, %get3A_93] {strides = array<i32>} : memref<128x32xf32, #tpu.memory_space<vmem>>, vector<1x16xf32>,
          %get3A_95 = vector.shape_cast %get3A_94 : vector<1x16xf32> to vector<16xf32>
          %mul3A_96 = vector.broadcast %squeeze3A : f32 to vector<16xf32>
          %mul3A_97 = arith.mulf %get3A_95, %mul3A_96 : vector<16xf32>
          %swap3A_98 = arith.index_cast %scan3A_72 : i32 to index
          %swap3A_99 = arith.constant 0 : index
          %swap3A_100 = tpu.vector_load %arg20[%swap3A_98, %swap3A_99] {strides = array<i32>} : memref<128x32xf32, #tpu.memory_space<vmem>>, vector<1x16xf32>,
          %swap3A_101 = vector.shape_cast %swap3A_100 : vector<1x16xf32> to vector<16xf32>
          %swap3A_102 = vector.shape_cast %mul3A_97 : vector<16xf32> to vector<1x16xf32>
          tpu.vector_store %arg20[%swap3A_98, %swap3A_99], %swap3A_102 {strides = array<i32>} : memref<128x32xf32, #tpu.memory_space<vmem>>, vector<1x16xf32>,
          %get3A_103 = arith.index_cast %scan3A_72 : i32 to index
          %get3A_104 = arith.constant 16 : index
          %get3A_105 = tpu.vector_load %arg20[%get3A_103, %get3A_104] {strides = array<i32>} : memref<128x32xf32, #tpu.memory_space<vmem>>, vector<1x16xf32>,
          %get3A_106 = vector.shape_cast %get3A_105 : vector<1x16xf32> to vector<16xf32>
          %mul3A_107 = vector.broadcast %squeeze3A : f32 to vector<16xf32>
          %mul3A_108 = arith.mulf %get3A_106, %mul3A_107 : vector<16xf32>
          %swap3A_109 = arith.index_cast %scan3A_72 : i32 to index
          %swap3A_110 = arith.constant 16 : index
          %swap3A_111 = tpu.vector_load %arg20[%swap3A_109, %swap3A_110] {strides = array<i32>} : memref<128x32xf32, #tpu.memory_space<vmem>>, vector<1x16xf32>,
          %swap3A_112 = vector.shape_cast %swap3A_111 : vector<1x16xf32> to vector<16xf32>
          %swap3A_113 = vector.shape_cast %mul3A_108 : vector<16xf32> to vector<1x16xf32>
          tpu.vector_store %arg20[%swap3A_109, %swap3A_110], %swap3A_113 {strides = array<i32>} : memref<128x32xf32, #tpu.memory_space<vmem>>, vector<1x16xf32>,
          %scan3A_114 = arith.constant 0 : i32
          scf.yield %scan3A_114 : i32
        }
        %scan3A_71 = arith.constant 128 : i32
        "tpu.region"() ({
          %run_scoped3A = tpu.sem_alloc : memref<!tpu.dma_semaphore, #tpu.memory_space<semaphore_mem>>
          %dma_start3A_72 = arith.constant 0 : i32
          %dma_start3A_73 = arith.constant 0 : i32
          %dma_start3A_74 = tpu.memref_slice %arg21[%dma_start3A_72, %dma_start3A_73] : memref<10000x32xf32, #tpu.memory_space<vmem_shared>> -> memref<10000x32xf32, #tpu.memory_space<vmem_shared>>
          tpu.enqueue_indirect_dma source(%arg20 : memref<128x32xf32, #tpu.memory_space<vmem>>) target(%dma_start3A_74 : memref<10000x32xf32, #tpu.memory_space<vmem_shared>>) offsets(%arg16 : memref<128xi32, #tpu.memory_space<vmem>>) semaphore(%run_scoped3A : memref<!tpu.dma_semaphore, #tpu.memory_space<semaphore_mem>>) {add = true}
          %dma_wait3A_75 = arith.constant 0 : i32
          %dma_wait3A_76 = arith.constant 0 : i32
          %dma_wait3A_77 = tpu.memref_slice %arg21[%dma_wait3A_75, %dma_wait3A_76] : memref<10000x32xf32, #tpu.memory_space<vmem_shared>> -> memref<10000x32xf32, #tpu.memory_space<vmem_shared>>
          tpu.wait_indirect_dma semaphore(%run_scoped3A : memref<!tpu.dma_semaphore, #tpu.memory_space<semaphore_mem>>) src(%arg20 : memref<128x32xf32, #tpu.memory_space<vmem>>) dst(%dma_wait3A_77 : memref<10000x32xf32, #tpu.memory_space<vmem_shared>>)
          tpu.yield
        }) : () -> ()
        "tpu.region"() ({
          %run_scoped3A = tpu.sem_alloc : memref<!tpu.dma_semaphore, #tpu.memory_space<semaphore_mem>>
          %dma_start3A_72 = arith.constant 0 : i32
          %dma_start3A_73 = arith.constant 0 : i32
          %dma_start3A_74 = tpu.memref_slice %arg22[%dma_start3A_72, %dma_start3A_73] : memref<10000x16xf32, #tpu.memory_space<vmem_shared>> -> memref<10000x16xf32, #tpu.memory_space<vmem_shared>>
          tpu.enqueue_indirect_dma source(%arg19 : memref<128x16xf32, #tpu.memory_space<vmem>>) target(%dma_start3A_74 : memref<10000x16xf32, #tpu.memory_space<vmem_shared>>) offsets(%arg16 : memref<128xi32, #tpu.memory_space<vmem>>) semaphore(%run_scoped3A : memref<!tpu.dma_semaphore, #tpu.memory_space<semaphore_mem>>) {add = true}
          %dma_wait3A_75 = arith.constant 0 : i32
          %dma_wait3A_76 = arith.constant 0 : i32
          %dma_wait3A_77 = tpu.memref_slice %arg22[%dma_wait3A_75, %dma_wait3A_76] : memref<10000x16xf32, #tpu.memory_space<vmem_shared>> -> memref<10000x16xf32, #tpu.memory_space<vmem_shared>>
          tpu.wait_indirect_dma semaphore(%run_scoped3A : memref<!tpu.dma_semaphore, #tpu.memory_space<semaphore_mem>>) src(%arg19 : memref<128x16xf32, #tpu.memory_space<vmem>>) dst(%dma_wait3A_77 : memref<10000x16xf32, #tpu.memory_space<vmem_shared>>)
          tpu.yield
        }) : () -> ()
      } else {
      }
    } else {
    }
    %eq3A_20 = arith.constant 1 : i32
    %eq3A_21 = arith.cmpi eq, %arg0, %eq3A_20 : i32
    %convert_element_type3A_22 = arith.extui %eq3A_21 : i1 to i32
    %cond3A_23 = arith.constant 0 : i32
    %cond3A_24 = arith.cmpi ne, %convert_element_type3A_22, %cond3A_23 : i32
    scf.if %cond3A_24 {
      %scan3A = arith.constant 0 : i32
      %scan3A_36 = arith.constant 0 : i32
      %scan3A_37 = arith.constant 156 : i32
      %scan3A_38 = arith.addi %scan3A_36, %scan3A_37 : i32
      %scan3A_39 = arith.constant 1 : i32
      %scan3A_40 = scf.for %scan3A_47 = %scan3A_36 to %scan3A_38 step %scan3A_39 iter_args(%scan3A_48 = %scan3A) -> (i32)  : i32 {
        %mul3A = arith.constant 16 : i32
        %mul3A_49 = arith.muli %scan3A_47, %mul3A : i32
        %add3A = arith.addi %mul3A_49, %arg1 : i32
        %mul3A_50 = arith.constant 128 : i32
        %mul3A_51 = arith.muli %add3A, %mul3A_50 : i32
        "tpu.region"() ({
          %run_scoped3A = tpu.sem_alloc : memref<!tpu.dma_semaphore, #tpu.memory_space<semaphore_mem>>
          %dma_start3A_76 = tpu.memref_slice %arg7[%mul3A_51] : memref<320000xi32, #tpu.memory_space<hbm>> -> memref<128xi32, #tpu.memory_space<hbm>>
          %dma_start3A_77 = tpu.memref_slice %arg7[%mul3A_51] : memref<320000xi32, #tpu.memory_space<hbm>> -> memref<128xi32, #tpu.memory_space<hbm>>
          tpu.enqueue_dma source(%dma_start3A_77 : memref<128xi32, #tpu.memory_space<hbm>>) target(%arg15 : memref<128xi32, #tpu.memory_space<vmem>>) target_semaphore(%run_scoped3A : memref<!tpu.dma_semaphore, #tpu.memory_space<semaphore_mem>>)
          %dma_wait3A_78 = tpu.memref_slice %arg7[%mul3A_51] : memref<320000xi32, #tpu.memory_space<hbm>> -> memref<128xi32, #tpu.memory_space<hbm>>
          %dma_wait3A_79 = tpu.memref_slice %arg7[%mul3A_51] : memref<320000xi32, #tpu.memory_space<hbm>> -> memref<128xi32, #tpu.memory_space<hbm>>
          tpu.wait_dma2 semaphore(%run_scoped3A : memref<!tpu.dma_semaphore, #tpu.memory_space<semaphore_mem>>) src(%dma_wait3A_79 : memref<128xi32, #tpu.memory_space<hbm>>) dst(%arg15 : memref<128xi32, #tpu.memory_space<vmem>>)
          tpu.yield
        }) : () -> ()
        "tpu.region"() ({
          %run_scoped3A = tpu.sem_alloc : memref<!tpu.dma_semaphore, #tpu.memory_space<semaphore_mem>>
          %dma_start3A_76 = tpu.memref_slice %arg8[%mul3A_51] : memref<320000xi32, #tpu.memory_space<hbm>> -> memref<128xi32, #tpu.memory_space<hbm>>
          %dma_start3A_77 = tpu.memref_slice %arg8[%mul3A_51] : memref<320000xi32, #tpu.memory_space<hbm>> -> memref<128xi32, #tpu.memory_space<hbm>>
          tpu.enqueue_dma source(%dma_start3A_77 : memref<128xi32, #tpu.memory_space<hbm>>) target(%arg16 : memref<128xi32, #tpu.memory_space<vmem>>) target_semaphore(%run_scoped3A : memref<!tpu.dma_semaphore, #tpu.memory_space<semaphore_mem>>)
          %dma_wait3A_78 = tpu.memref_slice %arg8[%mul3A_51] : memref<320000xi32, #tpu.memory_space<hbm>> -> memref<128xi32, #tpu.memory_space<hbm>>
          %dma_wait3A_79 = tpu.memref_slice %arg8[%mul3A_51] : memref<320000xi32, #tpu.memory_space<hbm>> -> memref<128xi32, #tpu.memory_space<hbm>>
          tpu.wait_dma2 semaphore(%run_scoped3A : memref<!tpu.dma_semaphore, #tpu.memory_space<semaphore_mem>>) src(%dma_wait3A_79 : memref<128xi32, #tpu.memory_space<hbm>>) dst(%arg16 : memref<128xi32, #tpu.memory_space<vmem>>)
          tpu.yield
        }) : () -> ()
        %dma_start3A = arith.constant 0 : i32
        %dma_start3A_52 = arith.constant 0 : i32
        %dma_start3A_53 = tpu.memref_slice %arg4[%dma_start3A, %dma_start3A_52] : memref<10000x16xf32, #tpu.memory_space<hbm>> -> memref<10000x16xf32, #tpu.memory_space<hbm>>
        tpu.enqueue_indirect_dma source(%dma_start3A_53 : memref<10000x16xf32, #tpu.memory_space<hbm>>) target(%arg17 : memref<128x16xf32, #tpu.memory_space<vmem>>) offsets(%arg15 : memref<128xi32, #tpu.memory_space<vmem>>) semaphore(%arg23 : memref<!tpu.dma_semaphore, #tpu.memory_space<semaphore_mem>>)
        %dma_wait3A = arith.constant 0 : i32
        %dma_wait3A_54 = arith.constant 0 : i32
        %dma_wait3A_55 = tpu.memref_slice %arg4[%dma_wait3A, %dma_wait3A_54] : memref<10000x16xf32, #tpu.memory_space<hbm>> -> memref<10000x16xf32, #tpu.memory_space<hbm>>
        tpu.wait_indirect_dma semaphore(%arg23 : memref<!tpu.dma_semaphore, #tpu.memory_space<semaphore_mem>>) src(%dma_wait3A_55 : memref<10000x16xf32, #tpu.memory_space<hbm>>) dst(%arg17 : memref<128x16xf32, #tpu.memory_space<vmem>>)
        %dma_start3A_56 = arith.constant 0 : i32
        %dma_start3A_57 = arith.constant 0 : i32
        %dma_start3A_58 = tpu.memref_slice %arg5[%dma_start3A_56, %dma_start3A_57] : memref<10000x16xf32, #tpu.memory_space<hbm>> -> memref<10000x16xf32, #tpu.memory_space<hbm>>
        tpu.enqueue_indirect_dma source(%dma_start3A_58 : memref<10000x16xf32, #tpu.memory_space<hbm>>) target(%arg18 : memref<128x16xf32, #tpu.memory_space<vmem>>) offsets(%arg16 : memref<128xi32, #tpu.memory_space<vmem>>) semaphore(%arg23 : memref<!tpu.dma_semaphore, #tpu.memory_space<semaphore_mem>>)
        %dma_wait3A_59 = arith.constant 0 : i32
        %dma_wait3A_60 = arith.constant 0 : i32
        %dma_wait3A_61 = tpu.memref_slice %arg5[%dma_wait3A_59, %dma_wait3A_60] : memref<10000x16xf32, #tpu.memory_space<hbm>> -> memref<10000x16xf32, #tpu.memory_space<hbm>>
        tpu.wait_indirect_dma semaphore(%arg23 : memref<!tpu.dma_semaphore, #tpu.memory_space<semaphore_mem>>) src(%dma_wait3A_61 : memref<10000x16xf32, #tpu.memory_space<hbm>>) dst(%arg18 : memref<128x16xf32, #tpu.memory_space<vmem>>)
        %dma_start3A_62 = arith.constant 0 : i32
        %dma_start3A_63 = arith.constant 0 : i32
        %dma_start3A_64 = tpu.memref_slice %arg3[%dma_start3A_62, %dma_start3A_63] : memref<10000x32xf32, #tpu.memory_space<hbm>> -> memref<10000x32xf32, #tpu.memory_space<hbm>>
        tpu.enqueue_indirect_dma source(%dma_start3A_64 : memref<10000x32xf32, #tpu.memory_space<hbm>>) target(%arg20 : memref<128x32xf32, #tpu.memory_space<vmem>>) offsets(%arg15 : memref<128xi32, #tpu.memory_space<vmem>>) semaphore(%arg23 : memref<!tpu.dma_semaphore, #tpu.memory_space<semaphore_mem>>)
        %dma_wait3A_65 = arith.constant 0 : i32
        %dma_wait3A_66 = arith.constant 0 : i32
        %dma_wait3A_67 = tpu.memref_slice %arg3[%dma_wait3A_65, %dma_wait3A_66] : memref<10000x32xf32, #tpu.memory_space<hbm>> -> memref<10000x32xf32, #tpu.memory_space<hbm>>
        tpu.wait_indirect_dma semaphore(%arg23 : memref<!tpu.dma_semaphore, #tpu.memory_space<semaphore_mem>>) src(%dma_wait3A_67 : memref<10000x32xf32, #tpu.memory_space<hbm>>) dst(%arg20 : memref<128x32xf32, #tpu.memory_space<vmem>>)
        %scan3A_68 = arith.constant 0 : i32
        %scan3A_69 = arith.constant 0 : i32
        %scan3A_70 = arith.constant 128 : i32
        %scan3A_71 = arith.addi %scan3A_69, %scan3A_70 : i32
        %scan3A_72 = arith.constant 1 : i32
        %scan3A_73 = scf.for %scan3A_76 = %scan3A_69 to %scan3A_71 step %scan3A_72 iter_args(%scan3A_77 = %scan3A_68) -> (i32)  : i32 {
          %get3A_78 = arith.index_cast %scan3A_76 : i32 to index
          %get3A_79 = arith.constant 0 : index
          %get3A_80 = tpu.vector_load %arg17[%get3A_78, %get3A_79] {strides = array<i32>} : memref<128x16xf32, #tpu.memory_space<vmem>>, vector<1x16xf32>,
          %get3A_81 = vector.shape_cast %get3A_80 : vector<1x16xf32> to vector<16xf32>
          %get3A_82 = arith.index_cast %scan3A_76 : i32 to index
          %get3A_83 = arith.constant 0 : index
          %get3A_84 = tpu.vector_load %arg18[%get3A_82, %get3A_83] {strides = array<i32>} : memref<128x16xf32, #tpu.memory_space<vmem>>, vector<1x16xf32>,
          %get3A_85 = vector.shape_cast %get3A_84 : vector<1x16xf32> to vector<16xf32>
          %add3A_86 = arith.addf %get3A_81, %get3A_85 : vector<16xf32>
          %ge3A = arith.constant 0.000000e+00 : f32
          %ge3A_87 = vector.broadcast %ge3A : f32 to vector<16xf32>
          %ge3A_88 = arith.cmpf oge, %add3A_86, %ge3A_87 : vector<16xf32>
          %mul3A_89 = arith.constant 2.000000e-01 : f32
          %mul3A_90 = vector.broadcast %mul3A_89 : f32 to vector<16xf32>
          %mul3A_91 = arith.mulf %mul3A_90, %add3A_86 : vector<16xf32>
          %select_n3A = arith.select %ge3A_88, %add3A_86, %mul3A_91 : vector<16xi1>, vector<16xf32>
          %sub3A = arith.subf %select_n3A, %get3A_14 : vector<16xf32>
          %exp3A = math.exp %sub3A : vector<16xf32>
          %slice3A = vector.extract_strided_slice %exp3A {offsets = [0], sizes = [1], strides = [1]} : vector<16xf32> to vector<1xf32>
          %squeeze3A = vector.extract %slice3A[0] : f32 from vector<1xf32>
          %get3A_92 = arith.index_cast %scan3A_76 : i32 to index
          %get3A_93 = arith.constant 0 : index
          %get3A_94 = tpu.vector_load %arg20[%get3A_92, %get3A_93] {strides = array<i32>} : memref<128x32xf32, #tpu.memory_space<vmem>>, vector<1x16xf32>,
          %get3A_95 = vector.shape_cast %get3A_94 : vector<1x16xf32> to vector<16xf32>
          %mul3A_96 = vector.broadcast %squeeze3A : f32 to vector<16xf32>
          %mul3A_97 = arith.mulf %get3A_95, %mul3A_96 : vector<16xf32>
          %swap3A = arith.index_cast %scan3A_76 : i32 to index
          %swap3A_98 = arith.constant 0 : index
          %swap3A_99 = tpu.vector_load %arg20[%swap3A, %swap3A_98] {strides = array<i32>} : memref<128x32xf32, #tpu.memory_space<vmem>>, vector<1x16xf32>,
          %swap3A_100 = vector.shape_cast %swap3A_99 : vector<1x16xf32> to vector<16xf32>
          %swap3A_101 = vector.shape_cast %mul3A_97 : vector<16xf32> to vector<1x16xf32>
          tpu.vector_store %arg20[%swap3A, %swap3A_98], %swap3A_101 {strides = array<i32>} : memref<128x32xf32, #tpu.memory_space<vmem>>, vector<1x16xf32>,
          %get3A_102 = arith.index_cast %scan3A_76 : i32 to index
          %get3A_103 = arith.constant 16 : index
          %get3A_104 = tpu.vector_load %arg20[%get3A_102, %get3A_103] {strides = array<i32>} : memref<128x32xf32, #tpu.memory_space<vmem>>, vector<1x16xf32>,
          %get3A_105 = vector.shape_cast %get3A_104 : vector<1x16xf32> to vector<16xf32>
          %mul3A_106 = vector.broadcast %squeeze3A : f32 to vector<16xf32>
          %mul3A_107 = arith.mulf %get3A_105, %mul3A_106 : vector<16xf32>
          %swap3A_108 = arith.index_cast %scan3A_76 : i32 to index
          %swap3A_109 = arith.constant 16 : index
          %swap3A_110 = tpu.vector_load %arg20[%swap3A_108, %swap3A_109] {strides = array<i32>} : memref<128x32xf32, #tpu.memory_space<vmem>>, vector<1x16xf32>,
          %swap3A_111 = vector.shape_cast %swap3A_110 : vector<1x16xf32> to vector<16xf32>
          %swap3A_112 = vector.shape_cast %mul3A_107 : vector<16xf32> to vector<1x16xf32>
          tpu.vector_store %arg20[%swap3A_108, %swap3A_109], %swap3A_112 {strides = array<i32>} : memref<128x32xf32, #tpu.memory_space<vmem>>, vector<1x16xf32>,
          %scan3A_113 = arith.constant 0 : i32
          scf.yield %scan3A_113 : i32
        }
        %scan3A_74 = arith.constant 128 : i32
        "tpu.region"() ({
          %run_scoped3A = tpu.sem_alloc : memref<!tpu.dma_semaphore, #tpu.memory_space<semaphore_mem>>
          %dma_start3A_76 = arith.constant 0 : i32
          %dma_start3A_77 = arith.constant 0 : i32
          %dma_start3A_78 = tpu.memref_slice %arg21[%dma_start3A_76, %dma_start3A_77] : memref<10000x32xf32, #tpu.memory_space<vmem_shared>> -> memref<10000x32xf32, #tpu.memory_space<vmem_shared>>
          tpu.enqueue_indirect_dma source(%arg20 : memref<128x32xf32, #tpu.memory_space<vmem>>) target(%dma_start3A_78 : memref<10000x32xf32, #tpu.memory_space<vmem_shared>>) offsets(%arg16 : memref<128xi32, #tpu.memory_space<vmem>>) semaphore(%run_scoped3A : memref<!tpu.dma_semaphore, #tpu.memory_space<semaphore_mem>>) {add = true}
          %dma_wait3A_79 = arith.constant 0 : i32
          %dma_wait3A_80 = arith.constant 0 : i32
          %dma_wait3A_81 = tpu.memref_slice %arg21[%dma_wait3A_79, %dma_wait3A_80] : memref<10000x32xf32, #tpu.memory_space<vmem_shared>> -> memref<10000x32xf32, #tpu.memory_space<vmem_shared>>
          tpu.wait_indirect_dma semaphore(%run_scoped3A : memref<!tpu.dma_semaphore, #tpu.memory_space<semaphore_mem>>) src(%arg20 : memref<128x32xf32, #tpu.memory_space<vmem>>) dst(%dma_wait3A_81 : memref<10000x32xf32, #tpu.memory_space<vmem_shared>>)
          tpu.yield
        }) : () -> ()
        %scan3A_75 = arith.constant 0 : i32
        scf.yield %scan3A_75 : i32
      }
      %scan3A_41 = arith.constant 156 : i32
      %lt3A_42 = arith.constant 4 : i32
      %lt3A_43 = arith.cmpi slt, %arg1, %lt3A_42 : i32
      %convert_element_type3A_44 = arith.extui %lt3A_43 : i1 to i32
      %cond3A_45 = arith.constant 0 : i32
      %cond3A_46 = arith.cmpi ne, %convert_element_type3A_44, %cond3A_45 : i32
      scf.if %cond3A_46 {
        %add3A = arith.constant 2496 : i32
        %add3A_47 = arith.addi %add3A, %arg1 : i32
        %mul3A = arith.constant 128 : i32
        %mul3A_48 = arith.muli %add3A_47, %mul3A : i32
        "tpu.region"() ({
          %run_scoped3A = tpu.sem_alloc : memref<!tpu.dma_semaphore, #tpu.memory_space<semaphore_mem>>
          %dma_start3A_72 = tpu.memref_slice %arg7[%mul3A_48] : memref<320000xi32, #tpu.memory_space<hbm>> -> memref<128xi32, #tpu.memory_space<hbm>>
          %dma_start3A_73 = tpu.memref_slice %arg7[%mul3A_48] : memref<320000xi32, #tpu.memory_space<hbm>> -> memref<128xi32, #tpu.memory_space<hbm>>
          tpu.enqueue_dma source(%dma_start3A_73 : memref<128xi32, #tpu.memory_space<hbm>>) target(%arg15 : memref<128xi32, #tpu.memory_space<vmem>>) target_semaphore(%run_scoped3A : memref<!tpu.dma_semaphore, #tpu.memory_space<semaphore_mem>>)
          %dma_wait3A_74 = tpu.memref_slice %arg7[%mul3A_48] : memref<320000xi32, #tpu.memory_space<hbm>> -> memref<128xi32, #tpu.memory_space<hbm>>
          %dma_wait3A_75 = tpu.memref_slice %arg7[%mul3A_48] : memref<320000xi32, #tpu.memory_space<hbm>> -> memref<128xi32, #tpu.memory_space<hbm>>
          tpu.wait_dma2 semaphore(%run_scoped3A : memref<!tpu.dma_semaphore, #tpu.memory_space<semaphore_mem>>) src(%dma_wait3A_75 : memref<128xi32, #tpu.memory_space<hbm>>) dst(%arg15 : memref<128xi32, #tpu.memory_space<vmem>>)
          tpu.yield
        }) : () -> ()
        "tpu.region"() ({
          %run_scoped3A = tpu.sem_alloc : memref<!tpu.dma_semaphore, #tpu.memory_space<semaphore_mem>>
          %dma_start3A_72 = tpu.memref_slice %arg8[%mul3A_48] : memref<320000xi32, #tpu.memory_space<hbm>> -> memref<128xi32, #tpu.memory_space<hbm>>
          %dma_start3A_73 = tpu.memref_slice %arg8[%mul3A_48] : memref<320000xi32, #tpu.memory_space<hbm>> -> memref<128xi32, #tpu.memory_space<hbm>>
          tpu.enqueue_dma source(%dma_start3A_73 : memref<128xi32, #tpu.memory_space<hbm>>) target(%arg16 : memref<128xi32, #tpu.memory_space<vmem>>) target_semaphore(%run_scoped3A : memref<!tpu.dma_semaphore, #tpu.memory_space<semaphore_mem>>)
          %dma_wait3A_74 = tpu.memref_slice %arg8[%mul3A_48] : memref<320000xi32, #tpu.memory_space<hbm>> -> memref<128xi32, #tpu.memory_space<hbm>>
          %dma_wait3A_75 = tpu.memref_slice %arg8[%mul3A_48] : memref<320000xi32, #tpu.memory_space<hbm>> -> memref<128xi32, #tpu.memory_space<hbm>>
          tpu.wait_dma2 semaphore(%run_scoped3A : memref<!tpu.dma_semaphore, #tpu.memory_space<semaphore_mem>>) src(%dma_wait3A_75 : memref<128xi32, #tpu.memory_space<hbm>>) dst(%arg16 : memref<128xi32, #tpu.memory_space<vmem>>)
          tpu.yield
        }) : () -> ()
        %dma_start3A = arith.constant 0 : i32
        %dma_start3A_49 = arith.constant 0 : i32
        %dma_start3A_50 = tpu.memref_slice %arg4[%dma_start3A, %dma_start3A_49] : memref<10000x16xf32, #tpu.memory_space<hbm>> -> memref<10000x16xf32, #tpu.memory_space<hbm>>
        tpu.enqueue_indirect_dma source(%dma_start3A_50 : memref<10000x16xf32, #tpu.memory_space<hbm>>) target(%arg17 : memref<128x16xf32, #tpu.memory_space<vmem>>) offsets(%arg15 : memref<128xi32, #tpu.memory_space<vmem>>) semaphore(%arg23 : memref<!tpu.dma_semaphore, #tpu.memory_space<semaphore_mem>>)
        %dma_wait3A = arith.constant 0 : i32
        %dma_wait3A_51 = arith.constant 0 : i32
        %dma_wait3A_52 = tpu.memref_slice %arg4[%dma_wait3A, %dma_wait3A_51] : memref<10000x16xf32, #tpu.memory_space<hbm>> -> memref<10000x16xf32, #tpu.memory_space<hbm>>
        tpu.wait_indirect_dma semaphore(%arg23 : memref<!tpu.dma_semaphore, #tpu.memory_space<semaphore_mem>>) src(%dma_wait3A_52 : memref<10000x16xf32, #tpu.memory_space<hbm>>) dst(%arg17 : memref<128x16xf32, #tpu.memory_space<vmem>>)
        %dma_start3A_53 = arith.constant 0 : i32
        %dma_start3A_54 = arith.constant 0 : i32
        %dma_start3A_55 = tpu.memref_slice %arg5[%dma_start3A_53, %dma_start3A_54] : memref<10000x16xf32, #tpu.memory_space<hbm>> -> memref<10000x16xf32, #tpu.memory_space<hbm>>
        tpu.enqueue_indirect_dma source(%dma_start3A_55 : memref<10000x16xf32, #tpu.memory_space<hbm>>) target(%arg18 : memref<128x16xf32, #tpu.memory_space<vmem>>) offsets(%arg16 : memref<128xi32, #tpu.memory_space<vmem>>) semaphore(%arg23 : memref<!tpu.dma_semaphore, #tpu.memory_space<semaphore_mem>>)
        %dma_wait3A_56 = arith.constant 0 : i32
        %dma_wait3A_57 = arith.constant 0 : i32
        %dma_wait3A_58 = tpu.memref_slice %arg5[%dma_wait3A_56, %dma_wait3A_57] : memref<10000x16xf32, #tpu.memory_space<hbm>> -> memref<10000x16xf32, #tpu.memory_space<hbm>>
        tpu.wait_indirect_dma semaphore(%arg23 : memref<!tpu.dma_semaphore, #tpu.memory_space<semaphore_mem>>) src(%dma_wait3A_58 : memref<10000x16xf32, #tpu.memory_space<hbm>>) dst(%arg18 : memref<128x16xf32, #tpu.memory_space<vmem>>)
        %dma_start3A_59 = arith.constant 0 : i32
        %dma_start3A_60 = arith.constant 0 : i32
        %dma_start3A_61 = tpu.memref_slice %arg3[%dma_start3A_59, %dma_start3A_60] : memref<10000x32xf32, #tpu.memory_space<hbm>> -> memref<10000x32xf32, #tpu.memory_space<hbm>>
        tpu.enqueue_indirect_dma source(%dma_start3A_61 : memref<10000x32xf32, #tpu.memory_space<hbm>>) target(%arg20 : memref<128x32xf32, #tpu.memory_space<vmem>>) offsets(%arg15 : memref<128xi32, #tpu.memory_space<vmem>>) semaphore(%arg23 : memref<!tpu.dma_semaphore, #tpu.memory_space<semaphore_mem>>)
        %dma_wait3A_62 = arith.constant 0 : i32
        %dma_wait3A_63 = arith.constant 0 : i32
        %dma_wait3A_64 = tpu.memref_slice %arg3[%dma_wait3A_62, %dma_wait3A_63] : memref<10000x32xf32, #tpu.memory_space<hbm>> -> memref<10000x32xf32, #tpu.memory_space<hbm>>
        tpu.wait_indirect_dma semaphore(%arg23 : memref<!tpu.dma_semaphore, #tpu.memory_space<semaphore_mem>>) src(%dma_wait3A_64 : memref<10000x32xf32, #tpu.memory_space<hbm>>) dst(%arg20 : memref<128x32xf32, #tpu.memory_space<vmem>>)
        %scan3A_65 = arith.constant 0 : i32
        %scan3A_66 = arith.constant 0 : i32
        %scan3A_67 = arith.constant 128 : i32
        %scan3A_68 = arith.addi %scan3A_66, %scan3A_67 : i32
        %scan3A_69 = arith.constant 1 : i32
        %scan3A_70 = scf.for %scan3A_72 = %scan3A_66 to %scan3A_68 step %scan3A_69 iter_args(%scan3A_73 = %scan3A_65) -> (i32)  : i32 {
          %get3A_74 = arith.index_cast %scan3A_72 : i32 to index
          %get3A_75 = arith.constant 0 : index
          %get3A_76 = tpu.vector_load %arg17[%get3A_74, %get3A_75] {strides = array<i32>} : memref<128x16xf32, #tpu.memory_space<vmem>>, vector<1x16xf32>,
          %get3A_77 = vector.shape_cast %get3A_76 : vector<1x16xf32> to vector<16xf32>
          %get3A_78 = arith.index_cast %scan3A_72 : i32 to index
          %get3A_79 = arith.constant 0 : index
          %get3A_80 = tpu.vector_load %arg18[%get3A_78, %get3A_79] {strides = array<i32>} : memref<128x16xf32, #tpu.memory_space<vmem>>, vector<1x16xf32>,
          %get3A_81 = vector.shape_cast %get3A_80 : vector<1x16xf32> to vector<16xf32>
          %add3A_82 = arith.addf %get3A_77, %get3A_81 : vector<16xf32>
          %ge3A = arith.constant 0.000000e+00 : f32
          %ge3A_83 = vector.broadcast %ge3A : f32 to vector<16xf32>
          %ge3A_84 = arith.cmpf oge, %add3A_82, %ge3A_83 : vector<16xf32>
          %mul3A_85 = arith.constant 2.000000e-01 : f32
          %mul3A_86 = vector.broadcast %mul3A_85 : f32 to vector<16xf32>
          %mul3A_87 = arith.mulf %mul3A_86, %add3A_82 : vector<16xf32>
          %select_n3A = arith.select %ge3A_84, %add3A_82, %mul3A_87 : vector<16xi1>, vector<16xf32>
          %sub3A = arith.subf %select_n3A, %get3A_14 : vector<16xf32>
          %exp3A = math.exp %sub3A : vector<16xf32>
          %slice3A = vector.extract_strided_slice %exp3A {offsets = [0], sizes = [1], strides = [1]} : vector<16xf32> to vector<1xf32>
          %squeeze3A = vector.extract %slice3A[0] : f32 from vector<1xf32>
          %get3A_88 = arith.index_cast %scan3A_72 : i32 to index
          %get3A_89 = arith.constant 0 : index
          %get3A_90 = tpu.vector_load %arg20[%get3A_88, %get3A_89] {strides = array<i32>} : memref<128x32xf32, #tpu.memory_space<vmem>>, vector<1x16xf32>,
          %get3A_91 = vector.shape_cast %get3A_90 : vector<1x16xf32> to vector<16xf32>
          %mul3A_92 = vector.broadcast %squeeze3A : f32 to vector<16xf32>
          %mul3A_93 = arith.mulf %get3A_91, %mul3A_92 : vector<16xf32>
          %swap3A = arith.index_cast %scan3A_72 : i32 to index
          %swap3A_94 = arith.constant 0 : index
          %swap3A_95 = tpu.vector_load %arg20[%swap3A, %swap3A_94] {strides = array<i32>} : memref<128x32xf32, #tpu.memory_space<vmem>>, vector<1x16xf32>,
          %swap3A_96 = vector.shape_cast %swap3A_95 : vector<1x16xf32> to vector<16xf32>
          %swap3A_97 = vector.shape_cast %mul3A_93 : vector<16xf32> to vector<1x16xf32>
          tpu.vector_store %arg20[%swap3A, %swap3A_94], %swap3A_97 {strides = array<i32>} : memref<128x32xf32, #tpu.memory_space<vmem>>, vector<1x16xf32>,
          %get3A_98 = arith.index_cast %scan3A_72 : i32 to index
          %get3A_99 = arith.constant 16 : index
          %get3A_100 = tpu.vector_load %arg20[%get3A_98, %get3A_99] {strides = array<i32>} : memref<128x32xf32, #tpu.memory_space<vmem>>, vector<1x16xf32>,
          %get3A_101 = vector.shape_cast %get3A_100 : vector<1x16xf32> to vector<16xf32>
          %mul3A_102 = vector.broadcast %squeeze3A : f32 to vector<16xf32>
          %mul3A_103 = arith.mulf %get3A_101, %mul3A_102 : vector<16xf32>
          %swap3A_104 = arith.index_cast %scan3A_72 : i32 to index
          %swap3A_105 = arith.constant 16 : index
          %swap3A_106 = tpu.vector_load %arg20[%swap3A_104, %swap3A_105] {strides = array<i32>} : memref<128x32xf32, #tpu.memory_space<vmem>>, vector<1x16xf32>,
          %swap3A_107 = vector.shape_cast %swap3A_106 : vector<1x16xf32> to vector<16xf32>
          %swap3A_108 = vector.shape_cast %mul3A_103 : vector<16xf32> to vector<1x16xf32>
          tpu.vector_store %arg20[%swap3A_104, %swap3A_105], %swap3A_108 {strides = array<i32>} : memref<128x32xf32, #tpu.memory_space<vmem>>, vector<1x16xf32>,
          %scan3A_109 = arith.constant 0 : i32
          scf.yield %scan3A_109 : i32
        }
        %scan3A_71 = arith.constant 128 : i32
        "tpu.region"() ({
          %run_scoped3A = tpu.sem_alloc : memref<!tpu.dma_semaphore, #tpu.memory_space<semaphore_mem>>
          %dma_start3A_72 = arith.constant 0 : i32
          %dma_start3A_73 = arith.constant 0 : i32
          %dma_start3A_74 = tpu.memref_slice %arg21[%dma_start3A_72, %dma_start3A_73] : memref<10000x32xf32, #tpu.memory_space<vmem_shared>> -> memref<10000x32xf32, #tpu.memory_space<vmem_shared>>
          tpu.enqueue_indirect_dma source(%arg20 : memref<128x32xf32, #tpu.memory_space<vmem>>) target(%dma_start3A_74 : memref<10000x32xf32, #tpu.memory_space<vmem_shared>>) offsets(%arg16 : memref<128xi32, #tpu.memory_space<vmem>>) semaphore(%run_scoped3A : memref<!tpu.dma_semaphore, #tpu.memory_space<semaphore_mem>>) {add = true}
          %dma_wait3A_75 = arith.constant 0 : i32
          %dma_wait3A_76 = arith.constant 0 : i32
          %dma_wait3A_77 = tpu.memref_slice %arg21[%dma_wait3A_75, %dma_wait3A_76] : memref<10000x32xf32, #tpu.memory_space<vmem_shared>> -> memref<10000x32xf32, #tpu.memory_space<vmem_shared>>
          tpu.wait_indirect_dma semaphore(%run_scoped3A : memref<!tpu.dma_semaphore, #tpu.memory_space<semaphore_mem>>) src(%arg20 : memref<128x32xf32, #tpu.memory_space<vmem>>) dst(%dma_wait3A_77 : memref<10000x32xf32, #tpu.memory_space<vmem_shared>>)
          tpu.yield
        }) : () -> ()
      } else {
      }
    } else {
    }
    %barrier3A_25 = arith.constant 0 : index
    tpu.barrier barrier_id(%barrier3A_25)
    %eq3A_26 = arith.constant 0 : i32
    %eq3A_27 = arith.cmpi eq, %arg0, %eq3A_26 : i32
    %convert_element_type3A_28 = arith.extui %eq3A_27 : i1 to i32
    %cond3A_29 = arith.constant 0 : i32
    %cond3A_30 = arith.cmpi ne, %convert_element_type3A_28, %cond3A_29 : i32
    scf.if %cond3A_30 {
      %lt3A_36 = arith.constant 15 : i32
      %lt3A_37 = arith.cmpi slt, %arg1, %lt3A_36 : i32
      %convert_element_type3A_38 = arith.extui %lt3A_37 : i1 to i32
      %cond3A_39 = arith.constant 0 : i32
      %cond3A_40 = arith.cmpi ne, %convert_element_type3A_38, %cond3A_39 : i32
      scf.if %cond3A_40 {
        %mul3A = arith.constant 624 : i32
        %mul3A_56 = arith.muli %arg1, %mul3A : i32
        "tpu.region"() ({
          %run_scoped3A = tpu.sem_alloc : memref<!tpu.dma_semaphore, #tpu.memory_space<semaphore_mem>>
          %dma_start3A = arith.constant 0 : i32
          %dma_start3A_57 = tpu.memref_slice %arg11[%mul3A_56, %dma_start3A] : memref<10000x32xf32, #tpu.memory_space<hbm>> -> memref<624x32xf32, #tpu.memory_space<hbm>>
          %dma_start3A_58 = arith.constant 0 : i32
          %dma_start3A_59 = tpu.memref_slice %arg21[%mul3A_56, %dma_start3A_58] : memref<10000x32xf32, #tpu.memory_space<vmem_shared>> -> memref<624x32xf32, #tpu.memory_space<vmem_shared>>
          tpu.enqueue_dma source(%dma_start3A_59 : memref<624x32xf32, #tpu.memory_space<vmem_shared>>) target(%dma_start3A_57 : memref<624x32xf32, #tpu.memory_space<hbm>>) target_semaphore(%run_scoped3A : memref<!tpu.dma_semaphore, #tpu.memory_space<semaphore_mem>>)
          %dma_wait3A = arith.constant 0 : i32
          %dma_wait3A_60 = tpu.memref_slice %arg11[%mul3A_56, %dma_wait3A] : memref<10000x32xf32, #tpu.memory_space<hbm>> -> memref<624x32xf32, #tpu.memory_space<hbm>>
          %dma_wait3A_61 = arith.constant 0 : i32
          %dma_wait3A_62 = tpu.memref_slice %arg21[%mul3A_56, %dma_wait3A_61] : memref<10000x32xf32, #tpu.memory_space<vmem_shared>> -> memref<624x32xf32, #tpu.memory_space<vmem_shared>>
          tpu.wait_dma2 semaphore(%run_scoped3A : memref<!tpu.dma_semaphore, #tpu.memory_space<semaphore_mem>>) src(%dma_wait3A_62 : memref<624x32xf32, #tpu.memory_space<vmem_shared>>) dst(%dma_wait3A_60 : memref<624x32xf32, #tpu.memory_space<hbm>>)
          tpu.yield
        }) : () -> ()
      } else {
      }
      %eq3A_41 = arith.constant 15 : i32
      %eq3A_42 = arith.cmpi eq, %arg1, %eq3A_41 : i32
      %convert_element_type3A_43 = arith.extui %eq3A_42 : i1 to i32
      %cond3A_44 = arith.constant 0 : i32
      %cond3A_45 = arith.cmpi ne, %convert_element_type3A_43, %cond3A_44 : i32
      scf.if %cond3A_45 {
        "tpu.region"() ({
          %run_scoped3A = tpu.sem_alloc : memref<!tpu.dma_semaphore, #tpu.memory_space<semaphore_mem>>
          %dma_start3A = arith.constant 9360 : i32
          %dma_start3A_56 = arith.constant 0 : i32
          %dma_start3A_57 = tpu.memref_slice %arg11[%dma_start3A, %dma_start3A_56] : memref<10000x32xf32, #tpu.memory_space<hbm>> -> memref<640x32xf32, #tpu.memory_space<hbm>>
          %dma_start3A_58 = arith.constant 9360 : i32
          %dma_start3A_59 = arith.constant 0 : i32
          %dma_start3A_60 = tpu.memref_slice %arg21[%dma_start3A_58, %dma_start3A_59] : memref<10000x32xf32, #tpu.memory_space<vmem_shared>> -> memref<640x32xf32, #tpu.memory_space<vmem_shared>>
          tpu.enqueue_dma source(%dma_start3A_60 : memref<640x32xf32, #tpu.memory_space<vmem_shared>>) target(%dma_start3A_57 : memref<640x32xf32, #tpu.memory_space<hbm>>) target_semaphore(%run_scoped3A : memref<!tpu.dma_semaphore, #tpu.memory_space<semaphore_mem>>)
          %dma_wait3A = arith.constant 9360 : i32
          %dma_wait3A_61 = arith.constant 0 : i32
          %dma_wait3A_62 = tpu.memref_slice %arg11[%dma_wait3A, %dma_wait3A_61] : memref<10000x32xf32, #tpu.memory_space<hbm>> -> memref<640x32xf32, #tpu.memory_space<hbm>>
          %dma_wait3A_63 = arith.constant 9360 : i32
          %dma_wait3A_64 = arith.constant 0 : i32
          %dma_wait3A_65 = tpu.memref_slice %arg21[%dma_wait3A_63, %dma_wait3A_64] : memref<10000x32xf32, #tpu.memory_space<vmem_shared>> -> memref<640x32xf32, #tpu.memory_space<vmem_shared>>
          tpu.wait_dma2 semaphore(%run_scoped3A : memref<!tpu.dma_semaphore, #tpu.memory_space<semaphore_mem>>) src(%dma_wait3A_65 : memref<640x32xf32, #tpu.memory_space<vmem_shared>>) dst(%dma_wait3A_62 : memref<640x32xf32, #tpu.memory_space<hbm>>)
          tpu.yield
        }) : () -> ()
      } else {
      }
      %lt3A_46 = arith.constant 15 : i32
      %lt3A_47 = arith.cmpi slt, %arg1, %lt3A_46 : i32
      %convert_element_type3A_48 = arith.extui %lt3A_47 : i1 to i32
      %cond3A_49 = arith.constant 0 : i32
      %cond3A_50 = arith.cmpi ne, %convert_element_type3A_48, %cond3A_49 : i32
      scf.if %cond3A_50 {
        %mul3A = arith.constant 624 : i32
        %mul3A_56 = arith.muli %arg1, %mul3A : i32
        "tpu.region"() ({
          %run_scoped3A = tpu.sem_alloc : memref<!tpu.dma_semaphore, #tpu.memory_space<semaphore_mem>>
          %dma_start3A = arith.constant 0 : i32
          %dma_start3A_57 = tpu.memref_slice %arg13[%mul3A_56, %dma_start3A] : memref<10000x16xf32, #tpu.memory_space<hbm>> -> memref<624x16xf32, #tpu.memory_space<hbm>>
          %dma_start3A_58 = arith.constant 0 : i32
          %dma_start3A_59 = tpu.memref_slice %arg22[%mul3A_56, %dma_start3A_58] : memref<10000x16xf32, #tpu.memory_space<vmem_shared>> -> memref<624x16xf32, #tpu.memory_space<vmem_shared>>
          tpu.enqueue_dma source(%dma_start3A_59 : memref<624x16xf32, #tpu.memory_space<vmem_shared>>) target(%dma_start3A_57 : memref<624x16xf32, #tpu.memory_space<hbm>>) target_semaphore(%run_scoped3A : memref<!tpu.dma_semaphore, #tpu.memory_space<semaphore_mem>>)
          %dma_wait3A = arith.constant 0 : i32
          %dma_wait3A_60 = tpu.memref_slice %arg13[%mul3A_56, %dma_wait3A] : memref<10000x16xf32, #tpu.memory_space<hbm>> -> memref<624x16xf32, #tpu.memory_space<hbm>>
          %dma_wait3A_61 = arith.constant 0 : i32
          %dma_wait3A_62 = tpu.memref_slice %arg22[%mul3A_56, %dma_wait3A_61] : memref<10000x16xf32, #tpu.memory_space<vmem_shared>> -> memref<624x16xf32, #tpu.memory_space<vmem_shared>>
          tpu.wait_dma2 semaphore(%run_scoped3A : memref<!tpu.dma_semaphore, #tpu.memory_space<semaphore_mem>>) src(%dma_wait3A_62 : memref<624x16xf32, #tpu.memory_space<vmem_shared>>) dst(%dma_wait3A_60 : memref<624x16xf32, #tpu.memory_space<hbm>>)
          tpu.yield
        }) : () -> ()
      } else {
      }
      %eq3A_51 = arith.constant 15 : i32
      %eq3A_52 = arith.cmpi eq, %arg1, %eq3A_51 : i32
      %convert_element_type3A_53 = arith.extui %eq3A_52 : i1 to i32
      %cond3A_54 = arith.constant 0 : i32
      %cond3A_55 = arith.cmpi ne, %convert_element_type3A_53, %cond3A_54 : i32
      scf.if %cond3A_55 {
        "tpu.region"() ({
          %run_scoped3A = tpu.sem_alloc : memref<!tpu.dma_semaphore, #tpu.memory_space<semaphore_mem>>
          %dma_start3A = arith.constant 9360 : i32
          %dma_start3A_56 = arith.constant 0 : i32
          %dma_start3A_57 = tpu.memref_slice %arg13[%dma_start3A, %dma_start3A_56] : memref<10000x16xf32, #tpu.memory_space<hbm>> -> memref<640x16xf32, #tpu.memory_space<hbm>>
          %dma_start3A_58 = arith.constant 9360 : i32
          %dma_start3A_59 = arith.constant 0 : i32
          %dma_start3A_60 = tpu.memref_slice %arg22[%dma_start3A_58, %dma_start3A_59] : memref<10000x16xf32, #tpu.memory_space<vmem_shared>> -> memref<640x16xf32, #tpu.memory_space<vmem_shared>>
          tpu.enqueue_dma source(%dma_start3A_60 : memref<640x16xf32, #tpu.memory_space<vmem_shared>>) target(%dma_start3A_57 : memref<640x16xf32, #tpu.memory_space<hbm>>) target_semaphore(%run_scoped3A : memref<!tpu.dma_semaphore, #tpu.memory_space<semaphore_mem>>)
          %dma_wait3A = arith.constant 9360 : i32
          %dma_wait3A_61 = arith.constant 0 : i32
          %dma_wait3A_62 = tpu.memref_slice %arg13[%dma_wait3A, %dma_wait3A_61] : memref<10000x16xf32, #tpu.memory_space<hbm>> -> memref<640x16xf32, #tpu.memory_space<hbm>>
          %dma_wait3A_63 = arith.constant 9360 : i32
          %dma_wait3A_64 = arith.constant 0 : i32
          %dma_wait3A_65 = tpu.memref_slice %arg22[%dma_wait3A_63, %dma_wait3A_64] : memref<10000x16xf32, #tpu.memory_space<vmem_shared>> -> memref<640x16xf32, #tpu.memory_space<vmem_shared>>
          tpu.wait_dma2 semaphore(%run_scoped3A : memref<!tpu.dma_semaphore, #tpu.memory_space<semaphore_mem>>) src(%dma_wait3A_65 : memref<640x16xf32, #tpu.memory_space<vmem_shared>>) dst(%dma_wait3A_62 : memref<640x16xf32, #tpu.memory_space<hbm>>)
          tpu.yield
        }) : () -> ()
      } else {
      }
    } else {
    }
    %eq3A_31 = arith.constant 1 : i32
    %eq3A_32 = arith.cmpi eq, %arg0, %eq3A_31 : i32
    %convert_element_type3A_33 = arith.extui %eq3A_32 : i1 to i32
    %cond3A_34 = arith.constant 0 : i32
    %cond3A_35 = arith.cmpi ne, %convert_element_type3A_33, %cond3A_34 : i32
    scf.if %cond3A_35 {
      %lt3A_36 = arith.constant 15 : i32
      %lt3A_37 = arith.cmpi slt, %arg1, %lt3A_36 : i32
      %convert_element_type3A_38 = arith.extui %lt3A_37 : i1 to i32
      %cond3A_39 = arith.constant 0 : i32
      %cond3A_40 = arith.cmpi ne, %convert_element_type3A_38, %cond3A_39 : i32
      scf.if %cond3A_40 {
        %mul3A = arith.constant 624 : i32
        %mul3A_46 = arith.muli %arg1, %mul3A : i32
        "tpu.region"() ({
          %run_scoped3A = tpu.sem_alloc : memref<!tpu.dma_semaphore, #tpu.memory_space<semaphore_mem>>
          %dma_start3A = arith.constant 0 : i32
          %dma_start3A_47 = tpu.memref_slice %arg12[%mul3A_46, %dma_start3A] : memref<10000x32xf32, #tpu.memory_space<hbm>> -> memref<624x32xf32, #tpu.memory_space<hbm>>
          %dma_start3A_48 = arith.constant 0 : i32
          %dma_start3A_49 = tpu.memref_slice %arg21[%mul3A_46, %dma_start3A_48] : memref<10000x32xf32, #tpu.memory_space<vmem_shared>> -> memref<624x32xf32, #tpu.memory_space<vmem_shared>>
          tpu.enqueue_dma source(%dma_start3A_49 : memref<624x32xf32, #tpu.memory_space<vmem_shared>>) target(%dma_start3A_47 : memref<624x32xf32, #tpu.memory_space<hbm>>) target_semaphore(%run_scoped3A : memref<!tpu.dma_semaphore, #tpu.memory_space<semaphore_mem>>)
          %dma_wait3A = arith.constant 0 : i32
          %dma_wait3A_50 = tpu.memref_slice %arg12[%mul3A_46, %dma_wait3A] : memref<10000x32xf32, #tpu.memory_space<hbm>> -> memref<624x32xf32, #tpu.memory_space<hbm>>
          %dma_wait3A_51 = arith.constant 0 : i32
          %dma_wait3A_52 = tpu.memref_slice %arg21[%mul3A_46, %dma_wait3A_51] : memref<10000x32xf32, #tpu.memory_space<vmem_shared>> -> memref<624x32xf32, #tpu.memory_space<vmem_shared>>
          tpu.wait_dma2 semaphore(%run_scoped3A : memref<!tpu.dma_semaphore, #tpu.memory_space<semaphore_mem>>) src(%dma_wait3A_52 : memref<624x32xf32, #tpu.memory_space<vmem_shared>>) dst(%dma_wait3A_50 : memref<624x32xf32, #tpu.memory_space<hbm>>)
          tpu.yield
        }) : () -> ()
      } else {
      }
      %eq3A_41 = arith.constant 15 : i32
      %eq3A_42 = arith.cmpi eq, %arg1, %eq3A_41 : i32
      %convert_element_type3A_43 = arith.extui %eq3A_42 : i1 to i32
      %cond3A_44 = arith.constant 0 : i32
      %cond3A_45 = arith.cmpi ne, %convert_element_type3A_43, %cond3A_44 : i32
      scf.if %cond3A_45 {
        "tpu.region"() ({
          %run_scoped3A = tpu.sem_alloc : memref<!tpu.dma_semaphore, #tpu.memory_space<semaphore_mem>>
          %dma_start3A = arith.constant 9360 : i32
          %dma_start3A_46 = arith.constant 0 : i32
          %dma_start3A_47 = tpu.memref_slice %arg12[%dma_start3A, %dma_start3A_46] : memref<10000x32xf32, #tpu.memory_space<hbm>> -> memref<640x32xf32, #tpu.memory_space<hbm>>
          %dma_start3A_48 = arith.constant 9360 : i32
          %dma_start3A_49 = arith.constant 0 : i32
          %dma_start3A_50 = tpu.memref_slice %arg21[%dma_start3A_48, %dma_start3A_49] : memref<10000x32xf32, #tpu.memory_space<vmem_shared>> -> memref<640x32xf32, #tpu.memory_space<vmem_shared>>
          tpu.enqueue_dma source(%dma_start3A_50 : memref<640x32xf32, #tpu.memory_space<vmem_shared>>) target(%dma_start3A_47 : memref<640x32xf32, #tpu.memory_space<hbm>>) target_semaphore(%run_scoped3A : memref<!tpu.dma_semaphore, #tpu.memory_space<semaphore_mem>>)
          %dma_wait3A = arith.constant 9360 : i32
          %dma_wait3A_51 = arith.constant 0 : i32
          %dma_wait3A_52 = tpu.memref_slice %arg12[%dma_wait3A, %dma_wait3A_51] : memref<10000x32xf32, #tpu.memory_space<hbm>> -> memref<640x32xf32, #tpu.memory_space<hbm>>
          %dma_wait3A_53 = arith.constant 9360 : i32
          %dma_wait3A_54 = arith.constant 0 : i32
          %dma_wait3A_55 = tpu.memref_slice %arg21[%dma_wait3A_53, %dma_wait3A_54] : memref<10000x32xf32, #tpu.memory_space<vmem_shared>> -> memref<640x32xf32, #tpu.memory_space<vmem_shared>>
          tpu.wait_dma2 semaphore(%run_scoped3A : memref<!tpu.dma_semaphore, #tpu.memory_space<semaphore_mem>>) src(%dma_wait3A_55 : memref<640x32xf32, #tpu.memory_space<vmem_shared>>) dst(%dma_wait3A_52 : memref<640x32xf32, #tpu.memory_space<hbm>>)
          tpu.yield
        }) : () -> ()
      } else {
      }
    } else {
    }
    return
  }
}

#map = affine_map<(d0, d1) -> (0, 0)>
#map1 = affine_map<(d0, d1) -> (0)>
module attributes {stable_mosaic.version = 14 : i64} {
  func.func @k(%arg0: i32, %arg1: i32, %arg2: memref<10000x16xf32, #tpu.memory_space<hbm>>, %arg3: memref<10000x16xf32, #tpu.memory_space<hbm>>, %arg4: memref<10000x16xf32, #tpu.memory_space<hbm>>, %arg5: memref<10000x16xf32, #tpu.memory_space<hbm>>, %arg6: memref<1x16xf32, #tpu.memory_space<hbm>>, %arg7: memref<320000xi32, #tpu.memory_space<hbm>>, %arg8: memref<320000xi32, #tpu.memory_space<hbm>>, %arg9: memref<10000x16xf32, #tpu.memory_space<hbm>>, %arg10: memref<10000x16xf32, #tpu.memory_space<hbm>>, %arg11: memref<10000x16xf32, #tpu.memory_space<hbm>>, %arg12: memref<10000x16xf32, #tpu.memory_space<hbm>>, %arg13: memref<10000x16xf32, #tpu.memory_space<hbm>>, %arg14: memref<1x16xf32, #tpu.memory_space<vmem>>, %arg15: memref<128xi32, #tpu.memory_space<vmem>>, %arg16: memref<128xi32, #tpu.memory_space<vmem>>, %arg17: memref<128x16xf32, #tpu.memory_space<vmem>>, %arg18: memref<128x16xf32, #tpu.memory_space<vmem>>, %arg19: memref<128x16xf32, #tpu.memory_space<vmem>>, %arg20: memref<128x16xf32, #tpu.memory_space<vmem>>, %arg21: memref<10000x16xf32, #tpu.memory_space<vmem_shared>>, %arg22: memref<10000x16xf32, #tpu.memory_space<vmem_shared>>, %arg23: memref<!tpu.dma_semaphore, #tpu.memory_space<semaphore_mem>>) attributes {dimension_semantics = [#tpu.dimension_semantics<core_parallel>, #tpu.dimension_semantics<subcore_parallel>], iteration_bounds = array<i64: 2, 16>, scalar_prefetch = 0 : i64, scratch_operands = 10 : i64, tpu.core_type = #tpu.core_type<sc_vector_subcore>, window_params = [{transform_indices = #map}, {transform_indices = #map}, {transform_indices = #map}, {transform_indices = #map}, {transform_indices = #map}, {transform_indices = #map1}, {transform_indices = #map1}, {transform_indices = #map}, {transform_indices = #map}, {transform_indices = #map}, {transform_indices = #map}, {transform_indices = #map}]} {
    "tpu.region"() ({
      %run_scoped3A = tpu.sem_alloc : memref<!tpu.dma_semaphore, #tpu.memory_space<semaphore_mem>>
      tpu.enqueue_dma source(%arg6 : memref<1x16xf32, #tpu.memory_space<hbm>>) target(%arg14 : memref<1x16xf32, #tpu.memory_space<vmem>>) target_semaphore(%run_scoped3A : memref<!tpu.dma_semaphore, #tpu.memory_space<semaphore_mem>>)
      tpu.wait_dma2 semaphore(%run_scoped3A : memref<!tpu.dma_semaphore, #tpu.memory_space<semaphore_mem>>) src(%arg6 : memref<1x16xf32, #tpu.memory_space<hbm>>) dst(%arg14 : memref<1x16xf32, #tpu.memory_space<vmem>>)
      tpu.yield
    }) : () -> ()
    %lt3A = arith.constant 15 : i32
    %lt3A_0 = arith.cmpi slt, %arg1, %lt3A : i32
    %convert_element_type3A = arith.extui %lt3A_0 : i1 to i32
    %cond3A = arith.constant 0 : i32
    %cond3A_1 = arith.cmpi ne, %convert_element_type3A, %cond3A : i32
    scf.if %cond3A_1 {
      %mul3A = arith.constant 624 : i32
      %mul3A_36 = arith.muli %arg1, %mul3A : i32
      "tpu.region"() ({
        %run_scoped3A = tpu.sem_alloc : memref<!tpu.dma_semaphore, #tpu.memory_space<semaphore_mem>>
        %dma_start3A = arith.constant 0 : i32
        %dma_start3A_37 = tpu.memref_slice %arg21[%mul3A_36, %dma_start3A] : memref<10000x16xf32, #tpu.memory_space<vmem_shared>> -> memref<624x16xf32, #tpu.memory_space<vmem_shared>>
        %dma_start3A_38 = arith.constant 0 : i32
        %dma_start3A_39 = tpu.memref_slice %arg9[%mul3A_36, %dma_start3A_38] : memref<10000x16xf32, #tpu.memory_space<hbm>> -> memref<624x16xf32, #tpu.memory_space<hbm>>
        tpu.enqueue_dma source(%dma_start3A_39 : memref<624x16xf32, #tpu.memory_space<hbm>>) target(%dma_start3A_37 : memref<624x16xf32, #tpu.memory_space<vmem_shared>>) target_semaphore(%run_scoped3A : memref<!tpu.dma_semaphore, #tpu.memory_space<semaphore_mem>>)
        %dma_wait3A = arith.constant 0 : i32
        %dma_wait3A_40 = tpu.memref_slice %arg21[%mul3A_36, %dma_wait3A] : memref<10000x16xf32, #tpu.memory_space<vmem_shared>> -> memref<624x16xf32, #tpu.memory_space<vmem_shared>>
        %dma_wait3A_41 = arith.constant 0 : i32
        %dma_wait3A_42 = tpu.memref_slice %arg9[%mul3A_36, %dma_wait3A_41] : memref<10000x16xf32, #tpu.memory_space<hbm>> -> memref<624x16xf32, #tpu.memory_space<hbm>>
        tpu.wait_dma2 semaphore(%run_scoped3A : memref<!tpu.dma_semaphore, #tpu.memory_space<semaphore_mem>>) src(%dma_wait3A_42 : memref<624x16xf32, #tpu.memory_space<hbm>>) dst(%dma_wait3A_40 : memref<624x16xf32, #tpu.memory_space<vmem_shared>>)
        tpu.yield
      }) : () -> ()
    } else {
    }
    %eq3A = arith.constant 15 : i32
    %eq3A_2 = arith.cmpi eq, %arg1, %eq3A : i32
    %convert_element_type3A_3 = arith.extui %eq3A_2 : i1 to i32
    %cond3A_4 = arith.constant 0 : i32
    %cond3A_5 = arith.cmpi ne, %convert_element_type3A_3, %cond3A_4 : i32
    scf.if %cond3A_5 {
      "tpu.region"() ({
        %run_scoped3A = tpu.sem_alloc : memref<!tpu.dma_semaphore, #tpu.memory_space<semaphore_mem>>
        %dma_start3A = arith.constant 9360 : i32
        %dma_start3A_36 = arith.constant 0 : i32
        %dma_start3A_37 = tpu.memref_slice %arg21[%dma_start3A, %dma_start3A_36] : memref<10000x16xf32, #tpu.memory_space<vmem_shared>> -> memref<640x16xf32, #tpu.memory_space<vmem_shared>>
        %dma_start3A_38 = arith.constant 9360 : i32
        %dma_start3A_39 = arith.constant 0 : i32
        %dma_start3A_40 = tpu.memref_slice %arg9[%dma_start3A_38, %dma_start3A_39] : memref<10000x16xf32, #tpu.memory_space<hbm>> -> memref<640x16xf32, #tpu.memory_space<hbm>>
        tpu.enqueue_dma source(%dma_start3A_40 : memref<640x16xf32, #tpu.memory_space<hbm>>) target(%dma_start3A_37 : memref<640x16xf32, #tpu.memory_space<vmem_shared>>) target_semaphore(%run_scoped3A : memref<!tpu.dma_semaphore, #tpu.memory_space<semaphore_mem>>)
        %dma_wait3A = arith.constant 9360 : i32
        %dma_wait3A_41 = arith.constant 0 : i32
        %dma_wait3A_42 = tpu.memref_slice %arg21[%dma_wait3A, %dma_wait3A_41] : memref<10000x16xf32, #tpu.memory_space<vmem_shared>> -> memref<640x16xf32, #tpu.memory_space<vmem_shared>>
        %dma_wait3A_43 = arith.constant 9360 : i32
        %dma_wait3A_44 = arith.constant 0 : i32
        %dma_wait3A_45 = tpu.memref_slice %arg9[%dma_wait3A_43, %dma_wait3A_44] : memref<10000x16xf32, #tpu.memory_space<hbm>> -> memref<640x16xf32, #tpu.memory_space<hbm>>
        tpu.wait_dma2 semaphore(%run_scoped3A : memref<!tpu.dma_semaphore, #tpu.memory_space<semaphore_mem>>) src(%dma_wait3A_45 : memref<640x16xf32, #tpu.memory_space<hbm>>) dst(%dma_wait3A_42 : memref<640x16xf32, #tpu.memory_space<vmem_shared>>)
        tpu.yield
      }) : () -> ()
    } else {
    }
    %eq3A_6 = arith.constant 0 : i32
    %eq3A_7 = arith.cmpi eq, %arg0, %eq3A_6 : i32
    %convert_element_type3A_8 = arith.extui %eq3A_7 : i1 to i32
    %cond3A_9 = arith.constant 0 : i32
    %cond3A_10 = arith.cmpi ne, %convert_element_type3A_8, %cond3A_9 : i32
    scf.if %cond3A_10 {
      %lt3A_36 = arith.constant 15 : i32
      %lt3A_37 = arith.cmpi slt, %arg1, %lt3A_36 : i32
      %convert_element_type3A_38 = arith.extui %lt3A_37 : i1 to i32
      %cond3A_39 = arith.constant 0 : i32
      %cond3A_40 = arith.cmpi ne, %convert_element_type3A_38, %cond3A_39 : i32
      scf.if %cond3A_40 {
        %mul3A = arith.constant 624 : i32
        %mul3A_46 = arith.muli %arg1, %mul3A : i32
        "tpu.region"() ({
          %run_scoped3A = tpu.sem_alloc : memref<!tpu.dma_semaphore, #tpu.memory_space<semaphore_mem>>
          %dma_start3A = arith.constant 0 : i32
          %dma_start3A_47 = tpu.memref_slice %arg22[%mul3A_46, %dma_start3A] : memref<10000x16xf32, #tpu.memory_space<vmem_shared>> -> memref<624x16xf32, #tpu.memory_space<vmem_shared>>
          %dma_start3A_48 = arith.constant 0 : i32
          %dma_start3A_49 = tpu.memref_slice %arg10[%mul3A_46, %dma_start3A_48] : memref<10000x16xf32, #tpu.memory_space<hbm>> -> memref<624x16xf32, #tpu.memory_space<hbm>>
          tpu.enqueue_dma source(%dma_start3A_49 : memref<624x16xf32, #tpu.memory_space<hbm>>) target(%dma_start3A_47 : memref<624x16xf32, #tpu.memory_space<vmem_shared>>) target_semaphore(%run_scoped3A : memref<!tpu.dma_semaphore, #tpu.memory_space<semaphore_mem>>)
          %dma_wait3A = arith.constant 0 : i32
          %dma_wait3A_50 = tpu.memref_slice %arg22[%mul3A_46, %dma_wait3A] : memref<10000x16xf32, #tpu.memory_space<vmem_shared>> -> memref<624x16xf32, #tpu.memory_space<vmem_shared>>
          %dma_wait3A_51 = arith.constant 0 : i32
          %dma_wait3A_52 = tpu.memref_slice %arg10[%mul3A_46, %dma_wait3A_51] : memref<10000x16xf32, #tpu.memory_space<hbm>> -> memref<624x16xf32, #tpu.memory_space<hbm>>
          tpu.wait_dma2 semaphore(%run_scoped3A : memref<!tpu.dma_semaphore, #tpu.memory_space<semaphore_mem>>) src(%dma_wait3A_52 : memref<624x16xf32, #tpu.memory_space<hbm>>) dst(%dma_wait3A_50 : memref<624x16xf32, #tpu.memory_space<vmem_shared>>)
          tpu.yield
        }) : () -> ()
      } else {
      }
      %eq3A_41 = arith.constant 15 : i32
      %eq3A_42 = arith.cmpi eq, %arg1, %eq3A_41 : i32
      %convert_element_type3A_43 = arith.extui %eq3A_42 : i1 to i32
      %cond3A_44 = arith.constant 0 : i32
      %cond3A_45 = arith.cmpi ne, %convert_element_type3A_43, %cond3A_44 : i32
      scf.if %cond3A_45 {
        "tpu.region"() ({
          %run_scoped3A = tpu.sem_alloc : memref<!tpu.dma_semaphore, #tpu.memory_space<semaphore_mem>>
          %dma_start3A = arith.constant 9360 : i32
          %dma_start3A_46 = arith.constant 0 : i32
          %dma_start3A_47 = tpu.memref_slice %arg22[%dma_start3A, %dma_start3A_46] : memref<10000x16xf32, #tpu.memory_space<vmem_shared>> -> memref<640x16xf32, #tpu.memory_space<vmem_shared>>
          %dma_start3A_48 = arith.constant 9360 : i32
          %dma_start3A_49 = arith.constant 0 : i32
          %dma_start3A_50 = tpu.memref_slice %arg10[%dma_start3A_48, %dma_start3A_49] : memref<10000x16xf32, #tpu.memory_space<hbm>> -> memref<640x16xf32, #tpu.memory_space<hbm>>
          tpu.enqueue_dma source(%dma_start3A_50 : memref<640x16xf32, #tpu.memory_space<hbm>>) target(%dma_start3A_47 : memref<640x16xf32, #tpu.memory_space<vmem_shared>>) target_semaphore(%run_scoped3A : memref<!tpu.dma_semaphore, #tpu.memory_space<semaphore_mem>>)
          %dma_wait3A = arith.constant 9360 : i32
          %dma_wait3A_51 = arith.constant 0 : i32
          %dma_wait3A_52 = tpu.memref_slice %arg22[%dma_wait3A, %dma_wait3A_51] : memref<10000x16xf32, #tpu.memory_space<vmem_shared>> -> memref<640x16xf32, #tpu.memory_space<vmem_shared>>
          %dma_wait3A_53 = arith.constant 9360 : i32
          %dma_wait3A_54 = arith.constant 0 : i32
          %dma_wait3A_55 = tpu.memref_slice %arg10[%dma_wait3A_53, %dma_wait3A_54] : memref<10000x16xf32, #tpu.memory_space<hbm>> -> memref<640x16xf32, #tpu.memory_space<hbm>>
          tpu.wait_dma2 semaphore(%run_scoped3A : memref<!tpu.dma_semaphore, #tpu.memory_space<semaphore_mem>>) src(%dma_wait3A_55 : memref<640x16xf32, #tpu.memory_space<hbm>>) dst(%dma_wait3A_52 : memref<640x16xf32, #tpu.memory_space<vmem_shared>>)
          tpu.yield
        }) : () -> ()
      } else {
      }
    } else {
    }
    %barrier3A = arith.constant 0 : index
    tpu.barrier barrier_id(%barrier3A)
    %get3A = arith.constant 0 : i32
    %get3A_11 = arith.index_cast %get3A : i32 to index
    %get3A_12 = arith.constant 0 : index
    %get3A_13 = tpu.vector_load %arg14[%get3A_11, %get3A_12] {strides = array<i32>} : memref<1x16xf32, #tpu.memory_space<vmem>>, vector<1x16xf32>,
    %get3A_14 = vector.shape_cast %get3A_13 : vector<1x16xf32> to vector<16xf32>
    %eq3A_15 = arith.constant 0 : i32
    %eq3A_16 = arith.cmpi eq, %arg0, %eq3A_15 : i32
    %convert_element_type3A_17 = arith.extui %eq3A_16 : i1 to i32
    %cond3A_18 = arith.constant 0 : i32
    %cond3A_19 = arith.cmpi ne, %convert_element_type3A_17, %cond3A_18 : i32
    scf.if %cond3A_19 {
      %scan3A = arith.constant 0 : i32
      %scan3A_36 = arith.constant 0 : i32
      %scan3A_37 = arith.constant 156 : i32
      %scan3A_38 = arith.addi %scan3A_36, %scan3A_37 : i32
      %scan3A_39 = arith.constant 1 : i32
      %scan3A_40 = scf.for %scan3A_47 = %scan3A_36 to %scan3A_38 step %scan3A_39 iter_args(%scan3A_48 = %scan3A) -> (i32)  : i32 {
        %mul3A = arith.constant 16 : i32
        %mul3A_49 = arith.muli %scan3A_47, %mul3A : i32
        %add3A = arith.addi %mul3A_49, %arg1 : i32
        %mul3A_50 = arith.constant 128 : i32
        %mul3A_51 = arith.muli %add3A, %mul3A_50 : i32
        "tpu.region"() ({
          %run_scoped3A = tpu.sem_alloc : memref<!tpu.dma_semaphore, #tpu.memory_space<semaphore_mem>>
          %dma_start3A_76 = tpu.memref_slice %arg7[%mul3A_51] : memref<320000xi32, #tpu.memory_space<hbm>> -> memref<128xi32, #tpu.memory_space<hbm>>
          %dma_start3A_77 = tpu.memref_slice %arg7[%mul3A_51] : memref<320000xi32, #tpu.memory_space<hbm>> -> memref<128xi32, #tpu.memory_space<hbm>>
          tpu.enqueue_dma source(%dma_start3A_77 : memref<128xi32, #tpu.memory_space<hbm>>) target(%arg15 : memref<128xi32, #tpu.memory_space<vmem>>) target_semaphore(%run_scoped3A : memref<!tpu.dma_semaphore, #tpu.memory_space<semaphore_mem>>)
          %dma_wait3A_78 = tpu.memref_slice %arg7[%mul3A_51] : memref<320000xi32, #tpu.memory_space<hbm>> -> memref<128xi32, #tpu.memory_space<hbm>>
          %dma_wait3A_79 = tpu.memref_slice %arg7[%mul3A_51] : memref<320000xi32, #tpu.memory_space<hbm>> -> memref<128xi32, #tpu.memory_space<hbm>>
          tpu.wait_dma2 semaphore(%run_scoped3A : memref<!tpu.dma_semaphore, #tpu.memory_space<semaphore_mem>>) src(%dma_wait3A_79 : memref<128xi32, #tpu.memory_space<hbm>>) dst(%arg15 : memref<128xi32, #tpu.memory_space<vmem>>)
          tpu.yield
        }) : () -> ()
        "tpu.region"() ({
          %run_scoped3A = tpu.sem_alloc : memref<!tpu.dma_semaphore, #tpu.memory_space<semaphore_mem>>
          %dma_start3A_76 = tpu.memref_slice %arg8[%mul3A_51] : memref<320000xi32, #tpu.memory_space<hbm>> -> memref<128xi32, #tpu.memory_space<hbm>>
          %dma_start3A_77 = tpu.memref_slice %arg8[%mul3A_51] : memref<320000xi32, #tpu.memory_space<hbm>> -> memref<128xi32, #tpu.memory_space<hbm>>
          tpu.enqueue_dma source(%dma_start3A_77 : memref<128xi32, #tpu.memory_space<hbm>>) target(%arg16 : memref<128xi32, #tpu.memory_space<vmem>>) target_semaphore(%run_scoped3A : memref<!tpu.dma_semaphore, #tpu.memory_space<semaphore_mem>>)
          %dma_wait3A_78 = tpu.memref_slice %arg8[%mul3A_51] : memref<320000xi32, #tpu.memory_space<hbm>> -> memref<128xi32, #tpu.memory_space<hbm>>
          %dma_wait3A_79 = tpu.memref_slice %arg8[%mul3A_51] : memref<320000xi32, #tpu.memory_space<hbm>> -> memref<128xi32, #tpu.memory_space<hbm>>
          tpu.wait_dma2 semaphore(%run_scoped3A : memref<!tpu.dma_semaphore, #tpu.memory_space<semaphore_mem>>) src(%dma_wait3A_79 : memref<128xi32, #tpu.memory_space<hbm>>) dst(%arg16 : memref<128xi32, #tpu.memory_space<vmem>>)
          tpu.yield
        }) : () -> ()
        %dma_start3A = arith.constant 0 : i32
        %dma_start3A_52 = arith.constant 0 : i32
        %dma_start3A_53 = tpu.memref_slice %arg4[%dma_start3A, %dma_start3A_52] : memref<10000x16xf32, #tpu.memory_space<hbm>> -> memref<10000x16xf32, #tpu.memory_space<hbm>>
        tpu.enqueue_indirect_dma source(%dma_start3A_53 : memref<10000x16xf32, #tpu.memory_space<hbm>>) target(%arg17 : memref<128x16xf32, #tpu.memory_space<vmem>>) offsets(%arg15 : memref<128xi32, #tpu.memory_space<vmem>>) semaphore(%arg23 : memref<!tpu.dma_semaphore, #tpu.memory_space<semaphore_mem>>)
        %dma_wait3A = arith.constant 0 : i32
        %dma_wait3A_54 = arith.constant 0 : i32
        %dma_wait3A_55 = tpu.memref_slice %arg4[%dma_wait3A, %dma_wait3A_54] : memref<10000x16xf32, #tpu.memory_space<hbm>> -> memref<10000x16xf32, #tpu.memory_space<hbm>>
        tpu.wait_indirect_dma semaphore(%arg23 : memref<!tpu.dma_semaphore, #tpu.memory_space<semaphore_mem>>) src(%dma_wait3A_55 : memref<10000x16xf32, #tpu.memory_space<hbm>>) dst(%arg17 : memref<128x16xf32, #tpu.memory_space<vmem>>)
        %dma_start3A_56 = arith.constant 0 : i32
        %dma_start3A_57 = arith.constant 0 : i32
        %dma_start3A_58 = tpu.memref_slice %arg5[%dma_start3A_56, %dma_start3A_57] : memref<10000x16xf32, #tpu.memory_space<hbm>> -> memref<10000x16xf32, #tpu.memory_space<hbm>>
        tpu.enqueue_indirect_dma source(%dma_start3A_58 : memref<10000x16xf32, #tpu.memory_space<hbm>>) target(%arg18 : memref<128x16xf32, #tpu.memory_space<vmem>>) offsets(%arg16 : memref<128xi32, #tpu.memory_space<vmem>>) semaphore(%arg23 : memref<!tpu.dma_semaphore, #tpu.memory_space<semaphore_mem>>)
        %dma_wait3A_59 = arith.constant 0 : i32
        %dma_wait3A_60 = arith.constant 0 : i32
        %dma_wait3A_61 = tpu.memref_slice %arg5[%dma_wait3A_59, %dma_wait3A_60] : memref<10000x16xf32, #tpu.memory_space<hbm>> -> memref<10000x16xf32, #tpu.memory_space<hbm>>
        tpu.wait_indirect_dma semaphore(%arg23 : memref<!tpu.dma_semaphore, #tpu.memory_space<semaphore_mem>>) src(%dma_wait3A_61 : memref<10000x16xf32, #tpu.memory_space<hbm>>) dst(%arg18 : memref<128x16xf32, #tpu.memory_space<vmem>>)
        %dma_start3A_62 = arith.constant 0 : i32
        %dma_start3A_63 = arith.constant 0 : i32
        %dma_start3A_64 = tpu.memref_slice %arg2[%dma_start3A_62, %dma_start3A_63] : memref<10000x16xf32, #tpu.memory_space<hbm>> -> memref<10000x16xf32, #tpu.memory_space<hbm>>
        tpu.enqueue_indirect_dma source(%dma_start3A_64 : memref<10000x16xf32, #tpu.memory_space<hbm>>) target(%arg20 : memref<128x16xf32, #tpu.memory_space<vmem>>) offsets(%arg15 : memref<128xi32, #tpu.memory_space<vmem>>) semaphore(%arg23 : memref<!tpu.dma_semaphore, #tpu.memory_space<semaphore_mem>>)
        %dma_wait3A_65 = arith.constant 0 : i32
        %dma_wait3A_66 = arith.constant 0 : i32
        %dma_wait3A_67 = tpu.memref_slice %arg2[%dma_wait3A_65, %dma_wait3A_66] : memref<10000x16xf32, #tpu.memory_space<hbm>> -> memref<10000x16xf32, #tpu.memory_space<hbm>>
        tpu.wait_indirect_dma semaphore(%arg23 : memref<!tpu.dma_semaphore, #tpu.memory_space<semaphore_mem>>) src(%dma_wait3A_67 : memref<10000x16xf32, #tpu.memory_space<hbm>>) dst(%arg20 : memref<128x16xf32, #tpu.memory_space<vmem>>)
        %scan3A_68 = arith.constant 0 : i32
        %scan3A_69 = arith.constant 0 : i32
        %scan3A_70 = arith.constant 128 : i32
        %scan3A_71 = arith.addi %scan3A_69, %scan3A_70 : i32
        %scan3A_72 = arith.constant 1 : i32
        %scan3A_73 = scf.for %scan3A_76 = %scan3A_69 to %scan3A_71 step %scan3A_72 iter_args(%scan3A_77 = %scan3A_68) -> (i32)  : i32 {
          %get3A_78 = arith.index_cast %scan3A_76 : i32 to index
          %get3A_79 = arith.constant 0 : index
          %get3A_80 = tpu.vector_load %arg17[%get3A_78, %get3A_79] {strides = array<i32>} : memref<128x16xf32, #tpu.memory_space<vmem>>, vector<1x16xf32>,
          %get3A_81 = vector.shape_cast %get3A_80 : vector<1x16xf32> to vector<16xf32>
          %get3A_82 = arith.index_cast %scan3A_76 : i32 to index
          %get3A_83 = arith.constant 0 : index
          %get3A_84 = tpu.vector_load %arg18[%get3A_82, %get3A_83] {strides = array<i32>} : memref<128x16xf32, #tpu.memory_space<vmem>>, vector<1x16xf32>,
          %get3A_85 = vector.shape_cast %get3A_84 : vector<1x16xf32> to vector<16xf32>
          %add3A_86 = arith.addf %get3A_81, %get3A_85 : vector<16xf32>
          %ge3A = arith.constant 0.000000e+00 : f32
          %ge3A_87 = vector.broadcast %ge3A : f32 to vector<16xf32>
          %ge3A_88 = arith.cmpf oge, %add3A_86, %ge3A_87 : vector<16xf32>
          %mul3A_89 = arith.constant 2.000000e-01 : f32
          %mul3A_90 = vector.broadcast %mul3A_89 : f32 to vector<16xf32>
          %mul3A_91 = arith.mulf %mul3A_90, %add3A_86 : vector<16xf32>
          %select_n3A = arith.select %ge3A_88, %add3A_86, %mul3A_91 : vector<16xi1>, vector<16xf32>
          %sub3A = arith.subf %select_n3A, %get3A_14 : vector<16xf32>
          %exp3A = math.exp %sub3A : vector<16xf32>
          %swap3A = arith.index_cast %scan3A_76 : i32 to index
          %swap3A_92 = arith.constant 0 : index
          %swap3A_93 = tpu.vector_load %arg19[%swap3A, %swap3A_92] {strides = array<i32>} : memref<128x16xf32, #tpu.memory_space<vmem>>, vector<1x16xf32>,
          %swap3A_94 = vector.shape_cast %swap3A_93 : vector<1x16xf32> to vector<16xf32>
          %swap3A_95 = vector.shape_cast %exp3A : vector<16xf32> to vector<1x16xf32>
          tpu.vector_store %arg19[%swap3A, %swap3A_92], %swap3A_95 {strides = array<i32>} : memref<128x16xf32, #tpu.memory_space<vmem>>, vector<1x16xf32>,
          %slice3A = vector.extract_strided_slice %exp3A {offsets = [0], sizes = [1], strides = [1]} : vector<16xf32> to vector<1xf32>
          %squeeze3A = vector.extract %slice3A[0] : f32 from vector<1xf32>
          %get3A_96 = arith.index_cast %scan3A_76 : i32 to index
          %get3A_97 = arith.constant 0 : index
          %get3A_98 = tpu.vector_load %arg20[%get3A_96, %get3A_97] {strides = array<i32>} : memref<128x16xf32, #tpu.memory_space<vmem>>, vector<1x16xf32>,
          %get3A_99 = vector.shape_cast %get3A_98 : vector<1x16xf32> to vector<16xf32>
          %mul3A_100 = vector.broadcast %squeeze3A : f32 to vector<16xf32>
          %mul3A_101 = arith.mulf %get3A_99, %mul3A_100 : vector<16xf32>
          %swap3A_102 = arith.index_cast %scan3A_76 : i32 to index
          %swap3A_103 = arith.constant 0 : index
          %swap3A_104 = tpu.vector_load %arg20[%swap3A_102, %swap3A_103] {strides = array<i32>} : memref<128x16xf32, #tpu.memory_space<vmem>>, vector<1x16xf32>,
          %swap3A_105 = vector.shape_cast %swap3A_104 : vector<1x16xf32> to vector<16xf32>
          %swap3A_106 = vector.shape_cast %mul3A_101 : vector<16xf32> to vector<1x16xf32>
          tpu.vector_store %arg20[%swap3A_102, %swap3A_103], %swap3A_106 {strides = array<i32>} : memref<128x16xf32, #tpu.memory_space<vmem>>, vector<1x16xf32>,
          %scan3A_107 = arith.constant 0 : i32
          scf.yield %scan3A_107 : i32
        }
        %scan3A_74 = arith.constant 128 : i32
        "tpu.region"() ({
          %run_scoped3A = tpu.sem_alloc : memref<!tpu.dma_semaphore, #tpu.memory_space<semaphore_mem>>
          %dma_start3A_76 = arith.constant 0 : i32
          %dma_start3A_77 = arith.constant 0 : i32
          %dma_start3A_78 = tpu.memref_slice %arg21[%dma_start3A_76, %dma_start3A_77] : memref<10000x16xf32, #tpu.memory_space<vmem_shared>> -> memref<10000x16xf32, #tpu.memory_space<vmem_shared>>
          tpu.enqueue_indirect_dma source(%arg20 : memref<128x16xf32, #tpu.memory_space<vmem>>) target(%dma_start3A_78 : memref<10000x16xf32, #tpu.memory_space<vmem_shared>>) offsets(%arg16 : memref<128xi32, #tpu.memory_space<vmem>>) semaphore(%run_scoped3A : memref<!tpu.dma_semaphore, #tpu.memory_space<semaphore_mem>>) {add = true}
          %dma_wait3A_79 = arith.constant 0 : i32
          %dma_wait3A_80 = arith.constant 0 : i32
          %dma_wait3A_81 = tpu.memref_slice %arg21[%dma_wait3A_79, %dma_wait3A_80] : memref<10000x16xf32, #tpu.memory_space<vmem_shared>> -> memref<10000x16xf32, #tpu.memory_space<vmem_shared>>
          tpu.wait_indirect_dma semaphore(%run_scoped3A : memref<!tpu.dma_semaphore, #tpu.memory_space<semaphore_mem>>) src(%arg20 : memref<128x16xf32, #tpu.memory_space<vmem>>) dst(%dma_wait3A_81 : memref<10000x16xf32, #tpu.memory_space<vmem_shared>>)
          tpu.yield
        }) : () -> ()
        "tpu.region"() ({
          %run_scoped3A = tpu.sem_alloc : memref<!tpu.dma_semaphore, #tpu.memory_space<semaphore_mem>>
          %dma_start3A_76 = arith.constant 0 : i32
          %dma_start3A_77 = arith.constant 0 : i32
          %dma_start3A_78 = tpu.memref_slice %arg22[%dma_start3A_76, %dma_start3A_77] : memref<10000x16xf32, #tpu.memory_space<vmem_shared>> -> memref<10000x16xf32, #tpu.memory_space<vmem_shared>>
          tpu.enqueue_indirect_dma source(%arg19 : memref<128x16xf32, #tpu.memory_space<vmem>>) target(%dma_start3A_78 : memref<10000x16xf32, #tpu.memory_space<vmem_shared>>) offsets(%arg16 : memref<128xi32, #tpu.memory_space<vmem>>) semaphore(%run_scoped3A : memref<!tpu.dma_semaphore, #tpu.memory_space<semaphore_mem>>) {add = true}
          %dma_wait3A_79 = arith.constant 0 : i32
          %dma_wait3A_80 = arith.constant 0 : i32
          %dma_wait3A_81 = tpu.memref_slice %arg22[%dma_wait3A_79, %dma_wait3A_80] : memref<10000x16xf32, #tpu.memory_space<vmem_shared>> -> memref<10000x16xf32, #tpu.memory_space<vmem_shared>>
          tpu.wait_indirect_dma semaphore(%run_scoped3A : memref<!tpu.dma_semaphore, #tpu.memory_space<semaphore_mem>>) src(%arg19 : memref<128x16xf32, #tpu.memory_space<vmem>>) dst(%dma_wait3A_81 : memref<10000x16xf32, #tpu.memory_space<vmem_shared>>)
          tpu.yield
        }) : () -> ()
        %scan3A_75 = arith.constant 0 : i32
        scf.yield %scan3A_75 : i32
      }
      %scan3A_41 = arith.constant 156 : i32
      %lt3A_42 = arith.constant 4 : i32
      %lt3A_43 = arith.cmpi slt, %arg1, %lt3A_42 : i32
      %convert_element_type3A_44 = arith.extui %lt3A_43 : i1 to i32
      %cond3A_45 = arith.constant 0 : i32
      %cond3A_46 = arith.cmpi ne, %convert_element_type3A_44, %cond3A_45 : i32
      scf.if %cond3A_46 {
        %add3A = arith.constant 2496 : i32
        %add3A_47 = arith.addi %add3A, %arg1 : i32
        %mul3A = arith.constant 128 : i32
        %mul3A_48 = arith.muli %add3A_47, %mul3A : i32
        "tpu.region"() ({
          %run_scoped3A = tpu.sem_alloc : memref<!tpu.dma_semaphore, #tpu.memory_space<semaphore_mem>>
          %dma_start3A_72 = tpu.memref_slice %arg7[%mul3A_48] : memref<320000xi32, #tpu.memory_space<hbm>> -> memref<128xi32, #tpu.memory_space<hbm>>
          %dma_start3A_73 = tpu.memref_slice %arg7[%mul3A_48] : memref<320000xi32, #tpu.memory_space<hbm>> -> memref<128xi32, #tpu.memory_space<hbm>>
          tpu.enqueue_dma source(%dma_start3A_73 : memref<128xi32, #tpu.memory_space<hbm>>) target(%arg15 : memref<128xi32, #tpu.memory_space<vmem>>) target_semaphore(%run_scoped3A : memref<!tpu.dma_semaphore, #tpu.memory_space<semaphore_mem>>)
          %dma_wait3A_74 = tpu.memref_slice %arg7[%mul3A_48] : memref<320000xi32, #tpu.memory_space<hbm>> -> memref<128xi32, #tpu.memory_space<hbm>>
          %dma_wait3A_75 = tpu.memref_slice %arg7[%mul3A_48] : memref<320000xi32, #tpu.memory_space<hbm>> -> memref<128xi32, #tpu.memory_space<hbm>>
          tpu.wait_dma2 semaphore(%run_scoped3A : memref<!tpu.dma_semaphore, #tpu.memory_space<semaphore_mem>>) src(%dma_wait3A_75 : memref<128xi32, #tpu.memory_space<hbm>>) dst(%arg15 : memref<128xi32, #tpu.memory_space<vmem>>)
          tpu.yield
        }) : () -> ()
        "tpu.region"() ({
          %run_scoped3A = tpu.sem_alloc : memref<!tpu.dma_semaphore, #tpu.memory_space<semaphore_mem>>
          %dma_start3A_72 = tpu.memref_slice %arg8[%mul3A_48] : memref<320000xi32, #tpu.memory_space<hbm>> -> memref<128xi32, #tpu.memory_space<hbm>>
          %dma_start3A_73 = tpu.memref_slice %arg8[%mul3A_48] : memref<320000xi32, #tpu.memory_space<hbm>> -> memref<128xi32, #tpu.memory_space<hbm>>
          tpu.enqueue_dma source(%dma_start3A_73 : memref<128xi32, #tpu.memory_space<hbm>>) target(%arg16 : memref<128xi32, #tpu.memory_space<vmem>>) target_semaphore(%run_scoped3A : memref<!tpu.dma_semaphore, #tpu.memory_space<semaphore_mem>>)
          %dma_wait3A_74 = tpu.memref_slice %arg8[%mul3A_48] : memref<320000xi32, #tpu.memory_space<hbm>> -> memref<128xi32, #tpu.memory_space<hbm>>
          %dma_wait3A_75 = tpu.memref_slice %arg8[%mul3A_48] : memref<320000xi32, #tpu.memory_space<hbm>> -> memref<128xi32, #tpu.memory_space<hbm>>
          tpu.wait_dma2 semaphore(%run_scoped3A : memref<!tpu.dma_semaphore, #tpu.memory_space<semaphore_mem>>) src(%dma_wait3A_75 : memref<128xi32, #tpu.memory_space<hbm>>) dst(%arg16 : memref<128xi32, #tpu.memory_space<vmem>>)
          tpu.yield
        }) : () -> ()
        %dma_start3A = arith.constant 0 : i32
        %dma_start3A_49 = arith.constant 0 : i32
        %dma_start3A_50 = tpu.memref_slice %arg4[%dma_start3A, %dma_start3A_49] : memref<10000x16xf32, #tpu.memory_space<hbm>> -> memref<10000x16xf32, #tpu.memory_space<hbm>>
        tpu.enqueue_indirect_dma source(%dma_start3A_50 : memref<10000x16xf32, #tpu.memory_space<hbm>>) target(%arg17 : memref<128x16xf32, #tpu.memory_space<vmem>>) offsets(%arg15 : memref<128xi32, #tpu.memory_space<vmem>>) semaphore(%arg23 : memref<!tpu.dma_semaphore, #tpu.memory_space<semaphore_mem>>)
        %dma_wait3A = arith.constant 0 : i32
        %dma_wait3A_51 = arith.constant 0 : i32
        %dma_wait3A_52 = tpu.memref_slice %arg4[%dma_wait3A, %dma_wait3A_51] : memref<10000x16xf32, #tpu.memory_space<hbm>> -> memref<10000x16xf32, #tpu.memory_space<hbm>>
        tpu.wait_indirect_dma semaphore(%arg23 : memref<!tpu.dma_semaphore, #tpu.memory_space<semaphore_mem>>) src(%dma_wait3A_52 : memref<10000x16xf32, #tpu.memory_space<hbm>>) dst(%arg17 : memref<128x16xf32, #tpu.memory_space<vmem>>)
        %dma_start3A_53 = arith.constant 0 : i32
        %dma_start3A_54 = arith.constant 0 : i32
        %dma_start3A_55 = tpu.memref_slice %arg5[%dma_start3A_53, %dma_start3A_54] : memref<10000x16xf32, #tpu.memory_space<hbm>> -> memref<10000x16xf32, #tpu.memory_space<hbm>>
        tpu.enqueue_indirect_dma source(%dma_start3A_55 : memref<10000x16xf32, #tpu.memory_space<hbm>>) target(%arg18 : memref<128x16xf32, #tpu.memory_space<vmem>>) offsets(%arg16 : memref<128xi32, #tpu.memory_space<vmem>>) semaphore(%arg23 : memref<!tpu.dma_semaphore, #tpu.memory_space<semaphore_mem>>)
        %dma_wait3A_56 = arith.constant 0 : i32
        %dma_wait3A_57 = arith.constant 0 : i32
        %dma_wait3A_58 = tpu.memref_slice %arg5[%dma_wait3A_56, %dma_wait3A_57] : memref<10000x16xf32, #tpu.memory_space<hbm>> -> memref<10000x16xf32, #tpu.memory_space<hbm>>
        tpu.wait_indirect_dma semaphore(%arg23 : memref<!tpu.dma_semaphore, #tpu.memory_space<semaphore_mem>>) src(%dma_wait3A_58 : memref<10000x16xf32, #tpu.memory_space<hbm>>) dst(%arg18 : memref<128x16xf32, #tpu.memory_space<vmem>>)
        %dma_start3A_59 = arith.constant 0 : i32
        %dma_start3A_60 = arith.constant 0 : i32
        %dma_start3A_61 = tpu.memref_slice %arg2[%dma_start3A_59, %dma_start3A_60] : memref<10000x16xf32, #tpu.memory_space<hbm>> -> memref<10000x16xf32, #tpu.memory_space<hbm>>
        tpu.enqueue_indirect_dma source(%dma_start3A_61 : memref<10000x16xf32, #tpu.memory_space<hbm>>) target(%arg20 : memref<128x16xf32, #tpu.memory_space<vmem>>) offsets(%arg15 : memref<128xi32, #tpu.memory_space<vmem>>) semaphore(%arg23 : memref<!tpu.dma_semaphore, #tpu.memory_space<semaphore_mem>>)
        %dma_wait3A_62 = arith.constant 0 : i32
        %dma_wait3A_63 = arith.constant 0 : i32
        %dma_wait3A_64 = tpu.memref_slice %arg2[%dma_wait3A_62, %dma_wait3A_63] : memref<10000x16xf32, #tpu.memory_space<hbm>> -> memref<10000x16xf32, #tpu.memory_space<hbm>>
        tpu.wait_indirect_dma semaphore(%arg23 : memref<!tpu.dma_semaphore, #tpu.memory_space<semaphore_mem>>) src(%dma_wait3A_64 : memref<10000x16xf32, #tpu.memory_space<hbm>>) dst(%arg20 : memref<128x16xf32, #tpu.memory_space<vmem>>)
        %scan3A_65 = arith.constant 0 : i32
        %scan3A_66 = arith.constant 0 : i32
        %scan3A_67 = arith.constant 128 : i32
        %scan3A_68 = arith.addi %scan3A_66, %scan3A_67 : i32
        %scan3A_69 = arith.constant 1 : i32
        %scan3A_70 = scf.for %scan3A_72 = %scan3A_66 to %scan3A_68 step %scan3A_69 iter_args(%scan3A_73 = %scan3A_65) -> (i32)  : i32 {
          %get3A_74 = arith.index_cast %scan3A_72 : i32 to index
          %get3A_75 = arith.constant 0 : index
          %get3A_76 = tpu.vector_load %arg17[%get3A_74, %get3A_75] {strides = array<i32>} : memref<128x16xf32, #tpu.memory_space<vmem>>, vector<1x16xf32>,
          %get3A_77 = vector.shape_cast %get3A_76 : vector<1x16xf32> to vector<16xf32>
          %get3A_78 = arith.index_cast %scan3A_72 : i32 to index
          %get3A_79 = arith.constant 0 : index
          %get3A_80 = tpu.vector_load %arg18[%get3A_78, %get3A_79] {strides = array<i32>} : memref<128x16xf32, #tpu.memory_space<vmem>>, vector<1x16xf32>,
          %get3A_81 = vector.shape_cast %get3A_80 : vector<1x16xf32> to vector<16xf32>
          %add3A_82 = arith.addf %get3A_77, %get3A_81 : vector<16xf32>
          %ge3A = arith.constant 0.000000e+00 : f32
          %ge3A_83 = vector.broadcast %ge3A : f32 to vector<16xf32>
          %ge3A_84 = arith.cmpf oge, %add3A_82, %ge3A_83 : vector<16xf32>
          %mul3A_85 = arith.constant 2.000000e-01 : f32
          %mul3A_86 = vector.broadcast %mul3A_85 : f32 to vector<16xf32>
          %mul3A_87 = arith.mulf %mul3A_86, %add3A_82 : vector<16xf32>
          %select_n3A = arith.select %ge3A_84, %add3A_82, %mul3A_87 : vector<16xi1>, vector<16xf32>
          %sub3A = arith.subf %select_n3A, %get3A_14 : vector<16xf32>
          %exp3A = math.exp %sub3A : vector<16xf32>
          %swap3A = arith.index_cast %scan3A_72 : i32 to index
          %swap3A_88 = arith.constant 0 : index
          %swap3A_89 = tpu.vector_load %arg19[%swap3A, %swap3A_88] {strides = array<i32>} : memref<128x16xf32, #tpu.memory_space<vmem>>, vector<1x16xf32>,
          %swap3A_90 = vector.shape_cast %swap3A_89 : vector<1x16xf32> to vector<16xf32>
          %swap3A_91 = vector.shape_cast %exp3A : vector<16xf32> to vector<1x16xf32>
          tpu.vector_store %arg19[%swap3A, %swap3A_88], %swap3A_91 {strides = array<i32>} : memref<128x16xf32, #tpu.memory_space<vmem>>, vector<1x16xf32>,
          %slice3A = vector.extract_strided_slice %exp3A {offsets = [0], sizes = [1], strides = [1]} : vector<16xf32> to vector<1xf32>
          %squeeze3A = vector.extract %slice3A[0] : f32 from vector<1xf32>
          %get3A_92 = arith.index_cast %scan3A_72 : i32 to index
          %get3A_93 = arith.constant 0 : index
          %get3A_94 = tpu.vector_load %arg20[%get3A_92, %get3A_93] {strides = array<i32>} : memref<128x16xf32, #tpu.memory_space<vmem>>, vector<1x16xf32>,
          %get3A_95 = vector.shape_cast %get3A_94 : vector<1x16xf32> to vector<16xf32>
          %mul3A_96 = vector.broadcast %squeeze3A : f32 to vector<16xf32>
          %mul3A_97 = arith.mulf %get3A_95, %mul3A_96 : vector<16xf32>
          %swap3A_98 = arith.index_cast %scan3A_72 : i32 to index
          %swap3A_99 = arith.constant 0 : index
          %swap3A_100 = tpu.vector_load %arg20[%swap3A_98, %swap3A_99] {strides = array<i32>} : memref<128x16xf32, #tpu.memory_space<vmem>>, vector<1x16xf32>,
          %swap3A_101 = vector.shape_cast %swap3A_100 : vector<1x16xf32> to vector<16xf32>
          %swap3A_102 = vector.shape_cast %mul3A_97 : vector<16xf32> to vector<1x16xf32>
          tpu.vector_store %arg20[%swap3A_98, %swap3A_99], %swap3A_102 {strides = array<i32>} : memref<128x16xf32, #tpu.memory_space<vmem>>, vector<1x16xf32>,
          %scan3A_103 = arith.constant 0 : i32
          scf.yield %scan3A_103 : i32
        }
        %scan3A_71 = arith.constant 128 : i32
        "tpu.region"() ({
          %run_scoped3A = tpu.sem_alloc : memref<!tpu.dma_semaphore, #tpu.memory_space<semaphore_mem>>
          %dma_start3A_72 = arith.constant 0 : i32
          %dma_start3A_73 = arith.constant 0 : i32
          %dma_start3A_74 = tpu.memref_slice %arg21[%dma_start3A_72, %dma_start3A_73] : memref<10000x16xf32, #tpu.memory_space<vmem_shared>> -> memref<10000x16xf32, #tpu.memory_space<vmem_shared>>
          tpu.enqueue_indirect_dma source(%arg20 : memref<128x16xf32, #tpu.memory_space<vmem>>) target(%dma_start3A_74 : memref<10000x16xf32, #tpu.memory_space<vmem_shared>>) offsets(%arg16 : memref<128xi32, #tpu.memory_space<vmem>>) semaphore(%run_scoped3A : memref<!tpu.dma_semaphore, #tpu.memory_space<semaphore_mem>>) {add = true}
          %dma_wait3A_75 = arith.constant 0 : i32
          %dma_wait3A_76 = arith.constant 0 : i32
          %dma_wait3A_77 = tpu.memref_slice %arg21[%dma_wait3A_75, %dma_wait3A_76] : memref<10000x16xf32, #tpu.memory_space<vmem_shared>> -> memref<10000x16xf32, #tpu.memory_space<vmem_shared>>
          tpu.wait_indirect_dma semaphore(%run_scoped3A : memref<!tpu.dma_semaphore, #tpu.memory_space<semaphore_mem>>) src(%arg20 : memref<128x16xf32, #tpu.memory_space<vmem>>) dst(%dma_wait3A_77 : memref<10000x16xf32, #tpu.memory_space<vmem_shared>>)
          tpu.yield
        }) : () -> ()
        "tpu.region"() ({
          %run_scoped3A = tpu.sem_alloc : memref<!tpu.dma_semaphore, #tpu.memory_space<semaphore_mem>>
          %dma_start3A_72 = arith.constant 0 : i32
          %dma_start3A_73 = arith.constant 0 : i32
          %dma_start3A_74 = tpu.memref_slice %arg22[%dma_start3A_72, %dma_start3A_73] : memref<10000x16xf32, #tpu.memory_space<vmem_shared>> -> memref<10000x16xf32, #tpu.memory_space<vmem_shared>>
          tpu.enqueue_indirect_dma source(%arg19 : memref<128x16xf32, #tpu.memory_space<vmem>>) target(%dma_start3A_74 : memref<10000x16xf32, #tpu.memory_space<vmem_shared>>) offsets(%arg16 : memref<128xi32, #tpu.memory_space<vmem>>) semaphore(%run_scoped3A : memref<!tpu.dma_semaphore, #tpu.memory_space<semaphore_mem>>) {add = true}
          %dma_wait3A_75 = arith.constant 0 : i32
          %dma_wait3A_76 = arith.constant 0 : i32
          %dma_wait3A_77 = tpu.memref_slice %arg22[%dma_wait3A_75, %dma_wait3A_76] : memref<10000x16xf32, #tpu.memory_space<vmem_shared>> -> memref<10000x16xf32, #tpu.memory_space<vmem_shared>>
          tpu.wait_indirect_dma semaphore(%run_scoped3A : memref<!tpu.dma_semaphore, #tpu.memory_space<semaphore_mem>>) src(%arg19 : memref<128x16xf32, #tpu.memory_space<vmem>>) dst(%dma_wait3A_77 : memref<10000x16xf32, #tpu.memory_space<vmem_shared>>)
          tpu.yield
        }) : () -> ()
      } else {
      }
    } else {
    }
    %eq3A_20 = arith.constant 1 : i32
    %eq3A_21 = arith.cmpi eq, %arg0, %eq3A_20 : i32
    %convert_element_type3A_22 = arith.extui %eq3A_21 : i1 to i32
    %cond3A_23 = arith.constant 0 : i32
    %cond3A_24 = arith.cmpi ne, %convert_element_type3A_22, %cond3A_23 : i32
    scf.if %cond3A_24 {
      %scan3A = arith.constant 0 : i32
      %scan3A_36 = arith.constant 0 : i32
      %scan3A_37 = arith.constant 156 : i32
      %scan3A_38 = arith.addi %scan3A_36, %scan3A_37 : i32
      %scan3A_39 = arith.constant 1 : i32
      %scan3A_40 = scf.for %scan3A_47 = %scan3A_36 to %scan3A_38 step %scan3A_39 iter_args(%scan3A_48 = %scan3A) -> (i32)  : i32 {
        %mul3A = arith.constant 16 : i32
        %mul3A_49 = arith.muli %scan3A_47, %mul3A : i32
        %add3A = arith.addi %mul3A_49, %arg1 : i32
        %mul3A_50 = arith.constant 128 : i32
        %mul3A_51 = arith.muli %add3A, %mul3A_50 : i32
        "tpu.region"() ({
          %run_scoped3A = tpu.sem_alloc : memref<!tpu.dma_semaphore, #tpu.memory_space<semaphore_mem>>
          %dma_start3A_76 = tpu.memref_slice %arg7[%mul3A_51] : memref<320000xi32, #tpu.memory_space<hbm>> -> memref<128xi32, #tpu.memory_space<hbm>>
          %dma_start3A_77 = tpu.memref_slice %arg7[%mul3A_51] : memref<320000xi32, #tpu.memory_space<hbm>> -> memref<128xi32, #tpu.memory_space<hbm>>
          tpu.enqueue_dma source(%dma_start3A_77 : memref<128xi32, #tpu.memory_space<hbm>>) target(%arg15 : memref<128xi32, #tpu.memory_space<vmem>>) target_semaphore(%run_scoped3A : memref<!tpu.dma_semaphore, #tpu.memory_space<semaphore_mem>>)
          %dma_wait3A_78 = tpu.memref_slice %arg7[%mul3A_51] : memref<320000xi32, #tpu.memory_space<hbm>> -> memref<128xi32, #tpu.memory_space<hbm>>
          %dma_wait3A_79 = tpu.memref_slice %arg7[%mul3A_51] : memref<320000xi32, #tpu.memory_space<hbm>> -> memref<128xi32, #tpu.memory_space<hbm>>
          tpu.wait_dma2 semaphore(%run_scoped3A : memref<!tpu.dma_semaphore, #tpu.memory_space<semaphore_mem>>) src(%dma_wait3A_79 : memref<128xi32, #tpu.memory_space<hbm>>) dst(%arg15 : memref<128xi32, #tpu.memory_space<vmem>>)
          tpu.yield
        }) : () -> ()
        "tpu.region"() ({
          %run_scoped3A = tpu.sem_alloc : memref<!tpu.dma_semaphore, #tpu.memory_space<semaphore_mem>>
          %dma_start3A_76 = tpu.memref_slice %arg8[%mul3A_51] : memref<320000xi32, #tpu.memory_space<hbm>> -> memref<128xi32, #tpu.memory_space<hbm>>
          %dma_start3A_77 = tpu.memref_slice %arg8[%mul3A_51] : memref<320000xi32, #tpu.memory_space<hbm>> -> memref<128xi32, #tpu.memory_space<hbm>>
          tpu.enqueue_dma source(%dma_start3A_77 : memref<128xi32, #tpu.memory_space<hbm>>) target(%arg16 : memref<128xi32, #tpu.memory_space<vmem>>) target_semaphore(%run_scoped3A : memref<!tpu.dma_semaphore, #tpu.memory_space<semaphore_mem>>)
          %dma_wait3A_78 = tpu.memref_slice %arg8[%mul3A_51] : memref<320000xi32, #tpu.memory_space<hbm>> -> memref<128xi32, #tpu.memory_space<hbm>>
          %dma_wait3A_79 = tpu.memref_slice %arg8[%mul3A_51] : memref<320000xi32, #tpu.memory_space<hbm>> -> memref<128xi32, #tpu.memory_space<hbm>>
          tpu.wait_dma2 semaphore(%run_scoped3A : memref<!tpu.dma_semaphore, #tpu.memory_space<semaphore_mem>>) src(%dma_wait3A_79 : memref<128xi32, #tpu.memory_space<hbm>>) dst(%arg16 : memref<128xi32, #tpu.memory_space<vmem>>)
          tpu.yield
        }) : () -> ()
        %dma_start3A = arith.constant 0 : i32
        %dma_start3A_52 = arith.constant 0 : i32
        %dma_start3A_53 = tpu.memref_slice %arg4[%dma_start3A, %dma_start3A_52] : memref<10000x16xf32, #tpu.memory_space<hbm>> -> memref<10000x16xf32, #tpu.memory_space<hbm>>
        tpu.enqueue_indirect_dma source(%dma_start3A_53 : memref<10000x16xf32, #tpu.memory_space<hbm>>) target(%arg17 : memref<128x16xf32, #tpu.memory_space<vmem>>) offsets(%arg15 : memref<128xi32, #tpu.memory_space<vmem>>) semaphore(%arg23 : memref<!tpu.dma_semaphore, #tpu.memory_space<semaphore_mem>>)
        %dma_wait3A = arith.constant 0 : i32
        %dma_wait3A_54 = arith.constant 0 : i32
        %dma_wait3A_55 = tpu.memref_slice %arg4[%dma_wait3A, %dma_wait3A_54] : memref<10000x16xf32, #tpu.memory_space<hbm>> -> memref<10000x16xf32, #tpu.memory_space<hbm>>
        tpu.wait_indirect_dma semaphore(%arg23 : memref<!tpu.dma_semaphore, #tpu.memory_space<semaphore_mem>>) src(%dma_wait3A_55 : memref<10000x16xf32, #tpu.memory_space<hbm>>) dst(%arg17 : memref<128x16xf32, #tpu.memory_space<vmem>>)
        %dma_start3A_56 = arith.constant 0 : i32
        %dma_start3A_57 = arith.constant 0 : i32
        %dma_start3A_58 = tpu.memref_slice %arg5[%dma_start3A_56, %dma_start3A_57] : memref<10000x16xf32, #tpu.memory_space<hbm>> -> memref<10000x16xf32, #tpu.memory_space<hbm>>
        tpu.enqueue_indirect_dma source(%dma_start3A_58 : memref<10000x16xf32, #tpu.memory_space<hbm>>) target(%arg18 : memref<128x16xf32, #tpu.memory_space<vmem>>) offsets(%arg16 : memref<128xi32, #tpu.memory_space<vmem>>) semaphore(%arg23 : memref<!tpu.dma_semaphore, #tpu.memory_space<semaphore_mem>>)
        %dma_wait3A_59 = arith.constant 0 : i32
        %dma_wait3A_60 = arith.constant 0 : i32
        %dma_wait3A_61 = tpu.memref_slice %arg5[%dma_wait3A_59, %dma_wait3A_60] : memref<10000x16xf32, #tpu.memory_space<hbm>> -> memref<10000x16xf32, #tpu.memory_space<hbm>>
        tpu.wait_indirect_dma semaphore(%arg23 : memref<!tpu.dma_semaphore, #tpu.memory_space<semaphore_mem>>) src(%dma_wait3A_61 : memref<10000x16xf32, #tpu.memory_space<hbm>>) dst(%arg18 : memref<128x16xf32, #tpu.memory_space<vmem>>)
        %dma_start3A_62 = arith.constant 0 : i32
        %dma_start3A_63 = arith.constant 0 : i32
        %dma_start3A_64 = tpu.memref_slice %arg3[%dma_start3A_62, %dma_start3A_63] : memref<10000x16xf32, #tpu.memory_space<hbm>> -> memref<10000x16xf32, #tpu.memory_space<hbm>>
        tpu.enqueue_indirect_dma source(%dma_start3A_64 : memref<10000x16xf32, #tpu.memory_space<hbm>>) target(%arg20 : memref<128x16xf32, #tpu.memory_space<vmem>>) offsets(%arg15 : memref<128xi32, #tpu.memory_space<vmem>>) semaphore(%arg23 : memref<!tpu.dma_semaphore, #tpu.memory_space<semaphore_mem>>)
        %dma_wait3A_65 = arith.constant 0 : i32
        %dma_wait3A_66 = arith.constant 0 : i32
        %dma_wait3A_67 = tpu.memref_slice %arg3[%dma_wait3A_65, %dma_wait3A_66] : memref<10000x16xf32, #tpu.memory_space<hbm>> -> memref<10000x16xf32, #tpu.memory_space<hbm>>
        tpu.wait_indirect_dma semaphore(%arg23 : memref<!tpu.dma_semaphore, #tpu.memory_space<semaphore_mem>>) src(%dma_wait3A_67 : memref<10000x16xf32, #tpu.memory_space<hbm>>) dst(%arg20 : memref<128x16xf32, #tpu.memory_space<vmem>>)
        %scan3A_68 = arith.constant 0 : i32
        %scan3A_69 = arith.constant 0 : i32
        %scan3A_70 = arith.constant 128 : i32
        %scan3A_71 = arith.addi %scan3A_69, %scan3A_70 : i32
        %scan3A_72 = arith.constant 1 : i32
        %scan3A_73 = scf.for %scan3A_76 = %scan3A_69 to %scan3A_71 step %scan3A_72 iter_args(%scan3A_77 = %scan3A_68) -> (i32)  : i32 {
          %get3A_78 = arith.index_cast %scan3A_76 : i32 to index
          %get3A_79 = arith.constant 0 : index
          %get3A_80 = tpu.vector_load %arg17[%get3A_78, %get3A_79] {strides = array<i32>} : memref<128x16xf32, #tpu.memory_space<vmem>>, vector<1x16xf32>,
          %get3A_81 = vector.shape_cast %get3A_80 : vector<1x16xf32> to vector<16xf32>
          %get3A_82 = arith.index_cast %scan3A_76 : i32 to index
          %get3A_83 = arith.constant 0 : index
          %get3A_84 = tpu.vector_load %arg18[%get3A_82, %get3A_83] {strides = array<i32>} : memref<128x16xf32, #tpu.memory_space<vmem>>, vector<1x16xf32>,
          %get3A_85 = vector.shape_cast %get3A_84 : vector<1x16xf32> to vector<16xf32>
          %add3A_86 = arith.addf %get3A_81, %get3A_85 : vector<16xf32>
          %ge3A = arith.constant 0.000000e+00 : f32
          %ge3A_87 = vector.broadcast %ge3A : f32 to vector<16xf32>
          %ge3A_88 = arith.cmpf oge, %add3A_86, %ge3A_87 : vector<16xf32>
          %mul3A_89 = arith.constant 2.000000e-01 : f32
          %mul3A_90 = vector.broadcast %mul3A_89 : f32 to vector<16xf32>
          %mul3A_91 = arith.mulf %mul3A_90, %add3A_86 : vector<16xf32>
          %select_n3A = arith.select %ge3A_88, %add3A_86, %mul3A_91 : vector<16xi1>, vector<16xf32>
          %sub3A = arith.subf %select_n3A, %get3A_14 : vector<16xf32>
          %exp3A = math.exp %sub3A : vector<16xf32>
          %slice3A = vector.extract_strided_slice %exp3A {offsets = [0], sizes = [1], strides = [1]} : vector<16xf32> to vector<1xf32>
          %squeeze3A = vector.extract %slice3A[0] : f32 from vector<1xf32>
          %get3A_92 = arith.index_cast %scan3A_76 : i32 to index
          %get3A_93 = arith.constant 0 : index
          %get3A_94 = tpu.vector_load %arg20[%get3A_92, %get3A_93] {strides = array<i32>} : memref<128x16xf32, #tpu.memory_space<vmem>>, vector<1x16xf32>,
          %get3A_95 = vector.shape_cast %get3A_94 : vector<1x16xf32> to vector<16xf32>
          %mul3A_96 = vector.broadcast %squeeze3A : f32 to vector<16xf32>
          %mul3A_97 = arith.mulf %get3A_95, %mul3A_96 : vector<16xf32>
          %swap3A = arith.index_cast %scan3A_76 : i32 to index
          %swap3A_98 = arith.constant 0 : index
          %swap3A_99 = tpu.vector_load %arg20[%swap3A, %swap3A_98] {strides = array<i32>} : memref<128x16xf32, #tpu.memory_space<vmem>>, vector<1x16xf32>,
          %swap3A_100 = vector.shape_cast %swap3A_99 : vector<1x16xf32> to vector<16xf32>
          %swap3A_101 = vector.shape_cast %mul3A_97 : vector<16xf32> to vector<1x16xf32>
          tpu.vector_store %arg20[%swap3A, %swap3A_98], %swap3A_101 {strides = array<i32>} : memref<128x16xf32, #tpu.memory_space<vmem>>, vector<1x16xf32>,
          %scan3A_102 = arith.constant 0 : i32
          scf.yield %scan3A_102 : i32
        }
        %scan3A_74 = arith.constant 128 : i32
        "tpu.region"() ({
          %run_scoped3A = tpu.sem_alloc : memref<!tpu.dma_semaphore, #tpu.memory_space<semaphore_mem>>
          %dma_start3A_76 = arith.constant 0 : i32
          %dma_start3A_77 = arith.constant 0 : i32
          %dma_start3A_78 = tpu.memref_slice %arg21[%dma_start3A_76, %dma_start3A_77] : memref<10000x16xf32, #tpu.memory_space<vmem_shared>> -> memref<10000x16xf32, #tpu.memory_space<vmem_shared>>
          tpu.enqueue_indirect_dma source(%arg20 : memref<128x16xf32, #tpu.memory_space<vmem>>) target(%dma_start3A_78 : memref<10000x16xf32, #tpu.memory_space<vmem_shared>>) offsets(%arg16 : memref<128xi32, #tpu.memory_space<vmem>>) semaphore(%run_scoped3A : memref<!tpu.dma_semaphore, #tpu.memory_space<semaphore_mem>>) {add = true}
          %dma_wait3A_79 = arith.constant 0 : i32
          %dma_wait3A_80 = arith.constant 0 : i32
          %dma_wait3A_81 = tpu.memref_slice %arg21[%dma_wait3A_79, %dma_wait3A_80] : memref<10000x16xf32, #tpu.memory_space<vmem_shared>> -> memref<10000x16xf32, #tpu.memory_space<vmem_shared>>
          tpu.wait_indirect_dma semaphore(%run_scoped3A : memref<!tpu.dma_semaphore, #tpu.memory_space<semaphore_mem>>) src(%arg20 : memref<128x16xf32, #tpu.memory_space<vmem>>) dst(%dma_wait3A_81 : memref<10000x16xf32, #tpu.memory_space<vmem_shared>>)
          tpu.yield
        }) : () -> ()
        %scan3A_75 = arith.constant 0 : i32
        scf.yield %scan3A_75 : i32
      }
      %scan3A_41 = arith.constant 156 : i32
      %lt3A_42 = arith.constant 4 : i32
      %lt3A_43 = arith.cmpi slt, %arg1, %lt3A_42 : i32
      %convert_element_type3A_44 = arith.extui %lt3A_43 : i1 to i32
      %cond3A_45 = arith.constant 0 : i32
      %cond3A_46 = arith.cmpi ne, %convert_element_type3A_44, %cond3A_45 : i32
      scf.if %cond3A_46 {
        %add3A = arith.constant 2496 : i32
        %add3A_47 = arith.addi %add3A, %arg1 : i32
        %mul3A = arith.constant 128 : i32
        %mul3A_48 = arith.muli %add3A_47, %mul3A : i32
        "tpu.region"() ({
          %run_scoped3A = tpu.sem_alloc : memref<!tpu.dma_semaphore, #tpu.memory_space<semaphore_mem>>
          %dma_start3A_72 = tpu.memref_slice %arg7[%mul3A_48] : memref<320000xi32, #tpu.memory_space<hbm>> -> memref<128xi32, #tpu.memory_space<hbm>>
          %dma_start3A_73 = tpu.memref_slice %arg7[%mul3A_48] : memref<320000xi32, #tpu.memory_space<hbm>> -> memref<128xi32, #tpu.memory_space<hbm>>
          tpu.enqueue_dma source(%dma_start3A_73 : memref<128xi32, #tpu.memory_space<hbm>>) target(%arg15 : memref<128xi32, #tpu.memory_space<vmem>>) target_semaphore(%run_scoped3A : memref<!tpu.dma_semaphore, #tpu.memory_space<semaphore_mem>>)
          %dma_wait3A_74 = tpu.memref_slice %arg7[%mul3A_48] : memref<320000xi32, #tpu.memory_space<hbm>> -> memref<128xi32, #tpu.memory_space<hbm>>
          %dma_wait3A_75 = tpu.memref_slice %arg7[%mul3A_48] : memref<320000xi32, #tpu.memory_space<hbm>> -> memref<128xi32, #tpu.memory_space<hbm>>
          tpu.wait_dma2 semaphore(%run_scoped3A : memref<!tpu.dma_semaphore, #tpu.memory_space<semaphore_mem>>) src(%dma_wait3A_75 : memref<128xi32, #tpu.memory_space<hbm>>) dst(%arg15 : memref<128xi32, #tpu.memory_space<vmem>>)
          tpu.yield
        }) : () -> ()
        "tpu.region"() ({
          %run_scoped3A = tpu.sem_alloc : memref<!tpu.dma_semaphore, #tpu.memory_space<semaphore_mem>>
          %dma_start3A_72 = tpu.memref_slice %arg8[%mul3A_48] : memref<320000xi32, #tpu.memory_space<hbm>> -> memref<128xi32, #tpu.memory_space<hbm>>
          %dma_start3A_73 = tpu.memref_slice %arg8[%mul3A_48] : memref<320000xi32, #tpu.memory_space<hbm>> -> memref<128xi32, #tpu.memory_space<hbm>>
          tpu.enqueue_dma source(%dma_start3A_73 : memref<128xi32, #tpu.memory_space<hbm>>) target(%arg16 : memref<128xi32, #tpu.memory_space<vmem>>) target_semaphore(%run_scoped3A : memref<!tpu.dma_semaphore, #tpu.memory_space<semaphore_mem>>)
          %dma_wait3A_74 = tpu.memref_slice %arg8[%mul3A_48] : memref<320000xi32, #tpu.memory_space<hbm>> -> memref<128xi32, #tpu.memory_space<hbm>>
          %dma_wait3A_75 = tpu.memref_slice %arg8[%mul3A_48] : memref<320000xi32, #tpu.memory_space<hbm>> -> memref<128xi32, #tpu.memory_space<hbm>>
          tpu.wait_dma2 semaphore(%run_scoped3A : memref<!tpu.dma_semaphore, #tpu.memory_space<semaphore_mem>>) src(%dma_wait3A_75 : memref<128xi32, #tpu.memory_space<hbm>>) dst(%arg16 : memref<128xi32, #tpu.memory_space<vmem>>)
          tpu.yield
        }) : () -> ()
        %dma_start3A = arith.constant 0 : i32
        %dma_start3A_49 = arith.constant 0 : i32
        %dma_start3A_50 = tpu.memref_slice %arg4[%dma_start3A, %dma_start3A_49] : memref<10000x16xf32, #tpu.memory_space<hbm>> -> memref<10000x16xf32, #tpu.memory_space<hbm>>
        tpu.enqueue_indirect_dma source(%dma_start3A_50 : memref<10000x16xf32, #tpu.memory_space<hbm>>) target(%arg17 : memref<128x16xf32, #tpu.memory_space<vmem>>) offsets(%arg15 : memref<128xi32, #tpu.memory_space<vmem>>) semaphore(%arg23 : memref<!tpu.dma_semaphore, #tpu.memory_space<semaphore_mem>>)
        %dma_wait3A = arith.constant 0 : i32
        %dma_wait3A_51 = arith.constant 0 : i32
        %dma_wait3A_52 = tpu.memref_slice %arg4[%dma_wait3A, %dma_wait3A_51] : memref<10000x16xf32, #tpu.memory_space<hbm>> -> memref<10000x16xf32, #tpu.memory_space<hbm>>
        tpu.wait_indirect_dma semaphore(%arg23 : memref<!tpu.dma_semaphore, #tpu.memory_space<semaphore_mem>>) src(%dma_wait3A_52 : memref<10000x16xf32, #tpu.memory_space<hbm>>) dst(%arg17 : memref<128x16xf32, #tpu.memory_space<vmem>>)
        %dma_start3A_53 = arith.constant 0 : i32
        %dma_start3A_54 = arith.constant 0 : i32
        %dma_start3A_55 = tpu.memref_slice %arg5[%dma_start3A_53, %dma_start3A_54] : memref<10000x16xf32, #tpu.memory_space<hbm>> -> memref<10000x16xf32, #tpu.memory_space<hbm>>
        tpu.enqueue_indirect_dma source(%dma_start3A_55 : memref<10000x16xf32, #tpu.memory_space<hbm>>) target(%arg18 : memref<128x16xf32, #tpu.memory_space<vmem>>) offsets(%arg16 : memref<128xi32, #tpu.memory_space<vmem>>) semaphore(%arg23 : memref<!tpu.dma_semaphore, #tpu.memory_space<semaphore_mem>>)
        %dma_wait3A_56 = arith.constant 0 : i32
        %dma_wait3A_57 = arith.constant 0 : i32
        %dma_wait3A_58 = tpu.memref_slice %arg5[%dma_wait3A_56, %dma_wait3A_57] : memref<10000x16xf32, #tpu.memory_space<hbm>> -> memref<10000x16xf32, #tpu.memory_space<hbm>>
        tpu.wait_indirect_dma semaphore(%arg23 : memref<!tpu.dma_semaphore, #tpu.memory_space<semaphore_mem>>) src(%dma_wait3A_58 : memref<10000x16xf32, #tpu.memory_space<hbm>>) dst(%arg18 : memref<128x16xf32, #tpu.memory_space<vmem>>)
        %dma_start3A_59 = arith.constant 0 : i32
        %dma_start3A_60 = arith.constant 0 : i32
        %dma_start3A_61 = tpu.memref_slice %arg3[%dma_start3A_59, %dma_start3A_60] : memref<10000x16xf32, #tpu.memory_space<hbm>> -> memref<10000x16xf32, #tpu.memory_space<hbm>>
        tpu.enqueue_indirect_dma source(%dma_start3A_61 : memref<10000x16xf32, #tpu.memory_space<hbm>>) target(%arg20 : memref<128x16xf32, #tpu.memory_space<vmem>>) offsets(%arg15 : memref<128xi32, #tpu.memory_space<vmem>>) semaphore(%arg23 : memref<!tpu.dma_semaphore, #tpu.memory_space<semaphore_mem>>)
        %dma_wait3A_62 = arith.constant 0 : i32
        %dma_wait3A_63 = arith.constant 0 : i32
        %dma_wait3A_64 = tpu.memref_slice %arg3[%dma_wait3A_62, %dma_wait3A_63] : memref<10000x16xf32, #tpu.memory_space<hbm>> -> memref<10000x16xf32, #tpu.memory_space<hbm>>
        tpu.wait_indirect_dma semaphore(%arg23 : memref<!tpu.dma_semaphore, #tpu.memory_space<semaphore_mem>>) src(%dma_wait3A_64 : memref<10000x16xf32, #tpu.memory_space<hbm>>) dst(%arg20 : memref<128x16xf32, #tpu.memory_space<vmem>>)
        %scan3A_65 = arith.constant 0 : i32
        %scan3A_66 = arith.constant 0 : i32
        %scan3A_67 = arith.constant 128 : i32
        %scan3A_68 = arith.addi %scan3A_66, %scan3A_67 : i32
        %scan3A_69 = arith.constant 1 : i32
        %scan3A_70 = scf.for %scan3A_72 = %scan3A_66 to %scan3A_68 step %scan3A_69 iter_args(%scan3A_73 = %scan3A_65) -> (i32)  : i32 {
          %get3A_74 = arith.index_cast %scan3A_72 : i32 to index
          %get3A_75 = arith.constant 0 : index
          %get3A_76 = tpu.vector_load %arg17[%get3A_74, %get3A_75] {strides = array<i32>} : memref<128x16xf32, #tpu.memory_space<vmem>>, vector<1x16xf32>,
          %get3A_77 = vector.shape_cast %get3A_76 : vector<1x16xf32> to vector<16xf32>
          %get3A_78 = arith.index_cast %scan3A_72 : i32 to index
          %get3A_79 = arith.constant 0 : index
          %get3A_80 = tpu.vector_load %arg18[%get3A_78, %get3A_79] {strides = array<i32>} : memref<128x16xf32, #tpu.memory_space<vmem>>, vector<1x16xf32>,
          %get3A_81 = vector.shape_cast %get3A_80 : vector<1x16xf32> to vector<16xf32>
          %add3A_82 = arith.addf %get3A_77, %get3A_81 : vector<16xf32>
          %ge3A = arith.constant 0.000000e+00 : f32
          %ge3A_83 = vector.broadcast %ge3A : f32 to vector<16xf32>
          %ge3A_84 = arith.cmpf oge, %add3A_82, %ge3A_83 : vector<16xf32>
          %mul3A_85 = arith.constant 2.000000e-01 : f32
          %mul3A_86 = vector.broadcast %mul3A_85 : f32 to vector<16xf32>
          %mul3A_87 = arith.mulf %mul3A_86, %add3A_82 : vector<16xf32>
          %select_n3A = arith.select %ge3A_84, %add3A_82, %mul3A_87 : vector<16xi1>, vector<16xf32>
          %sub3A = arith.subf %select_n3A, %get3A_14 : vector<16xf32>
          %exp3A = math.exp %sub3A : vector<16xf32>
          %slice3A = vector.extract_strided_slice %exp3A {offsets = [0], sizes = [1], strides = [1]} : vector<16xf32> to vector<1xf32>
          %squeeze3A = vector.extract %slice3A[0] : f32 from vector<1xf32>
          %get3A_88 = arith.index_cast %scan3A_72 : i32 to index
          %get3A_89 = arith.constant 0 : index
          %get3A_90 = tpu.vector_load %arg20[%get3A_88, %get3A_89] {strides = array<i32>} : memref<128x16xf32, #tpu.memory_space<vmem>>, vector<1x16xf32>,
          %get3A_91 = vector.shape_cast %get3A_90 : vector<1x16xf32> to vector<16xf32>
          %mul3A_92 = vector.broadcast %squeeze3A : f32 to vector<16xf32>
          %mul3A_93 = arith.mulf %get3A_91, %mul3A_92 : vector<16xf32>
          %swap3A = arith.index_cast %scan3A_72 : i32 to index
          %swap3A_94 = arith.constant 0 : index
          %swap3A_95 = tpu.vector_load %arg20[%swap3A, %swap3A_94] {strides = array<i32>} : memref<128x16xf32, #tpu.memory_space<vmem>>, vector<1x16xf32>,
          %swap3A_96 = vector.shape_cast %swap3A_95 : vector<1x16xf32> to vector<16xf32>
          %swap3A_97 = vector.shape_cast %mul3A_93 : vector<16xf32> to vector<1x16xf32>
          tpu.vector_store %arg20[%swap3A, %swap3A_94], %swap3A_97 {strides = array<i32>} : memref<128x16xf32, #tpu.memory_space<vmem>>, vector<1x16xf32>,
          %scan3A_98 = arith.constant 0 : i32
          scf.yield %scan3A_98 : i32
        }
        %scan3A_71 = arith.constant 128 : i32
        "tpu.region"() ({
          %run_scoped3A = tpu.sem_alloc : memref<!tpu.dma_semaphore, #tpu.memory_space<semaphore_mem>>
          %dma_start3A_72 = arith.constant 0 : i32
          %dma_start3A_73 = arith.constant 0 : i32
          %dma_start3A_74 = tpu.memref_slice %arg21[%dma_start3A_72, %dma_start3A_73] : memref<10000x16xf32, #tpu.memory_space<vmem_shared>> -> memref<10000x16xf32, #tpu.memory_space<vmem_shared>>
          tpu.enqueue_indirect_dma source(%arg20 : memref<128x16xf32, #tpu.memory_space<vmem>>) target(%dma_start3A_74 : memref<10000x16xf32, #tpu.memory_space<vmem_shared>>) offsets(%arg16 : memref<128xi32, #tpu.memory_space<vmem>>) semaphore(%run_scoped3A : memref<!tpu.dma_semaphore, #tpu.memory_space<semaphore_mem>>) {add = true}
          %dma_wait3A_75 = arith.constant 0 : i32
          %dma_wait3A_76 = arith.constant 0 : i32
          %dma_wait3A_77 = tpu.memref_slice %arg21[%dma_wait3A_75, %dma_wait3A_76] : memref<10000x16xf32, #tpu.memory_space<vmem_shared>> -> memref<10000x16xf32, #tpu.memory_space<vmem_shared>>
          tpu.wait_indirect_dma semaphore(%run_scoped3A : memref<!tpu.dma_semaphore, #tpu.memory_space<semaphore_mem>>) src(%arg20 : memref<128x16xf32, #tpu.memory_space<vmem>>) dst(%dma_wait3A_77 : memref<10000x16xf32, #tpu.memory_space<vmem_shared>>)
          tpu.yield
        }) : () -> ()
      } else {
      }
    } else {
    }
    %barrier3A_25 = arith.constant 0 : index
    tpu.barrier barrier_id(%barrier3A_25)
    %eq3A_26 = arith.constant 0 : i32
    %eq3A_27 = arith.cmpi eq, %arg0, %eq3A_26 : i32
    %convert_element_type3A_28 = arith.extui %eq3A_27 : i1 to i32
    %cond3A_29 = arith.constant 0 : i32
    %cond3A_30 = arith.cmpi ne, %convert_element_type3A_28, %cond3A_29 : i32
    scf.if %cond3A_30 {
      %lt3A_36 = arith.constant 15 : i32
      %lt3A_37 = arith.cmpi slt, %arg1, %lt3A_36 : i32
      %convert_element_type3A_38 = arith.extui %lt3A_37 : i1 to i32
      %cond3A_39 = arith.constant 0 : i32
      %cond3A_40 = arith.cmpi ne, %convert_element_type3A_38, %cond3A_39 : i32
      scf.if %cond3A_40 {
        %mul3A = arith.constant 624 : i32
        %mul3A_56 = arith.muli %arg1, %mul3A : i32
        "tpu.region"() ({
          %run_scoped3A = tpu.sem_alloc : memref<!tpu.dma_semaphore, #tpu.memory_space<semaphore_mem>>
          %dma_start3A = arith.constant 0 : i32
          %dma_start3A_57 = tpu.memref_slice %arg11[%mul3A_56, %dma_start3A] : memref<10000x16xf32, #tpu.memory_space<hbm>> -> memref<624x16xf32, #tpu.memory_space<hbm>>
          %dma_start3A_58 = arith.constant 0 : i32
          %dma_start3A_59 = tpu.memref_slice %arg21[%mul3A_56, %dma_start3A_58] : memref<10000x16xf32, #tpu.memory_space<vmem_shared>> -> memref<624x16xf32, #tpu.memory_space<vmem_shared>>
          tpu.enqueue_dma source(%dma_start3A_59 : memref<624x16xf32, #tpu.memory_space<vmem_shared>>) target(%dma_start3A_57 : memref<624x16xf32, #tpu.memory_space<hbm>>) target_semaphore(%run_scoped3A : memref<!tpu.dma_semaphore, #tpu.memory_space<semaphore_mem>>)
          %dma_wait3A = arith.constant 0 : i32
          %dma_wait3A_60 = tpu.memref_slice %arg11[%mul3A_56, %dma_wait3A] : memref<10000x16xf32, #tpu.memory_space<hbm>> -> memref<624x16xf32, #tpu.memory_space<hbm>>
          %dma_wait3A_61 = arith.constant 0 : i32
          %dma_wait3A_62 = tpu.memref_slice %arg21[%mul3A_56, %dma_wait3A_61] : memref<10000x16xf32, #tpu.memory_space<vmem_shared>> -> memref<624x16xf32, #tpu.memory_space<vmem_shared>>
          tpu.wait_dma2 semaphore(%run_scoped3A : memref<!tpu.dma_semaphore, #tpu.memory_space<semaphore_mem>>) src(%dma_wait3A_62 : memref<624x16xf32, #tpu.memory_space<vmem_shared>>) dst(%dma_wait3A_60 : memref<624x16xf32, #tpu.memory_space<hbm>>)
          tpu.yield
        }) : () -> ()
      } else {
      }
      %eq3A_41 = arith.constant 15 : i32
      %eq3A_42 = arith.cmpi eq, %arg1, %eq3A_41 : i32
      %convert_element_type3A_43 = arith.extui %eq3A_42 : i1 to i32
      %cond3A_44 = arith.constant 0 : i32
      %cond3A_45 = arith.cmpi ne, %convert_element_type3A_43, %cond3A_44 : i32
      scf.if %cond3A_45 {
        "tpu.region"() ({
          %run_scoped3A = tpu.sem_alloc : memref<!tpu.dma_semaphore, #tpu.memory_space<semaphore_mem>>
          %dma_start3A = arith.constant 9360 : i32
          %dma_start3A_56 = arith.constant 0 : i32
          %dma_start3A_57 = tpu.memref_slice %arg11[%dma_start3A, %dma_start3A_56] : memref<10000x16xf32, #tpu.memory_space<hbm>> -> memref<640x16xf32, #tpu.memory_space<hbm>>
          %dma_start3A_58 = arith.constant 9360 : i32
          %dma_start3A_59 = arith.constant 0 : i32
          %dma_start3A_60 = tpu.memref_slice %arg21[%dma_start3A_58, %dma_start3A_59] : memref<10000x16xf32, #tpu.memory_space<vmem_shared>> -> memref<640x16xf32, #tpu.memory_space<vmem_shared>>
          tpu.enqueue_dma source(%dma_start3A_60 : memref<640x16xf32, #tpu.memory_space<vmem_shared>>) target(%dma_start3A_57 : memref<640x16xf32, #tpu.memory_space<hbm>>) target_semaphore(%run_scoped3A : memref<!tpu.dma_semaphore, #tpu.memory_space<semaphore_mem>>)
          %dma_wait3A = arith.constant 9360 : i32
          %dma_wait3A_61 = arith.constant 0 : i32
          %dma_wait3A_62 = tpu.memref_slice %arg11[%dma_wait3A, %dma_wait3A_61] : memref<10000x16xf32, #tpu.memory_space<hbm>> -> memref<640x16xf32, #tpu.memory_space<hbm>>
          %dma_wait3A_63 = arith.constant 9360 : i32
          %dma_wait3A_64 = arith.constant 0 : i32
          %dma_wait3A_65 = tpu.memref_slice %arg21[%dma_wait3A_63, %dma_wait3A_64] : memref<10000x16xf32, #tpu.memory_space<vmem_shared>> -> memref<640x16xf32, #tpu.memory_space<vmem_shared>>
          tpu.wait_dma2 semaphore(%run_scoped3A : memref<!tpu.dma_semaphore, #tpu.memory_space<semaphore_mem>>) src(%dma_wait3A_65 : memref<640x16xf32, #tpu.memory_space<vmem_shared>>) dst(%dma_wait3A_62 : memref<640x16xf32, #tpu.memory_space<hbm>>)
          tpu.yield
        }) : () -> ()
      } else {
      }
      %lt3A_46 = arith.constant 15 : i32
      %lt3A_47 = arith.cmpi slt, %arg1, %lt3A_46 : i32
      %convert_element_type3A_48 = arith.extui %lt3A_47 : i1 to i32
      %cond3A_49 = arith.constant 0 : i32
      %cond3A_50 = arith.cmpi ne, %convert_element_type3A_48, %cond3A_49 : i32
      scf.if %cond3A_50 {
        %mul3A = arith.constant 624 : i32
        %mul3A_56 = arith.muli %arg1, %mul3A : i32
        "tpu.region"() ({
          %run_scoped3A = tpu.sem_alloc : memref<!tpu.dma_semaphore, #tpu.memory_space<semaphore_mem>>
          %dma_start3A = arith.constant 0 : i32
          %dma_start3A_57 = tpu.memref_slice %arg13[%mul3A_56, %dma_start3A] : memref<10000x16xf32, #tpu.memory_space<hbm>> -> memref<624x16xf32, #tpu.memory_space<hbm>>
          %dma_start3A_58 = arith.constant 0 : i32
          %dma_start3A_59 = tpu.memref_slice %arg22[%mul3A_56, %dma_start3A_58] : memref<10000x16xf32, #tpu.memory_space<vmem_shared>> -> memref<624x16xf32, #tpu.memory_space<vmem_shared>>
          tpu.enqueue_dma source(%dma_start3A_59 : memref<624x16xf32, #tpu.memory_space<vmem_shared>>) target(%dma_start3A_57 : memref<624x16xf32, #tpu.memory_space<hbm>>) target_semaphore(%run_scoped3A : memref<!tpu.dma_semaphore, #tpu.memory_space<semaphore_mem>>)
          %dma_wait3A = arith.constant 0 : i32
          %dma_wait3A_60 = tpu.memref_slice %arg13[%mul3A_56, %dma_wait3A] : memref<10000x16xf32, #tpu.memory_space<hbm>> -> memref<624x16xf32, #tpu.memory_space<hbm>>
          %dma_wait3A_61 = arith.constant 0 : i32
          %dma_wait3A_62 = tpu.memref_slice %arg22[%mul3A_56, %dma_wait3A_61] : memref<10000x16xf32, #tpu.memory_space<vmem_shared>> -> memref<624x16xf32, #tpu.memory_space<vmem_shared>>
          tpu.wait_dma2 semaphore(%run_scoped3A : memref<!tpu.dma_semaphore, #tpu.memory_space<semaphore_mem>>) src(%dma_wait3A_62 : memref<624x16xf32, #tpu.memory_space<vmem_shared>>) dst(%dma_wait3A_60 : memref<624x16xf32, #tpu.memory_space<hbm>>)
          tpu.yield
        }) : () -> ()
      } else {
      }
      %eq3A_51 = arith.constant 15 : i32
      %eq3A_52 = arith.cmpi eq, %arg1, %eq3A_51 : i32
      %convert_element_type3A_53 = arith.extui %eq3A_52 : i1 to i32
      %cond3A_54 = arith.constant 0 : i32
      %cond3A_55 = arith.cmpi ne, %convert_element_type3A_53, %cond3A_54 : i32
      scf.if %cond3A_55 {
        "tpu.region"() ({
          %run_scoped3A = tpu.sem_alloc : memref<!tpu.dma_semaphore, #tpu.memory_space<semaphore_mem>>
          %dma_start3A = arith.constant 9360 : i32
          %dma_start3A_56 = arith.constant 0 : i32
          %dma_start3A_57 = tpu.memref_slice %arg13[%dma_start3A, %dma_start3A_56] : memref<10000x16xf32, #tpu.memory_space<hbm>> -> memref<640x16xf32, #tpu.memory_space<hbm>>
          %dma_start3A_58 = arith.constant 9360 : i32
          %dma_start3A_59 = arith.constant 0 : i32
          %dma_start3A_60 = tpu.memref_slice %arg22[%dma_start3A_58, %dma_start3A_59] : memref<10000x16xf32, #tpu.memory_space<vmem_shared>> -> memref<640x16xf32, #tpu.memory_space<vmem_shared>>
          tpu.enqueue_dma source(%dma_start3A_60 : memref<640x16xf32, #tpu.memory_space<vmem_shared>>) target(%dma_start3A_57 : memref<640x16xf32, #tpu.memory_space<hbm>>) target_semaphore(%run_scoped3A : memref<!tpu.dma_semaphore, #tpu.memory_space<semaphore_mem>>)
          %dma_wait3A = arith.constant 9360 : i32
          %dma_wait3A_61 = arith.constant 0 : i32
          %dma_wait3A_62 = tpu.memref_slice %arg13[%dma_wait3A, %dma_wait3A_61] : memref<10000x16xf32, #tpu.memory_space<hbm>> -> memref<640x16xf32, #tpu.memory_space<hbm>>
          %dma_wait3A_63 = arith.constant 9360 : i32
          %dma_wait3A_64 = arith.constant 0 : i32
          %dma_wait3A_65 = tpu.memref_slice %arg22[%dma_wait3A_63, %dma_wait3A_64] : memref<10000x16xf32, #tpu.memory_space<vmem_shared>> -> memref<640x16xf32, #tpu.memory_space<vmem_shared>>
          tpu.wait_dma2 semaphore(%run_scoped3A : memref<!tpu.dma_semaphore, #tpu.memory_space<semaphore_mem>>) src(%dma_wait3A_65 : memref<640x16xf32, #tpu.memory_space<vmem_shared>>) dst(%dma_wait3A_62 : memref<640x16xf32, #tpu.memory_space<hbm>>)
          tpu.yield
        }) : () -> ()
      } else {
      }
    } else {
    }
    %eq3A_31 = arith.constant 1 : i32
    %eq3A_32 = arith.cmpi eq, %arg0, %eq3A_31 : i32
    %convert_element_type3A_33 = arith.extui %eq3A_32 : i1 to i32
    %cond3A_34 = arith.constant 0 : i32
    %cond3A_35 = arith.cmpi ne, %convert_element_type3A_33, %cond3A_34 : i32
    scf.if %cond3A_35 {
      %lt3A_36 = arith.constant 15 : i32
      %lt3A_37 = arith.cmpi slt, %arg1, %lt3A_36 : i32
      %convert_element_type3A_38 = arith.extui %lt3A_37 : i1 to i32
      %cond3A_39 = arith.constant 0 : i32
      %cond3A_40 = arith.cmpi ne, %convert_element_type3A_38, %cond3A_39 : i32
      scf.if %cond3A_40 {
        %mul3A = arith.constant 624 : i32
        %mul3A_46 = arith.muli %arg1, %mul3A : i32
        "tpu.region"() ({
          %run_scoped3A = tpu.sem_alloc : memref<!tpu.dma_semaphore, #tpu.memory_space<semaphore_mem>>
          %dma_start3A = arith.constant 0 : i32
          %dma_start3A_47 = tpu.memref_slice %arg12[%mul3A_46, %dma_start3A] : memref<10000x16xf32, #tpu.memory_space<hbm>> -> memref<624x16xf32, #tpu.memory_space<hbm>>
          %dma_start3A_48 = arith.constant 0 : i32
          %dma_start3A_49 = tpu.memref_slice %arg21[%mul3A_46, %dma_start3A_48] : memref<10000x16xf32, #tpu.memory_space<vmem_shared>> -> memref<624x16xf32, #tpu.memory_space<vmem_shared>>
          tpu.enqueue_dma source(%dma_start3A_49 : memref<624x16xf32, #tpu.memory_space<vmem_shared>>) target(%dma_start3A_47 : memref<624x16xf32, #tpu.memory_space<hbm>>) target_semaphore(%run_scoped3A : memref<!tpu.dma_semaphore, #tpu.memory_space<semaphore_mem>>)
          %dma_wait3A = arith.constant 0 : i32
          %dma_wait3A_50 = tpu.memref_slice %arg12[%mul3A_46, %dma_wait3A] : memref<10000x16xf32, #tpu.memory_space<hbm>> -> memref<624x16xf32, #tpu.memory_space<hbm>>
          %dma_wait3A_51 = arith.constant 0 : i32
          %dma_wait3A_52 = tpu.memref_slice %arg21[%mul3A_46, %dma_wait3A_51] : memref<10000x16xf32, #tpu.memory_space<vmem_shared>> -> memref<624x16xf32, #tpu.memory_space<vmem_shared>>
          tpu.wait_dma2 semaphore(%run_scoped3A : memref<!tpu.dma_semaphore, #tpu.memory_space<semaphore_mem>>) src(%dma_wait3A_52 : memref<624x16xf32, #tpu.memory_space<vmem_shared>>) dst(%dma_wait3A_50 : memref<624x16xf32, #tpu.memory_space<hbm>>)
          tpu.yield
        }) : () -> ()
      } else {
      }
      %eq3A_41 = arith.constant 15 : i32
      %eq3A_42 = arith.cmpi eq, %arg1, %eq3A_41 : i32
      %convert_element_type3A_43 = arith.extui %eq3A_42 : i1 to i32
      %cond3A_44 = arith.constant 0 : i32
      %cond3A_45 = arith.cmpi ne, %convert_element_type3A_43, %cond3A_44 : i32
      scf.if %cond3A_45 {
        "tpu.region"() ({
          %run_scoped3A = tpu.sem_alloc : memref<!tpu.dma_semaphore, #tpu.memory_space<semaphore_mem>>
          %dma_start3A = arith.constant 9360 : i32
          %dma_start3A_46 = arith.constant 0 : i32
          %dma_start3A_47 = tpu.memref_slice %arg12[%dma_start3A, %dma_start3A_46] : memref<10000x16xf32, #tpu.memory_space<hbm>> -> memref<640x16xf32, #tpu.memory_space<hbm>>
          %dma_start3A_48 = arith.constant 9360 : i32
          %dma_start3A_49 = arith.constant 0 : i32
          %dma_start3A_50 = tpu.memref_slice %arg21[%dma_start3A_48, %dma_start3A_49] : memref<10000x16xf32, #tpu.memory_space<vmem_shared>> -> memref<640x16xf32, #tpu.memory_space<vmem_shared>>
          tpu.enqueue_dma source(%dma_start3A_50 : memref<640x16xf32, #tpu.memory_space<vmem_shared>>) target(%dma_start3A_47 : memref<640x16xf32, #tpu.memory_space<hbm>>) target_semaphore(%run_scoped3A : memref<!tpu.dma_semaphore, #tpu.memory_space<semaphore_mem>>)
          %dma_wait3A = arith.constant 9360 : i32
          %dma_wait3A_51 = arith.constant 0 : i32
          %dma_wait3A_52 = tpu.memref_slice %arg12[%dma_wait3A, %dma_wait3A_51] : memref<10000x16xf32, #tpu.memory_space<hbm>> -> memref<640x16xf32, #tpu.memory_space<hbm>>
          %dma_wait3A_53 = arith.constant 9360 : i32
          %dma_wait3A_54 = arith.constant 0 : i32
          %dma_wait3A_55 = tpu.memref_slice %arg21[%dma_wait3A_53, %dma_wait3A_54] : memref<10000x16xf32, #tpu.memory_space<vmem_shared>> -> memref<640x16xf32, #tpu.memory_space<vmem_shared>>
          tpu.wait_dma2 semaphore(%run_scoped3A : memref<!tpu.dma_semaphore, #tpu.memory_space<semaphore_mem>>) src(%dma_wait3A_55 : memref<640x16xf32, #tpu.memory_space<vmem_shared>>) dst(%dma_wait3A_52 : memref<640x16xf32, #tpu.memory_space<hbm>>)
          tpu.yield
        }) : () -> ()
      } else {
      }
    } else {
    }
    return
  }
}

module attributes {stable_mosaic.version = 14 : i64} {
  func.func @body(%arg0: i32, %arg1: memref<1000x128xf32, #tpu.memory_space<vmem>>, %arg2: memref<128x256xf32, #tpu.memory_space<vmem>>, %arg3: memref<256x16xf32, #tpu.memory_space<vmem>>, %arg4: memref<256x16xf32, #tpu.memory_space<vmem>>, %arg5: memref<1000x128xf32, #tpu.memory_space<vmem>>, %arg6: memref<1000x128xf32, #tpu.memory_space<vmem>>, %arg7: memref<1000x16xf32, #tpu.memory_space<vmem>>, %arg8: memref<1000x16xf32, #tpu.memory_space<vmem>>, %arg9: memref<1x16xf32, #tpu.memory_space<vmem>>, %arg10: memref<1x16xf32, #tpu.memory_space<vmem>>, %arg11: memref<1x16xf32, #tpu.memory_space<vmem>>) attributes {dimension_semantics = [#tpu.dimension_semantics<arbitrary>], iteration_bounds = array<i64: 10>, scalar_prefetch = 0 : i64, scratch_operands = 2 : i64, tpu.core_type = #tpu.core_type<tc>, window_params = [{transform_indices = @transform_0, window_bounds = array<i64: 1000, 128>}, {pipeline_mode = #tpu.pipeline_mode<synchronous>, transform_indices = @transform_1, window_bounds = array<i64: 128, 256>}, {pipeline_mode = #tpu.pipeline_mode<synchronous>, transform_indices = @transform_2, window_bounds = array<i64: 256, 16>}, {pipeline_mode = #tpu.pipeline_mode<synchronous>, transform_indices = @transform_3, window_bounds = array<i64: 256, 16>}, {transform_indices = @transform_4, window_bounds = array<i64: 1000, 128>}, {transform_indices = @transform_5, window_bounds = array<i64: 1000, 128>}, {transform_indices = @transform_6, window_bounds = array<i64: 1000, 16>}, {transform_indices = @transform_7, window_bounds = array<i64: 1000, 16>}, {pipeline_mode = #tpu.pipeline_mode<synchronous>, transform_indices = @transform_8, window_bounds = array<i64: 1, 16>}]} {
    %get3A = arith.constant 0 : index
    %get3A_0 = arith.constant 0 : index
    %get3A_1 = vector.load %arg1[%get3A, %get3A_0] : memref<1000x128xf32, #tpu.memory_space<vmem>>, vector<1000x128xf32>
    %get3A_2 = arith.constant 0 : index
    %get3A_3 = arith.constant 0 : index
    %get3A_4 = vector.load %arg2[%get3A_2, %get3A_3] : memref<128x256xf32, #tpu.memory_space<vmem>>, vector<128x256xf32>
    %dot_general3A = arith.constant dense<0.000000e+00> : vector<1000x256xf32>
    %dot_general3A_5 = tpu.matmul %get3A_1, %get3A_4, %dot_general3A {dimension_numbers = #tpu.dot_dimension_numbers<[1], [0], [0], [1], [0, 0, 1, 1], [], []>, transpose_lhs_hint = false} : vector<1000x128xf32>, vector<128x256xf32>, vector<1000x256xf32> -> vector<1000x256xf32>
    %slice3A = vector.extract_strided_slice %dot_general3A_5 {offsets = [0, 0], sizes = [1000, 128], strides = [1, 1]} : vector<1000x256xf32> to vector<1000x128xf32>
    %swap3A = arith.constant 0 : index
    %swap3A_6 = arith.constant 0 : index
    %swap3A_7 = vector.load %arg5[%swap3A, %swap3A_6] : memref<1000x128xf32, #tpu.memory_space<vmem>>, vector<1000x128xf32>
    tpu.vector_store %arg5[%swap3A, %swap3A_6], %slice3A {strides = array<i32>} : memref<1000x128xf32, #tpu.memory_space<vmem>>, vector<1000x128xf32>,
    %slice3A_8 = vector.extract_strided_slice %dot_general3A_5 {offsets = [0, 128], sizes = [1000, 128], strides = [1, 1]} : vector<1000x256xf32> to vector<1000x128xf32>
    %swap3A_9 = arith.constant 0 : index
    %swap3A_10 = arith.constant 0 : index
    %swap3A_11 = vector.load %arg6[%swap3A_9, %swap3A_10] : memref<1000x128xf32, #tpu.memory_space<vmem>>, vector<1000x128xf32>
    tpu.vector_store %arg6[%swap3A_9, %swap3A_10], %slice3A_8 {strides = array<i32>} : memref<1000x128xf32, #tpu.memory_space<vmem>>, vector<1000x128xf32>,
    %get3A_12 = arith.constant 0 : index
    %get3A_13 = arith.constant 0 : index
    %get3A_14 = vector.load %arg3[%get3A_12, %get3A_13] : memref<256x16xf32, #tpu.memory_space<vmem>>, vector<256x16xf32>
    %dot_general3A_15 = arith.constant dense<0.000000e+00> : vector<1000x16xf32>
    %dot_general3A_16 = tpu.matmul %dot_general3A_5, %get3A_14, %dot_general3A_15 {dimension_numbers = #tpu.dot_dimension_numbers<[1], [0], [0], [1], [0, 0, 1, 1], [], []>, transpose_lhs_hint = false} : vector<1000x256xf32>, vector<256x16xf32>, vector<1000x16xf32> -> vector<1000x16xf32>
    %get3A_17 = arith.constant 0 : index
    %get3A_18 = arith.constant 0 : index
    %get3A_19 = vector.load %arg4[%get3A_17, %get3A_18] : memref<256x16xf32, #tpu.memory_space<vmem>>, vector<256x16xf32>
    %dot_general3A_20 = arith.constant dense<0.000000e+00> : vector<1000x16xf32>
    %dot_general3A_21 = tpu.matmul %dot_general3A_5, %get3A_19, %dot_general3A_20 {dimension_numbers = #tpu.dot_dimension_numbers<[1], [0], [0], [1], [0, 0, 1, 1], [], []>, transpose_lhs_hint = false} : vector<1000x256xf32>, vector<256x16xf32>, vector<1000x16xf32> -> vector<1000x16xf32>
    %swap3A_22 = arith.constant 0 : index
    %swap3A_23 = arith.constant 0 : index
    %swap3A_24 = vector.load %arg7[%swap3A_22, %swap3A_23] : memref<1000x16xf32, #tpu.memory_space<vmem>>, vector<1000x16xf32>
    tpu.vector_store %arg7[%swap3A_22, %swap3A_23], %dot_general3A_16 {strides = array<i32>} : memref<1000x16xf32, #tpu.memory_space<vmem>>, vector<1000x16xf32>,
    %swap3A_25 = arith.constant 0 : index
    %swap3A_26 = arith.constant 0 : index
    %swap3A_27 = vector.load %arg8[%swap3A_25, %swap3A_26] : memref<1000x16xf32, #tpu.memory_space<vmem>>, vector<1000x16xf32>
    tpu.vector_store %arg8[%swap3A_25, %swap3A_26], %dot_general3A_21 {strides = array<i32>} : memref<1000x16xf32, #tpu.memory_space<vmem>>, vector<1000x16xf32>,
    %reduce_max3A = arith.constant dense<0xFF800000> : vector<16xf32>
    %reduce_max3A_28 = vector.multi_reduction <maximumf>, %dot_general3A_16, %reduce_max3A [0] : vector<1000x16xf32> to vector<16xf32>
    %broadcast_in_dim3A = vector.shape_cast %reduce_max3A_28 : vector<16xf32> to vector<1x16xf32>
    %reduce_max3A_29 = arith.constant dense<0xFF800000> : vector<16xf32>
    %reduce_max3A_30 = vector.multi_reduction <maximumf>, %dot_general3A_21, %reduce_max3A_29 [0] : vector<1000x16xf32> to vector<16xf32>
    %broadcast_in_dim3A_31 = vector.shape_cast %reduce_max3A_30 : vector<16xf32> to vector<1x16xf32>
    %eq3A = arith.constant 0 : i32
    %eq3A_32 = arith.cmpi eq, %arg0, %eq3A : i32
    %convert_element_type3A = arith.extui %eq3A_32 : i1 to i32
    %cond3A = arith.constant 0 : i32
    %cond3A_33 = arith.cmpi ne, %convert_element_type3A, %cond3A : i32
    scf.if %cond3A_33 {
      %swap3A_43 = arith.constant 0 : index
      %swap3A_44 = arith.constant 0 : index
      %swap3A_45 = vector.load %arg10[%swap3A_43, %swap3A_44] : memref<1x16xf32, #tpu.memory_space<vmem>>, vector<1x16xf32>
      tpu.vector_store %arg10[%swap3A_43, %swap3A_44], %broadcast_in_dim3A {strides = array<i32>} : memref<1x16xf32, #tpu.memory_space<vmem>>, vector<1x16xf32>,
      %swap3A_46 = arith.constant 0 : index
      %swap3A_47 = arith.constant 0 : index
      %swap3A_48 = vector.load %arg11[%swap3A_46, %swap3A_47] : memref<1x16xf32, #tpu.memory_space<vmem>>, vector<1x16xf32>
      tpu.vector_store %arg11[%swap3A_46, %swap3A_47], %broadcast_in_dim3A_31 {strides = array<i32>} : memref<1x16xf32, #tpu.memory_space<vmem>>, vector<1x16xf32>,
    } else {
    }
    %gt3A = arith.constant 0 : i32
    %gt3A_34 = arith.cmpi sgt, %arg0, %gt3A : i32
    %convert_element_type3A_35 = arith.extui %gt3A_34 : i1 to i32
    %cond3A_36 = arith.constant 0 : i32
    %cond3A_37 = arith.cmpi ne, %convert_element_type3A_35, %cond3A_36 : i32
    scf.if %cond3A_37 {
      %get3A_43 = arith.constant 0 : index
      %get3A_44 = arith.constant 0 : index
      %get3A_45 = vector.load %arg10[%get3A_43, %get3A_44] : memref<1x16xf32, #tpu.memory_space<vmem>>, vector<1x16xf32>
      %max3A = arith.maximumf %get3A_45, %broadcast_in_dim3A : vector<1x16xf32>
      %swap3A_46 = arith.constant 0 : index
      %swap3A_47 = arith.constant 0 : index
      %swap3A_48 = vector.load %arg10[%swap3A_46, %swap3A_47] : memref<1x16xf32, #tpu.memory_space<vmem>>, vector<1x16xf32>
      tpu.vector_store %arg10[%swap3A_46, %swap3A_47], %max3A {strides = array<i32>} : memref<1x16xf32, #tpu.memory_space<vmem>>, vector<1x16xf32>,
      %get3A_49 = arith.constant 0 : index
      %get3A_50 = arith.constant 0 : index
      %get3A_51 = vector.load %arg11[%get3A_49, %get3A_50] : memref<1x16xf32, #tpu.memory_space<vmem>>, vector<1x16xf32>
      %max3A_52 = arith.maximumf %get3A_51, %broadcast_in_dim3A_31 : vector<1x16xf32>
      %swap3A_53 = arith.constant 0 : index
      %swap3A_54 = arith.constant 0 : index
      %swap3A_55 = vector.load %arg11[%swap3A_53, %swap3A_54] : memref<1x16xf32, #tpu.memory_space<vmem>>, vector<1x16xf32>
      tpu.vector_store %arg11[%swap3A_53, %swap3A_54], %max3A_52 {strides = array<i32>} : memref<1x16xf32, #tpu.memory_space<vmem>>, vector<1x16xf32>,
    } else {
    }
    %eq3A_38 = arith.constant 9 : i32
    %eq3A_39 = arith.cmpi eq, %arg0, %eq3A_38 : i32
    %convert_element_type3A_40 = arith.extui %eq3A_39 : i1 to i32
    %cond3A_41 = arith.constant 0 : i32
    %cond3A_42 = arith.cmpi ne, %convert_element_type3A_40, %cond3A_41 : i32
    scf.if %cond3A_42 {
      %get3A_43 = arith.constant 0 : index
      %get3A_44 = arith.constant 0 : index
      %get3A_45 = vector.load %arg10[%get3A_43, %get3A_44] : memref<1x16xf32, #tpu.memory_space<vmem>>, vector<1x16xf32>
      %get3A_46 = arith.constant 0 : index
      %get3A_47 = arith.constant 0 : index
      %get3A_48 = vector.load %arg11[%get3A_46, %get3A_47] : memref<1x16xf32, #tpu.memory_space<vmem>>, vector<1x16xf32>
      %add3A = arith.addf %get3A_45, %get3A_48 : vector<1x16xf32>
      %ge3A = arith.constant 0.000000e+00 : f32
      %ge3A_49 = vector.broadcast %ge3A : f32 to vector<1x16xf32>
      %ge3A_50 = arith.cmpf oge, %add3A, %ge3A_49 : vector<1x16xf32>
      %mul3A = arith.constant 2.000000e-01 : f32
      %mul3A_51 = vector.broadcast %mul3A : f32 to vector<1x16xf32>
      %mul3A_52 = arith.mulf %mul3A_51, %add3A : vector<1x16xf32>
      %select_n3A = arith.select %ge3A_50, %add3A, %mul3A_52 : vector<1x16xi1>, vector<1x16xf32>
      %swap3A_53 = arith.constant 0 : index
      %swap3A_54 = arith.constant 0 : index
      %swap3A_55 = vector.load %arg9[%swap3A_53, %swap3A_54] : memref<1x16xf32, #tpu.memory_space<vmem>>, vector<1x16xf32>
      tpu.vector_store %arg9[%swap3A_53, %swap3A_54], %select_n3A {strides = array<i32>} : memref<1x16xf32, #tpu.memory_space<vmem>>, vector<1x16xf32>,
    } else {
    }
    return
  }
  func.func @transform_0(%arg0: i32) -> (i32, i32) {
    %c0_i32 = arith.constant 0 : i32
    %c0_i32_0 = arith.constant 0 : i32
    return %arg0, %c0_i32 : i32, i32
  }
  func.func @transform_1(%arg0: i32) -> (i32, i32) {
    %c0_i32 = arith.constant 0 : i32
    %c0_i32_0 = arith.constant 0 : i32
    %c0_i32_1 = arith.constant 0 : i32
    return %c0_i32, %c0_i32_0 : i32, i32
  }
  func.func @transform_2(%arg0: i32) -> (i32, i32) {
    %c0_i32 = arith.constant 0 : i32
    %c0_i32_0 = arith.constant 0 : i32
    %c0_i32_1 = arith.constant 0 : i32
    return %c0_i32, %c0_i32_0 : i32, i32
  }
  func.func @transform_3(%arg0: i32) -> (i32, i32) {
    %c0_i32 = arith.constant 0 : i32
    %c0_i32_0 = arith.constant 0 : i32
    %c0_i32_1 = arith.constant 0 : i32
    return %c0_i32, %c0_i32_0 : i32, i32
  }
  func.func @transform_4(%arg0: i32) -> (i32, i32) {
    %c0_i32 = arith.constant 0 : i32
    %c0_i32_0 = arith.constant 0 : i32
    return %arg0, %c0_i32 : i32, i32
  }
  func.func @transform_5(%arg0: i32) -> (i32, i32) {
    %c0_i32 = arith.constant 0 : i32
    %c0_i32_0 = arith.constant 0 : i32
    return %arg0, %c0_i32 : i32, i32
  }
  func.func @transform_6(%arg0: i32) -> (i32, i32) {
    %c0_i32 = arith.constant 0 : i32
    %c0_i32_0 = arith.constant 0 : i32
    return %arg0, %c0_i32 : i32, i32
  }
  func.func @transform_7(%arg0: i32) -> (i32, i32) {
    %c0_i32 = arith.constant 0 : i32
    %c0_i32_0 = arith.constant 0 : i32
    return %arg0, %c0_i32 : i32, i32
  }
  func.func @transform_8(%arg0: i32) -> (i32, i32) {
    %c0_i32 = arith.constant 0 : i32
    %c0_i32_0 = arith.constant 0 : i32
    %c0_i32_1 = arith.constant 0 : i32
    return %c0_i32, %c0_i32_0 : i32, i32
  }
}

module attributes {stable_mosaic.version = 14 : i64} {
  func.func @body(%arg0: i32, %arg1: memref<1000x128xf32, #tpu.memory_space<vmem>>, %arg2: memref<1000x128xf32, #tpu.memory_space<vmem>>, %arg3: memref<1000x16xf32, #tpu.memory_space<vmem>>, %arg4: memref<1x256xf32, #tpu.memory_space<vmem>>, %arg5: memref<1x256xf32, #tpu.memory_space<vmem>>, %arg6: memref<1x256xf32, #tpu.memory_space<vmem>>, %arg7: memref<256x64xf32, #tpu.memory_space<vmem>>, %arg8: memref<64x16xf32, #tpu.memory_space<vmem>>, %arg9: memref<64x16xf32, #tpu.memory_space<vmem>>, %arg10: memref<1000x32xf32, #tpu.memory_space<vmem>>, %arg11: memref<1000x32xf32, #tpu.memory_space<vmem>>, %arg12: memref<1000x16xf32, #tpu.memory_space<vmem>>, %arg13: memref<1000x16xf32, #tpu.memory_space<vmem>>, %arg14: memref<1x16xf32, #tpu.memory_space<vmem>>, %arg15: memref<1x16xf32, #tpu.memory_space<vmem>>, %arg16: memref<1x16xf32, #tpu.memory_space<vmem>>) attributes {dimension_semantics = [#tpu.dimension_semantics<arbitrary>], iteration_bounds = array<i64: 10>, scalar_prefetch = 0 : i64, scratch_operands = 2 : i64, tpu.core_type = #tpu.core_type<tc>, window_params = [{transform_indices = @transform_0, window_bounds = array<i64: 1000, 128>}, {transform_indices = @transform_1, window_bounds = array<i64: 1000, 128>}, {transform_indices = @transform_2, window_bounds = array<i64: 1000, 16>}, {pipeline_mode = #tpu.pipeline_mode<synchronous>, transform_indices = @transform_3, window_bounds = array<i64: 1, 256>}, {pipeline_mode = #tpu.pipeline_mode<synchronous>, transform_indices = @transform_4, window_bounds = array<i64: 1, 256>}, {pipeline_mode = #tpu.pipeline_mode<synchronous>, transform_indices = @transform_5, window_bounds = array<i64: 1, 256>}, {pipeline_mode = #tpu.pipeline_mode<synchronous>, transform_indices = @transform_6, window_bounds = array<i64: 256, 64>}, {pipeline_mode = #tpu.pipeline_mode<synchronous>, transform_indices = @transform_7, window_bounds = array<i64: 64, 16>}, {pipeline_mode = #tpu.pipeline_mode<synchronous>, transform_indices = @transform_8, window_bounds = array<i64: 64, 16>}, {transform_indices = @transform_9, window_bounds = array<i64: 1000, 32>}, {transform_indices = @transform_10, window_bounds = array<i64: 1000, 32>}, {transform_indices = @transform_11, window_bounds = array<i64: 1000, 16>}, {transform_indices = @transform_12, window_bounds = array<i64: 1000, 16>}, {pipeline_mode = #tpu.pipeline_mode<synchronous>, transform_indices = @transform_13, window_bounds = array<i64: 1, 16>}]} {
    %get3A = arith.constant 0 : index
    %get3A_0 = arith.constant 0 : index
    %get3A_1 = vector.load %arg1[%get3A, %get3A_0] : memref<1000x128xf32, #tpu.memory_space<vmem>>, vector<1000x128xf32>
    %get3A_2 = arith.constant 0 : index
    %get3A_3 = arith.constant 0 : index
    %get3A_4 = vector.load %arg2[%get3A_2, %get3A_3] : memref<1000x128xf32, #tpu.memory_space<vmem>>, vector<1000x128xf32>
    %concatenate3A = tpu.concatenate %get3A_1, %get3A_4 in 1 : vector<1000x128xf32>, vector<1000x128xf32> -> vector<1000x256xf32>
    %slice3A = vector.extract_strided_slice %concatenate3A {offsets = [0, 0], sizes = [1000, 64], strides = [1, 1]} : vector<1000x256xf32> to vector<1000x64xf32>
    %get3A_5 = arith.constant 0 : index
    %get3A_6 = arith.constant 0 : index
    %get3A_7 = vector.load %arg3[%get3A_5, %get3A_6] : memref<1000x16xf32, #tpu.memory_space<vmem>>, vector<1000x1xf32>
    %add3A = arith.constant 1.000000e-16 : f32
    %add3A_8 = vector.broadcast %add3A : f32 to vector<1000x1xf32>
    %add3A_9 = arith.addf %get3A_7, %add3A_8 : vector<1000x1xf32>
    %div3A = vector.broadcast %add3A_9 : vector<1000x1xf32> to vector<1000x64xf32>
    %div3A_10 = arith.divf %slice3A, %div3A : vector<1000x64xf32>
    %slice3A_11 = vector.extract_strided_slice %concatenate3A {offsets = [0, 64], sizes = [1000, 64], strides = [1, 1]} : vector<1000x256xf32> to vector<1000x64xf32>
    %get3A_12 = arith.constant 0 : index
    %get3A_13 = arith.constant 1 : index
    %get3A_14 = vector.load %arg3[%get3A_12, %get3A_13] : memref<1000x16xf32, #tpu.memory_space<vmem>>, vector<1000x1xf32>
    %add3A_15 = arith.constant 1.000000e-16 : f32
    %add3A_16 = vector.broadcast %add3A_15 : f32 to vector<1000x1xf32>
    %add3A_17 = arith.addf %get3A_14, %add3A_16 : vector<1000x1xf32>
    %div3A_18 = vector.broadcast %add3A_17 : vector<1000x1xf32> to vector<1000x64xf32>
    %div3A_19 = arith.divf %slice3A_11, %div3A_18 : vector<1000x64xf32>
    %slice3A_20 = vector.extract_strided_slice %concatenate3A {offsets = [0, 128], sizes = [1000, 64], strides = [1, 1]} : vector<1000x256xf32> to vector<1000x64xf32>
    %get3A_21 = arith.constant 0 : index
    %get3A_22 = arith.constant 2 : index
    %get3A_23 = vector.load %arg3[%get3A_21, %get3A_22] : memref<1000x16xf32, #tpu.memory_space<vmem>>, vector<1000x1xf32>
    %add3A_24 = arith.constant 1.000000e-16 : f32
    %add3A_25 = vector.broadcast %add3A_24 : f32 to vector<1000x1xf32>
    %add3A_26 = arith.addf %get3A_23, %add3A_25 : vector<1000x1xf32>
    %div3A_27 = vector.broadcast %add3A_26 : vector<1000x1xf32> to vector<1000x64xf32>
    %div3A_28 = arith.divf %slice3A_20, %div3A_27 : vector<1000x64xf32>
    %slice3A_29 = vector.extract_strided_slice %concatenate3A {offsets = [0, 192], sizes = [1000, 64], strides = [1, 1]} : vector<1000x256xf32> to vector<1000x64xf32>
    %get3A_30 = arith.constant 0 : index
    %get3A_31 = arith.constant 3 : index
    %get3A_32 = vector.load %arg3[%get3A_30, %get3A_31] : memref<1000x16xf32, #tpu.memory_space<vmem>>, vector<1000x1xf32>
    %add3A_33 = arith.constant 1.000000e-16 : f32
    %add3A_34 = vector.broadcast %add3A_33 : f32 to vector<1000x1xf32>
    %add3A_35 = arith.addf %get3A_32, %add3A_34 : vector<1000x1xf32>
    %div3A_36 = vector.broadcast %add3A_35 : vector<1000x1xf32> to vector<1000x64xf32>
    %div3A_37 = arith.divf %slice3A_29, %div3A_36 : vector<1000x64xf32>
    %concatenate3A_38 = tpu.concatenate %div3A_10, %div3A_19, %div3A_28, %div3A_37 in 1 : vector<1000x64xf32>, vector<1000x64xf32>, vector<1000x64xf32>, vector<1000x64xf32> -> vector<1000x256xf32>
    %get3A_39 = arith.constant 0 : index
    %get3A_40 = arith.constant 0 : index
    %get3A_41 = vector.load %arg4[%get3A_39, %get3A_40] : memref<1x256xf32, #tpu.memory_space<vmem>>, vector<1x256xf32>
    %add3A_42 = vector.broadcast %get3A_41 : vector<1x256xf32> to vector<1000x256xf32>
    %add3A_43 = arith.addf %concatenate3A_38, %add3A_42 : vector<1000x256xf32>
    %mul3A = arith.constant 0.999994993 : f32
    %mul3A_44 = vector.broadcast %mul3A : f32 to vector<1000x256xf32>
    %mul3A_45 = arith.mulf %add3A_43, %mul3A_44 : vector<1000x256xf32>
    %get3A_46 = arith.constant 0 : index
    %get3A_47 = arith.constant 0 : index
    %get3A_48 = vector.load %arg5[%get3A_46, %get3A_47] : memref<1x256xf32, #tpu.memory_space<vmem>>, vector<1x256xf32>
    %mul3A_49 = vector.broadcast %get3A_48 : vector<1x256xf32> to vector<1000x256xf32>
    %mul3A_50 = arith.mulf %mul3A_45, %mul3A_49 : vector<1000x256xf32>
    %get3A_51 = arith.constant 0 : index
    %get3A_52 = arith.constant 0 : index
    %get3A_53 = vector.load %arg6[%get3A_51, %get3A_52] : memref<1x256xf32, #tpu.memory_space<vmem>>, vector<1x256xf32>
    %add3A_54 = vector.broadcast %get3A_53 : vector<1x256xf32> to vector<1000x256xf32>
    %add3A_55 = arith.addf %mul3A_50, %add3A_54 : vector<1000x256xf32>
    %gt3A = arith.constant 0.000000e+00 : f32
    %gt3A_56 = vector.broadcast %gt3A : f32 to vector<1000x256xf32>
    %gt3A_57 = arith.cmpf ogt, %add3A_55, %gt3A_56 : vector<1000x256xf32>
    %exp3A = math.exp %add3A_55 : vector<1000x256xf32>
    %sub3A = arith.constant 1.000000e+00 : f32
    %sub3A_58 = vector.broadcast %sub3A : f32 to vector<1000x256xf32>
    %sub3A_59 = arith.subf %exp3A, %sub3A_58 : vector<1000x256xf32>
    %select_n3A = arith.select %gt3A_57, %add3A_55, %sub3A_59 : vector<1000x256xi1>, vector<1000x256xf32>
    %get3A_60 = arith.constant 0 : index
    %get3A_61 = arith.constant 0 : index
    %get3A_62 = vector.load %arg7[%get3A_60, %get3A_61] : memref<256x64xf32, #tpu.memory_space<vmem>>, vector<256x64xf32>
    %dot_general3A = arith.constant dense<0.000000e+00> : vector<1000x64xf32>
    %dot_general3A_63 = tpu.matmul %select_n3A, %get3A_62, %dot_general3A {dimension_numbers = #tpu.dot_dimension_numbers<[1], [0], [0], [1], [0, 0, 1, 1], [], []>, transpose_lhs_hint = false} : vector<1000x256xf32>, vector<256x64xf32>, vector<1000x64xf32> -> vector<1000x64xf32>
    %slice3A_64 = vector.extract_strided_slice %dot_general3A_63 {offsets = [0, 0], sizes = [1000, 32], strides = [1, 1]} : vector<1000x64xf32> to vector<1000x32xf32>
    %swap3A = arith.constant 0 : index
    %swap3A_65 = arith.constant 0 : index
    %swap3A_66 = vector.load %arg10[%swap3A, %swap3A_65] : memref<1000x32xf32, #tpu.memory_space<vmem>>, vector<1000x32xf32>
    tpu.vector_store %arg10[%swap3A, %swap3A_65], %slice3A_64 {strides = array<i32>} : memref<1000x32xf32, #tpu.memory_space<vmem>>, vector<1000x32xf32>,
    %slice3A_67 = vector.extract_strided_slice %dot_general3A_63 {offsets = [0, 32], sizes = [1000, 32], strides = [1, 1]} : vector<1000x64xf32> to vector<1000x32xf32>
    %swap3A_68 = arith.constant 0 : index
    %swap3A_69 = arith.constant 0 : index
    %swap3A_70 = vector.load %arg11[%swap3A_68, %swap3A_69] : memref<1000x32xf32, #tpu.memory_space<vmem>>, vector<1000x32xf32>
    tpu.vector_store %arg11[%swap3A_68, %swap3A_69], %slice3A_67 {strides = array<i32>} : memref<1000x32xf32, #tpu.memory_space<vmem>>, vector<1000x32xf32>,
    %get3A_71 = arith.constant 0 : index
    %get3A_72 = arith.constant 0 : index
    %get3A_73 = vector.load %arg8[%get3A_71, %get3A_72] : memref<64x16xf32, #tpu.memory_space<vmem>>, vector<64x16xf32>
    %dot_general3A_74 = arith.constant dense<0.000000e+00> : vector<1000x16xf32>
    %dot_general3A_75 = tpu.matmul %dot_general3A_63, %get3A_73, %dot_general3A_74 {dimension_numbers = #tpu.dot_dimension_numbers<[1], [0], [0], [1], [0, 0, 1, 1], [], []>, transpose_lhs_hint = false} : vector<1000x64xf32>, vector<64x16xf32>, vector<1000x16xf32> -> vector<1000x16xf32>
    %get3A_76 = arith.constant 0 : index
    %get3A_77 = arith.constant 0 : index
    %get3A_78 = vector.load %arg9[%get3A_76, %get3A_77] : memref<64x16xf32, #tpu.memory_space<vmem>>, vector<64x16xf32>
    %dot_general3A_79 = arith.constant dense<0.000000e+00> : vector<1000x16xf32>
    %dot_general3A_80 = tpu.matmul %dot_general3A_63, %get3A_78, %dot_general3A_79 {dimension_numbers = #tpu.dot_dimension_numbers<[1], [0], [0], [1], [0, 0, 1, 1], [], []>, transpose_lhs_hint = false} : vector<1000x64xf32>, vector<64x16xf32>, vector<1000x16xf32> -> vector<1000x16xf32>
    %swap3A_81 = arith.constant 0 : index
    %swap3A_82 = arith.constant 0 : index
    %swap3A_83 = vector.load %arg12[%swap3A_81, %swap3A_82] : memref<1000x16xf32, #tpu.memory_space<vmem>>, vector<1000x16xf32>
    tpu.vector_store %arg12[%swap3A_81, %swap3A_82], %dot_general3A_75 {strides = array<i32>} : memref<1000x16xf32, #tpu.memory_space<vmem>>, vector<1000x16xf32>,
    %swap3A_84 = arith.constant 0 : index
    %swap3A_85 = arith.constant 0 : index
    %swap3A_86 = vector.load %arg13[%swap3A_84, %swap3A_85] : memref<1000x16xf32, #tpu.memory_space<vmem>>, vector<1000x16xf32>
    tpu.vector_store %arg13[%swap3A_84, %swap3A_85], %dot_general3A_80 {strides = array<i32>} : memref<1000x16xf32, #tpu.memory_space<vmem>>, vector<1000x16xf32>,
    %reduce_max3A = arith.constant dense<0xFF800000> : vector<16xf32>
    %reduce_max3A_87 = vector.multi_reduction <maximumf>, %dot_general3A_75, %reduce_max3A [0] : vector<1000x16xf32> to vector<16xf32>
    %broadcast_in_dim3A = vector.shape_cast %reduce_max3A_87 : vector<16xf32> to vector<1x16xf32>
    %reduce_max3A_88 = arith.constant dense<0xFF800000> : vector<16xf32>
    %reduce_max3A_89 = vector.multi_reduction <maximumf>, %dot_general3A_80, %reduce_max3A_88 [0] : vector<1000x16xf32> to vector<16xf32>
    %broadcast_in_dim3A_90 = vector.shape_cast %reduce_max3A_89 : vector<16xf32> to vector<1x16xf32>
    %eq3A = arith.constant 0 : i32
    %eq3A_91 = arith.cmpi eq, %arg0, %eq3A : i32
    %convert_element_type3A = arith.extui %eq3A_91 : i1 to i32
    %cond3A = arith.constant 0 : i32
    %cond3A_92 = arith.cmpi ne, %convert_element_type3A, %cond3A : i32
    scf.if %cond3A_92 {
      %swap3A_103 = arith.constant 0 : index
      %swap3A_104 = arith.constant 0 : index
      %swap3A_105 = vector.load %arg15[%swap3A_103, %swap3A_104] : memref<1x16xf32, #tpu.memory_space<vmem>>, vector<1x16xf32>
      tpu.vector_store %arg15[%swap3A_103, %swap3A_104], %broadcast_in_dim3A {strides = array<i32>} : memref<1x16xf32, #tpu.memory_space<vmem>>, vector<1x16xf32>,
      %swap3A_106 = arith.constant 0 : index
      %swap3A_107 = arith.constant 0 : index
      %swap3A_108 = vector.load %arg16[%swap3A_106, %swap3A_107] : memref<1x16xf32, #tpu.memory_space<vmem>>, vector<1x16xf32>
      tpu.vector_store %arg16[%swap3A_106, %swap3A_107], %broadcast_in_dim3A_90 {strides = array<i32>} : memref<1x16xf32, #tpu.memory_space<vmem>>, vector<1x16xf32>,
    } else {
    }
    %gt3A_93 = arith.constant 0 : i32
    %gt3A_94 = arith.cmpi sgt, %arg0, %gt3A_93 : i32
    %convert_element_type3A_95 = arith.extui %gt3A_94 : i1 to i32
    %cond3A_96 = arith.constant 0 : i32
    %cond3A_97 = arith.cmpi ne, %convert_element_type3A_95, %cond3A_96 : i32
    scf.if %cond3A_97 {
      %get3A_103 = arith.constant 0 : index
      %get3A_104 = arith.constant 0 : index
      %get3A_105 = vector.load %arg15[%get3A_103, %get3A_104] : memref<1x16xf32, #tpu.memory_space<vmem>>, vector<1x16xf32>
      %max3A = arith.maximumf %get3A_105, %broadcast_in_dim3A : vector<1x16xf32>
      %swap3A_106 = arith.constant 0 : index
      %swap3A_107 = arith.constant 0 : index
      %swap3A_108 = vector.load %arg15[%swap3A_106, %swap3A_107] : memref<1x16xf32, #tpu.memory_space<vmem>>, vector<1x16xf32>
      tpu.vector_store %arg15[%swap3A_106, %swap3A_107], %max3A {strides = array<i32>} : memref<1x16xf32, #tpu.memory_space<vmem>>, vector<1x16xf32>,
      %get3A_109 = arith.constant 0 : index
      %get3A_110 = arith.constant 0 : index
      %get3A_111 = vector.load %arg16[%get3A_109, %get3A_110] : memref<1x16xf32, #tpu.memory_space<vmem>>, vector<1x16xf32>
      %max3A_112 = arith.maximumf %get3A_111, %broadcast_in_dim3A_90 : vector<1x16xf32>
      %swap3A_113 = arith.constant 0 : index
      %swap3A_114 = arith.constant 0 : index
      %swap3A_115 = vector.load %arg16[%swap3A_113, %swap3A_114] : memref<1x16xf32, #tpu.memory_space<vmem>>, vector<1x16xf32>
      tpu.vector_store %arg16[%swap3A_113, %swap3A_114], %max3A_112 {strides = array<i32>} : memref<1x16xf32, #tpu.memory_space<vmem>>, vector<1x16xf32>,
    } else {
    }
    %eq3A_98 = arith.constant 9 : i32
    %eq3A_99 = arith.cmpi eq, %arg0, %eq3A_98 : i32
    %convert_element_type3A_100 = arith.extui %eq3A_99 : i1 to i32
    %cond3A_101 = arith.constant 0 : i32
    %cond3A_102 = arith.cmpi ne, %convert_element_type3A_100, %cond3A_101 : i32
    scf.if %cond3A_102 {
      %get3A_103 = arith.constant 0 : index
      %get3A_104 = arith.constant 0 : index
      %get3A_105 = vector.load %arg15[%get3A_103, %get3A_104] : memref<1x16xf32, #tpu.memory_space<vmem>>, vector<1x16xf32>
      %get3A_106 = arith.constant 0 : index
      %get3A_107 = arith.constant 0 : index
      %get3A_108 = vector.load %arg16[%get3A_106, %get3A_107] : memref<1x16xf32, #tpu.memory_space<vmem>>, vector<1x16xf32>
      %add3A_109 = arith.addf %get3A_105, %get3A_108 : vector<1x16xf32>
      %ge3A = arith.constant 0.000000e+00 : f32
      %ge3A_110 = vector.broadcast %ge3A : f32 to vector<1x16xf32>
      %ge3A_111 = arith.cmpf oge, %add3A_109, %ge3A_110 : vector<1x16xf32>
      %mul3A_112 = arith.constant 2.000000e-01 : f32
      %mul3A_113 = vector.broadcast %mul3A_112 : f32 to vector<1x16xf32>
      %mul3A_114 = arith.mulf %mul3A_113, %add3A_109 : vector<1x16xf32>
      %select_n3A_115 = arith.select %ge3A_111, %add3A_109, %mul3A_114 : vector<1x16xi1>, vector<1x16xf32>
      %swap3A_116 = arith.constant 0 : index
      %swap3A_117 = arith.constant 0 : index
      %swap3A_118 = vector.load %arg14[%swap3A_116, %swap3A_117] : memref<1x16xf32, #tpu.memory_space<vmem>>, vector<1x16xf32>
      tpu.vector_store %arg14[%swap3A_116, %swap3A_117], %select_n3A_115 {strides = array<i32>} : memref<1x16xf32, #tpu.memory_space<vmem>>, vector<1x16xf32>,
    } else {
    }
    return
  }
  func.func @transform_0(%arg0: i32) -> (i32, i32) {
    %c0_i32 = arith.constant 0 : i32
    %c0_i32_0 = arith.constant 0 : i32
    return %arg0, %c0_i32 : i32, i32
  }
  func.func @transform_1(%arg0: i32) -> (i32, i32) {
    %c0_i32 = arith.constant 0 : i32
    %c0_i32_0 = arith.constant 0 : i32
    return %arg0, %c0_i32 : i32, i32
  }
  func.func @transform_2(%arg0: i32) -> (i32, i32) {
    %c0_i32 = arith.constant 0 : i32
    %c0_i32_0 = arith.constant 0 : i32
    return %arg0, %c0_i32 : i32, i32
  }
  func.func @transform_3(%arg0: i32) -> (i32, i32) {
    %c0_i32 = arith.constant 0 : i32
    %c0_i32_0 = arith.constant 0 : i32
    %c0_i32_1 = arith.constant 0 : i32
    return %c0_i32, %c0_i32_0 : i32, i32
  }
  func.func @transform_4(%arg0: i32) -> (i32, i32) {
    %c0_i32 = arith.constant 0 : i32
    %c0_i32_0 = arith.constant 0 : i32
    %c0_i32_1 = arith.constant 0 : i32
    return %c0_i32, %c0_i32_0 : i32, i32
  }
  func.func @transform_5(%arg0: i32) -> (i32, i32) {
    %c0_i32 = arith.constant 0 : i32
    %c0_i32_0 = arith.constant 0 : i32
    %c0_i32_1 = arith.constant 0 : i32
    return %c0_i32, %c0_i32_0 : i32, i32
  }
  func.func @transform_6(%arg0: i32) -> (i32, i32) {
    %c0_i32 = arith.constant 0 : i32
    %c0_i32_0 = arith.constant 0 : i32
    %c0_i32_1 = arith.constant 0 : i32
    return %c0_i32, %c0_i32_0 : i32, i32
  }
  func.func @transform_7(%arg0: i32) -> (i32, i32) {
    %c0_i32 = arith.constant 0 : i32
    %c0_i32_0 = arith.constant 0 : i32
    %c0_i32_1 = arith.constant 0 : i32
    return %c0_i32, %c0_i32_0 : i32, i32
  }
  func.func @transform_8(%arg0: i32) -> (i32, i32) {
    %c0_i32 = arith.constant 0 : i32
    %c0_i32_0 = arith.constant 0 : i32
    %c0_i32_1 = arith.constant 0 : i32
    return %c0_i32, %c0_i32_0 : i32, i32
  }
  func.func @transform_9(%arg0: i32) -> (i32, i32) {
    %c0_i32 = arith.constant 0 : i32
    %c0_i32_0 = arith.constant 0 : i32
    return %arg0, %c0_i32 : i32, i32
  }
  func.func @transform_10(%arg0: i32) -> (i32, i32) {
    %c0_i32 = arith.constant 0 : i32
    %c0_i32_0 = arith.constant 0 : i32
    return %arg0, %c0_i32 : i32, i32
  }
  func.func @transform_11(%arg0: i32) -> (i32, i32) {
    %c0_i32 = arith.constant 0 : i32
    %c0_i32_0 = arith.constant 0 : i32
    return %arg0, %c0_i32 : i32, i32
  }
  func.func @transform_12(%arg0: i32) -> (i32, i32) {
    %c0_i32 = arith.constant 0 : i32
    %c0_i32_0 = arith.constant 0 : i32
    return %arg0, %c0_i32 : i32, i32
  }
  func.func @transform_13(%arg0: i32) -> (i32, i32) {
    %c0_i32 = arith.constant 0 : i32
    %c0_i32_0 = arith.constant 0 : i32
    %c0_i32_1 = arith.constant 0 : i32
    return %c0_i32, %c0_i32_0 : i32, i32
  }
}

module attributes {stable_mosaic.version = 14 : i64} {
  func.func @body(%arg0: i32, %arg1: memref<1000x32xf32, #tpu.memory_space<vmem>>, %arg2: memref<1000x32xf32, #tpu.memory_space<vmem>>, %arg3: memref<1000x16xf32, #tpu.memory_space<vmem>>, %arg4: memref<1x64xf32, #tpu.memory_space<vmem>>, %arg5: memref<1x64xf32, #tpu.memory_space<vmem>>, %arg6: memref<1x64xf32, #tpu.memory_space<vmem>>, %arg7: memref<64x32xf32, #tpu.memory_space<vmem>>, %arg8: memref<32x16xf32, #tpu.memory_space<vmem>>, %arg9: memref<32x16xf32, #tpu.memory_space<vmem>>, %arg10: memref<1000x16xf32, #tpu.memory_space<vmem>>, %arg11: memref<1000x16xf32, #tpu.memory_space<vmem>>, %arg12: memref<1000x16xf32, #tpu.memory_space<vmem>>, %arg13: memref<1000x16xf32, #tpu.memory_space<vmem>>, %arg14: memref<1x16xf32, #tpu.memory_space<vmem>>, %arg15: memref<1x16xf32, #tpu.memory_space<vmem>>, %arg16: memref<1x16xf32, #tpu.memory_space<vmem>>) attributes {dimension_semantics = [#tpu.dimension_semantics<arbitrary>], iteration_bounds = array<i64: 10>, scalar_prefetch = 0 : i64, scratch_operands = 2 : i64, tpu.core_type = #tpu.core_type<tc>, window_params = [{transform_indices = @transform_0, window_bounds = array<i64: 1000, 32>}, {transform_indices = @transform_1, window_bounds = array<i64: 1000, 32>}, {transform_indices = @transform_2, window_bounds = array<i64: 1000, 16>}, {pipeline_mode = #tpu.pipeline_mode<synchronous>, transform_indices = @transform_3, window_bounds = array<i64: 1, 64>}, {pipeline_mode = #tpu.pipeline_mode<synchronous>, transform_indices = @transform_4, window_bounds = array<i64: 1, 64>}, {pipeline_mode = #tpu.pipeline_mode<synchronous>, transform_indices = @transform_5, window_bounds = array<i64: 1, 64>}, {pipeline_mode = #tpu.pipeline_mode<synchronous>, transform_indices = @transform_6, window_bounds = array<i64: 64, 32>}, {pipeline_mode = #tpu.pipeline_mode<synchronous>, transform_indices = @transform_7, window_bounds = array<i64: 32, 16>}, {pipeline_mode = #tpu.pipeline_mode<synchronous>, transform_indices = @transform_8, window_bounds = array<i64: 32, 16>}, {transform_indices = @transform_9, window_bounds = array<i64: 1000, 16>}, {transform_indices = @transform_10, window_bounds = array<i64: 1000, 16>}, {transform_indices = @transform_11, window_bounds = array<i64: 1000, 16>}, {transform_indices = @transform_12, window_bounds = array<i64: 1000, 16>}, {pipeline_mode = #tpu.pipeline_mode<synchronous>, transform_indices = @transform_13, window_bounds = array<i64: 1, 16>}]} {
    %get3A = arith.constant 0 : index
    %get3A_0 = arith.constant 0 : index
    %get3A_1 = vector.load %arg1[%get3A, %get3A_0] : memref<1000x32xf32, #tpu.memory_space<vmem>>, vector<1000x32xf32>
    %get3A_2 = arith.constant 0 : index
    %get3A_3 = arith.constant 0 : index
    %get3A_4 = vector.load %arg2[%get3A_2, %get3A_3] : memref<1000x32xf32, #tpu.memory_space<vmem>>, vector<1000x32xf32>
    %concatenate3A = tpu.concatenate %get3A_1, %get3A_4 in 1 : vector<1000x32xf32>, vector<1000x32xf32> -> vector<1000x64xf32>
    %get3A_5 = arith.constant 0 : index
    %get3A_6 = arith.constant 0 : index
    %get3A_7 = vector.load %arg3[%get3A_5, %get3A_6] : memref<1000x16xf32, #tpu.memory_space<vmem>>, vector<1000x1xf32>
    %add3A = arith.constant 1.000000e-16 : f32
    %add3A_8 = vector.broadcast %add3A : f32 to vector<1000x1xf32>
    %add3A_9 = arith.addf %get3A_7, %add3A_8 : vector<1000x1xf32>
    %div3A = vector.broadcast %add3A_9 : vector<1000x1xf32> to vector<1000x64xf32>
    %div3A_10 = arith.divf %concatenate3A, %div3A : vector<1000x64xf32>
    %get3A_11 = arith.constant 0 : index
    %get3A_12 = arith.constant 0 : index
    %get3A_13 = vector.load %arg4[%get3A_11, %get3A_12] : memref<1x64xf32, #tpu.memory_space<vmem>>, vector<1x64xf32>
    %add3A_14 = vector.broadcast %get3A_13 : vector<1x64xf32> to vector<1000x64xf32>
    %add3A_15 = arith.addf %div3A_10, %add3A_14 : vector<1000x64xf32>
    %mul3A = arith.constant 0.999994993 : f32
    %mul3A_16 = vector.broadcast %mul3A : f32 to vector<1000x64xf32>
    %mul3A_17 = arith.mulf %add3A_15, %mul3A_16 : vector<1000x64xf32>
    %get3A_18 = arith.constant 0 : index
    %get3A_19 = arith.constant 0 : index
    %get3A_20 = vector.load %arg5[%get3A_18, %get3A_19] : memref<1x64xf32, #tpu.memory_space<vmem>>, vector<1x64xf32>
    %mul3A_21 = vector.broadcast %get3A_20 : vector<1x64xf32> to vector<1000x64xf32>
    %mul3A_22 = arith.mulf %mul3A_17, %mul3A_21 : vector<1000x64xf32>
    %get3A_23 = arith.constant 0 : index
    %get3A_24 = arith.constant 0 : index
    %get3A_25 = vector.load %arg6[%get3A_23, %get3A_24] : memref<1x64xf32, #tpu.memory_space<vmem>>, vector<1x64xf32>
    %add3A_26 = vector.broadcast %get3A_25 : vector<1x64xf32> to vector<1000x64xf32>
    %add3A_27 = arith.addf %mul3A_22, %add3A_26 : vector<1000x64xf32>
    %gt3A = arith.constant 0.000000e+00 : f32
    %gt3A_28 = vector.broadcast %gt3A : f32 to vector<1000x64xf32>
    %gt3A_29 = arith.cmpf ogt, %add3A_27, %gt3A_28 : vector<1000x64xf32>
    %exp3A = math.exp %add3A_27 : vector<1000x64xf32>
    %sub3A = arith.constant 1.000000e+00 : f32
    %sub3A_30 = vector.broadcast %sub3A : f32 to vector<1000x64xf32>
    %sub3A_31 = arith.subf %exp3A, %sub3A_30 : vector<1000x64xf32>
    %select_n3A = arith.select %gt3A_29, %add3A_27, %sub3A_31 : vector<1000x64xi1>, vector<1000x64xf32>
    %get3A_32 = arith.constant 0 : index
    %get3A_33 = arith.constant 0 : index
    %get3A_34 = vector.load %arg7[%get3A_32, %get3A_33] : memref<64x32xf32, #tpu.memory_space<vmem>>, vector<64x32xf32>
    %dot_general3A = arith.constant dense<0.000000e+00> : vector<1000x32xf32>
    %dot_general3A_35 = tpu.matmul %select_n3A, %get3A_34, %dot_general3A {dimension_numbers = #tpu.dot_dimension_numbers<[1], [0], [0], [1], [0, 0, 1, 1], [], []>, transpose_lhs_hint = false} : vector<1000x64xf32>, vector<64x32xf32>, vector<1000x32xf32> -> vector<1000x32xf32>
    %slice3A = vector.extract_strided_slice %dot_general3A_35 {offsets = [0, 0], sizes = [1000, 16], strides = [1, 1]} : vector<1000x32xf32> to vector<1000x16xf32>
    %swap3A = arith.constant 0 : index
    %swap3A_36 = arith.constant 0 : index
    %swap3A_37 = vector.load %arg10[%swap3A, %swap3A_36] : memref<1000x16xf32, #tpu.memory_space<vmem>>, vector<1000x16xf32>
    tpu.vector_store %arg10[%swap3A, %swap3A_36], %slice3A {strides = array<i32>} : memref<1000x16xf32, #tpu.memory_space<vmem>>, vector<1000x16xf32>,
    %slice3A_38 = vector.extract_strided_slice %dot_general3A_35 {offsets = [0, 16], sizes = [1000, 16], strides = [1, 1]} : vector<1000x32xf32> to vector<1000x16xf32>
    %swap3A_39 = arith.constant 0 : index
    %swap3A_40 = arith.constant 0 : index
    %swap3A_41 = vector.load %arg11[%swap3A_39, %swap3A_40] : memref<1000x16xf32, #tpu.memory_space<vmem>>, vector<1000x16xf32>
    tpu.vector_store %arg11[%swap3A_39, %swap3A_40], %slice3A_38 {strides = array<i32>} : memref<1000x16xf32, #tpu.memory_space<vmem>>, vector<1000x16xf32>,
    %get3A_42 = arith.constant 0 : index
    %get3A_43 = arith.constant 0 : index
    %get3A_44 = vector.load %arg8[%get3A_42, %get3A_43] : memref<32x16xf32, #tpu.memory_space<vmem>>, vector<32x16xf32>
    %dot_general3A_45 = arith.constant dense<0.000000e+00> : vector<1000x16xf32>
    %dot_general3A_46 = tpu.matmul %dot_general3A_35, %get3A_44, %dot_general3A_45 {dimension_numbers = #tpu.dot_dimension_numbers<[1], [0], [0], [1], [0, 0, 1, 1], [], []>, transpose_lhs_hint = false} : vector<1000x32xf32>, vector<32x16xf32>, vector<1000x16xf32> -> vector<1000x16xf32>
    %get3A_47 = arith.constant 0 : index
    %get3A_48 = arith.constant 0 : index
    %get3A_49 = vector.load %arg9[%get3A_47, %get3A_48] : memref<32x16xf32, #tpu.memory_space<vmem>>, vector<32x16xf32>
    %dot_general3A_50 = arith.constant dense<0.000000e+00> : vector<1000x16xf32>
    %dot_general3A_51 = tpu.matmul %dot_general3A_35, %get3A_49, %dot_general3A_50 {dimension_numbers = #tpu.dot_dimension_numbers<[1], [0], [0], [1], [0, 0, 1, 1], [], []>, transpose_lhs_hint = false} : vector<1000x32xf32>, vector<32x16xf32>, vector<1000x16xf32> -> vector<1000x16xf32>
    %swap3A_52 = arith.constant 0 : index
    %swap3A_53 = arith.constant 0 : index
    %swap3A_54 = vector.load %arg12[%swap3A_52, %swap3A_53] : memref<1000x16xf32, #tpu.memory_space<vmem>>, vector<1000x16xf32>
    tpu.vector_store %arg12[%swap3A_52, %swap3A_53], %dot_general3A_46 {strides = array<i32>} : memref<1000x16xf32, #tpu.memory_space<vmem>>, vector<1000x16xf32>,
    %swap3A_55 = arith.constant 0 : index
    %swap3A_56 = arith.constant 0 : index
    %swap3A_57 = vector.load %arg13[%swap3A_55, %swap3A_56] : memref<1000x16xf32, #tpu.memory_space<vmem>>, vector<1000x16xf32>
    tpu.vector_store %arg13[%swap3A_55, %swap3A_56], %dot_general3A_51 {strides = array<i32>} : memref<1000x16xf32, #tpu.memory_space<vmem>>, vector<1000x16xf32>,
    %reduce_max3A = arith.constant dense<0xFF800000> : vector<16xf32>
    %reduce_max3A_58 = vector.multi_reduction <maximumf>, %dot_general3A_46, %reduce_max3A [0] : vector<1000x16xf32> to vector<16xf32>
    %broadcast_in_dim3A = vector.shape_cast %reduce_max3A_58 : vector<16xf32> to vector<1x16xf32>
    %reduce_max3A_59 = arith.constant dense<0xFF800000> : vector<16xf32>
    %reduce_max3A_60 = vector.multi_reduction <maximumf>, %dot_general3A_51, %reduce_max3A_59 [0] : vector<1000x16xf32> to vector<16xf32>
    %broadcast_in_dim3A_61 = vector.shape_cast %reduce_max3A_60 : vector<16xf32> to vector<1x16xf32>
    %eq3A = arith.constant 0 : i32
    %eq3A_62 = arith.cmpi eq, %arg0, %eq3A : i32
    %convert_element_type3A = arith.extui %eq3A_62 : i1 to i32
    %cond3A = arith.constant 0 : i32
    %cond3A_63 = arith.cmpi ne, %convert_element_type3A, %cond3A : i32
    scf.if %cond3A_63 {
      %swap3A_74 = arith.constant 0 : index
      %swap3A_75 = arith.constant 0 : index
      %swap3A_76 = vector.load %arg15[%swap3A_74, %swap3A_75] : memref<1x16xf32, #tpu.memory_space<vmem>>, vector<1x16xf32>
      tpu.vector_store %arg15[%swap3A_74, %swap3A_75], %broadcast_in_dim3A {strides = array<i32>} : memref<1x16xf32, #tpu.memory_space<vmem>>, vector<1x16xf32>,
      %swap3A_77 = arith.constant 0 : index
      %swap3A_78 = arith.constant 0 : index
      %swap3A_79 = vector.load %arg16[%swap3A_77, %swap3A_78] : memref<1x16xf32, #tpu.memory_space<vmem>>, vector<1x16xf32>
      tpu.vector_store %arg16[%swap3A_77, %swap3A_78], %broadcast_in_dim3A_61 {strides = array<i32>} : memref<1x16xf32, #tpu.memory_space<vmem>>, vector<1x16xf32>,
    } else {
    }
    %gt3A_64 = arith.constant 0 : i32
    %gt3A_65 = arith.cmpi sgt, %arg0, %gt3A_64 : i32
    %convert_element_type3A_66 = arith.extui %gt3A_65 : i1 to i32
    %cond3A_67 = arith.constant 0 : i32
    %cond3A_68 = arith.cmpi ne, %convert_element_type3A_66, %cond3A_67 : i32
    scf.if %cond3A_68 {
      %get3A_74 = arith.constant 0 : index
      %get3A_75 = arith.constant 0 : index
      %get3A_76 = vector.load %arg15[%get3A_74, %get3A_75] : memref<1x16xf32, #tpu.memory_space<vmem>>, vector<1x16xf32>
      %max3A = arith.maximumf %get3A_76, %broadcast_in_dim3A : vector<1x16xf32>
      %swap3A_77 = arith.constant 0 : index
      %swap3A_78 = arith.constant 0 : index
      %swap3A_79 = vector.load %arg15[%swap3A_77, %swap3A_78] : memref<1x16xf32, #tpu.memory_space<vmem>>, vector<1x16xf32>
      tpu.vector_store %arg15[%swap3A_77, %swap3A_78], %max3A {strides = array<i32>} : memref<1x16xf32, #tpu.memory_space<vmem>>, vector<1x16xf32>,
      %get3A_80 = arith.constant 0 : index
      %get3A_81 = arith.constant 0 : index
      %get3A_82 = vector.load %arg16[%get3A_80, %get3A_81] : memref<1x16xf32, #tpu.memory_space<vmem>>, vector<1x16xf32>
      %max3A_83 = arith.maximumf %get3A_82, %broadcast_in_dim3A_61 : vector<1x16xf32>
      %swap3A_84 = arith.constant 0 : index
      %swap3A_85 = arith.constant 0 : index
      %swap3A_86 = vector.load %arg16[%swap3A_84, %swap3A_85] : memref<1x16xf32, #tpu.memory_space<vmem>>, vector<1x16xf32>
      tpu.vector_store %arg16[%swap3A_84, %swap3A_85], %max3A_83 {strides = array<i32>} : memref<1x16xf32, #tpu.memory_space<vmem>>, vector<1x16xf32>,
    } else {
    }
    %eq3A_69 = arith.constant 9 : i32
    %eq3A_70 = arith.cmpi eq, %arg0, %eq3A_69 : i32
    %convert_element_type3A_71 = arith.extui %eq3A_70 : i1 to i32
    %cond3A_72 = arith.constant 0 : i32
    %cond3A_73 = arith.cmpi ne, %convert_element_type3A_71, %cond3A_72 : i32
    scf.if %cond3A_73 {
      %get3A_74 = arith.constant 0 : index
      %get3A_75 = arith.constant 0 : index
      %get3A_76 = vector.load %arg15[%get3A_74, %get3A_75] : memref<1x16xf32, #tpu.memory_space<vmem>>, vector<1x16xf32>
      %get3A_77 = arith.constant 0 : index
      %get3A_78 = arith.constant 0 : index
      %get3A_79 = vector.load %arg16[%get3A_77, %get3A_78] : memref<1x16xf32, #tpu.memory_space<vmem>>, vector<1x16xf32>
      %add3A_80 = arith.addf %get3A_76, %get3A_79 : vector<1x16xf32>
      %ge3A = arith.constant 0.000000e+00 : f32
      %ge3A_81 = vector.broadcast %ge3A : f32 to vector<1x16xf32>
      %ge3A_82 = arith.cmpf oge, %add3A_80, %ge3A_81 : vector<1x16xf32>
      %mul3A_83 = arith.constant 2.000000e-01 : f32
      %mul3A_84 = vector.broadcast %mul3A_83 : f32 to vector<1x16xf32>
      %mul3A_85 = arith.mulf %mul3A_84, %add3A_80 : vector<1x16xf32>
      %select_n3A_86 = arith.select %ge3A_82, %add3A_80, %mul3A_85 : vector<1x16xi1>, vector<1x16xf32>
      %swap3A_87 = arith.constant 0 : index
      %swap3A_88 = arith.constant 0 : index
      %swap3A_89 = vector.load %arg14[%swap3A_87, %swap3A_88] : memref<1x16xf32, #tpu.memory_space<vmem>>, vector<1x16xf32>
      tpu.vector_store %arg14[%swap3A_87, %swap3A_88], %select_n3A_86 {strides = array<i32>} : memref<1x16xf32, #tpu.memory_space<vmem>>, vector<1x16xf32>,
    } else {
    }
    return
  }
  func.func @transform_0(%arg0: i32) -> (i32, i32) {
    %c0_i32 = arith.constant 0 : i32
    %c0_i32_0 = arith.constant 0 : i32
    return %arg0, %c0_i32 : i32, i32
  }
  func.func @transform_1(%arg0: i32) -> (i32, i32) {
    %c0_i32 = arith.constant 0 : i32
    %c0_i32_0 = arith.constant 0 : i32
    return %arg0, %c0_i32 : i32, i32
  }
  func.func @transform_2(%arg0: i32) -> (i32, i32) {
    %c0_i32 = arith.constant 0 : i32
    %c0_i32_0 = arith.constant 0 : i32
    return %arg0, %c0_i32 : i32, i32
  }
  func.func @transform_3(%arg0: i32) -> (i32, i32) {
    %c0_i32 = arith.constant 0 : i32
    %c0_i32_0 = arith.constant 0 : i32
    %c0_i32_1 = arith.constant 0 : i32
    return %c0_i32, %c0_i32_0 : i32, i32
  }
  func.func @transform_4(%arg0: i32) -> (i32, i32) {
    %c0_i32 = arith.constant 0 : i32
    %c0_i32_0 = arith.constant 0 : i32
    %c0_i32_1 = arith.constant 0 : i32
    return %c0_i32, %c0_i32_0 : i32, i32
  }
  func.func @transform_5(%arg0: i32) -> (i32, i32) {
    %c0_i32 = arith.constant 0 : i32
    %c0_i32_0 = arith.constant 0 : i32
    %c0_i32_1 = arith.constant 0 : i32
    return %c0_i32, %c0_i32_0 : i32, i32
  }
  func.func @transform_6(%arg0: i32) -> (i32, i32) {
    %c0_i32 = arith.constant 0 : i32
    %c0_i32_0 = arith.constant 0 : i32
    %c0_i32_1 = arith.constant 0 : i32
    return %c0_i32, %c0_i32_0 : i32, i32
  }
  func.func @transform_7(%arg0: i32) -> (i32, i32) {
    %c0_i32 = arith.constant 0 : i32
    %c0_i32_0 = arith.constant 0 : i32
    %c0_i32_1 = arith.constant 0 : i32
    return %c0_i32, %c0_i32_0 : i32, i32
  }
  func.func @transform_8(%arg0: i32) -> (i32, i32) {
    %c0_i32 = arith.constant 0 : i32
    %c0_i32_0 = arith.constant 0 : i32
    %c0_i32_1 = arith.constant 0 : i32
    return %c0_i32, %c0_i32_0 : i32, i32
  }
  func.func @transform_9(%arg0: i32) -> (i32, i32) {
    %c0_i32 = arith.constant 0 : i32
    %c0_i32_0 = arith.constant 0 : i32
    return %arg0, %c0_i32 : i32, i32
  }
  func.func @transform_10(%arg0: i32) -> (i32, i32) {
    %c0_i32 = arith.constant 0 : i32
    %c0_i32_0 = arith.constant 0 : i32
    return %arg0, %c0_i32 : i32, i32
  }
  func.func @transform_11(%arg0: i32) -> (i32, i32) {
    %c0_i32 = arith.constant 0 : i32
    %c0_i32_0 = arith.constant 0 : i32
    return %arg0, %c0_i32 : i32, i32
  }
  func.func @transform_12(%arg0: i32) -> (i32, i32) {
    %c0_i32 = arith.constant 0 : i32
    %c0_i32_0 = arith.constant 0 : i32
    return %arg0, %c0_i32 : i32, i32
  }
  func.func @transform_13(%arg0: i32) -> (i32, i32) {
    %c0_i32 = arith.constant 0 : i32
    %c0_i32_0 = arith.constant 0 : i32
    %c0_i32_1 = arith.constant 0 : i32
    return %c0_i32, %c0_i32_0 : i32, i32
  }
}

module attributes {stable_mosaic.version = 14 : i64} {
  func.func @body(%arg0: i32, %arg1: memref<1000x16xf32, #tpu.memory_space<vmem>>, %arg2: memref<1000x16xf32, #tpu.memory_space<vmem>>, %arg3: memref<1000x16xf32, #tpu.memory_space<vmem>>, %arg4: memref<1x32xf32, #tpu.memory_space<vmem>>, %arg5: memref<1000x32xf32, #tpu.memory_space<vmem>>) attributes {dimension_semantics = [#tpu.dimension_semantics<arbitrary>], iteration_bounds = array<i64: 10>, scalar_prefetch = 0 : i64, scratch_operands = 0 : i64, tpu.core_type = #tpu.core_type<tc>, window_params = [{transform_indices = @transform_0, window_bounds = array<i64: 1000, 16>}, {transform_indices = @transform_1, window_bounds = array<i64: 1000, 16>}, {transform_indices = @transform_2, window_bounds = array<i64: 1000, 16>}, {pipeline_mode = #tpu.pipeline_mode<synchronous>, transform_indices = @transform_3, window_bounds = array<i64: 1, 32>}, {transform_indices = @transform_4, window_bounds = array<i64: 1000, 32>}]} {
    %get3A = arith.constant 0 : index
    %get3A_0 = arith.constant 0 : index
    %get3A_1 = vector.load %arg1[%get3A, %get3A_0] : memref<1000x16xf32, #tpu.memory_space<vmem>>, vector<1000x16xf32>
    %get3A_2 = arith.constant 0 : index
    %get3A_3 = arith.constant 0 : index
    %get3A_4 = vector.load %arg2[%get3A_2, %get3A_3] : memref<1000x16xf32, #tpu.memory_space<vmem>>, vector<1000x16xf32>
    %concatenate3A = tpu.concatenate %get3A_1, %get3A_4 in 1 : vector<1000x16xf32>, vector<1000x16xf32> -> vector<1000x32xf32>
    %get3A_5 = arith.constant 0 : index
    %get3A_6 = arith.constant 0 : index
    %get3A_7 = vector.load %arg3[%get3A_5, %get3A_6] : memref<1000x16xf32, #tpu.memory_space<vmem>>, vector<1000x1xf32>
    %add3A = arith.constant 1.000000e-16 : f32
    %add3A_8 = vector.broadcast %add3A : f32 to vector<1000x1xf32>
    %add3A_9 = arith.addf %get3A_7, %add3A_8 : vector<1000x1xf32>
    %div3A = vector.broadcast %add3A_9 : vector<1000x1xf32> to vector<1000x32xf32>
    %div3A_10 = arith.divf %concatenate3A, %div3A : vector<1000x32xf32>
    %get3A_11 = arith.constant 0 : index
    %get3A_12 = arith.constant 0 : index
    %get3A_13 = vector.load %arg4[%get3A_11, %get3A_12] : memref<1x32xf32, #tpu.memory_space<vmem>>, vector<1x32xf32>
    %add3A_14 = vector.broadcast %get3A_13 : vector<1x32xf32> to vector<1000x32xf32>
    %add3A_15 = arith.addf %div3A_10, %add3A_14 : vector<1000x32xf32>
    %reduce_max3A = arith.constant dense<0xFF800000> : vector<1000xf32>
    %reduce_max3A_16 = vector.multi_reduction <maximumf>, %add3A_15, %reduce_max3A [1] : vector<1000x32xf32> to vector<1000xf32>
    %broadcast_in_dim3A = vector.shape_cast %reduce_max3A_16 : vector<1000xf32> to vector<1000x1xf32>
    %sub3A = vector.broadcast %broadcast_in_dim3A : vector<1000x1xf32> to vector<1000x32xf32>
    %sub3A_17 = arith.subf %add3A_15, %sub3A : vector<1000x32xf32>
    %exp3A = math.exp %sub3A_17 : vector<1000x32xf32>
    %reduce_sum3A = arith.constant dense<0.000000e+00> : vector<1000xf32>
    %reduce_sum3A_18 = vector.multi_reduction <add>, %exp3A, %reduce_sum3A [1] : vector<1000x32xf32> to vector<1000xf32>
    %broadcast_in_dim3A_19 = vector.shape_cast %reduce_sum3A_18 : vector<1000xf32> to vector<1000x1xf32>
    %log3A = math.log %broadcast_in_dim3A_19 : vector<1000x1xf32>
    %sub3A_20 = vector.broadcast %log3A : vector<1000x1xf32> to vector<1000x32xf32>
    %sub3A_21 = arith.subf %sub3A_17, %sub3A_20 : vector<1000x32xf32>
    %swap3A = arith.constant 0 : index
    %swap3A_22 = arith.constant 0 : index
    %swap3A_23 = vector.load %arg5[%swap3A, %swap3A_22] : memref<1000x32xf32, #tpu.memory_space<vmem>>, vector<1000x32xf32>
    tpu.vector_store %arg5[%swap3A, %swap3A_22], %sub3A_21 {strides = array<i32>} : memref<1000x32xf32, #tpu.memory_space<vmem>>, vector<1000x32xf32>,
    return
  }
  func.func @transform_0(%arg0: i32) -> (i32, i32) {
    %c0_i32 = arith.constant 0 : i32
    %c0_i32_0 = arith.constant 0 : i32
    return %arg0, %c0_i32 : i32, i32
  }
  func.func @transform_1(%arg0: i32) -> (i32, i32) {
    %c0_i32 = arith.constant 0 : i32
    %c0_i32_0 = arith.constant 0 : i32
    return %arg0, %c0_i32 : i32, i32
  }
  func.func @transform_2(%arg0: i32) -> (i32, i32) {
    %c0_i32 = arith.constant 0 : i32
    %c0_i32_0 = arith.constant 0 : i32
    return %arg0, %c0_i32 : i32, i32
  }
  func.func @transform_3(%arg0: i32) -> (i32, i32) {
    %c0_i32 = arith.constant 0 : i32
    %c0_i32_0 = arith.constant 0 : i32
    %c0_i32_1 = arith.constant 0 : i32
    return %c0_i32, %c0_i32_0 : i32, i32
  }
  func.func @transform_4(%arg0: i32) -> (i32, i32) {
    %c0_i32 = arith.constant 0 : i32
    %c0_i32_0 = arith.constant 0 : i32
    return %arg0, %c0_i32 : i32, i32
  }
}

</mosaic_0001>

<sc_bundles>
// kernel: kernel.12.cloned.1.call-start
scs
__scs_entry_jumppad:
0x0: {  	(pc) =	sbr.rel $0x88, $3  }
0x1: {  	(tag) =	ssettag $0x0;
	lr =	simm.s32 $0x1  }
0x2: {  	[smem:$0x3F8F] =	sst lr;
	_ =	strace $0xD0000000  }
0x3: {  	_ = 	snop  }
0x4: {  	_ = 	snop  }
0x5: {  	_ = 	snop  }
0x6: {  	_ = 	snop  }
0x7: {  	_ = 	snop  }
__scs_overlays_trampoline_lowered:
0x8: {  	[smem:$0x3F9E] =	sst s0  }
0x9: {  	[smem:$0x3F9F] =	sst s1  }
0xa: {  	[smem:$0x3FA0] =	sst s2  }
0xb: {  	[smem:$0x3FA1] =	sst s3  }
0xc: {  	[smem:$0x3FA2] =	sst s4  }
0xd: {  	[smem:$0x3FA3] =	sst s5  }
0xe: {  	[smem:$0x3FA4] =	sst s6  }
0xf: {  	[smem:$0x3FA5] =	sst s7  }
0x10: {  	[smem:$0x3FA6] =	sst s8  }
0x11: {  	[smem:$0x3FA7] =	sst s9;
	s0 =	simm.s32 @!p0 $0x0  }
0x12: {  	s1 =	sld [smem:$0x3F8D];
	s0 =	simm.s32 @p0 $0x1  }
0x13: {  	[smem:$0x3FA8] =	sst s0;
	s0 =	simm.s32 @!p1 $0x0  }
0x14: {  	s2 =	sld [smem:$0x3F8C];
	s0 =	simm.s32 @p1 $0x1  }
0x15: {  	[smem:$0x3FA9] =	sst s0;
	s0 =	simm.s32 @!p2 $0x0  }
0x16: {  	s3 =	sld [smem:$0x3FDB];
	s0 =	simm.s32 @p2 $0x1  }
0x17: {  	s4 =	simm.s32 $0x1BF5;
	[smem:$0x3FAB] =	sst s0  }
0x18: {  	s0 =	sld [smem:$0x3F8E];
	_ =	swait.ge [sflag:s4], $0x0  }
0x19: {  	s7 =	sld [smem:$0x3F8F]  }
0x1a: {  	s8 =	sadd.s32 $0xFFFFE003, lr  }
0x1b: {  	s9 =	sadd.s32 $0xFFFFFEF7, lr;
	s5 =	simm.s32 $0xFFFFFFFF;
	p2 =	slt.u32 s8, $0xFFFFF086  }
0x1c: {  	p1 =	slt.u32 s9, $0xF7A;
	s5 =	simm.s32 @!p2 $0x0  }
0x1d: {  	s5 =	simm.s32 @p1 $0x1;
	p0 =	seq.s32 s7, s2  }
0x1e: {  	s7 =	smul.u32 @!p0 $0xF7A, s2;
	p2 =	seq.s32 @!p0 s5, $0x0  }
0x1f: {  	s9 =	smul.u32 $0xF7A, s1;
	s8 =	simm.s32 @!p0 $0x1BF5;
	p2 =	por !p2, p0  }
0x20: {  	[sflag:s8] =	ssyncset.s32 @!p0 $0xFFFFF086;
	s6 =	sadd.s32 @!p0 s3, s7;
	s7 =	simm.s32 @!p0 $0x108  }
0x21: {  	s3 =	sadd.s32 s3, s9;
	s6 =	sadd.s32 @!p0 $0x88, s6;
	s7 =	simm.s32 @p2 $0x1082  }
0x22: {  	[simem:s7], [sflag:s8] =	dma.local @!p0 [hbm:s6], $0xF7A  }
0x23: {  	s9 =	sor.u32 $0xD0000000, s2;
	s6 =	simm.s32 $0x108;
	_ =	swait.ge @!p0 [sflag:s8], $0x0  }
0x24: {  	s3 =	sadd.s32 $0x88, s3;
	s6 =	simm.s32 @!p1 $0x1082;
	[sflag:s4] =	ssyncset.s32 $0xFFFFF086  }
0x25: {  	[simem:s6], [sflag:s4] =	dma.local [hbm:s3], $0xF7A  }
0x26: {  	[smem:$0x3F8F] =	sst s1;
	(tag) =	ssettag s2;
	_ =	strace s9  }
0x27: {  	s1 =	sld [smem:$0x3F9F]  }
0x28: {  	s2 =	sld [smem:$0x3FA0]  }
0x29: {  	s4 =	sld [smem:$0x3FA2]  }
0x2a: {  	p0 =	seq.s32 s5, $0x0;
	s5 =	sld [smem:$0x3FA3]  }
0x2b: {  	s6 =	sld [smem:$0x3FA4]  }
0x2c: {  	s7 =	sld [smem:$0x3FA5]  }
0x2d: {  	s3 =	simm.s32 $0x108;
	s8 =	sld [smem:$0x3FA6]  }
0x2e: {  	s3 =	simm.s32 @!p0 $0x1082;
	s9 =	sld [smem:$0x3FA7]  }
0x2f: {  	lr =	sadd.s32 s0, s3;
	s0 =	sld [smem:$0x3F9E]  }
0x30: {  	s3 =	sld [smem:$0x3FA1]  }
0x31: {  	[smem:$0x3FAA] =	sst s10  }
0x32: {  	s10 =	sld [smem:$0x3FA8];
	_ =	sdelay $0x3  }
0x33: {  	p0 =	seq.s32 s10, $0x1;
	s10 =	sld [smem:$0x3FAA];
	_ =	sdelay $0x3  }
0x34: {  	[smem:$0x3FAA] =	sst s10  }
0x35: {  	s10 =	sld [smem:$0x3FA9];
	_ =	sdelay $0x3  }
0x36: {  	p1 =	seq.s32 s10, $0x1;
	s10 =	sld [smem:$0x3FAA];
	_ =	sdelay $0x3  }
0x37: {  	[smem:$0x3FAA] =	sst s10  }
0x38: {  	s10 =	sld [smem:$0x3FAB]  }
0x39: {  	_ = 	snop;
	(pc) =	sbr.ind lr, $3  }
0x3a: {  	_ = 	snop  }
0x3b: {  	_ = 	snop  }
0x3c: {  	p2 =	seq.s32 s10, $0x1;
	s10 =	sld [smem:$0x3FAA]  }
0x3d: {  	_ =	shalt  }
0x3e: {  	_ =	shalt  }
0x3f: {  	_ =	shalt  }
0x40: {  	_ =	shalt  }
0x41: {  	_ =	shalt  }
0x42: {  	_ =	shalt  }
0x43: {  	_ =	shalt  }
0x44: {  	_ =	shalt  }
0x45: {  	_ =	shalt  }
0x46: {  	_ =	shalt  }
0x47: {  	_ =	shalt  }
0x48: {  	_ =	shalt  }
0x49: {  	_ =	shalt  }
0x4a: {  	_ =	shalt  }
0x4b: {  	_ =	shalt  }
0x4c: {  	_ =	shalt  }
0x4d: {  	_ =	shalt  }
0x4e: {  	_ =	shalt  }
0x4f: {  	_ =	shalt  }
0x50: {  	_ =	shalt  }
0x51: {  	_ =	shalt  }
0x52: {  	_ =	shalt  }
0x53: {  	_ =	shalt  }
0x54: {  	_ =	shalt  }
0x55: {  	_ =	shalt  }
0x56: {  	_ =	shalt  }
0x57: {  	_ =	shalt  }
0x58: {  	_ =	shalt  }
0x59: {  	_ =	shalt  }
0x5a: {  	_ =	shalt  }
0x5b: {  	_ =	shalt  }
0x5c: {  	_ =	shalt  }
0x5d: {  	_ =	shalt  }
0x5e: {  	_ =	shalt  }
0x5f: {  	_ =	shalt  }
0x60: {  	_ =	shalt  }
0x61: {  	_ =	shalt  }
0x62: {  	_ =	shalt  }
0x63: {  	_ =	shalt  }
0x64: {  	_ =	shalt  }
0x65: {  	_ =	shalt  }
0x66: {  	_ =	shalt  }
0x67: {  	_ =	shalt  }
0x68: {  	_ =	shalt  }
0x69: {  	_ =	shalt  }
0x6a: {  	_ =	shalt  }
0x6b: {  	_ =	shalt  }
0x6c: {  	_ =	shalt  }
0x6d: {  	_ =	shalt  }
0x6e: {  	_ =	shalt  }
0x6f: {  	_ =	shalt  }
0x70: {  	_ =	shalt  }
0x71: {  	_ =	shalt  }
0x72: {  	_ =	shalt  }
0x73: {  	_ =	shalt  }
0x74: {  	_ =	shalt  }
0x75: {  	_ =	shalt  }
0x76: {  	_ =	shalt  }
0x77: {  	_ =	shalt  }
0x78: {  	_ =	shalt  }
0x79: {  	_ =	shalt  }
0x7a: {  	_ =	shalt  }
0x7b: {  	_ =	shalt  }
0x7c: {  	_ =	shalt  }
0x7d: {  	_ =	shalt  }
0x7e: {  	_ =	shalt  }
0x7f: {  	_ =	shalt  }
0x80: {  	_ =	shalt  }
0x81: {  	_ =	shalt  }
0x82: {  	_ =	shalt  }
0x83: {  	_ =	shalt  }
0x84: {  	_ =	shalt  }
0x85: {  	_ =	shalt  }
0x86: {  	_ =	shalt  }
0x87: {  	_ =	shalt  }
.Lfunc_end0:
.L_simem_size_0:
called_computation.1_lowered:
.L_overlay_start_0:
0x88: {  	s2 =	sld [smem:$0x3FD9]  }
0x89: {  	s3 =	sld [smem:$0x3FFE];
	_ =	sdelay $0x1  }
0x8a: {  	s1 =	srdreg.scid  }
0x8b: {  	s0 =	sand.u32 $0x1, s1  }
0x8c: {  	s17 =	sshll.u32 s0, $0xA;
	s2 =	sadd.s32 s3, s2  }
0x8d: {  	s2 =	sadd.s32 s2, s17  }
0x8e: {  	[smem:$0x3FB6] =	sst s2  }
0x8f: {  	_ = 	snop  }
0x90: {  	s2 =	sld [smem:$0x3FD0];
	(tm) =	ssettm $0x1  }
0x91: {  	s18 =	sld [smem:$0x3FFB];
	_ =	sdelay $0x3  }
0x92: {  	_ =	strace s18  }
0x93: {  	s3 =	sld [smem:$0x3FFC];
	_ =	sdelay $0x3  }
0x94: {  	_ =	strace s3  }
0x95: {  	s3 =	sld [smem:$0x3FFD];
	_ =	sdelay $0x3  }
0x96: {  	_ =	strace s3  }
0x97: {  	_ =	strace $0x8FFFFFFF  }
0x98: {  	s19 =	sld [smem:$0x3FDB];
	_ =	sdelay $0x1  }
0x99: {  	s4 =	simm.s32 $_scs_section_size  }
0x9a: {  	s5 =	simm.s32 $_size__tile_overlayer_lowered;
	s6 =	simm.s32 $_tile_overlayer_lowered  }
0x9b: {  	s22 =	simm.s32 $0x1BFF;
	s21 =	sshll.u32 s6, $0x1;
	s3 =	sadd.s32 s4, s19  }
0x9c: {  	s7 =	simm.s32 $0x0;
	s20 =	sshll.u32 s5, $0x1;
	s5 =	sadd.s32 s21, s3  }
0x9d: {  	[timem:s7], [sflag:s22] =	dma.local [hbm:s5], s20  }
0x9e: {  	_ =	swait.ge [sflag:s22], s20  }
0x9f: {  	s4 =	ssub.s32 $0x0, s20;
	[sflag:s22] =	ssyncset.done $0x0  }
0xa0: {  	[sflag:s22] =	ssyncadd.s32 s4;
	_ =	sdelay $0x1  }
0xa1: {  	s23 =	simm.s32 $0x1B8B  }
0xa2: {  	_ =	swait.ge [sflag:s23], $0x1  }
0xa3: {  	[sflag:s23] =	ssyncset.done $0x0  }
0xa4: {  	s25 =	simm.s32 $0x1B8E;
	s24 =	sld [smem:$0x3FFE];
	[sflag:s23] =	ssyncadd.s32 $0xFFFFFFFF  }
0xa5: {  	s26 =	simm.s32 $execute0_lowered;
	[smem:$0x3FD2] =	sst s25  }
0xa6: {  	s5 =	sshll.u32 s26, $0x1;
	_ =	strace $0x80000049;
	[dreg:$0x1] =	wrdreg $0xFFFFFFFF  }
0xa7: {  	s28 =	simm.s32 $_size_execute0_lowered;
	s3 =	sadd.s32 s3, s5;
	[dreg:$0x0] =	wrdreg $0x0  }
0xa8: {  	s5 =	sshll.u32 s28, $0x1;
	[dreg:$0x2] =	wrdreg s3  }
0xa9: {  	[dreg:$0x3] =	wrdreg s5  }
0xaa: {  	[dreg:$0x4] =	wrdreg $0xC0  }
0xab: {  	_ =	task [dreg:s7], $0x5FFFF  }
0xac: {  	[dreg:$0x1] =	wrdreg $0xFFFFFFFF  }
0xad: {  	[dreg:$0x0] =	wrdreg $0x60  }
0xae: {  	[dreg:$0x2] =	wrdreg s24  }
0xaf: {  	[dreg:$0x3] =	wrdreg s2  }
0xb0: {  	[dreg:$0x4] =	wrdreg $0x29100  }
0xb1: {  	[dreg:$0x5] =	wrdreg $0x77300  }
0xb2: {  	[dreg:$0x6] =	wrdreg $0x9  }
0xb3: {  	_ =	task.clear_ibuf [dreg:s7], $0x7FFFF;
	_ =	strace $0x90000049  }
0xb4: {  	s29 =	simm.s32 $0x9;
	_ =	strace $0x8000004B  }
0xb5: {  	_ =	swait.ge [sflag:s29], $0x1  }
0xb6: {  	[sflag:s29] =	ssyncadd.s32 $0xFFFFFFFF  }
0xb7: {  	_ =	strace $0x9000004B  }
0xb8: {  	_ =	sfence  }
0xb9: {  	s30 =	sld [smem:$0x0];
	_ =	sdelay $0x2  }
0xba: {  	s31 =	sshll.u32 s1, $0xD;
	s1 =	sshrl.u32 s1, $0x2  }
0xbb: {  	s3 =	sand.u32 $0x4000, s31;
	s1 =	sadd.s32 s1, s30  }
0xbc: {  	s0 =	sor.u32 s3, s0;
	s1 =	sshll.u32 s1, $0x11  }
0xbd: {  	s0 =	sor.u32 s1, s0  }
0xbe: {  	s0 =	sadd.s32 $0x8F2B, s0  }
0xbf: {  	[sflag:s0] =	ssyncadd.remote.s32 $0x1  }
0xc0: {  	_ =	sfence.sel $0xFFFF  }
0xc1: {  	[dreg:$0x0] =	wrdreg $0xFFFFFFFF;
	(pc) =	sbr.abs _section_cstart, $3  }
0xc2: {  	[dreg:$0x1] =	wrdreg $0xFFFFFFFF  }
0xc3: {  	_ =	task.clear_ibuf [dreg:s7], $0x2FFFF;
	_ =	strace $0x9FFFFFFF  }
0xc4: {  	(tm) =	ssettm $0x7FFFFFFF  }
0xc5: {  	_ =	shalt  }
tec
execute0_lowered:
.L_overlay_start_1:
0x0: {  	(tag) =	ssettag $0x1  }
0x1: {  	s0 =	rddreg [dreg:$0x0]  }
0x2: {  	s1 =	rddreg [dreg:$0x1]  }
0x3: {  	s2 =	rddreg [dreg:$0x2]  }
0x4: {  	s3 =	rddreg [dreg:$0x3];
	s4 =	simm.s32 $0x0;
	s12 =	srdreg.scid  }
0x5: {  	s31 =	simm.s32 $0x2;
	s30 =	simm.s32 $0x0;
	[smem:$0x7FF] =	sst s4  }
0x6: {  	s6 =	sadd.s32 $0xDE00, s0;
	s4 =	stileid.u32;
	s7 =	sadd.s32 $0x4000, s0  }
0x7: {  	s8 =	sadd.s32 $0x1CC00, s0;
	s9 =	sadd.s32 $0x17C00, s0;
	s10 =	sadd.s32 $0x3E00, s0  }
0x8: {  	s11 =	sadd.s32 $0x5C400, s0;
	s16 =	sand.u32 $0x1, s12;
	s26 =	sadd.s32 $0x2AE40, s0  }
0x9: {  	s29 =	sadd.s32 $0x49200, s2;
	_ =	strace $0x8000004A;
	s5 =	smul.u32 $0x4E00, s4  }
0xa: {  	s14 =	smul.u32 $0x2700, s4;
	s15 =	ssub.s32 $0x2, s16;
	[dreg:$0x7] =	wrdreg s26  }
0xb: {  	p0 =	seq.s32 s16, $0x0;
	p1 =	sne.s32 s16, $0x0;
	p2 =	sne.s32 s4, $0xF  }
0xc: {  	p3 =	sgt.u32 s4, $0x3;
	p4 =	seq.s32 s4, $0xF;
	s26 =	sadd.s32 $0x24900, s3  }
0xd: {  	s21 =	sshrl.u32 s15, $0x1;
	[dreg:$0x11] =	wrdreg s26;
	s20 =	sshrl.u32 s5, $0x3  }
0xe: {  	s13 =	sshrl.u32 s14, $0x3;
	s19 =	ssub.s32 s15, s21;
	s23 =	sadd.s32 s14, s3  }
0xf: {  	s21 =	sadd.s32 $0x39C40, s0;
	s17 =	sadd.s32 s20, s0;
	[dreg:$0x12] =	wrdreg s23  }
0x10: {  	s18 =	sadd.s32 s13, s0;
	[dreg:$0xb] =	wrdreg s21;
	s22 =	sadd.s32 $0x21C00, s17  }
0x11: {  	s16 =	simm.s32 $0x110;
	s25 =	sadd.s32 $0x66200, s18;
	[dreg:$0x5] =	wrdreg s22  }
0x12: {  	s13 =	sshll.u32 s4, $0x4;
	s20 =	sadd.s32 $0x30A00, s17;
	[dreg:$0x6] =	wrdreg s25  }
0x13: {  	s24 =	sor.u32 $0x9C00, s13;
	s23 =	sadd.s32 $0x2BA00, s18;
	[dreg:$0xa] =	wrdreg s20  }
0x14: {  	s26 =	simm.s32 $0x80;
	s15 =	sadd.s32 s11, s24;
	[dreg:$0xd] =	wrdreg s23  }
0x15: {  	s12 =	sadd.s32 s5, s2;
	s5 =	sadd.s32 s1, s24;
	[dreg:$0x8] =	wrdreg s15  }
0x16: {  	s28 =	smax.u32 s19, $0x1;
	s22 =	sadd.s32 $0x3A800, s17;
	[dreg:$0x9] =	wrdreg s5  }
.Ltmp0:
0x17: {  	s24 =	sadd.s32 $0x6AB20, s0;
	[dreg:$0xc] =	wrdreg s22;
	(pc) =	sbr.rel .LBB2_1-.Ltmp0, $4  }
0x18: {  	s21 =	simm.s32 $0x10;
	s25 =	sadd.s32 $0x43A40, s0;
	[dreg:$0xe] =	wrdreg s24  }
0x19: {  	s0 =	sadd.s32 $0x30320, s0;
	s20 =	simm.s32 $0x910;
	[dreg:$0xf] =	wrdreg s25  }
0x1a: {  	s23 =	simm.s32 $0x1110;
	[dreg:$0x10] =	wrdreg s0;
	s15 =	simm.s32 $0x1FC2  }
0x1b: {  	s25 =	simm.s32 $0x90;
	s24 =	simm.s32 $0x1;
	s22 =	simm.s32 $0x1910  }
.LBB2_27:
0x1c: {  	s0 =	sshrl.u32 s29, $0x3;
	s5 =	rddreg [dreg:$0xb]  }
0x1d: {  	[hbm:s5], [sflag:s15] =	dma.local [spmem:s0], $0xA00  }
0x1e: {  	_ =	swait.ge [sflag:s31], $0xA00  }
0x1f: {  	[sflag:s31] =	ssyncset.done $0x0  }
0x20: {  	[sflag:s31] =	ssyncadd.s32 $0xFFFFF600  }
.LBB2_28:
0x21: {  	s30 =	sadd.s32 $0x1, s30  }
0x22: {  	p5 =	sne.s32 s30, s28  }
.Ltmp1:
0x23: {  	_ = 	snop;
	(pc) =	sbr.rel @!p5 .LBB2_29-.Ltmp1, $1  }
0x24: {  	_ =	sdelay $0x3  }
.LBB2_1:
.Ltmp2:
0x25: {  	s0 =	simm.s32 $0x0;
	(pc) =	sbr.rel @p2 .LBB2_4-.Ltmp2, $4  }
0x26: {  	[tilespmem:s0], [sflag:$0x2] =	stream.linear.gather [hbm4b:s10+s0], $0x10, $0x38;
	[tilespmem:$0x9E40] =	vst v63  }
0x27: {  	_ =	swait.ge [sflag:s31], $0x10  }
0x28: {  	[sflag:s31] =	ssyncset.done $0x0  }
0x29: {  	[sflag:s31] =	ssyncadd.s32 $0xFFFFFFF0  }
.Ltmp3:
0x2a: {  	s5 =	sshrl.u32 s29, $0x3;
	s0 =	rddreg [dreg:$0x7];
	(pc) =	sbr.rel @!p0 .LBB2_14-.Ltmp3, $4  }
0x2b: {  	[spmem:s5], [sflag:s15] =	dma.local [hbm:s0], $0xA00  }
0x2c: {  	_ =	swait.ge [sflag:s31], $0xA00  }
0x2d: {  	[sflag:s31] =	ssyncset.done $0x0  }
0x2e: {  	[sflag:s31] =	ssyncadd.s32 $0xFFFFF600  }
0x2f: {  	s0 =	rddreg [dreg:$0x11]  }
.Ltmp4:
0x30: {  	s19 =	rddreg [dreg:$0xe];
	s5 =	sshrl.u32 s0, $0x3;
	(pc) =	sbr.rel .LBB2_6-.Ltmp4, $4  }
0x31: {  	[spmem:s5], [sflag:s15] =	dma.local [hbm:s19], $0x500  }
0x32: {  	_ =	swait.ge [sflag:s31], $0x500  }
0x33: {  	[sflag:s31] =	ssyncset.done $0x0  }
0x34: {  	[sflag:s31] =	ssyncadd.s32 $0xFFFFFB00  }
.LBB2_4:
0x35: {  	s5 =	sshll.u32 s4, $0x6;
	s14 =	sshrl.u32 s12, $0x3  }
.Ltmp5:
0x36: {  	s0 =	rddreg [dreg:$0x5];
	s5 =	sor.u32 $0x1C02, s5;
	(pc) =	sbr.rel @p1 .LBB2_14-.Ltmp5, $4  }
0x37: {  	[spmem:s14], [sflag:s5] =	dma.local [hbm:s0], $0x9C0  }
0x38: {  	_ =	swait.ge [sflag:s31], $0x9C0  }
0x39: {  	[sflag:s31] =	ssyncset.done $0x0  }
0x3a: {  	[sflag:s31] =	ssyncadd.s32 $0xFFFFF640  }
0x3b: {  	s0 =	rddreg [dreg:$0x12]  }
0x3c: {  	s19 =	rddreg [dreg:$0x6];
	s14 =	sshrl.u32 s0, $0x3  }
0x3d: {  	[spmem:s14], [sflag:s5] =	dma.local [hbm:s19], $0x4E0  }
0x3e: {  	_ =	swait.ge [sflag:s31], $0x4E0  }
0x3f: {  	[sflag:s31] =	ssyncset.done $0x0  }
0x40: {  	[sflag:s31] =	ssyncadd.s32 $0xFFFFFB20  }
.LBB2_6:
0x41: {  	[bflag:$0x0] =	sbarrier.arrive $0xFFFF  }
0x42: {  	s5 =	simm.s32 $0x0;
	s14 =	simm.s32 $0x0;
	v0 =	vld [tilespmem:$0x0]  }
.LBB2_7:
0x43: {  	s17 =	sshll.u32 s14, $0x8  }
0x44: {  	s17 =	sor.u32 s13, s17  }
0x45: {  	s18 =	sadd.s32 s11, s17  }
0x46: {  	[tilespmem:s21], [sflag:$0x2] =	stream.linear.gather [hbm4b:s18+s5], $0x80, $0x38;
	[tilespmem:$0x9E40] =	vst v63  }
0x47: {  	_ =	swait.ge [sflag:s31], $0x80  }
0x48: {  	[sflag:s31] =	ssyncset.done $0x0  }
0x49: {  	s17 =	sadd.s32 s1, s17;
	[sflag:s31] =	ssyncadd.s32 $0xFFFFFF80  }
0x4a: {  	[tilespmem:s25], [sflag:$0x2] =	stream.linear.gather [hbm4b:s17+s5], $0x80, $0x38;
	[tilespmem:$0x9E40] =	vst v63  }
0x4b: {  	_ =	swait.ge [sflag:s31], $0x80  }
0x4c: {  	[sflag:s31] =	ssyncset.done $0x0  }
0x4d: {  	[sflag:s31] =	ssyncadd.s32 $0xFFFFFF80  }
0x4e: {  	[tilespmem:s16], [sflag:$0x1] =	stream.indirect.gather [hbm4b:s8+s26], $0x10, s21, s26, $0xb8;
	[tilespmem:$0x9E40] =	vst v63  }
0x4f: {  	_ =	swait.ge [sflag:s24], $0x800  }
0x50: {  	[sflag:s24] =	ssyncset.done $0x0  }
0x51: {  	[sflag:s24] =	ssyncadd.s32 $0xFFFFF800  }
0x52: {  	[tilespmem:s20], [sflag:$0x1] =	stream.indirect.gather [hbm4b:s9+s26], $0x10, s25, s26, $0xb8;
	[tilespmem:$0x9E40] =	vst v63  }
0x53: {  	_ =	swait.ge [sflag:s24], $0x800  }
0x54: {  	[sflag:s24] =	ssyncset.done $0x0  }
0x55: {  	[sflag:s24] =	ssyncadd.s32 $0xFFFFF800  }
0x56: {  	[tilespmem:s22], [sflag:$0x1] =	stream.indirect.gather [hbm4b:s6+s26], $0x20, s21, s26, $0xb8;
	[tilespmem:$0x9E40] =	vst v63  }
0x57: {  	_ =	swait.ge [sflag:s24], $0x1000  }
0x58: {  	[sflag:s24] =	ssyncset.done $0x0  }
0x59: {  	s19 =	simm.s32 $0x0;
	[sflag:s24] =	ssyncadd.s32 $0xFFFFF000  }
0x5a: {  	v1 =	vld [tilespmem:s19+$0x110]  }
0x5b: {  	v2 =	vld [tilespmem:s19+$0x910];
	_ =	sdelay $0x4  }
0x5c: {  	v1 =	vadd.f32 v2, v1;
	_ =	sdelay $0x1  }
0x5d: {  	v2 =	vmul.f32 $2.000000030e-01, v1  }
0x5e: {  	vm0 =	vge.f32 v1, $0.0e+00  }
0x5f: {  	v1 =	vsel vm0, v1, v2  }
0x60: {  	v1 =	vsub.f32 v1, v0;
	_ =	sdelay $0x1  }
0x61: {  	v1 =	vmul.f32 $1.442695020e+00, v1;
	_ =	sdelay $0x1  }
0x62: {  	(erf) = vpow2.f32 v1;
	_ =	sdelay $0x8  }
0x63: {  	v1 =	vpop (erf)  }
0x64: {  	s17 =	simm.s32 $0x1920;
	[tilespmem:s19+$0x1110] =	vst v1  }
0x65: {  	v3 =	vld [tilespmem:s17+$0xFFFFFFF0];
	_ =	sdelay $0x1  }
0x66: {  	v2 =	vbroadcast v1, $0x0;
	v1 =	vld [tilespmem:s17+$0x0];
	_ =	sdelay $0x2  }
0x67: {  	s18 =	simm.s32 $0x40;
	s19 =	simm.s32 $0x1920;
	v3 =	vmul.f32 v2, v3  }
.LBB2_8:
0x68: {  	p5 =	sne.s32 s18, $0x1FC0  }
0x69: {  	v1 =	vmul.f32 v2, v1;
	s17 =	sadd.s32 $0x20, s17;
	s0 =	smov.u32 s18;
	s18 =	sadd.s32 $0x40, s18  }
0x6a: {  	[tilespmem:s19+$0xFFFFFFF0] =	vst v3  }
0x6b: {  	s0 =	sshra.s32 s0, $0x2;
	[tilespmem:s19+$0x0] =	vst v1;
	s19 =	smov.u32 s17  }
0x6c: {  	v1 =	vld [tilespmem:s0+$0x110]  }
0x6d: {  	v2 =	vld [tilespmem:s0+$0x910];
	_ =	sdelay $0x4  }
0x6e: {  	v1 =	vadd.f32 v2, v1;
	_ =	sdelay $0x1  }
0x6f: {  	vm0 =	vge.f32 v1, $0.0e+00;
	v2 =	vmul.f32 $2.000000030e-01, v1;
	_ =	sdelay $0x1  }
0x70: {  	v1 =	vsel vm0, v1, v2  }
0x71: {  	v1 =	vsub.f32 v1, v0;
	_ =	sdelay $0x1  }
0x72: {  	v1 =	vmul.f32 $1.442695020e+00, v1;
	_ =	sdelay $0x1  }
0x73: {  	(erf) = vpow2.f32 v1;
	_ =	sdelay $0x8  }
0x74: {  	v2 =	vpop (erf)  }
0x75: {  	[tilespmem:s0+$0x1110] =	vst v2  }
0x76: {  	v3 =	vld [tilespmem:s17+$0xFFFFFFF0]  }
.Ltmp6:
0x77: {  	v1 =	vld [tilespmem:s17+$0x0];
	(pc) =	sbr.rel @p5 .LBB2_8-.Ltmp6, $2  }
0x78: {  	v2 =	vbroadcast v2, $0x0;
	_ =	sdelay $0x2  }
0x79: {  	v3 =	vmul.f32 v2, v3  }
0x7a: {  	v1 =	vmul.f32 v2, v1  }
0x7b: {  	[tilespmem:s19+$0xFFFFFFF0] =	vst v3  }
0x7c: {  	[tilespmem:s19+$0x0] =	vst v1  }
0x7d: {  	[spmem:s2] =	stream.indirect.scatter.add.f32 [tilespmem:s22], [sflag:$0x2], $0x20, s25, s26, $0xb8;
	[tilespmem:$0x9E40] =	vst v63  }
0x7e: {  	s14 =	sadd.s32 $0x1, s14;
	_ =	swait.ge [sflag:s31], $0x1000  }
0x7f: {  	p5 =	sne.s32 s14, $0x9C;
	[sflag:s31] =	ssyncset.done $0x0  }
.Ltmp7:
0x80: {  	[sflag:s31] =	ssyncadd.s32 $0xFFFFF000;
	(pc) =	sbr.rel @p5 .LBB2_7-.Ltmp7, $4  }
0x81: {  	[spmem:s3] =	stream.indirect.scatter.add.f32 [tilespmem:s23], [sflag:$0x2], $0x10, s25, s26, $0xb8;
	[tilespmem:$0x9E40] =	vst v63  }
0x82: {  	_ =	swait.ge [sflag:s31], $0x800  }
0x83: {  	[sflag:s31] =	ssyncset.done $0x0  }
0x84: {  	[sflag:s31] =	ssyncadd.s32 $0xFFFFF800  }
.Ltmp8:
0x85: {  	(pc) =	sbr.rel @p3 .LBB2_22-.Ltmp8, $1  }
0x86: {  	_ =	sdelay $0x3  }
0x87: {  	s0 =	simm.s32 $0x0;
	s5 =	rddreg [dreg:$0x8]  }
0x88: {  	[tilespmem:s21], [sflag:$0x2] =	stream.linear.gather [hbm4b:s5+s0], $0x80, $0x38;
	[tilespmem:$0x9E40] =	vst v63  }
0x89: {  	_ =	swait.ge [sflag:s31], $0x80  }
0x8a: {  	[sflag:s31] =	ssyncset.done $0x0  }
0x8b: {  	s18 =	rddreg [dreg:$0x9];
	[sflag:s31] =	ssyncadd.s32 $0xFFFFFF80  }
0x8c: {  	[tilespmem:s25], [sflag:$0x2] =	stream.linear.gather [hbm4b:s18+s0], $0x80, $0x38;
	[tilespmem:$0x9E40] =	vst v63  }
0x8d: {  	_ =	swait.ge [sflag:s31], $0x80  }
0x8e: {  	[sflag:s31] =	ssyncset.done $0x0  }
0x8f: {  	[sflag:s31] =	ssyncadd.s32 $0xFFFFFF80  }
0x90: {  	[tilespmem:s16], [sflag:$0x1] =	stream.indirect.gather [hbm4b:s8+s26], $0x10, s21, s26, $0xb8;
	[tilespmem:$0x9E40] =	vst v63  }
0x91: {  	_ =	swait.ge [sflag:s24], $0x800  }
0x92: {  	[sflag:s24] =	ssyncset.done $0x0  }
0x93: {  	[sflag:s24] =	ssyncadd.s32 $0xFFFFF800  }
0x94: {  	[tilespmem:s20], [sflag:$0x1] =	stream.indirect.gather [hbm4b:s9+s26], $0x10, s25, s26, $0xb8;
	[tilespmem:$0x9E40] =	vst v63  }
0x95: {  	_ =	swait.ge [sflag:s24], $0x800  }
0x96: {  	[sflag:s24] =	ssyncset.done $0x0  }
0x97: {  	[sflag:s24] =	ssyncadd.s32 $0xFFFFF800  }
0x98: {  	[tilespmem:s22], [sflag:$0x1] =	stream.indirect.gather [hbm4b:s6+s26], $0x20, s21, s26, $0xb8;
	[tilespmem:$0x9E40] =	vst v63  }
0x99: {  	_ =	swait.ge [sflag:s24], $0x1000  }
0x9a: {  	[sflag:s24] =	ssyncset.done $0x0  }
0x9b: {  	s19 =	simm.s32 $0x0;
	[sflag:s24] =	ssyncadd.s32 $0xFFFFF000  }
0x9c: {  	v1 =	vld [tilespmem:s19+$0x110]  }
0x9d: {  	v2 =	vld [tilespmem:s19+$0x910];
	_ =	sdelay $0x4  }
0x9e: {  	v1 =	vadd.f32 v2, v1;
	_ =	sdelay $0x1  }
0x9f: {  	v2 =	vmul.f32 $2.000000030e-01, v1  }
0xa0: {  	vm0 =	vge.f32 v1, $0.0e+00  }
0xa1: {  	v1 =	vsel vm0, v1, v2  }
0xa2: {  	v1 =	vsub.f32 v1, v0;
	_ =	sdelay $0x1  }
0xa3: {  	v1 =	vmul.f32 $1.442695020e+00, v1;
	_ =	sdelay $0x1  }
0xa4: {  	(erf) = vpow2.f32 v1;
	_ =	sdelay $0x8  }
0xa5: {  	v1 =	vpop (erf)  }
0xa6: {  	s5 =	simm.s32 $0x1920;
	[tilespmem:s19+$0x1110] =	vst v1  }
0xa7: {  	v3 =	vld [tilespmem:s5+$0xFFFFFFF0];
	_ =	sdelay $0x1  }
0xa8: {  	v2 =	vbroadcast v1, $0x0;
	v1 =	vld [tilespmem:s5+$0x0];
	_ =	sdelay $0x2  }
0xa9: {  	s14 =	simm.s32 $0x40;
	s17 =	simm.s32 $0x1920;
	v3 =	vmul.f32 v2, v3  }
.LBB2_12:
0xaa: {  	p5 =	sne.s32 s14, $0x1FC0  }
0xab: {  	v1 =	vmul.f32 v2, v1;
	s5 =	sadd.s32 $0x20, s5;
	s0 =	smov.u32 s14;
	s14 =	sadd.s32 $0x40, s14  }
0xac: {  	[tilespmem:s17+$0xFFFFFFF0] =	vst v3  }
0xad: {  	s0 =	sshra.s32 s0, $0x2;
	[tilespmem:s17+$0x0] =	vst v1;
	s17 =	smov.u32 s5  }
0xae: {  	v1 =	vld [tilespmem:s0+$0x110]  }
0xaf: {  	v2 =	vld [tilespmem:s0+$0x910];
	_ =	sdelay $0x4  }
0xb0: {  	v1 =	vadd.f32 v2, v1;
	_ =	sdelay $0x1  }
0xb1: {  	vm0 =	vge.f32 v1, $0.0e+00;
	v2 =	vmul.f32 $2.000000030e-01, v1;
	_ =	sdelay $0x1  }
0xb2: {  	v1 =	vsel vm0, v1, v2  }
0xb3: {  	v1 =	vsub.f32 v1, v0;
	_ =	sdelay $0x1  }
0xb4: {  	v1 =	vmul.f32 $1.442695020e+00, v1;
	_ =	sdelay $0x1  }
0xb5: {  	(erf) = vpow2.f32 v1;
	_ =	sdelay $0x8  }
0xb6: {  	v2 =	vpop (erf)  }
0xb7: {  	[tilespmem:s0+$0x1110] =	vst v2  }
0xb8: {  	v3 =	vld [tilespmem:s5+$0xFFFFFFF0]  }
.Ltmp9:
0xb9: {  	v1 =	vld [tilespmem:s5+$0x0];
	(pc) =	sbr.rel @p5 .LBB2_12-.Ltmp9, $2  }
0xba: {  	v2 =	vbroadcast v2, $0x0;
	_ =	sdelay $0x2  }
0xbb: {  	v3 =	vmul.f32 v2, v3  }
0xbc: {  	v0 =	vmul.f32 v2, v1  }
0xbd: {  	[tilespmem:s17+$0xFFFFFFF0] =	vst v3  }
0xbe: {  	[tilespmem:s17+$0x0] =	vst v0  }
0xbf: {  	[spmem:s2] =	stream.indirect.scatter.add.f32 [tilespmem:s22], [sflag:$0x2], $0x20, s25, s26, $0xb8;
	[tilespmem:$0x9E40] =	vst v63  }
0xc0: {  	_ =	swait.ge [sflag:s31], $0x1000  }
0xc1: {  	[sflag:s31] =	ssyncset.done $0x0  }
0xc2: {  	[sflag:s31] =	ssyncadd.s32 $0xFFFFF000  }
0xc3: {  	[spmem:s3] =	stream.indirect.scatter.add.f32 [tilespmem:s23], [sflag:$0x2], $0x10, s25, s26, $0xb8;
	[tilespmem:$0x9E40] =	vst v63  }
.Ltmp10:
0xc4: {  	_ =	swait.ge [sflag:s31], $0x800;
	(pc) =	sbr.rel .LBB2_23-.Ltmp10, $3  }
0xc5: {  	[sflag:s31] =	ssyncset.done $0x0  }
0xc6: {  	[sflag:s31] =	ssyncadd.s32 $0xFFFFF800  }
0xc7: {  	[bflag:$0x0] =	sbarrier.arrive $0xFFFF;
	_ =	sdelay $0x1  }
.LBB2_14:
0xc8: {  	[bflag:$0x0] =	sbarrier.arrive $0xFFFF  }
0xc9: {  	s5 =	simm.s32 $0x0;
	s14 =	simm.s32 $0x0;
	v0 =	vld [tilespmem:$0x0]  }
.LBB2_15:
0xca: {  	s0 =	sshll.u32 s14, $0x8  }
0xcb: {  	s0 =	sor.u32 s13, s0  }
0xcc: {  	s17 =	sadd.s32 s11, s0  }
0xcd: {  	[tilespmem:s21], [sflag:$0x2] =	stream.linear.gather [hbm4b:s17+s5], $0x80, $0x38;
	[tilespmem:$0x9E40] =	vst v63  }
0xce: {  	_ =	swait.ge [sflag:s31], $0x80  }
0xcf: {  	[sflag:s31] =	ssyncset.done $0x0  }
0xd0: {  	s0 =	sadd.s32 s1, s0;
	[sflag:s31] =	ssyncadd.s32 $0xFFFFFF80  }
0xd1: {  	[tilespmem:s25], [sflag:$0x2] =	stream.linear.gather [hbm4b:s0+s5], $0x80, $0x38;
	[tilespmem:$0x9E40] =	vst v63  }
0xd2: {  	_ =	swait.ge [sflag:s31], $0x80  }
0xd3: {  	[sflag:s31] =	ssyncset.done $0x0  }
0xd4: {  	[sflag:s31] =	ssyncadd.s32 $0xFFFFFF80  }
0xd5: {  	[tilespmem:s16], [sflag:$0x1] =	stream.indirect.gather [hbm4b:s8+s26], $0x10, s21, s26, $0xb8;
	[tilespmem:$0x9E40] =	vst v63  }
0xd6: {  	_ =	swait.ge [sflag:s24], $0x800  }
0xd7: {  	[sflag:s24] =	ssyncset.done $0x0  }
0xd8: {  	[sflag:s24] =	ssyncadd.s32 $0xFFFFF800  }
0xd9: {  	[tilespmem:s20], [sflag:$0x1] =	stream.indirect.gather [hbm4b:s9+s26], $0x10, s25, s26, $0xb8;
	[tilespmem:$0x9E40] =	vst v63  }
0xda: {  	_ =	swait.ge [sflag:s24], $0x800  }
0xdb: {  	[sflag:s24] =	ssyncset.done $0x0  }
0xdc: {  	[sflag:s24] =	ssyncadd.s32 $0xFFFFF800  }
0xdd: {  	[tilespmem:s22], [sflag:$0x1] =	stream.indirect.gather [hbm4b:s7+s26], $0x20, s21, s26, $0xb8;
	[tilespmem:$0x9E40] =	vst v63  }
0xde: {  	_ =	swait.ge [sflag:s24], $0x1000  }
0xdf: {  	[sflag:s24] =	ssyncset.done $0x0  }
0xe0: {  	s19 =	simm.s32 $0x0;
	[sflag:s24] =	ssyncadd.s32 $0xFFFFF000  }
0xe1: {  	v1 =	vld [tilespmem:s19+$0x910]  }
0xe2: {  	v2 =	vld [tilespmem:s19+$0x110];
	_ =	sdelay $0x4  }
0xe3: {  	v1 =	vadd.f32 v1, v2;
	_ =	sdelay $0x1  }
0xe4: {  	v2 =	vmul.f32 $2.000000030e-01, v1  }
0xe5: {  	vm0 =	vge.f32 v1, $0.0e+00  }
0xe6: {  	v1 =	vsel vm0, v1, v2  }
0xe7: {  	v1 =	vsub.f32 v1, v0;
	_ =	sdelay $0x1  }
0xe8: {  	v1 =	vmul.f32 $1.442695020e+00, v1;
	_ =	sdelay $0x1  }
0xe9: {  	(erf) = vpow2.f32 v1;
	_ =	sdelay $0x5  }
0xea: {  	s17 =	simm.s32 $0x1920  }
0xeb: {  	v1 =	vld [tilespmem:s17+$0x0]  }
0xec: {  	v2 =	vld [tilespmem:s17+$0xFFFFFFF0]  }
0xed: {  	v3 =	vpop (erf)  }
0xee: {  	v3 =	vbroadcast v3, $0x0;
	_ =	sdelay $0x1  }
0xef: {  	v1 =	vmul.f32 v3, v1  }
0xf0: {  	v2 =	vmul.f32 v3, v2  }
0xf1: {  	[tilespmem:s17+$0x0] =	vst v1  }
0xf2: {  	s19 =	simm.s32 $0x10;
	[tilespmem:s17+$0xFFFFFFF0] =	vst v2  }
0xf3: {  	s18 =	simm.s32 $0x80;
	v1 =	vld [tilespmem:s19+$0x910]  }
.LBB2_16:
0xf4: {  	p5 =	sne.s32 s18, $0x1FC0;
	v2 =	vld [tilespmem:s19+$0x110];
	_ =	sdelay $0x4  }
0xf5: {  	v1 =	vadd.f32 v1, v2;
	_ =	sdelay $0x1  }
0xf6: {  	v2 =	vmul.f32 $2.000000030e-01, v1  }
0xf7: {  	vm0 =	vge.f32 v1, $0.0e+00  }
0xf8: {  	v1 =	vsel vm0, v1, v2  }
0xf9: {  	v1 =	vsub.f32 v1, v0;
	_ =	sdelay $0x1  }
0xfa: {  	v1 =	vmul.f32 $1.442695020e+00, v1;
	_ =	sdelay $0x1  }
0xfb: {  	(erf) = vpow2.f32 v1;
	_ =	sdelay $0x4  }
0xfc: {  	s17 =	sadd.s32 $0x20, s17  }
0xfd: {  	v1 =	vld [tilespmem:s17+$0xFFFFFFF0]  }
0xfe: {  	v2 =	vld [tilespmem:s17+$0x0];
	_ =	sdelay $0x1  }
0xff: {  	v3 =	vpop (erf)  }
0x100: {  	v3 =	vbroadcast v3, $0x0;
	_ =	sdelay $0x1  }
.Ltmp11:
0x101: {  	v1 =	vmul.f32 v3, v1;
	v2 =	vmul.f32 v3, v2;
	(pc) =	sbr.rel @p5 .LBB2_16-.Ltmp11, $4  }
0x102: {  	_ = 	snop  }
0x103: {  	[tilespmem:s17+$0x0] =	vst v2  }
0x104: {  	s19 =	sshra.s32 s18, $0x2;
	[tilespmem:s17+$0xFFFFFFF0] =	vst v1  }
0x105: {  	s18 =	sadd.s32 $0x40, s18;
	v1 =	vld [tilespmem:s19+$0x910]  }
0x106: {  	v2 =	vld [tilespmem:s19+$0x110];
	_ =	sdelay $0x4  }
0x107: {  	v1 =	vadd.f32 v1, v2;
	_ =	sdelay $0x1  }
0x108: {  	v2 =	vmul.f32 $2.000000030e-01, v1  }
0x109: {  	vm0 =	vge.f32 v1, $0.0e+00  }
0x10a: {  	v1 =	vsel vm0, v1, v2  }
0x10b: {  	v1 =	vsub.f32 v1, v0;
	_ =	sdelay $0x1  }
0x10c: {  	v1 =	vmul.f32 $1.442695020e+00, v1;
	_ =	sdelay $0x1  }
0x10d: {  	(erf) = vpow2.f32 v1;
	_ =	sdelay $0x5  }
0x10e: {  	s0 =	sadd.s32 $0x20, s17  }
0x10f: {  	v1 =	vld [tilespmem:s0+$0x0]  }
0x110: {  	v2 =	vld [tilespmem:s0+$0xFFFFFFF0]  }
0x111: {  	v3 =	vpop (erf)  }
0x112: {  	v3 =	vbroadcast v3, $0x0;
	_ =	sdelay $0x1  }
0x113: {  	v1 =	vmul.f32 v3, v1  }
0x114: {  	s14 =	sadd.s32 $0x1, s14;
	v2 =	vmul.f32 v3, v2  }
0x115: {  	p5 =	sne.s32 s14, $0x9C;
	[tilespmem:s0+$0x0] =	vst v1  }
.Ltmp12:
0x116: {  	[tilespmem:s0+$0xFFFFFFF0] =	vst v2;
	(pc) =	sbr.rel @p5 .LBB2_15-.Ltmp12, $4  }
0x117: {  	[spmem:s2] =	stream.indirect.scatter.add.f32 [tilespmem:s22], [sflag:$0x2], $0x20, s25, s26, $0xb8;
	[tilespmem:$0x9E40] =	vst v63  }
0x118: {  	_ =	swait.ge [sflag:s31], $0x1000  }
0x119: {  	[sflag:s31] =	ssyncset.done $0x0  }
0x11a: {  	[sflag:s31] =	ssyncadd.s32 $0xFFFFF000  }
.Ltmp13:
0x11b: {  	(pc) =	sbr.rel @p3 .LBB2_25-.Ltmp13, $1  }
0x11c: {  	_ =	sdelay $0x3  }
0x11d: {  	s0 =	simm.s32 $0x0;
	s5 =	rddreg [dreg:$0x8]  }
0x11e: {  	[tilespmem:s21], [sflag:$0x2] =	stream.linear.gather [hbm4b:s5+s0], $0x80, $0x38;
	[tilespmem:$0x9E40] =	vst v63  }
0x11f: {  	_ =	swait.ge [sflag:s31], $0x80  }
0x120: {  	[sflag:s31] =	ssyncset.done $0x0  }
0x121: {  	s18 =	rddreg [dreg:$0x9];
	[sflag:s31] =	ssyncadd.s32 $0xFFFFFF80  }
0x122: {  	[tilespmem:s25], [sflag:$0x2] =	stream.linear.gather [hbm4b:s18+s0], $0x80, $0x38;
	[tilespmem:$0x9E40] =	vst v63  }
0x123: {  	_ =	swait.ge [sflag:s31], $0x80  }
0x124: {  	[sflag:s31] =	ssyncset.done $0x0  }
0x125: {  	[sflag:s31] =	ssyncadd.s32 $0xFFFFFF80  }
0x126: {  	[tilespmem:s16], [sflag:$0x1] =	stream.indirect.gather [hbm4b:s8+s26], $0x10, s21, s26, $0xb8;
	[tilespmem:$0x9E40] =	vst v63  }
0x127: {  	_ =	swait.ge [sflag:s24], $0x800  }
0x128: {  	[sflag:s24] =	ssyncset.done $0x0  }
0x129: {  	[sflag:s24] =	ssyncadd.s32 $0xFFFFF800  }
0x12a: {  	[tilespmem:s20], [sflag:$0x1] =	stream.indirect.gather [hbm4b:s9+s26], $0x10, s25, s26, $0xb8;
	[tilespmem:$0x9E40] =	vst v63  }
0x12b: {  	_ =	swait.ge [sflag:s24], $0x800  }
0x12c: {  	[sflag:s24] =	ssyncset.done $0x0  }
0x12d: {  	[sflag:s24] =	ssyncadd.s32 $0xFFFFF800  }
0x12e: {  	[tilespmem:s22], [sflag:$0x1] =	stream.indirect.gather [hbm4b:s7+s26], $0x20, s21, s26, $0xb8;
	[tilespmem:$0x9E40] =	vst v63  }
0x12f: {  	_ =	swait.ge [sflag:s24], $0x1000  }
0x130: {  	[sflag:s24] =	ssyncset.done $0x0  }
0x131: {  	s19 =	simm.s32 $0x0;
	[sflag:s24] =	ssyncadd.s32 $0xFFFFF000  }
0x132: {  	v1 =	vld [tilespmem:s19+$0x910]  }
0x133: {  	v2 =	vld [tilespmem:s19+$0x110];
	_ =	sdelay $0x4  }
0x134: {  	v1 =	vadd.f32 v1, v2;
	_ =	sdelay $0x1  }
0x135: {  	v2 =	vmul.f32 $2.000000030e-01, v1  }
0x136: {  	vm0 =	vge.f32 v1, $0.0e+00  }
0x137: {  	v1 =	vsel vm0, v1, v2  }
0x138: {  	v1 =	vsub.f32 v1, v0;
	_ =	sdelay $0x1  }
0x139: {  	v1 =	vmul.f32 $1.442695020e+00, v1;
	_ =	sdelay $0x1  }
0x13a: {  	(erf) = vpow2.f32 v1;
	_ =	sdelay $0x5  }
0x13b: {  	s5 =	simm.s32 $0x1920  }
0x13c: {  	v1 =	vld [tilespmem:s5+$0x0]  }
0x13d: {  	v2 =	vld [tilespmem:s5+$0xFFFFFFF0]  }
0x13e: {  	v3 =	vpop (erf)  }
0x13f: {  	v3 =	vbroadcast v3, $0x0;
	_ =	sdelay $0x1  }
0x140: {  	v1 =	vmul.f32 v3, v1  }
0x141: {  	v2 =	vmul.f32 v3, v2  }
0x142: {  	[tilespmem:s5+$0x0] =	vst v1  }
0x143: {  	s17 =	simm.s32 $0x10;
	[tilespmem:s5+$0xFFFFFFF0] =	vst v2  }
0x144: {  	s14 =	simm.s32 $0x80;
	v1 =	vld [tilespmem:s17+$0x910]  }
.LBB2_20:
0x145: {  	p5 =	sne.s32 s14, $0x1FC0;
	v2 =	vld [tilespmem:s17+$0x110];
	_ =	sdelay $0x4  }
0x146: {  	v1 =	vadd.f32 v1, v2;
	_ =	sdelay $0x1  }
0x147: {  	v2 =	vmul.f32 $2.000000030e-01, v1  }
0x148: {  	vm0 =	vge.f32 v1, $0.0e+00  }
0x149: {  	v1 =	vsel vm0, v1, v2  }
0x14a: {  	v1 =	vsub.f32 v1, v0;
	_ =	sdelay $0x1  }
0x14b: {  	v1 =	vmul.f32 $1.442695020e+00, v1;
	_ =	sdelay $0x1  }
0x14c: {  	(erf) = vpow2.f32 v1;
	_ =	sdelay $0x4  }
0x14d: {  	s5 =	sadd.s32 $0x20, s5  }
0x14e: {  	v1 =	vld [tilespmem:s5+$0xFFFFFFF0]  }
0x14f: {  	v2 =	vld [tilespmem:s5+$0x0];
	_ =	sdelay $0x1  }
0x150: {  	v3 =	vpop (erf)  }
0x151: {  	v3 =	vbroadcast v3, $0x0;
	_ =	sdelay $0x1  }
.Ltmp14:
0x152: {  	v1 =	vmul.f32 v3, v1;
	v2 =	vmul.f32 v3, v2;
	(pc) =	sbr.rel @p5 .LBB2_20-.Ltmp14, $4  }
0x153: {  	_ = 	snop  }
0x154: {  	[tilespmem:s5+$0x0] =	vst v2  }
0x155: {  	s17 =	sshra.s32 s14, $0x2;
	[tilespmem:s5+$0xFFFFFFF0] =	vst v1  }
0x156: {  	s14 =	sadd.s32 $0x40, s14;
	v1 =	vld [tilespmem:s17+$0x910]  }
0x157: {  	v2 =	vld [tilespmem:s17+$0x110];
	_ =	sdelay $0x4  }
0x158: {  	v1 =	vadd.f32 v1, v2;
	_ =	sdelay $0x1  }
0x159: {  	v2 =	vmul.f32 $2.000000030e-01, v1  }
0x15a: {  	vm0 =	vge.f32 v1, $0.0e+00  }
0x15b: {  	v1 =	vsel vm0, v1, v2  }
0x15c: {  	v0 =	vsub.f32 v1, v0;
	_ =	sdelay $0x1  }
0x15d: {  	v0 =	vmul.f32 $1.442695020e+00, v0;
	_ =	sdelay $0x1  }
0x15e: {  	(erf) = vpow2.f32 v0;
	_ =	sdelay $0x5  }
0x15f: {  	s0 =	sadd.s32 $0x20, s5  }
0x160: {  	v61 =	vld [tilespmem:s0+$0x0]  }
0x161: {  	v62 =	vld [tilespmem:s0+$0xFFFFFFF0]  }
0x162: {  	v63 =	vpop (erf)  }
0x163: {  	v2 =	vbroadcast v63, $0x0;
	_ =	sdelay $0x1  }
0x164: {  	v0 =	vmul.f32 v2, v61  }
0x165: {  	v1 =	vmul.f32 v2, v62  }
0x166: {  	[tilespmem:s0+$0x0] =	vst v0  }
0x167: {  	[tilespmem:s0+$0xFFFFFFF0] =	vst v1  }
0x168: {  	[spmem:s2] =	stream.indirect.scatter.add.f32 [tilespmem:s22], [sflag:$0x2], $0x20, s25, s26, $0xb8;
	[tilespmem:$0x9E40] =	vst v63  }
.Ltmp15:
0x169: {  	_ =	swait.ge [sflag:s31], $0x1000;
	(pc) =	sbr.rel .LBB2_26-.Ltmp15, $3  }
0x16a: {  	[sflag:s31] =	ssyncset.done $0x0  }
0x16b: {  	[sflag:s31] =	ssyncadd.s32 $0xFFFFF000  }
0x16c: {  	[bflag:$0x0] =	sbarrier.arrive $0xFFFF;
	_ =	sdelay $0x1  }
.LBB2_22:
.Ltmp16:
0x16d: {  	(pc) =	sbr.rel @!p4 .LBB2_23-.Ltmp16, $2  }
0x16e: {  	_ =	sdelay $0x1  }
0x16f: {  	[bflag:$0x0] =	sbarrier.arrive $0xFFFF;
	_ =	sdelay $0x1  }
0x170: {  	s0 =	sshrl.u32 s29, $0x3;
	s5 =	rddreg [dreg:$0xf];
	s14 =	simm.s32 $0x1FC2  }
0x171: {  	[hbm:s5], [sflag:s14] =	dma.local [spmem:s0], $0xA00  }
0x172: {  	_ =	swait.ge [sflag:s31], $0xA00  }
0x173: {  	s18 =	rddreg [dreg:$0x11]  }
0x174: {  	[sflag:s31] =	ssyncset.done $0x0;
	s19 =	rddreg [dreg:$0x10]  }
.Ltmp17:
0x175: {  	[sflag:s31] =	ssyncadd.s32 $0xFFFFF600;
	s0 =	sshrl.u32 s18, $0x3;
	(pc) =	sbr.rel .LBB2_28-.Ltmp17, $4  }
0x176: {  	[hbm:s19], [sflag:s14] =	dma.local [spmem:s0], $0x500  }
0x177: {  	_ =	swait.ge [sflag:s31], $0x500  }
0x178: {  	[sflag:s31] =	ssyncset.done $0x0  }
0x179: {  	s15 =	simm.s32 $0x1FC2;
	[sflag:s31] =	ssyncadd.s32 $0xFFFFFB00  }
.LBB2_23:
0x17a: {  	s0 =	sshll.u32 s4, $0x6  }
0x17b: {  	s5 =	sshrl.u32 s12, $0x3;
	s14 =	rddreg [dreg:$0xc];
	s0 =	sor.u32 $0x1C02, s0  }
0x17c: {  	[hbm:s14], [sflag:s0] =	dma.local [spmem:s5], $0x9C0  }
0x17d: {  	_ =	swait.ge [sflag:s31], $0x9C0  }
0x17e: {  	s18 =	rddreg [dreg:$0x12]  }
0x17f: {  	[sflag:s31] =	ssyncset.done $0x0;
	s19 =	rddreg [dreg:$0xd]  }
.Ltmp18:
0x180: {  	[sflag:s31] =	ssyncadd.s32 $0xFFFFF640;
	s5 =	sshrl.u32 s18, $0x3;
	(pc) =	sbr.rel .LBB2_28-.Ltmp18, $4  }
0x181: {  	[hbm:s19], [sflag:s0] =	dma.local [spmem:s5], $0x4E0  }
0x182: {  	_ =	swait.ge [sflag:s31], $0x4E0  }
0x183: {  	[sflag:s31] =	ssyncset.done $0x0  }
0x184: {  	[sflag:s31] =	ssyncadd.s32 $0xFFFFFB20  }
.LBB2_25:
.Ltmp19:
0x185: {  	(pc) =	sbr.rel @p4 .LBB2_27-.Ltmp19, $2  }
0x186: {  	_ =	sdelay $0x1  }
0x187: {  	[bflag:$0x0] =	sbarrier.arrive $0xFFFF;
	_ =	sdelay $0x1  }
.LBB2_26:
0x188: {  	s0 =	sshll.u32 s4, $0x6;
	s5 =	sshrl.u32 s12, $0x3  }
.Ltmp20:
0x189: {  	s14 =	rddreg [dreg:$0xa];
	s0 =	sor.u32 $0x1C02, s0;
	(pc) =	sbr.rel .LBB2_28-.Ltmp20, $4  }
0x18a: {  	[hbm:s14], [sflag:s0] =	dma.local [spmem:s5], $0x9C0  }
0x18b: {  	_ =	swait.ge [sflag:s31], $0x9C0  }
0x18c: {  	[sflag:s31] =	ssyncset.done $0x0  }
0x18d: {  	[sflag:s31] =	ssyncadd.s32 $0xFFFFF640  }
.LBB2_29:
0x18e: {  	_ =	sfence.sel $0x180000  }
0x18f: {  	[bflag:$0x0] =	sbarrier.arrive $0xFFFF  }
0x190: {  	_ =	strace $0x9000004A  }
0x191: {  	[bflag:$0x2] =	sbarrier.arrive $0xFFFF  }
0x192: {  	p0 =	sne.s32 s4, $0x0;
	s0 =	rddreg [dreg:$0x4]  }
0x193: {  	s0 =	sadd.s32 @!p0 $0x100000, s0  }
0x194: {  	[sflag:s0] =	ssyncadd.tile.s32 @!p0 $0x1;
	_ =	shalt  }
.Lfunc_end2:
_tile_overlayer_lowered:
.L_overlay_start_2:
0x195: {  	(tag) =	ssettag $0x2  }
0x196: {  	s0 =	rddreg [dreg:$0x0];
	s2 =	stileid.u32  }
0x197: {  	s1 =	rddreg [dreg:$0x1];
	p0 =	sne.s32 s2, $0x0  }
0x198: {  	s3 =	rddreg [dreg:$0x2];
	[bflag:$0x3] =	sbarrier.arrive $0xFFFF;
	s2 =	simm.s32 @!p0 $0x1C02  }
0x199: {  	[timem:s3], [sflag:s2] =	dma.local @!p0 [hbm:s0], s1  }
0x19a: {  	s0 =	simm.s32 @!p0 $0x2  }
0x19b: {  	_ =	swait.ge @!p0 [sflag:s0], s1  }
0x19c: {  	s1 =	ssub.s32 @!p0 $0x0, s1;
	[sflag:s0] =	ssyncset.done @!p0 $0x0  }
0x19d: {  	[sflag:s0] =	ssyncadd.s32 @!p0 s1  }
0x19e: {  	[bflag:$0x3] =	sbarrier.arrive $0xFFFF  }
0x19f: {  	_ =	shalt  }

// kernel: kernel.15.cloned.1.call-start
scs
__scs_entry_jumppad:
0x0: {  	(pc) =	sbr.rel $0x88, $3  }
0x1: {  	(tag) =	ssettag $0x0;
	lr =	simm.s32 $0x1  }
0x2: {  	[smem:$0x3F8F] =	sst lr;
	_ =	strace $0xD0000000  }
0x3: {  	_ = 	snop  }
0x4: {  	_ = 	snop  }
0x5: {  	_ = 	snop  }
0x6: {  	_ = 	snop  }
0x7: {  	_ = 	snop  }
__scs_overlays_trampoline_lowered:
0x8: {  	[smem:$0x3F9E] =	sst s0  }
0x9: {  	[smem:$0x3F9F] =	sst s1  }
0xa: {  	[smem:$0x3FA0] =	sst s2  }
0xb: {  	[smem:$0x3FA1] =	sst s3  }
0xc: {  	[smem:$0x3FA2] =	sst s4  }
0xd: {  	[smem:$0x3FA3] =	sst s5  }
0xe: {  	[smem:$0x3FA4] =	sst s6  }
0xf: {  	[smem:$0x3FA5] =	sst s7  }
0x10: {  	[smem:$0x3FA6] =	sst s8  }
0x11: {  	[smem:$0x3FA7] =	sst s9;
	s0 =	simm.s32 @!p0 $0x0  }
0x12: {  	s1 =	sld [smem:$0x3F8D];
	s0 =	simm.s32 @p0 $0x1  }
0x13: {  	[smem:$0x3FA8] =	sst s0;
	s0 =	simm.s32 @!p1 $0x0  }
0x14: {  	s2 =	sld [smem:$0x3F8C];
	s0 =	simm.s32 @p1 $0x1  }
0x15: {  	[smem:$0x3FA9] =	sst s0;
	s0 =	simm.s32 @!p2 $0x0  }
0x16: {  	s3 =	sld [smem:$0x3FDB];
	s0 =	simm.s32 @p2 $0x1  }
0x17: {  	s4 =	simm.s32 $0x1BF5;
	[smem:$0x3FAB] =	sst s0  }
0x18: {  	s0 =	sld [smem:$0x3F8E];
	_ =	swait.ge [sflag:s4], $0x0  }
0x19: {  	s7 =	sld [smem:$0x3F8F]  }
0x1a: {  	s8 =	sadd.s32 $0xFFFFE003, lr  }
0x1b: {  	s9 =	sadd.s32 $0xFFFFFEF7, lr;
	s5 =	simm.s32 $0xFFFFFFFF;
	p2 =	slt.u32 s8, $0xFFFFF086  }
0x1c: {  	p1 =	slt.u32 s9, $0xF7A;
	s5 =	simm.s32 @!p2 $0x0  }
0x1d: {  	s5 =	simm.s32 @p1 $0x1;
	p0 =	seq.s32 s7, s2  }
0x1e: {  	s7 =	smul.u32 @!p0 $0xF7A, s2;
	p2 =	seq.s32 @!p0 s5, $0x0  }
0x1f: {  	s9 =	smul.u32 $0xF7A, s1;
	s8 =	simm.s32 @!p0 $0x1BF5;
	p2 =	por !p2, p0  }
0x20: {  	[sflag:s8] =	ssyncset.s32 @!p0 $0xFFFFF086;
	s6 =	sadd.s32 @!p0 s3, s7;
	s7 =	simm.s32 @!p0 $0x108  }
0x21: {  	s3 =	sadd.s32 s3, s9;
	s6 =	sadd.s32 @!p0 $0x88, s6;
	s7 =	simm.s32 @p2 $0x1082  }
0x22: {  	[simem:s7], [sflag:s8] =	dma.local @!p0 [hbm:s6], $0xF7A  }
0x23: {  	s9 =	sor.u32 $0xD0000000, s2;
	s6 =	simm.s32 $0x108;
	_ =	swait.ge @!p0 [sflag:s8], $0x0  }
0x24: {  	s3 =	sadd.s32 $0x88, s3;
	s6 =	simm.s32 @!p1 $0x1082;
	[sflag:s4] =	ssyncset.s32 $0xFFFFF086  }
0x25: {  	[simem:s6], [sflag:s4] =	dma.local [hbm:s3], $0xF7A  }
0x26: {  	[smem:$0x3F8F] =	sst s1;
	(tag) =	ssettag s2;
	_ =	strace s9  }
0x27: {  	s1 =	sld [smem:$0x3F9F]  }
0x28: {  	s2 =	sld [smem:$0x3FA0]  }
0x29: {  	s4 =	sld [smem:$0x3FA2]  }
0x2a: {  	p0 =	seq.s32 s5, $0x0;
	s5 =	sld [smem:$0x3FA3]  }
0x2b: {  	s6 =	sld [smem:$0x3FA4]  }
0x2c: {  	s7 =	sld [smem:$0x3FA5]  }
0x2d: {  	s3 =	simm.s32 $0x108;
	s8 =	sld [smem:$0x3FA6]  }
0x2e: {  	s3 =	simm.s32 @!p0 $0x1082;
	s9 =	sld [smem:$0x3FA7]  }
0x2f: {  	lr =	sadd.s32 s0, s3;
	s0 =	sld [smem:$0x3F9E]  }
0x30: {  	s3 =	sld [smem:$0x3FA1]  }
0x31: {  	[smem:$0x3FAA] =	sst s10  }
0x32: {  	s10 =	sld [smem:$0x3FA8];
	_ =	sdelay $0x3  }
0x33: {  	p0 =	seq.s32 s10, $0x1;
	s10 =	sld [smem:$0x3FAA];
	_ =	sdelay $0x3  }
0x34: {  	[smem:$0x3FAA] =	sst s10  }
0x35: {  	s10 =	sld [smem:$0x3FA9];
	_ =	sdelay $0x3  }
0x36: {  	p1 =	seq.s32 s10, $0x1;
	s10 =	sld [smem:$0x3FAA];
	_ =	sdelay $0x3  }
0x37: {  	[smem:$0x3FAA] =	sst s10  }
0x38: {  	s10 =	sld [smem:$0x3FAB]  }
0x39: {  	_ = 	snop;
	(pc) =	sbr.ind lr, $3  }
0x3a: {  	_ = 	snop  }
0x3b: {  	_ = 	snop  }
0x3c: {  	p2 =	seq.s32 s10, $0x1;
	s10 =	sld [smem:$0x3FAA]  }
0x3d: {  	_ =	shalt  }
0x3e: {  	_ =	shalt  }
0x3f: {  	_ =	shalt  }
0x40: {  	_ =	shalt  }
0x41: {  	_ =	shalt  }
0x42: {  	_ =	shalt  }
0x43: {  	_ =	shalt  }
0x44: {  	_ =	shalt  }
0x45: {  	_ =	shalt  }
0x46: {  	_ =	shalt  }
0x47: {  	_ =	shalt  }
0x48: {  	_ =	shalt  }
0x49: {  	_ =	shalt  }
0x4a: {  	_ =	shalt  }
0x4b: {  	_ =	shalt  }
0x4c: {  	_ =	shalt  }
0x4d: {  	_ =	shalt  }
0x4e: {  	_ =	shalt  }
0x4f: {  	_ =	shalt  }
0x50: {  	_ =	shalt  }
0x51: {  	_ =	shalt  }
0x52: {  	_ =	shalt  }
0x53: {  	_ =	shalt  }
0x54: {  	_ =	shalt  }
0x55: {  	_ =	shalt  }
0x56: {  	_ =	shalt  }
0x57: {  	_ =	shalt  }
0x58: {  	_ =	shalt  }
0x59: {  	_ =	shalt  }
0x5a: {  	_ =	shalt  }
0x5b: {  	_ =	shalt  }
0x5c: {  	_ =	shalt  }
0x5d: {  	_ =	shalt  }
0x5e: {  	_ =	shalt  }
0x5f: {  	_ =	shalt  }
0x60: {  	_ =	shalt  }
0x61: {  	_ =	shalt  }
0x62: {  	_ =	shalt  }
0x63: {  	_ =	shalt  }
0x64: {  	_ =	shalt  }
0x65: {  	_ =	shalt  }
0x66: {  	_ =	shalt  }
0x67: {  	_ =	shalt  }
0x68: {  	_ =	shalt  }
0x69: {  	_ =	shalt  }
0x6a: {  	_ =	shalt  }
0x6b: {  	_ =	shalt  }
0x6c: {  	_ =	shalt  }
0x6d: {  	_ =	shalt  }
0x6e: {  	_ =	shalt  }
0x6f: {  	_ =	shalt  }
0x70: {  	_ =	shalt  }
0x71: {  	_ =	shalt  }
0x72: {  	_ =	shalt  }
0x73: {  	_ =	shalt  }
0x74: {  	_ =	shalt  }
0x75: {  	_ =	shalt  }
0x76: {  	_ =	shalt  }
0x77: {  	_ =	shalt  }
0x78: {  	_ =	shalt  }
0x79: {  	_ =	shalt  }
0x7a: {  	_ =	shalt  }
0x7b: {  	_ =	shalt  }
0x7c: {  	_ =	shalt  }
0x7d: {  	_ =	shalt  }
0x7e: {  	_ =	shalt  }
0x7f: {  	_ =	shalt  }
0x80: {  	_ =	shalt  }
0x81: {  	_ =	shalt  }
0x82: {  	_ =	shalt  }
0x83: {  	_ =	shalt  }
0x84: {  	_ =	shalt  }
0x85: {  	_ =	shalt  }
0x86: {  	_ =	shalt  }
0x87: {  	_ =	shalt  }
.Lfunc_end0:
.L_simem_size_0:
called_computation.2_lowered:
.L_overlay_start_0:
0x88: {  	s2 =	sld [smem:$0x3FD9]  }
0x89: {  	s3 =	sld [smem:$0x3FFE];
	_ =	sdelay $0x1  }
0x8a: {  	s1 =	srdreg.scid  }
0x8b: {  	s0 =	sand.u32 $0x1, s1  }
0x8c: {  	s17 =	sshll.u32 s0, $0xA;
	s2 =	sadd.s32 s3, s2  }
0x8d: {  	s2 =	sadd.s32 s2, s17  }
0x8e: {  	[smem:$0x3FB6] =	sst s2  }
0x8f: {  	_ = 	snop  }
0x90: {  	s2 =	sld [smem:$0x3FD0];
	(tm) =	ssettm $0x1  }
0x91: {  	s18 =	sld [smem:$0x3FFB];
	_ =	sdelay $0x3  }
0x92: {  	_ =	strace s18  }
0x93: {  	s3 =	sld [smem:$0x3FFC];
	_ =	sdelay $0x3  }
0x94: {  	_ =	strace s3  }
0x95: {  	s3 =	sld [smem:$0x3FFD];
	_ =	sdelay $0x3  }
0x96: {  	_ =	strace s3  }
0x97: {  	_ =	strace $0x8FFFFFFF  }
0x98: {  	s19 =	sld [smem:$0x3FDB];
	_ =	sdelay $0x1  }
0x99: {  	s4 =	simm.s32 $_scs_section_size  }
0x9a: {  	s5 =	simm.s32 $_size__tile_overlayer_lowered;
	s6 =	simm.s32 $_tile_overlayer_lowered  }
0x9b: {  	s22 =	simm.s32 $0x1BFF;
	s21 =	sshll.u32 s6, $0x1;
	s3 =	sadd.s32 s4, s19  }
0x9c: {  	s7 =	simm.s32 $0x0;
	s20 =	sshll.u32 s5, $0x1;
	s5 =	sadd.s32 s21, s3  }
0x9d: {  	[timem:s7], [sflag:s22] =	dma.local [hbm:s5], s20  }
0x9e: {  	_ =	swait.ge [sflag:s22], s20  }
0x9f: {  	s4 =	ssub.s32 $0x0, s20;
	[sflag:s22] =	ssyncset.done $0x0  }
0xa0: {  	[sflag:s22] =	ssyncadd.s32 s4;
	_ =	sdelay $0x1  }
0xa1: {  	s23 =	simm.s32 $0x1B8B  }
0xa2: {  	_ =	swait.ge [sflag:s23], $0x1  }
0xa3: {  	[sflag:s23] =	ssyncset.done $0x0  }
0xa4: {  	s25 =	simm.s32 $0x1B8E;
	s24 =	sld [smem:$0x3FFE];
	[sflag:s23] =	ssyncadd.s32 $0xFFFFFFFF  }
0xa5: {  	s26 =	simm.s32 $execute0_lowered;
	[smem:$0x3FD2] =	sst s25  }
0xa6: {  	s5 =	sshll.u32 s26, $0x1;
	_ =	strace $0x8000004C;
	[dreg:$0x1] =	wrdreg $0xFFFFFFFF  }
0xa7: {  	s28 =	simm.s32 $_size_execute0_lowered;
	s3 =	sadd.s32 s3, s5;
	[dreg:$0x0] =	wrdreg $0x0  }
0xa8: {  	s5 =	sshll.u32 s28, $0x1;
	[dreg:$0x2] =	wrdreg s3  }
0xa9: {  	[dreg:$0x3] =	wrdreg s5  }
0xaa: {  	[dreg:$0x4] =	wrdreg $0xC0  }
0xab: {  	_ =	task [dreg:s7], $0x5FFFF  }
0xac: {  	[dreg:$0x1] =	wrdreg $0xFFFFFFFF  }
0xad: {  	[dreg:$0x0] =	wrdreg $0x60  }
0xae: {  	[dreg:$0x2] =	wrdreg s24  }
0xaf: {  	[dreg:$0x3] =	wrdreg s2  }
0xb0: {  	[dreg:$0x4] =	wrdreg $0x21100  }
0xb1: {  	[dreg:$0x5] =	wrdreg $0x48200  }
0xb2: {  	[dreg:$0x6] =	wrdreg $0x9  }
0xb3: {  	_ =	task.clear_ibuf [dreg:s7], $0x7FFFF;
	_ =	strace $0x9000004C  }
0xb4: {  	s29 =	simm.s32 $0x9;
	_ =	strace $0x8000004E  }
0xb5: {  	_ =	swait.ge [sflag:s29], $0x1  }
0xb6: {  	[sflag:s29] =	ssyncadd.s32 $0xFFFFFFFF  }
0xb7: {  	_ =	strace $0x9000004E  }
0xb8: {  	_ =	sfence  }
0xb9: {  	s30 =	sld [smem:$0x0];
	_ =	sdelay $0x2  }
0xba: {  	s31 =	sshll.u32 s1, $0xD;
	s1 =	sshrl.u32 s1, $0x2  }
0xbb: {  	s3 =	sand.u32 $0x4000, s31;
	s1 =	sadd.s32 s1, s30  }
0xbc: {  	s0 =	sor.u32 s3, s0;
	s1 =	sshll.u32 s1, $0x11  }
0xbd: {  	s0 =	sor.u32 s1, s0  }
0xbe: {  	s0 =	sadd.s32 $0x8F2B, s0  }
0xbf: {  	[sflag:s0] =	ssyncadd.remote.s32 $0x1  }
0xc0: {  	_ =	sfence.sel $0xFFFF  }
0xc1: {  	[dreg:$0x0] =	wrdreg $0xFFFFFFFF;
	(pc) =	sbr.abs _section_cstart, $3  }
0xc2: {  	[dreg:$0x1] =	wrdreg $0xFFFFFFFF  }
0xc3: {  	_ =	task.clear_ibuf [dreg:s7], $0x2FFFF;
	_ =	strace $0x9FFFFFFF  }
0xc4: {  	(tm) =	ssettm $0x7FFFFFFF  }
0xc5: {  	_ =	shalt  }
tec
execute0_lowered:
.L_overlay_start_1:
0x0: {  	(tag) =	ssettag $0x1  }
0x1: {  	s0 =	rddreg [dreg:$0x0]  }
0x2: {  	s1 =	rddreg [dreg:$0x1]  }
0x3: {  	s2 =	rddreg [dreg:$0x2]  }
0x4: {  	s3 =	rddreg [dreg:$0x3];
	s4 =	simm.s32 $0x0  }
0x5: {  	s17 =	stileid.u32;
	s18 =	srdreg.scid;
	s29 =	simm.s32 $0x2  }
0x6: {  	s16 =	simm.s32 $0x1FC2;
	s31 =	simm.s32 $0x10;
	s28 =	simm.s32 $0x0  }
0x7: {  	[smem:$0x7FF] =	sst s4;
	s6 =	sadd.s32 $0x9000, s0;
	s7 =	sadd.s32 $0x4000, s0  }
0x8: {  	s5 =	smul.u32 $0x2700, s17;
	s4 =	sand.u32 $0x1, s18;
	s8 =	sadd.s32 $0x13000, s0  }
0x9: {  	s9 =	sadd.s32 $0xE000, s0;
	s10 =	sadd.s32 $0x3E00, s0;
	s11 =	sadd.s32 $0x5C400, s0  }
0xa: {  	s20 =	sadd.s32 $0x6AB20, s0;
	s23 =	sadd.s32 $0x21920, s0;
	s26 =	sadd.s32 $0x26920, s0  }
0xb: {  	p2 =	sne.s32 s17, $0xF;
	p3 =	sgt.u32 s17, $0x3;
	p4 =	seq.s32 s17, $0xF  }
0xc: {  	s30 =	sadd.s32 $0x24900, s3;
	_ =	strace $0x8000004D;
	[dreg:$0x10] =	wrdreg s20  }
0xd: {  	s12 =	ssub.s32 $0x2, s4;
	[dreg:$0xa] =	wrdreg s23;
	p0 =	seq.s32 s4, $0x0  }
0xe: {  	p1 =	sne.s32 s4, $0x0;
	[dreg:$0xd] =	wrdreg s26;
	s26 =	sadd.s32 $0x24900, s2  }
0xf: {  	[dreg:$0xf] =	wrdreg s30;
	s20 =	simm.s32 $0x80;
	s13 =	sshrl.u32 s5, $0x3  }
0x10: {  	s23 =	simm.s32 $0x110;
	s14 =	sshrl.u32 s12, $0x1;
	s13 =	sadd.s32 s13, s0  }
0x11: {  	s15 =	ssub.s32 s12, s14;
	s12 =	sadd.s32 s5, s2;
	s5 =	sadd.s32 s5, s3  }
0x12: {  	s14 =	sshll.u32 s17, $0x4;
	s0 =	sadd.s32 $0x1C920, s0;
	[dreg:$0x6] =	wrdreg s5  }
0x13: {  	s19 =	sadd.s32 $0x66200, s13;
	s21 =	sor.u32 $0x9C00, s14;
	[dreg:$0xe] =	wrdreg s0  }
0x14: {  	s22 =	sadd.s32 $0x1D000, s13;
	s24 =	sadd.s32 $0x22000, s13;
	[dreg:$0x5] =	wrdreg s19  }
.Ltmp0:
0x15: {  	s25 =	sadd.s32 $0x18000, s13;
	[dreg:$0x9] =	wrdreg s22;
	(pc) =	sbr.rel .LBB2_1-.Ltmp0, $4  }
0x16: {  	s0 =	simm.s32 $0x90;
	s18 =	sadd.s32 s11, s21;
	[dreg:$0xb] =	wrdreg s24  }
0x17: {  	s5 =	sadd.s32 s1, s21;
	[dreg:$0xc] =	wrdreg s25;
	s25 =	smax.u32 s15, $0x1  }
0x18: {  	s24 =	simm.s32 $0x1;
	s19 =	simm.s32 $0x910;
	[dreg:$0x7] =	wrdreg s18  }
0x19: {  	s21 =	simm.s32 $0x1910;
	s22 =	simm.s32 $0x1110;
	[dreg:$0x8] =	wrdreg s5  }
.LBB2_27:
0x1a: {  	s4 =	sshrl.u32 s26, $0x3;
	s5 =	rddreg [dreg:$0xa]  }
0x1b: {  	[hbm:s5], [sflag:s16] =	dma.local [spmem:s4], $0x500  }
0x1c: {  	_ =	swait.ge [sflag:s29], $0x500  }
0x1d: {  	[sflag:s29] =	ssyncset.done $0x0  }
0x1e: {  	[sflag:s29] =	ssyncadd.s32 $0xFFFFFB00  }
.LBB2_28:
0x1f: {  	s28 =	sadd.s32 $0x1, s28  }
0x20: {  	p5 =	sne.s32 s28, s25  }
.Ltmp1:
0x21: {  	_ = 	snop;
	(pc) =	sbr.rel @!p5 .LBB2_29-.Ltmp1, $1  }
0x22: {  	_ =	sdelay $0x3  }
.LBB2_1:
.Ltmp2:
0x23: {  	s4 =	simm.s32 $0x0;
	(pc) =	sbr.rel @p2 .LBB2_4-.Ltmp2, $4  }
0x24: {  	[tilespmem:s4], [sflag:$0x2] =	stream.linear.gather [hbm4b:s10+s4], $0x10, $0x38;
	[tilespmem:$0x6F30] =	vst v63  }
0x25: {  	_ =	swait.ge [sflag:s29], $0x10  }
0x26: {  	[sflag:s29] =	ssyncset.done $0x0  }
0x27: {  	[sflag:s29] =	ssyncadd.s32 $0xFFFFFFF0  }
.Ltmp3:
0x28: {  	s4 =	sshrl.u32 s26, $0x3;
	s5 =	rddreg [dreg:$0x10];
	(pc) =	sbr.rel @!p0 .LBB2_14-.Ltmp3, $4  }
0x29: {  	[spmem:s4], [sflag:s16] =	dma.local [hbm:s5], $0x500  }
0x2a: {  	_ =	swait.ge [sflag:s29], $0x500  }
0x2b: {  	[sflag:s29] =	ssyncset.done $0x0  }
0x2c: {  	[sflag:s29] =	ssyncadd.s32 $0xFFFFFB00  }
0x2d: {  	s4 =	rddreg [dreg:$0xf]  }
.Ltmp4:
0x2e: {  	s5 =	rddreg [dreg:$0x10];
	s4 =	sshrl.u32 s4, $0x3;
	(pc) =	sbr.rel .LBB2_6-.Ltmp4, $4  }
0x2f: {  	[spmem:s4], [sflag:s16] =	dma.local [hbm:s5], $0x500  }
0x30: {  	_ =	swait.ge [sflag:s29], $0x500  }
0x31: {  	[sflag:s29] =	ssyncset.done $0x0  }
0x32: {  	[sflag:s29] =	ssyncadd.s32 $0xFFFFFB00  }
.LBB2_4:
0x33: {  	s4 =	stileid.u32  }
0x34: {  	s5 =	sshrl.u32 s12, $0x3;
	s4 =	sshll.u32 s4, $0x6  }
.Ltmp5:
0x35: {  	s13 =	rddreg [dreg:$0x5];
	s4 =	sor.u32 $0x1C02, s4;
	(pc) =	sbr.rel @p1 .LBB2_14-.Ltmp5, $4  }
0x36: {  	[spmem:s5], [sflag:s4] =	dma.local [hbm:s13], $0x4E0  }
0x37: {  	_ =	swait.ge [sflag:s29], $0x4E0  }
0x38: {  	[sflag:s29] =	ssyncset.done $0x0  }
0x39: {  	[sflag:s29] =	ssyncadd.s32 $0xFFFFFB20  }
0x3a: {  	s5 =	rddreg [dreg:$0x6]  }
0x3b: {  	s13 =	rddreg [dreg:$0x5];
	s5 =	sshrl.u32 s5, $0x3  }
0x3c: {  	[spmem:s5], [sflag:s4] =	dma.local [hbm:s13], $0x4E0  }
0x3d: {  	_ =	swait.ge [sflag:s29], $0x4E0  }
0x3e: {  	[sflag:s29] =	ssyncset.done $0x0  }
0x3f: {  	[sflag:s29] =	ssyncadd.s32 $0xFFFFFB20  }
.LBB2_6:
0x40: {  	[bflag:$0x0] =	sbarrier.arrive $0xFFFF  }
0x41: {  	v0 =	vld [tilespmem:$0x0];
	_ =	sdelay $0x1  }
0x42: {  	s5 =	simm.s32 $0x0;
	s17 =	simm.s32 $0x0  }
.LBB2_7:
0x43: {  	s4 =	sshll.u32 s17, $0x8  }
0x44: {  	s4 =	sor.u32 s14, s4  }
0x45: {  	s13 =	sadd.s32 s11, s4  }
0x46: {  	[tilespmem:s31], [sflag:$0x2] =	stream.linear.gather [hbm4b:s13+s5], $0x80, $0x38;
	[tilespmem:$0x6F30] =	vst v63  }
0x47: {  	_ =	swait.ge [sflag:s29], $0x80  }
0x48: {  	[sflag:s29] =	ssyncset.done $0x0  }
0x49: {  	s4 =	sadd.s32 s1, s4;
	[sflag:s29] =	ssyncadd.s32 $0xFFFFFF80  }
0x4a: {  	[tilespmem:s0], [sflag:$0x2] =	stream.linear.gather [hbm4b:s4+s5], $0x80, $0x38;
	[tilespmem:$0x6F30] =	vst v63  }
0x4b: {  	_ =	swait.ge [sflag:s29], $0x80  }
0x4c: {  	[sflag:s29] =	ssyncset.done $0x0  }
0x4d: {  	[sflag:s29] =	ssyncadd.s32 $0xFFFFFF80  }
0x4e: {  	[tilespmem:s23], [sflag:$0x1] =	stream.indirect.gather [hbm4b:s8+s20], $0x10, s31, s20, $0xb8;
	[tilespmem:$0x6F30] =	vst v63  }
0x4f: {  	_ =	swait.ge [sflag:s24], $0x800  }
0x50: {  	[sflag:s24] =	ssyncset.done $0x0  }
0x51: {  	[sflag:s24] =	ssyncadd.s32 $0xFFFFF800  }
0x52: {  	[tilespmem:s19], [sflag:$0x1] =	stream.indirect.gather [hbm4b:s9+s20], $0x10, s0, s20, $0xb8;
	[tilespmem:$0x6F30] =	vst v63  }
0x53: {  	_ =	swait.ge [sflag:s24], $0x800  }
0x54: {  	[sflag:s24] =	ssyncset.done $0x0  }
0x55: {  	[sflag:s24] =	ssyncadd.s32 $0xFFFFF800  }
0x56: {  	[tilespmem:s21], [sflag:$0x1] =	stream.indirect.gather [hbm4b:s6+s20], $0x10, s31, s20, $0xb8;
	[tilespmem:$0x6F30] =	vst v63  }
0x57: {  	_ =	swait.ge [sflag:s24], $0x800  }
0x58: {  	[sflag:s24] =	ssyncset.done $0x0  }
0x59: {  	s15 =	simm.s32 $0x0;
	[sflag:s24] =	ssyncadd.s32 $0xFFFFF800  }
0x5a: {  	v1 =	vld [tilespmem:s15+$0x110]  }
0x5b: {  	v2 =	vld [tilespmem:s15+$0x910];
	_ =	sdelay $0x4  }
0x5c: {  	s18 =	simm.s32 $0x10;
	v1 =	vadd.f32 v2, v1  }
0x5d: {  	v3 =	vld [tilespmem:s18+$0x110]  }
0x5e: {  	v4 =	vld [tilespmem:s18+$0x910];
	v2 =	vmul.f32 $2.000000030e-01, v1  }
0x5f: {  	vm0 =	vge.f32 v1, $0.0e+00  }
0x60: {  	v1 =	vsel vm0, v1, v2  }
0x61: {  	v1 =	vsub.f32 v1, v0;
	_ =	sdelay $0x1  }
0x62: {  	v2 =	vadd.f32 v4, v3;
	v1 =	vmul.f32 $1.442695020e+00, v1;
	_ =	sdelay $0x1  }
0x63: {  	s30 =	simm.s32 $0x20;
	v3 =	vmul.f32 $2.000000030e-01, v2;
	(erf) = vpow2.f32 v1  }
0x64: {  	v4 =	vld [tilespmem:s30+$0x910];
	vm15 =	vge.f32 v2, $0.0e+00  }
0x65: {  	v2 =	vsel vm15, v2, v3;
	v1 =	vld [tilespmem:s30+$0x110]  }
0x66: {  	v2 =	vsub.f32 v2, v0;
	_ =	sdelay $0x1  }
0x67: {  	v5 =	vmul.f32 $1.442695020e+00, v2;
	_ =	sdelay $0x1  }
0x68: {  	v2 =	vld [tilespmem:s15+$0x1910];
	v3 =	vadd.f32 v4, v1  }
0x69: {  	s4 =	simm.s32 $0x30;
	(erf) = vpow2.f32 v5  }
0x6a: {  	s13 =	simm.s32 $0x100;
	v1 =	vld [tilespmem:s4+$0x110];
	v4 =	vmul.f32 $2.000000030e-01, v3;
	v5 =	vpop (erf)  }
.LBB2_8:
0x6b: {  	p5 =	sne.s32 s13, $0x1FC0;
	v6 =	vld [tilespmem:s4+$0x910];
	vm0 =	vge.f32 v3, $0.0e+00;
	[tilespmem:s15+$0x1110] =	vst v5;
	v5 =	vbroadcast v5, $0x0  }
0x6c: {  	v3 =	vsel vm0, v3, v4  }
0x6d: {  	v3 =	vsub.f32 v3, v0;
	v2 =	vmul.f32 v5, v2  }
.Ltmp6:
0x6e: {  	(pc) =	sbr.rel @p5 .LBB2_8-.Ltmp6, $4  }
0x6f: {  	v4 =	vmul.f32 $1.442695020e+00, v3;
	[tilespmem:s15+$0x1910] =	vst v2;
	s15 =	smov.u32 s18;
	s18 =	smov.u32 s30;
	s30 =	smov.u32 s4  }
0x70: {  	v3 =	vadd.f32 v6, v1;
	v2 =	vld [tilespmem:s15+$0x1910]  }
0x71: {  	s4 =	sshra.s32 s13, $0x2;
	(erf) = vpow2.f32 v4  }
0x72: {  	s13 =	sadd.s32 $0x40, s13;
	v1 =	vld [tilespmem:s4+$0x110];
	v4 =	vmul.f32 $2.000000030e-01, v3;
	v5 =	vpop (erf)  }
0x73: {  	v6 =	vld [tilespmem:s4+$0x910]  }
0x74: {  	vm0 =	vge.f32 v3, $0.0e+00;
	v7 =	vbroadcast v5, $0x0  }
0x75: {  	v3 =	vsel vm0, v3, v4  }
0x76: {  	v3 =	vsub.f32 v3, v0;
	v2 =	vmul.f32 v7, v2  }
0x77: {  	[tilespmem:s15+$0x1110] =	vst v5  }
0x78: {  	v3 =	vmul.f32 $1.442695020e+00, v3;
	[tilespmem:s15+$0x1910] =	vst v2;
	v1 =	vadd.f32 v6, v1  }
0x79: {  	v2 =	vld [tilespmem:s18+$0x1910]  }
0x7a: {  	(erf) = vpow2.f32 v3;
	v3 =	vmul.f32 $2.000000030e-01, v1  }
0x7b: {  	v62 =	vpop (erf);
	vm15 =	vge.f32 v1, $0.0e+00  }
0x7c: {  	v63 =	vbroadcast v62, $0x0;
	v1 =	vsel vm15, v1, v3  }
0x7d: {  	v1 =	vsub.f32 v1, v0  }
0x7e: {  	v2 =	vmul.f32 v63, v2  }
0x7f: {  	[tilespmem:s18+$0x1110] =	vst v62;
	v1 =	vmul.f32 $1.442695020e+00, v1  }
0x80: {  	[tilespmem:s18+$0x1910] =	vst v2  }
0x81: {  	v2 =	vld [tilespmem:s30+$0x1910]  }
0x82: {  	(erf) = vpow2.f32 v1  }
0x83: {  	v1 =	vpop (erf)  }
0x84: {  	v3 =	vbroadcast v1, $0x0;
	_ =	sdelay $0x1  }
0x85: {  	v2 =	vmul.f32 v3, v2  }
0x86: {  	[tilespmem:s30+$0x1110] =	vst v1  }
0x87: {  	[tilespmem:s30+$0x1910] =	vst v2  }
0x88: {  	v1 =	vld [tilespmem:s4+$0x1910];
	_ =	sdelay $0x1  }
0x89: {  	v2 =	vpop (erf)  }
0x8a: {  	v3 =	vbroadcast v2, $0x0;
	_ =	sdelay $0x1  }
0x8b: {  	v1 =	vmul.f32 v3, v1  }
0x8c: {  	[tilespmem:s4+$0x1110] =	vst v2  }
0x8d: {  	[tilespmem:s4+$0x1910] =	vst v1  }
0x8e: {  	[spmem:s2] =	stream.indirect.scatter.add.f32 [tilespmem:s21], [sflag:$0x2], $0x10, s0, s20, $0xb8;
	[tilespmem:$0x6F30] =	vst v63  }
0x8f: {  	s17 =	sadd.s32 $0x1, s17;
	_ =	swait.ge [sflag:s29], $0x800  }
0x90: {  	p5 =	sne.s32 s17, $0x9C;
	[sflag:s29] =	ssyncset.done $0x0  }
.Ltmp7:
0x91: {  	[sflag:s29] =	ssyncadd.s32 $0xFFFFF800;
	(pc) =	sbr.rel @p5 .LBB2_7-.Ltmp7, $4  }
0x92: {  	[spmem:s3] =	stream.indirect.scatter.add.f32 [tilespmem:s22], [sflag:$0x2], $0x10, s0, s20, $0xb8;
	[tilespmem:$0x6F30] =	vst v63  }
0x93: {  	_ =	swait.ge [sflag:s29], $0x800  }
0x94: {  	[sflag:s29] =	ssyncset.done $0x0  }
0x95: {  	[sflag:s29] =	ssyncadd.s32 $0xFFFFF800  }
.Ltmp8:
0x96: {  	(pc) =	sbr.rel @p3 .LBB2_22-.Ltmp8, $1  }
0x97: {  	_ =	sdelay $0x3  }
0x98: {  	s4 =	simm.s32 $0x0;
	s5 =	rddreg [dreg:$0x7]  }
0x99: {  	[tilespmem:s31], [sflag:$0x2] =	stream.linear.gather [hbm4b:s5+s4], $0x80, $0x38;
	[tilespmem:$0x6F30] =	vst v63  }
0x9a: {  	_ =	swait.ge [sflag:s29], $0x80  }
0x9b: {  	[sflag:s29] =	ssyncset.done $0x0  }
0x9c: {  	s30 =	rddreg [dreg:$0x8];
	[sflag:s29] =	ssyncadd.s32 $0xFFFFFF80  }
0x9d: {  	[tilespmem:s0], [sflag:$0x2] =	stream.linear.gather [hbm4b:s30+s4], $0x80, $0x38;
	[tilespmem:$0x6F30] =	vst v63  }
0x9e: {  	_ =	swait.ge [sflag:s29], $0x80  }
0x9f: {  	[sflag:s29] =	ssyncset.done $0x0  }
0xa0: {  	[sflag:s29] =	ssyncadd.s32 $0xFFFFFF80  }
0xa1: {  	[tilespmem:s23], [sflag:$0x1] =	stream.indirect.gather [hbm4b:s8+s20], $0x10, s31, s20, $0xb8;
	[tilespmem:$0x6F30] =	vst v63  }
0xa2: {  	_ =	swait.ge [sflag:s24], $0x800  }
0xa3: {  	[sflag:s24] =	ssyncset.done $0x0  }
0xa4: {  	[sflag:s24] =	ssyncadd.s32 $0xFFFFF800  }
0xa5: {  	[tilespmem:s19], [sflag:$0x1] =	stream.indirect.gather [hbm4b:s9+s20], $0x10, s0, s20, $0xb8;
	[tilespmem:$0x6F30] =	vst v63  }
0xa6: {  	_ =	swait.ge [sflag:s24], $0x800  }
0xa7: {  	[sflag:s24] =	ssyncset.done $0x0  }
0xa8: {  	[sflag:s24] =	ssyncadd.s32 $0xFFFFF800  }
0xa9: {  	[tilespmem:s21], [sflag:$0x1] =	stream.indirect.gather [hbm4b:s6+s20], $0x10, s31, s20, $0xb8;
	[tilespmem:$0x6F30] =	vst v63  }
0xaa: {  	_ =	swait.ge [sflag:s24], $0x800  }
0xab: {  	[sflag:s24] =	ssyncset.done $0x0  }
0xac: {  	s15 =	simm.s32 $0x0;
	[sflag:s24] =	ssyncadd.s32 $0xFFFFF800  }
0xad: {  	v1 =	vld [tilespmem:s15+$0x110]  }
0xae: {  	v2 =	vld [tilespmem:s15+$0x910];
	_ =	sdelay $0x4  }
0xaf: {  	s5 =	simm.s32 $0x10;
	v1 =	vadd.f32 v2, v1  }
0xb0: {  	v3 =	vld [tilespmem:s5+$0x110]  }
0xb1: {  	v4 =	vld [tilespmem:s5+$0x910];
	v2 =	vmul.f32 $2.000000030e-01, v1  }
0xb2: {  	vm0 =	vge.f32 v1, $0.0e+00  }
0xb3: {  	v1 =	vsel vm0, v1, v2  }
0xb4: {  	v1 =	vsub.f32 v1, v0;
	_ =	sdelay $0x1  }
0xb5: {  	v2 =	vadd.f32 v4, v3;
	v1 =	vmul.f32 $1.442695020e+00, v1;
	_ =	sdelay $0x1  }
0xb6: {  	s17 =	simm.s32 $0x20;
	v3 =	vmul.f32 $2.000000030e-01, v2;
	(erf) = vpow2.f32 v1  }
0xb7: {  	v4 =	vld [tilespmem:s17+$0x910];
	vm15 =	vge.f32 v2, $0.0e+00  }
0xb8: {  	v2 =	vsel vm15, v2, v3;
	v1 =	vld [tilespmem:s17+$0x110]  }
0xb9: {  	v2 =	vsub.f32 v2, v0;
	_ =	sdelay $0x1  }
0xba: {  	v5 =	vmul.f32 $1.442695020e+00, v2;
	_ =	sdelay $0x1  }
0xbb: {  	v2 =	vld [tilespmem:s15+$0x1910];
	v3 =	vadd.f32 v4, v1  }
0xbc: {  	s4 =	simm.s32 $0x30;
	(erf) = vpow2.f32 v5  }
0xbd: {  	s13 =	simm.s32 $0x100;
	v1 =	vld [tilespmem:s4+$0x110];
	v4 =	vmul.f32 $2.000000030e-01, v3;
	v5 =	vpop (erf)  }
.LBB2_12:
0xbe: {  	p5 =	sne.s32 s13, $0x1FC0;
	v6 =	vld [tilespmem:s4+$0x910];
	vm0 =	vge.f32 v3, $0.0e+00;
	[tilespmem:s15+$0x1110] =	vst v5;
	v5 =	vbroadcast v5, $0x0  }
0xbf: {  	v3 =	vsel vm0, v3, v4  }
0xc0: {  	v3 =	vsub.f32 v3, v0;
	v2 =	vmul.f32 v5, v2  }
.Ltmp9:
0xc1: {  	(pc) =	sbr.rel @p5 .LBB2_12-.Ltmp9, $4  }
0xc2: {  	v4 =	vmul.f32 $1.442695020e+00, v3;
	[tilespmem:s15+$0x1910] =	vst v2;
	s15 =	smov.u32 s5;
	s5 =	smov.u32 s17;
	s17 =	smov.u32 s4  }
0xc3: {  	v3 =	vadd.f32 v6, v1;
	v2 =	vld [tilespmem:s15+$0x1910]  }
0xc4: {  	s4 =	sshra.s32 s13, $0x2;
	(erf) = vpow2.f32 v4  }
0xc5: {  	s13 =	sadd.s32 $0x40, s13;
	v1 =	vld [tilespmem:s4+$0x110];
	v4 =	vmul.f32 $2.000000030e-01, v3;
	v5 =	vpop (erf)  }
0xc6: {  	v6 =	vld [tilespmem:s4+$0x910];
	vm0 =	vge.f32 v3, $0.0e+00;
	v7 =	vbroadcast v5, $0x0  }
0xc7: {  	v3 =	vsel vm0, v3, v4  }
0xc8: {  	v3 =	vsub.f32 v3, v0;
	v2 =	vmul.f32 v7, v2  }
0xc9: {  	[tilespmem:s15+$0x1110] =	vst v5  }
0xca: {  	v3 =	vmul.f32 $1.442695020e+00, v3;
	[tilespmem:s15+$0x1910] =	vst v2  }
0xcb: {  	v1 =	vadd.f32 v6, v1;
	v2 =	vld [tilespmem:s5+$0x1910]  }
0xcc: {  	(erf) = vpow2.f32 v3  }
0xcd: {  	v55 =	vmul.f32 $2.000000030e-01, v1;
	v56 =	vpop (erf)  }
0xce: {  	vm15 =	vge.f32 v1, $0.0e+00;
	v57 =	vbroadcast v56, $0x0  }
0xcf: {  	v1 =	vsel vm15, v1, v55  }
0xd0: {  	v58 =	vsub.f32 v1, v0;
	v59 =	vmul.f32 v57, v2  }
0xd1: {  	[tilespmem:s5+$0x1110] =	vst v56  }
0xd2: {  	v0 =	vmul.f32 $1.442695020e+00, v58;
	[tilespmem:s5+$0x1910] =	vst v59  }
0xd3: {  	v1 =	vld [tilespmem:s17+$0x1910]  }
0xd4: {  	(erf) = vpow2.f32 v0  }
0xd5: {  	v60 =	vpop (erf)  }
0xd6: {  	v61 =	vbroadcast v60, $0x0;
	_ =	sdelay $0x1  }
0xd7: {  	v1 =	vmul.f32 v61, v1  }
0xd8: {  	[tilespmem:s17+$0x1110] =	vst v60  }
0xd9: {  	[tilespmem:s17+$0x1910] =	vst v1  }
0xda: {  	v0 =	vld [tilespmem:s4+$0x1910];
	_ =	sdelay $0x1  }
0xdb: {  	v62 =	vpop (erf)  }
0xdc: {  	v63 =	vbroadcast v62, $0x0;
	_ =	sdelay $0x1  }
0xdd: {  	v0 =	vmul.f32 v63, v0  }
0xde: {  	[tilespmem:s4+$0x1110] =	vst v62  }
0xdf: {  	[tilespmem:s4+$0x1910] =	vst v0  }
0xe0: {  	[spmem:s2] =	stream.indirect.scatter.add.f32 [tilespmem:s21], [sflag:$0x2], $0x10, s0, s20, $0xb8;
	[tilespmem:$0x6F30] =	vst v63  }
0xe1: {  	_ =	swait.ge [sflag:s29], $0x800  }
0xe2: {  	[sflag:s29] =	ssyncset.done $0x0  }
0xe3: {  	[sflag:s29] =	ssyncadd.s32 $0xFFFFF800  }
0xe4: {  	[spmem:s3] =	stream.indirect.scatter.add.f32 [tilespmem:s22], [sflag:$0x2], $0x10, s0, s20, $0xb8;
	[tilespmem:$0x6F30] =	vst v63  }
.Ltmp10:
0xe5: {  	_ =	swait.ge [sflag:s29], $0x800;
	(pc) =	sbr.rel .LBB2_23-.Ltmp10, $3  }
0xe6: {  	[sflag:s29] =	ssyncset.done $0x0  }
0xe7: {  	[sflag:s29] =	ssyncadd.s32 $0xFFFFF800  }
0xe8: {  	[bflag:$0x0] =	sbarrier.arrive $0xFFFF;
	_ =	sdelay $0x1  }
.LBB2_14:
0xe9: {  	[bflag:$0x0] =	sbarrier.arrive $0xFFFF  }
0xea: {  	v0 =	vld [tilespmem:$0x0];
	_ =	sdelay $0x1  }
0xeb: {  	s5 =	simm.s32 $0x0;
	s17 =	simm.s32 $0x0  }
.LBB2_15:
0xec: {  	s4 =	sshll.u32 s17, $0x8  }
0xed: {  	s4 =	sor.u32 s14, s4  }
0xee: {  	s13 =	sadd.s32 s11, s4  }
0xef: {  	[tilespmem:s31], [sflag:$0x2] =	stream.linear.gather [hbm4b:s13+s5], $0x80, $0x38;
	[tilespmem:$0x6F30] =	vst v63  }
0xf0: {  	_ =	swait.ge [sflag:s29], $0x80  }
0xf1: {  	[sflag:s29] =	ssyncset.done $0x0  }
0xf2: {  	s4 =	sadd.s32 s1, s4;
	[sflag:s29] =	ssyncadd.s32 $0xFFFFFF80  }
0xf3: {  	[tilespmem:s0], [sflag:$0x2] =	stream.linear.gather [hbm4b:s4+s5], $0x80, $0x38;
	[tilespmem:$0x6F30] =	vst v63  }
0xf4: {  	_ =	swait.ge [sflag:s29], $0x80  }
0xf5: {  	[sflag:s29] =	ssyncset.done $0x0  }
0xf6: {  	[sflag:s29] =	ssyncadd.s32 $0xFFFFFF80  }
0xf7: {  	[tilespmem:s23], [sflag:$0x1] =	stream.indirect.gather [hbm4b:s8+s20], $0x10, s31, s20, $0xb8;
	[tilespmem:$0x6F30] =	vst v63  }
0xf8: {  	_ =	swait.ge [sflag:s24], $0x800  }
0xf9: {  	[sflag:s24] =	ssyncset.done $0x0  }
0xfa: {  	[sflag:s24] =	ssyncadd.s32 $0xFFFFF800  }
0xfb: {  	[tilespmem:s19], [sflag:$0x1] =	stream.indirect.gather [hbm4b:s9+s20], $0x10, s0, s20, $0xb8;
	[tilespmem:$0x6F30] =	vst v63  }
0xfc: {  	_ =	swait.ge [sflag:s24], $0x800  }
0xfd: {  	[sflag:s24] =	ssyncset.done $0x0  }
0xfe: {  	[sflag:s24] =	ssyncadd.s32 $0xFFFFF800  }
0xff: {  	[tilespmem:s21], [sflag:$0x1] =	stream.indirect.gather [hbm4b:s7+s20], $0x10, s31, s20, $0xb8;
	[tilespmem:$0x6F30] =	vst v63  }
0x100: {  	_ =	swait.ge [sflag:s24], $0x800  }
0x101: {  	[sflag:s24] =	ssyncset.done $0x0  }
0x102: {  	s15 =	simm.s32 $0x0;
	[sflag:s24] =	ssyncadd.s32 $0xFFFFF800  }
0x103: {  	v1 =	vld [tilespmem:s15+$0x110]  }
0x104: {  	v2 =	vld [tilespmem:s15+$0x910];
	_ =	sdelay $0x4  }
0x105: {  	s18 =	simm.s32 $0x10;
	v1 =	vadd.f32 v2, v1  }
0x106: {  	v3 =	vld [tilespmem:s18+$0x110]  }
0x107: {  	v4 =	vld [tilespmem:s18+$0x910];
	v2 =	vmul.f32 $2.000000030e-01, v1  }
0x108: {  	vm0 =	vge.f32 v1, $0.0e+00  }
0x109: {  	v1 =	vsel vm0, v1, v2  }
0x10a: {  	v1 =	vsub.f32 v1, v0;
	_ =	sdelay $0x1  }
0x10b: {  	v2 =	vadd.f32 v4, v3;
	v1 =	vmul.f32 $1.442695020e+00, v1;
	_ =	sdelay $0x1  }
0x10c: {  	s30 =	simm.s32 $0x20;
	v3 =	vmul.f32 $2.000000030e-01, v2;
	(erf) = vpow2.f32 v1  }
0x10d: {  	v4 =	vld [tilespmem:s30+$0x910];
	vm15 =	vge.f32 v2, $0.0e+00  }
0x10e: {  	v2 =	vsel vm15, v2, v3;
	v1 =	vld [tilespmem:s30+$0x110]  }
0x10f: {  	v2 =	vsub.f32 v2, v0;
	_ =	sdelay $0x1  }
0x110: {  	v5 =	vmul.f32 $1.442695020e+00, v2;
	_ =	sdelay $0x1  }
0x111: {  	v2 =	vld [tilespmem:s15+$0x1910];
	v3 =	vadd.f32 v4, v1  }
0x112: {  	s4 =	simm.s32 $0x30;
	(erf) = vpow2.f32 v5  }
0x113: {  	s13 =	simm.s32 $0x100;
	v1 =	vld [tilespmem:s4+$0x110];
	v4 =	vmul.f32 $2.000000030e-01, v3;
	v5 =	vpop (erf)  }
.LBB2_16:
0x114: {  	p5 =	sne.s32 s13, $0x1FC0;
	v6 =	vld [tilespmem:s4+$0x910];
	vm0 =	vge.f32 v3, $0.0e+00;
	v5 =	vbroadcast v5, $0x0  }
0x115: {  	v3 =	vsel vm0, v3, v4  }
0x116: {  	v3 =	vsub.f32 v3, v0;
	v2 =	vmul.f32 v5, v2  }
.Ltmp11:
0x117: {  	(pc) =	sbr.rel @p5 .LBB2_16-.Ltmp11, $4  }
0x118: {  	v4 =	vmul.f32 $1.442695020e+00, v3;
	[tilespmem:s15+$0x1910] =	vst v2;
	s15 =	smov.u32 s18;
	s18 =	smov.u32 s30;
	s30 =	smov.u32 s4  }
0x119: {  	v3 =	vadd.f32 v6, v1;
	v2 =	vld [tilespmem:s15+$0x1910]  }
0x11a: {  	s4 =	sshra.s32 s13, $0x2;
	(erf) = vpow2.f32 v4  }
0x11b: {  	s13 =	sadd.s32 $0x40, s13;
	v1 =	vld [tilespmem:s4+$0x110];
	v4 =	vmul.f32 $2.000000030e-01, v3;
	v5 =	vpop (erf)  }
0x11c: {  	v6 =	vld [tilespmem:s4+$0x910]  }
0x11d: {  	vm0 =	vge.f32 v3, $0.0e+00;
	v5 =	vbroadcast v5, $0x0  }
0x11e: {  	v3 =	vsel vm0, v3, v4  }
0x11f: {  	v3 =	vsub.f32 v3, v0;
	v2 =	vmul.f32 v5, v2;
	_ =	sdelay $0x1  }
0x120: {  	v3 =	vmul.f32 $1.442695020e+00, v3;
	[tilespmem:s15+$0x1910] =	vst v2;
	v1 =	vadd.f32 v6, v1  }
0x121: {  	v2 =	vld [tilespmem:s18+$0x1910]  }
0x122: {  	(erf) = vpow2.f32 v3;
	v3 =	vmul.f32 $2.000000030e-01, v1  }
0x123: {  	v63 =	vpop (erf);
	vm15 =	vge.f32 v1, $0.0e+00  }
0x124: {  	v4 =	vbroadcast v63, $0x0;
	v1 =	vsel vm15, v1, v3  }
0x125: {  	v1 =	vsub.f32 v1, v0  }
0x126: {  	v2 =	vmul.f32 v4, v2  }
0x127: {  	v1 =	vmul.f32 $1.442695020e+00, v1  }
0x128: {  	[tilespmem:s18+$0x1910] =	vst v2  }
0x129: {  	v2 =	vld [tilespmem:s30+$0x1910]  }
0x12a: {  	(erf) = vpow2.f32 v1  }
0x12b: {  	v1 =	vpop (erf)  }
0x12c: {  	v1 =	vbroadcast v1, $0x0;
	_ =	sdelay $0x1  }
0x12d: {  	v1 =	vmul.f32 v1, v2;
	_ =	sdelay $0x1  }
0x12e: {  	[tilespmem:s30+$0x1910] =	vst v1  }
0x12f: {  	v1 =	vld [tilespmem:s4+$0x1910];
	_ =	sdelay $0x1  }
0x130: {  	v2 =	vpop (erf)  }
0x131: {  	v2 =	vbroadcast v2, $0x0;
	_ =	sdelay $0x1  }
0x132: {  	s17 =	sadd.s32 $0x1, s17;
	v1 =	vmul.f32 v2, v1  }
0x133: {  	p5 =	sne.s32 s17, $0x9C  }
.Ltmp12:
0x134: {  	[tilespmem:s4+$0x1910] =	vst v1;
	(pc) =	sbr.rel @p5 .LBB2_15-.Ltmp12, $4  }
0x135: {  	[spmem:s2] =	stream.indirect.scatter.add.f32 [tilespmem:s21], [sflag:$0x2], $0x10, s0, s20, $0xb8;
	[tilespmem:$0x6F30] =	vst v63  }
0x136: {  	_ =	swait.ge [sflag:s29], $0x800  }
0x137: {  	[sflag:s29] =	ssyncset.done $0x0  }
0x138: {  	[sflag:s29] =	ssyncadd.s32 $0xFFFFF800  }
.Ltmp13:
0x139: {  	(pc) =	sbr.rel @p3 .LBB2_25-.Ltmp13, $1  }
0x13a: {  	_ =	sdelay $0x3  }
0x13b: {  	s4 =	simm.s32 $0x0;
	s5 =	rddreg [dreg:$0x7]  }
0x13c: {  	[tilespmem:s31], [sflag:$0x2] =	stream.linear.gather [hbm4b:s5+s4], $0x80, $0x38;
	[tilespmem:$0x6F30] =	vst v63  }
0x13d: {  	_ =	swait.ge [sflag:s29], $0x80  }
0x13e: {  	[sflag:s29] =	ssyncset.done $0x0  }
0x13f: {  	s30 =	rddreg [dreg:$0x8];
	[sflag:s29] =	ssyncadd.s32 $0xFFFFFF80  }
0x140: {  	[tilespmem:s0], [sflag:$0x2] =	stream.linear.gather [hbm4b:s30+s4], $0x80, $0x38;
	[tilespmem:$0x6F30] =	vst v63  }
0x141: {  	_ =	swait.ge [sflag:s29], $0x80  }
0x142: {  	[sflag:s29] =	ssyncset.done $0x0  }
0x143: {  	[sflag:s29] =	ssyncadd.s32 $0xFFFFFF80  }
0x144: {  	[tilespmem:s23], [sflag:$0x1] =	stream.indirect.gather [hbm4b:s8+s20], $0x10, s31, s20, $0xb8;
	[tilespmem:$0x6F30] =	vst v63  }
0x145: {  	_ =	swait.ge [sflag:s24], $0x800  }
0x146: {  	[sflag:s24] =	ssyncset.done $0x0  }
0x147: {  	[sflag:s24] =	ssyncadd.s32 $0xFFFFF800  }
0x148: {  	[tilespmem:s19], [sflag:$0x1] =	stream.indirect.gather [hbm4b:s9+s20], $0x10, s0, s20, $0xb8;
	[tilespmem:$0x6F30] =	vst v63  }
0x149: {  	_ =	swait.ge [sflag:s24], $0x800  }
0x14a: {  	[sflag:s24] =	ssyncset.done $0x0  }
0x14b: {  	[sflag:s24] =	ssyncadd.s32 $0xFFFFF800  }
0x14c: {  	[tilespmem:s21], [sflag:$0x1] =	stream.indirect.gather [hbm4b:s7+s20], $0x10, s31, s20, $0xb8;
	[tilespmem:$0x6F30] =	vst v63  }
0x14d: {  	_ =	swait.ge [sflag:s24], $0x800  }
0x14e: {  	[sflag:s24] =	ssyncset.done $0x0  }
0x14f: {  	s15 =	simm.s32 $0x0;
	[sflag:s24] =	ssyncadd.s32 $0xFFFFF800  }
0x150: {  	v1 =	vld [tilespmem:s15+$0x110]  }
0x151: {  	v2 =	vld [tilespmem:s15+$0x910];
	_ =	sdelay $0x4  }
0x152: {  	s5 =	simm.s32 $0x10;
	v1 =	vadd.f32 v2, v1  }
0x153: {  	v3 =	vld [tilespmem:s5+$0x110]  }
0x154: {  	v4 =	vld [tilespmem:s5+$0x910];
	v2 =	vmul.f32 $2.000000030e-01, v1  }
0x155: {  	vm0 =	vge.f32 v1, $0.0e+00  }
0x156: {  	v1 =	vsel vm0, v1, v2  }
0x157: {  	v1 =	vsub.f32 v1, v0;
	_ =	sdelay $0x1  }
0x158: {  	v2 =	vadd.f32 v4, v3;
	v1 =	vmul.f32 $1.442695020e+00, v1;
	_ =	sdelay $0x1  }
0x159: {  	s17 =	simm.s32 $0x20;
	v3 =	vmul.f32 $2.000000030e-01, v2;
	(erf) = vpow2.f32 v1  }
0x15a: {  	v4 =	vld [tilespmem:s17+$0x910];
	vm15 =	vge.f32 v2, $0.0e+00  }
0x15b: {  	v2 =	vsel vm15, v2, v3;
	v1 =	vld [tilespmem:s17+$0x110]  }
0x15c: {  	v2 =	vsub.f32 v2, v0;
	_ =	sdelay $0x1  }
0x15d: {  	v5 =	vmul.f32 $1.442695020e+00, v2;
	_ =	sdelay $0x1  }
0x15e: {  	v2 =	vld [tilespmem:s15+$0x1910];
	v3 =	vadd.f32 v4, v1  }
0x15f: {  	s4 =	simm.s32 $0x30;
	(erf) = vpow2.f32 v5  }
0x160: {  	s13 =	simm.s32 $0x100;
	v1 =	vld [tilespmem:s4+$0x110];
	v4 =	vmul.f32 $2.000000030e-01, v3;
	v5 =	vpop (erf)  }
.LBB2_20:
0x161: {  	p5 =	sne.s32 s13, $0x1FC0;
	v6 =	vld [tilespmem:s4+$0x910];
	vm0 =	vge.f32 v3, $0.0e+00;
	v5 =	vbroadcast v5, $0x0  }
0x162: {  	v3 =	vsel vm0, v3, v4  }
0x163: {  	v3 =	vsub.f32 v3, v0;
	v2 =	vmul.f32 v5, v2  }
.Ltmp14:
0x164: {  	(pc) =	sbr.rel @p5 .LBB2_20-.Ltmp14, $4  }
0x165: {  	v4 =	vmul.f32 $1.442695020e+00, v3;
	[tilespmem:s15+$0x1910] =	vst v2;
	s15 =	smov.u32 s5;
	s5 =	smov.u32 s17;
	s17 =	smov.u32 s4  }
0x166: {  	v3 =	vadd.f32 v6, v1;
	v2 =	vld [tilespmem:s15+$0x1910]  }
0x167: {  	s4 =	sshra.s32 s13, $0x2;
	(erf) = vpow2.f32 v4  }
0x168: {  	s13 =	sadd.s32 $0x40, s13;
	v1 =	vld [tilespmem:s4+$0x110];
	v4 =	vmul.f32 $2.000000030e-01, v3;
	v5 =	vpop (erf)  }
0x169: {  	v6 =	vld [tilespmem:s4+$0x910];
	vm0 =	vge.f32 v3, $0.0e+00;
	v5 =	vbroadcast v5, $0x0  }
0x16a: {  	v3 =	vsel vm0, v3, v4  }
0x16b: {  	v3 =	vsub.f32 v3, v0;
	v2 =	vmul.f32 v5, v2;
	_ =	sdelay $0x1  }
0x16c: {  	v3 =	vmul.f32 $1.442695020e+00, v3;
	[tilespmem:s15+$0x1910] =	vst v2  }
0x16d: {  	v1 =	vadd.f32 v6, v1;
	v2 =	vld [tilespmem:s5+$0x1910]  }
0x16e: {  	(erf) = vpow2.f32 v3  }
0x16f: {  	v58 =	vmul.f32 $2.000000030e-01, v1;
	v59 =	vpop (erf)  }
0x170: {  	vm15 =	vge.f32 v1, $0.0e+00;
	v4 =	vbroadcast v59, $0x0  }
0x171: {  	v1 =	vsel vm15, v1, v58  }
0x172: {  	v60 =	vsub.f32 v1, v0;
	v61 =	vmul.f32 v4, v2;
	_ =	sdelay $0x1  }
0x173: {  	v0 =	vmul.f32 $1.442695020e+00, v60;
	[tilespmem:s5+$0x1910] =	vst v61  }
0x174: {  	v1 =	vld [tilespmem:s17+$0x1910]  }
0x175: {  	(erf) = vpow2.f32 v0  }
0x176: {  	v62 =	vpop (erf)  }
0x177: {  	v0 =	vbroadcast v62, $0x0;
	_ =	sdelay $0x1  }
0x178: {  	v0 =	vmul.f32 v0, v1;
	_ =	sdelay $0x1  }
0x179: {  	[tilespmem:s17+$0x1910] =	vst v0  }
0x17a: {  	v0 =	vld [tilespmem:s4+$0x1910];
	_ =	sdelay $0x1  }
0x17b: {  	v63 =	vpop (erf)  }
0x17c: {  	v1 =	vbroadcast v63, $0x0;
	_ =	sdelay $0x1  }
0x17d: {  	v0 =	vmul.f32 v1, v0;
	_ =	sdelay $0x1  }
0x17e: {  	[tilespmem:s4+$0x1910] =	vst v0  }
0x17f: {  	[spmem:s2] =	stream.indirect.scatter.add.f32 [tilespmem:s21], [sflag:$0x2], $0x10, s0, s20, $0xb8;
	[tilespmem:$0x6F30] =	vst v63  }
.Ltmp15:
0x180: {  	_ =	swait.ge [sflag:s29], $0x800;
	(pc) =	sbr.rel .LBB2_26-.Ltmp15, $3  }
0x181: {  	[sflag:s29] =	ssyncset.done $0x0  }
0x182: {  	[sflag:s29] =	ssyncadd.s32 $0xFFFFF800  }
0x183: {  	[bflag:$0x0] =	sbarrier.arrive $0xFFFF;
	_ =	sdelay $0x1  }
.LBB2_22:
.Ltmp16:
0x184: {  	(pc) =	sbr.rel @!p4 .LBB2_23-.Ltmp16, $2  }
0x185: {  	_ =	sdelay $0x1  }
0x186: {  	[bflag:$0x0] =	sbarrier.arrive $0xFFFF;
	_ =	sdelay $0x1  }
0x187: {  	s4 =	sshrl.u32 s26, $0x3;
	s5 =	rddreg [dreg:$0xd];
	s13 =	simm.s32 $0x1FC2  }
0x188: {  	[hbm:s5], [sflag:s13] =	dma.local [spmem:s4], $0x500  }
0x189: {  	_ =	swait.ge [sflag:s29], $0x500  }
0x18a: {  	s18 =	rddreg [dreg:$0xf]  }
0x18b: {  	[sflag:s29] =	ssyncset.done $0x0;
	s30 =	rddreg [dreg:$0xe]  }
.Ltmp17:
0x18c: {  	[sflag:s29] =	ssyncadd.s32 $0xFFFFFB00;
	s4 =	sshrl.u32 s18, $0x3;
	(pc) =	sbr.rel .LBB2_28-.Ltmp17, $4  }
0x18d: {  	[hbm:s30], [sflag:s13] =	dma.local [spmem:s4], $0x500  }
0x18e: {  	_ =	swait.ge [sflag:s29], $0x500  }
0x18f: {  	[sflag:s29] =	ssyncset.done $0x0  }
0x190: {  	s16 =	simm.s32 $0x1FC2;
	[sflag:s29] =	ssyncadd.s32 $0xFFFFFB00  }
.LBB2_23:
0x191: {  	s4 =	stileid.u32  }
0x192: {  	s4 =	sshll.u32 s4, $0x6  }
0x193: {  	s5 =	sshrl.u32 s12, $0x3;
	s13 =	rddreg [dreg:$0xb];
	s4 =	sor.u32 $0x1C02, s4  }
0x194: {  	[hbm:s13], [sflag:s4] =	dma.local [spmem:s5], $0x4E0  }
0x195: {  	_ =	swait.ge [sflag:s29], $0x4E0  }
0x196: {  	s18 =	rddreg [dreg:$0x6]  }
0x197: {  	[sflag:s29] =	ssyncset.done $0x0;
	s30 =	rddreg [dreg:$0xc]  }
.Ltmp18:
0x198: {  	[sflag:s29] =	ssyncadd.s32 $0xFFFFFB20;
	s5 =	sshrl.u32 s18, $0x3;
	(pc) =	sbr.rel .LBB2_28-.Ltmp18, $4  }
0x199: {  	[hbm:s30], [sflag:s4] =	dma.local [spmem:s5], $0x4E0  }
0x19a: {  	_ =	swait.ge [sflag:s29], $0x4E0  }
0x19b: {  	[sflag:s29] =	ssyncset.done $0x0  }
0x19c: {  	[sflag:s29] =	ssyncadd.s32 $0xFFFFFB20  }
.LBB2_25:
.Ltmp19:
0x19d: {  	(pc) =	sbr.rel @p4 .LBB2_27-.Ltmp19, $2  }
0x19e: {  	_ =	sdelay $0x1  }
0x19f: {  	[bflag:$0x0] =	sbarrier.arrive $0xFFFF;
	_ =	sdelay $0x1  }
.LBB2_26:
0x1a0: {  	s4 =	stileid.u32  }
0x1a1: {  	s5 =	sshrl.u32 s12, $0x3;
	s4 =	sshll.u32 s4, $0x6  }
.Ltmp20:
0x1a2: {  	s13 =	rddreg [dreg:$0x9];
	s4 =	sor.u32 $0x1C02, s4;
	(pc) =	sbr.rel .LBB2_28-.Ltmp20, $4  }
0x1a3: {  	[hbm:s13], [sflag:s4] =	dma.local [spmem:s5], $0x4E0  }
0x1a4: {  	_ =	swait.ge [sflag:s29], $0x4E0  }
0x1a5: {  	[sflag:s29] =	ssyncset.done $0x0  }
0x1a6: {  	[sflag:s29] =	ssyncadd.s32 $0xFFFFFB20  }
.LBB2_29:
0x1a7: {  	_ =	sfence.sel $0x180000  }
0x1a8: {  	[bflag:$0x0] =	sbarrier.arrive $0xFFFF  }
0x1a9: {  	_ =	strace $0x9000004D  }
0x1aa: {  	s0 =	stileid.u32;
	[bflag:$0x2] =	sbarrier.arrive $0xFFFF  }
0x1ab: {  	p0 =	sne.s32 s0, $0x0;
	s0 =	rddreg [dreg:$0x4]  }
0x1ac: {  	s0 =	sadd.s32 @!p0 $0x100000, s0  }
0x1ad: {  	[sflag:s0] =	ssyncadd.tile.s32 @!p0 $0x1;
	_ =	shalt  }
.Lfunc_end2:
_tile_overlayer_lowered:
.L_overlay_start_2:
0x1ae: {  	(tag) =	ssettag $0x2  }
0x1af: {  	s0 =	rddreg [dreg:$0x0];
	s2 =	stileid.u32  }
0x1b0: {  	s1 =	rddreg [dreg:$0x1];
	p0 =	sne.s32 s2, $0x0  }
0x1b1: {  	s3 =	rddreg [dreg:$0x2];
	[bflag:$0x3] =	sbarrier.arrive $0xFFFF;
	s2 =	simm.s32 @!p0 $0x1C02  }
0x1b2: {  	[timem:s3], [sflag:s2] =	dma.local @!p0 [hbm:s0], s1  }
0x1b3: {  	s0 =	simm.s32 @!p0 $0x2  }
0x1b4: {  	_ =	swait.ge @!p0 [sflag:s0], s1  }
0x1b5: {  	s1 =	ssub.s32 @!p0 $0x0, s1;
	[sflag:s0] =	ssyncset.done @!p0 $0x0  }
0x1b6: {  	[sflag:s0] =	ssyncadd.s32 @!p0 s1  }
0x1b7: {  	[bflag:$0x3] =	sbarrier.arrive $0xFFFF  }
0x1b8: {  	_ =	shalt  }

// kernel: kernel.9.cloned.1.call-start
scs
__scs_entry_jumppad:
0x0: {  	(pc) =	sbr.rel $0x88, $3  }
0x1: {  	(tag) =	ssettag $0x0;
	lr =	simm.s32 $0x1  }
0x2: {  	[smem:$0x3F8F] =	sst lr;
	_ =	strace $0xD0000000  }
0x3: {  	_ = 	snop  }
0x4: {  	_ = 	snop  }
0x5: {  	_ = 	snop  }
0x6: {  	_ = 	snop  }
0x7: {  	_ = 	snop  }
__scs_overlays_trampoline_lowered:
0x8: {  	[smem:$0x3F9E] =	sst s0  }
0x9: {  	[smem:$0x3F9F] =	sst s1  }
0xa: {  	[smem:$0x3FA0] =	sst s2  }
0xb: {  	[smem:$0x3FA1] =	sst s3  }
0xc: {  	[smem:$0x3FA2] =	sst s4  }
0xd: {  	[smem:$0x3FA3] =	sst s5  }
0xe: {  	[smem:$0x3FA4] =	sst s6  }
0xf: {  	[smem:$0x3FA5] =	sst s7  }
0x10: {  	[smem:$0x3FA6] =	sst s8  }
0x11: {  	[smem:$0x3FA7] =	sst s9;
	s0 =	simm.s32 @!p0 $0x0  }
0x12: {  	s1 =	sld [smem:$0x3F8D];
	s0 =	simm.s32 @p0 $0x1  }
0x13: {  	[smem:$0x3FA8] =	sst s0;
	s0 =	simm.s32 @!p1 $0x0  }
0x14: {  	s2 =	sld [smem:$0x3F8C];
	s0 =	simm.s32 @p1 $0x1  }
0x15: {  	[smem:$0x3FA9] =	sst s0;
	s0 =	simm.s32 @!p2 $0x0  }
0x16: {  	s3 =	sld [smem:$0x3FDB];
	s0 =	simm.s32 @p2 $0x1  }
0x17: {  	s4 =	simm.s32 $0x1BF5;
	[smem:$0x3FAB] =	sst s0  }
0x18: {  	s0 =	sld [smem:$0x3F8E];
	_ =	swait.ge [sflag:s4], $0x0  }
0x19: {  	s7 =	sld [smem:$0x3F8F]  }
0x1a: {  	s8 =	sadd.s32 $0xFFFFE003, lr  }
0x1b: {  	s9 =	sadd.s32 $0xFFFFFEF7, lr;
	s5 =	simm.s32 $0xFFFFFFFF;
	p2 =	slt.u32 s8, $0xFFFFF086  }
0x1c: {  	p1 =	slt.u32 s9, $0xF7A;
	s5 =	simm.s32 @!p2 $0x0  }
0x1d: {  	s5 =	simm.s32 @p1 $0x1;
	p0 =	seq.s32 s7, s2  }
0x1e: {  	s7 =	smul.u32 @!p0 $0xF7A, s2;
	p2 =	seq.s32 @!p0 s5, $0x0  }
0x1f: {  	s9 =	smul.u32 $0xF7A, s1;
	s8 =	simm.s32 @!p0 $0x1BF5;
	p2 =	por !p2, p0  }
0x20: {  	[sflag:s8] =	ssyncset.s32 @!p0 $0xFFFFF086;
	s6 =	sadd.s32 @!p0 s3, s7;
	s7 =	simm.s32 @!p0 $0x108  }
0x21: {  	s3 =	sadd.s32 s3, s9;
	s6 =	sadd.s32 @!p0 $0x88, s6;
	s7 =	simm.s32 @p2 $0x1082  }
0x22: {  	[simem:s7], [sflag:s8] =	dma.local @!p0 [hbm:s6], $0xF7A  }
0x23: {  	s9 =	sor.u32 $0xD0000000, s2;
	s6 =	simm.s32 $0x108;
	_ =	swait.ge @!p0 [sflag:s8], $0x0  }
0x24: {  	s3 =	sadd.s32 $0x88, s3;
	s6 =	simm.s32 @!p1 $0x1082;
	[sflag:s4] =	ssyncset.s32 $0xFFFFF086  }
0x25: {  	[simem:s6], [sflag:s4] =	dma.local [hbm:s3], $0xF7A  }
0x26: {  	[smem:$0x3F8F] =	sst s1;
	(tag) =	ssettag s2;
	_ =	strace s9  }
0x27: {  	s1 =	sld [smem:$0x3F9F]  }
0x28: {  	s2 =	sld [smem:$0x3FA0]  }
0x29: {  	s4 =	sld [smem:$0x3FA2]  }
0x2a: {  	p0 =	seq.s32 s5, $0x0;
	s5 =	sld [smem:$0x3FA3]  }
0x2b: {  	s6 =	sld [smem:$0x3FA4]  }
0x2c: {  	s7 =	sld [smem:$0x3FA5]  }
0x2d: {  	s3 =	simm.s32 $0x108;
	s8 =	sld [smem:$0x3FA6]  }
0x2e: {  	s3 =	simm.s32 @!p0 $0x1082;
	s9 =	sld [smem:$0x3FA7]  }
0x2f: {  	lr =	sadd.s32 s0, s3;
	s0 =	sld [smem:$0x3F9E]  }
0x30: {  	s3 =	sld [smem:$0x3FA1]  }
0x31: {  	[smem:$0x3FAA] =	sst s10  }
0x32: {  	s10 =	sld [smem:$0x3FA8];
	_ =	sdelay $0x3  }
0x33: {  	p0 =	seq.s32 s10, $0x1;
	s10 =	sld [smem:$0x3FAA];
	_ =	sdelay $0x3  }
0x34: {  	[smem:$0x3FAA] =	sst s10  }
0x35: {  	s10 =	sld [smem:$0x3FA9];
	_ =	sdelay $0x3  }
0x36: {  	p1 =	seq.s32 s10, $0x1;
	s10 =	sld [smem:$0x3FAA];
	_ =	sdelay $0x3  }
0x37: {  	[smem:$0x3FAA] =	sst s10  }
0x38: {  	s10 =	sld [smem:$0x3FAB]  }
0x39: {  	_ = 	snop;
	(pc) =	sbr.ind lr, $3  }
0x3a: {  	_ = 	snop  }
0x3b: {  	_ = 	snop  }
0x3c: {  	p2 =	seq.s32 s10, $0x1;
	s10 =	sld [smem:$0x3FAA]  }
0x3d: {  	_ =	shalt  }
0x3e: {  	_ =	shalt  }
0x3f: {  	_ =	shalt  }
0x40: {  	_ =	shalt  }
0x41: {  	_ =	shalt  }
0x42: {  	_ =	shalt  }
0x43: {  	_ =	shalt  }
0x44: {  	_ =	shalt  }
0x45: {  	_ =	shalt  }
0x46: {  	_ =	shalt  }
0x47: {  	_ =	shalt  }
0x48: {  	_ =	shalt  }
0x49: {  	_ =	shalt  }
0x4a: {  	_ =	shalt  }
0x4b: {  	_ =	shalt  }
0x4c: {  	_ =	shalt  }
0x4d: {  	_ =	shalt  }
0x4e: {  	_ =	shalt  }
0x4f: {  	_ =	shalt  }
0x50: {  	_ =	shalt  }
0x51: {  	_ =	shalt  }
0x52: {  	_ =	shalt  }
0x53: {  	_ =	shalt  }
0x54: {  	_ =	shalt  }
0x55: {  	_ =	shalt  }
0x56: {  	_ =	shalt  }
0x57: {  	_ =	shalt  }
0x58: {  	_ =	shalt  }
0x59: {  	_ =	shalt  }
0x5a: {  	_ =	shalt  }
0x5b: {  	_ =	shalt  }
0x5c: {  	_ =	shalt  }
0x5d: {  	_ =	shalt  }
0x5e: {  	_ =	shalt  }
0x5f: {  	_ =	shalt  }
0x60: {  	_ =	shalt  }
0x61: {  	_ =	shalt  }
0x62: {  	_ =	shalt  }
0x63: {  	_ =	shalt  }
0x64: {  	_ =	shalt  }
0x65: {  	_ =	shalt  }
0x66: {  	_ =	shalt  }
0x67: {  	_ =	shalt  }
0x68: {  	_ =	shalt  }
0x69: {  	_ =	shalt  }
0x6a: {  	_ =	shalt  }
0x6b: {  	_ =	shalt  }
0x6c: {  	_ =	shalt  }
0x6d: {  	_ =	shalt  }
0x6e: {  	_ =	shalt  }
0x6f: {  	_ =	shalt  }
0x70: {  	_ =	shalt  }
0x71: {  	_ =	shalt  }
0x72: {  	_ =	shalt  }
0x73: {  	_ =	shalt  }
0x74: {  	_ =	shalt  }
0x75: {  	_ =	shalt  }
0x76: {  	_ =	shalt  }
0x77: {  	_ =	shalt  }
0x78: {  	_ =	shalt  }
0x79: {  	_ =	shalt  }
0x7a: {  	_ =	shalt  }
0x7b: {  	_ =	shalt  }
0x7c: {  	_ =	shalt  }
0x7d: {  	_ =	shalt  }
0x7e: {  	_ =	shalt  }
0x7f: {  	_ =	shalt  }
0x80: {  	_ =	shalt  }
0x81: {  	_ =	shalt  }
0x82: {  	_ =	shalt  }
0x83: {  	_ =	shalt  }
0x84: {  	_ =	shalt  }
0x85: {  	_ =	shalt  }
0x86: {  	_ =	shalt  }
0x87: {  	_ =	shalt  }
.Lfunc_end0:
.L_simem_size_0:
called_computation_lowered:
.L_overlay_start_0:
0x88: {  	s2 =	sld [smem:$0x3FD9]  }
0x89: {  	s3 =	sld [smem:$0x3FFE];
	_ =	sdelay $0x1  }
0x8a: {  	s1 =	srdreg.scid  }
0x8b: {  	s0 =	sand.u32 $0x1, s1  }
0x8c: {  	s17 =	sshll.u32 s0, $0xA;
	s2 =	sadd.s32 s3, s2  }
0x8d: {  	s2 =	sadd.s32 s2, s17  }
0x8e: {  	[smem:$0x3FB6] =	sst s2  }
0x8f: {  	_ = 	snop  }
0x90: {  	s2 =	sld [smem:$0x3FD0];
	(tm) =	ssettm $0x1  }
0x91: {  	s18 =	sld [smem:$0x3FFB];
	_ =	sdelay $0x3  }
0x92: {  	_ =	strace s18  }
0x93: {  	s3 =	sld [smem:$0x3FFC];
	_ =	sdelay $0x3  }
0x94: {  	_ =	strace s3  }
0x95: {  	s3 =	sld [smem:$0x3FFD];
	_ =	sdelay $0x3  }
0x96: {  	_ =	strace s3  }
0x97: {  	_ =	strace $0x8FFFFFFF  }
0x98: {  	s19 =	sld [smem:$0x3FDB];
	_ =	sdelay $0x1  }
0x99: {  	s4 =	simm.s32 $_scs_section_size  }
0x9a: {  	s5 =	simm.s32 $_size__tile_overlayer_lowered;
	s6 =	simm.s32 $_tile_overlayer_lowered  }
0x9b: {  	s22 =	simm.s32 $0x1BFF;
	s21 =	sshll.u32 s6, $0x1;
	s3 =	sadd.s32 s4, s19  }
0x9c: {  	s7 =	simm.s32 $0x0;
	s20 =	sshll.u32 s5, $0x1;
	s5 =	sadd.s32 s21, s3  }
0x9d: {  	[timem:s7], [sflag:s22] =	dma.local [hbm:s5], s20  }
0x9e: {  	_ =	swait.ge [sflag:s22], s20  }
0x9f: {  	s4 =	ssub.s32 $0x0, s20;
	[sflag:s22] =	ssyncset.done $0x0  }
0xa0: {  	[sflag:s22] =	ssyncadd.s32 s4;
	_ =	sdelay $0x1  }
0xa1: {  	s23 =	simm.s32 $0x1B8B  }
0xa2: {  	_ =	swait.ge [sflag:s23], $0x1  }
0xa3: {  	[sflag:s23] =	ssyncset.done $0x0  }
0xa4: {  	s25 =	simm.s32 $0x1B8E;
	s24 =	sld [smem:$0x3FFE];
	[sflag:s23] =	ssyncadd.s32 $0xFFFFFFFF  }
0xa5: {  	s26 =	simm.s32 $execute0_lowered;
	[smem:$0x3FD2] =	sst s25  }
0xa6: {  	s5 =	sshll.u32 s26, $0x1;
	_ =	strace $0x80000046;
	[dreg:$0x1] =	wrdreg $0xFFFFFFFF  }
0xa7: {  	s28 =	simm.s32 $_size_execute0_lowered;
	s3 =	sadd.s32 s3, s5;
	[dreg:$0x0] =	wrdreg $0x0  }
0xa8: {  	s5 =	sshll.u32 s28, $0x1;
	[dreg:$0x2] =	wrdreg s3  }
0xa9: {  	[dreg:$0x3] =	wrdreg s5  }
0xaa: {  	[dreg:$0x4] =	wrdreg $0xC0  }
0xab: {  	_ =	task [dreg:s7], $0x5FFFF  }
0xac: {  	[dreg:$0x1] =	wrdreg $0xFFFFFFFF  }
0xad: {  	[dreg:$0x0] =	wrdreg $0x60  }
0xae: {  	[dreg:$0x2] =	wrdreg s24  }
0xaf: {  	[dreg:$0x3] =	wrdreg s2  }
0xb0: {  	[dreg:$0x4] =	wrdreg $0x59100  }
0xb1: {  	[dreg:$0x5] =	wrdreg $0x191900  }
0xb2: {  	[dreg:$0x6] =	wrdreg $0x9  }
0xb3: {  	_ =	task.clear_ibuf [dreg:s7], $0x7FFFF;
	_ =	strace $0x90000046  }
0xb4: {  	s29 =	simm.s32 $0x9;
	_ =	strace $0x80000048  }
0xb5: {  	_ =	swait.ge [sflag:s29], $0x1  }
0xb6: {  	[sflag:s29] =	ssyncadd.s32 $0xFFFFFFFF  }
0xb7: {  	_ =	strace $0x90000048  }
0xb8: {  	_ =	sfence  }
0xb9: {  	s30 =	sld [smem:$0x0];
	_ =	sdelay $0x2  }
0xba: {  	s31 =	sshll.u32 s1, $0xD;
	s1 =	sshrl.u32 s1, $0x2  }
0xbb: {  	s3 =	sand.u32 $0x4000, s31;
	s1 =	sadd.s32 s1, s30  }
0xbc: {  	s0 =	sor.u32 s3, s0;
	s1 =	sshll.u32 s1, $0x11  }
0xbd: {  	s0 =	sor.u32 s1, s0  }
0xbe: {  	s0 =	sadd.s32 $0x8F2B, s0  }
0xbf: {  	[sflag:s0] =	ssyncadd.remote.s32 $0x1  }
0xc0: {  	_ =	sfence.sel $0xFFFF  }
0xc1: {  	[dreg:$0x0] =	wrdreg $0xFFFFFFFF;
	(pc) =	sbr.abs _section_cstart, $3  }
0xc2: {  	[dreg:$0x1] =	wrdreg $0xFFFFFFFF  }
0xc3: {  	_ =	task.clear_ibuf [dreg:s7], $0x2FFFF;
	_ =	strace $0x9FFFFFFF  }
0xc4: {  	(tm) =	ssettm $0x7FFFFFFF  }
0xc5: {  	_ =	shalt  }
tec
execute0_lowered:
.L_overlay_start_1:
0x0: {  	(tag) =	ssettag $0x1  }
0x1: {  	s0 =	rddreg [dreg:$0x0]  }
0x2: {  	s1 =	rddreg [dreg:$0x1]  }
0x3: {  	s2 =	rddreg [dreg:$0x2]  }
0x4: {  	s3 =	rddreg [dreg:$0x3];
	s4 =	simm.s32 $0x0;
	s12 =	srdreg.scid  }
0x5: {  	s31 =	simm.s32 $0x2;
	s30 =	simm.s32 $0x0;
	[smem:$0x7FF] =	sst s4  }
0x6: {  	s6 =	sadd.s32 $0x3E00, s0;
	s4 =	stileid.u32;
	s7 =	sadd.s32 $0x2B000, s0  }
0x7: {  	s8 =	sadd.s32 $0x57400, s0;
	s9 =	sadd.s32 $0x52400, s0;
	s10 =	sadd.s32 $0x52200, s0  }
0x8: {  	s11 =	sadd.s32 $0x5C400, s0;
	s16 =	sand.u32 $0x1, s12;
	s29 =	sadd.s32 $0x124800, s2  }
0x9: {  	s26 =	sadd.s32 $0x8FB00, s0;
	_ =	strace $0x80000047;
	s5 =	smul.u32 $0x13800, s4  }
0xa: {  	s14 =	smul.u32 $0x2700, s4;
	s15 =	ssub.s32 $0x2, s16;
	[dreg:$0x7] =	wrdreg s26  }
0xb: {  	p0 =	seq.s32 s16, $0x0;
	p1 =	sne.s32 s16, $0x0;
	p2 =	sne.s32 s4, $0xF  }
0xc: {  	p3 =	sgt.u32 s4, $0x3;
	p4 =	seq.s32 s4, $0xF;
	s26 =	sadd.s32 $0x24900, s3  }
0xd: {  	s21 =	sshrl.u32 s15, $0x1;
	[dreg:$0x11] =	wrdreg s26;
	s20 =	sshrl.u32 s5, $0x3  }
0xe: {  	s13 =	sshrl.u32 s14, $0x3;
	s19 =	ssub.s32 s15, s21;
	s23 =	sadd.s32 s14, s3  }
0xf: {  	s21 =	sadd.s32 $0xE2F00, s0;
	s17 =	sadd.s32 s20, s0;
	[dreg:$0x12] =	wrdreg s23  }
0x10: {  	s18 =	sadd.s32 s13, s0;
	[dreg:$0xb] =	wrdreg s21;
	s22 =	sadd.s32 $0x6B200, s17  }
0x11: {  	s16 =	simm.s32 $0x110;
	s25 =	sadd.s32 $0x66200, s18;
	[dreg:$0x5] =	wrdreg s22  }
0x12: {  	s13 =	sshll.u32 s4, $0x4;
	s20 =	sadd.s32 $0xBE600, s17;
	[dreg:$0x6] =	wrdreg s25  }
0x13: {  	s24 =	sor.u32 $0x9C00, s13;
	s23 =	sadd.s32 $0x92400, s18;
	[dreg:$0xa] =	wrdreg s20  }
0x14: {  	s26 =	simm.s32 $0x80;
	s15 =	sadd.s32 s11, s24;
	[dreg:$0xd] =	wrdreg s23  }
0x15: {  	s12 =	sadd.s32 s5, s2;
	s5 =	sadd.s32 s1, s24;
	[dreg:$0x8] =	wrdreg s15  }
0x16: {  	s28 =	smax.u32 s19, $0x1;
	s22 =	sadd.s32 $0x97400, s17;
	[dreg:$0x9] =	wrdreg s5  }
.Ltmp0:
0x17: {  	s24 =	sadd.s32 $0x6AB20, s0;
	[dreg:$0xc] =	wrdreg s22;
	(pc) =	sbr.rel .LBB2_1-.Ltmp0, $4  }
0x18: {  	s21 =	simm.s32 $0x10;
	s25 =	sadd.s32 $0xBBD00, s0;
	[dreg:$0xe] =	wrdreg s24  }
0x19: {  	s0 =	sadd.s32 $0x96D20, s0;
	s20 =	simm.s32 $0x910;
	[dreg:$0xf] =	wrdreg s25  }
0x1a: {  	s23 =	simm.s32 $0x1110;
	[dreg:$0x10] =	wrdreg s0;
	s15 =	simm.s32 $0x1FC2  }
0x1b: {  	s25 =	simm.s32 $0x90;
	s24 =	simm.s32 $0x1;
	s22 =	simm.s32 $0x1910  }
.LBB2_27:
0x1c: {  	s0 =	sshrl.u32 s29, $0x3;
	s5 =	rddreg [dreg:$0xb]  }
0x1d: {  	[hbm:s5], [sflag:s15] =	dma.local [spmem:s0], $0x2800  }
0x1e: {  	_ =	swait.ge [sflag:s31], $0x2800  }
0x1f: {  	[sflag:s31] =	ssyncset.done $0x0  }
0x20: {  	[sflag:s31] =	ssyncadd.s32 $0xFFFFD800  }
.LBB2_28:
0x21: {  	s30 =	sadd.s32 $0x1, s30  }
0x22: {  	p5 =	sne.s32 s30, s28  }
.Ltmp1:
0x23: {  	_ = 	snop;
	(pc) =	sbr.rel @!p5 .LBB2_29-.Ltmp1, $1  }
0x24: {  	_ =	sdelay $0x3  }
.LBB2_1:
.Ltmp2:
0x25: {  	s0 =	simm.s32 $0x0;
	(pc) =	sbr.rel @p2 .LBB2_4-.Ltmp2, $4  }
0x26: {  	[tilespmem:s0], [sflag:$0x2] =	stream.linear.gather [hbm4b:s10+s0], $0x10, $0x38;
	[tilespmem:$0x1B8A0] =	vst v63  }
0x27: {  	_ =	swait.ge [sflag:s31], $0x10  }
0x28: {  	[sflag:s31] =	ssyncset.done $0x0  }
0x29: {  	[sflag:s31] =	ssyncadd.s32 $0xFFFFFFF0  }
.Ltmp3:
0x2a: {  	s5 =	sshrl.u32 s29, $0x3;
	s0 =	rddreg [dreg:$0x7];
	(pc) =	sbr.rel @!p0 .LBB2_14-.Ltmp3, $4  }
0x2b: {  	[spmem:s5], [sflag:s15] =	dma.local [hbm:s0], $0x2800  }
0x2c: {  	_ =	swait.ge [sflag:s31], $0x2800  }
0x2d: {  	[sflag:s31] =	ssyncset.done $0x0  }
0x2e: {  	[sflag:s31] =	ssyncadd.s32 $0xFFFFD800  }
0x2f: {  	s0 =	rddreg [dreg:$0x11]  }
.Ltmp4:
0x30: {  	s19 =	rddreg [dreg:$0xe];
	s5 =	sshrl.u32 s0, $0x3;
	(pc) =	sbr.rel .LBB2_6-.Ltmp4, $4  }
0x31: {  	[spmem:s5], [sflag:s15] =	dma.local [hbm:s19], $0x500  }
0x32: {  	_ =	swait.ge [sflag:s31], $0x500  }
0x33: {  	[sflag:s31] =	ssyncset.done $0x0  }
0x34: {  	[sflag:s31] =	ssyncadd.s32 $0xFFFFFB00  }
.LBB2_4:
0x35: {  	s5 =	sshll.u32 s4, $0x6;
	s14 =	sshrl.u32 s12, $0x3  }
.Ltmp5:
0x36: {  	s0 =	rddreg [dreg:$0x5];
	s5 =	sor.u32 $0x1C02, s5;
	(pc) =	sbr.rel @p1 .LBB2_14-.Ltmp5, $4  }
0x37: {  	[spmem:s14], [sflag:s5] =	dma.local [hbm:s0], $0x2700  }
0x38: {  	_ =	swait.ge [sflag:s31], $0x2700  }
0x39: {  	[sflag:s31] =	ssyncset.done $0x0  }
0x3a: {  	[sflag:s31] =	ssyncadd.s32 $0xFFFFD900  }
0x3b: {  	s0 =	rddreg [dreg:$0x12]  }
0x3c: {  	s19 =	rddreg [dreg:$0x6];
	s14 =	sshrl.u32 s0, $0x3  }
0x3d: {  	[spmem:s14], [sflag:s5] =	dma.local [hbm:s19], $0x4E0  }
0x3e: {  	_ =	swait.ge [sflag:s31], $0x4E0  }
0x3f: {  	[sflag:s31] =	ssyncset.done $0x0  }
0x40: {  	[sflag:s31] =	ssyncadd.s32 $0xFFFFFB20  }
.LBB2_6:
0x41: {  	[bflag:$0x0] =	sbarrier.arrive $0xFFFF  }
0x42: {  	s5 =	simm.s32 $0x0;
	s14 =	simm.s32 $0x0;
	v0 =	vld [tilespmem:$0x0]  }
.LBB2_7:
0x43: {  	s17 =	sshll.u32 s14, $0x8  }
0x44: {  	s17 =	sor.u32 s13, s17  }
0x45: {  	s18 =	sadd.s32 s11, s17  }
0x46: {  	[tilespmem:s21], [sflag:$0x2] =	stream.linear.gather [hbm4b:s18+s5], $0x80, $0x38;
	[tilespmem:$0x1B8A0] =	vst v63  }
0x47: {  	_ =	swait.ge [sflag:s31], $0x80  }
0x48: {  	[sflag:s31] =	ssyncset.done $0x0  }
0x49: {  	s17 =	sadd.s32 s1, s17;
	[sflag:s31] =	ssyncadd.s32 $0xFFFFFF80  }
0x4a: {  	[tilespmem:s25], [sflag:$0x2] =	stream.linear.gather [hbm4b:s17+s5], $0x80, $0x38;
	[tilespmem:$0x1B8A0] =	vst v63  }
0x4b: {  	_ =	swait.ge [sflag:s31], $0x80  }
0x4c: {  	[sflag:s31] =	ssyncset.done $0x0  }
0x4d: {  	[sflag:s31] =	ssyncadd.s32 $0xFFFFFF80  }
0x4e: {  	[tilespmem:s16], [sflag:$0x1] =	stream.indirect.gather [hbm4b:s8+s26], $0x10, s21, s26, $0xb8;
	[tilespmem:$0x1B8A0] =	vst v63  }
0x4f: {  	_ =	swait.ge [sflag:s24], $0x800  }
0x50: {  	[sflag:s24] =	ssyncset.done $0x0  }
0x51: {  	[sflag:s24] =	ssyncadd.s32 $0xFFFFF800  }
0x52: {  	[tilespmem:s20], [sflag:$0x1] =	stream.indirect.gather [hbm4b:s9+s26], $0x10, s25, s26, $0xb8;
	[tilespmem:$0x1B8A0] =	vst v63  }
0x53: {  	_ =	swait.ge [sflag:s24], $0x800  }
0x54: {  	[sflag:s24] =	ssyncset.done $0x0  }
0x55: {  	[sflag:s24] =	ssyncadd.s32 $0xFFFFF800  }
0x56: {  	[tilespmem:s22], [sflag:$0x1] =	stream.indirect.gather [hbm4b:s6+s26], $0x80, s21, s26, $0xb8;
	[tilespmem:$0x1B8A0] =	vst v63  }
0x57: {  	_ =	swait.ge [sflag:s24], $0x4000  }
0x58: {  	[sflag:s24] =	ssyncset.done $0x0  }
0x59: {  	s19 =	simm.s32 $0x0;
	[sflag:s24] =	ssyncadd.s32 $0xFFFFC000  }
0x5a: {  	v1 =	vld [tilespmem:s19+$0x110]  }
0x5b: {  	v2 =	vld [tilespmem:s19+$0x910];
	_ =	sdelay $0x4  }
0x5c: {  	v1 =	vadd.f32 v2, v1;
	_ =	sdelay $0x1  }
0x5d: {  	v2 =	vmul.f32 $2.000000030e-01, v1  }
0x5e: {  	vm0 =	vge.f32 v1, $0.0e+00  }
0x5f: {  	v1 =	vsel vm0, v1, v2  }
0x60: {  	v1 =	vsub.f32 v1, v0;
	_ =	sdelay $0x1  }
0x61: {  	v1 =	vmul.f32 $1.442695020e+00, v1;
	_ =	sdelay $0x1  }
0x62: {  	(erf) = vpow2.f32 v1;
	_ =	sdelay $0x8  }
0x63: {  	v1 =	vpop (erf)  }
0x64: {  	s17 =	simm.s32 $0x1950;
	[tilespmem:s19+$0x1110] =	vst v1  }
0x65: {  	v6 =	vld [tilespmem:s17+$0xFFFFFFC0]  }
0x66: {  	v5 =	vld [tilespmem:s17+$0xFFFFFFD0]  }
0x67: {  	v4 =	vld [tilespmem:s17+$0xFFFFFFE0]  }
0x68: {  	s18 =	simm.s32 $0x40;
	v2 =	vbroadcast v1, $0x0;
	s19 =	simm.s32 $0x1950;
	v3 =	vld [tilespmem:s17+$0xFFFFFFF0]  }
.LBB2_8:
0x69: {  	p5 =	sne.s32 s18, $0x1FC0  }
0x6a: {  	v7 =	vld [tilespmem:s17+$0x0];
	s19 =	sadd.s32 $0x80, s19;
	s0 =	smov.u32 s18;
	s18 =	sadd.s32 $0x40, s18  }
0x6b: {  	v6 =	vmul.f32 v2, v6;
	v8 =	vld [tilespmem:s17+$0x10]  }
0x6c: {  	v5 =	vmul.f32 v2, v5;
	v9 =	vld [tilespmem:s17+$0x20]  }
0x6d: {  	v1 =	vbroadcast v1, $0x1;
	[tilespmem:s17+$0xFFFFFFC0] =	vst v6;
	v4 =	vmul.f32 v2, v4;
	v6 =	vld [tilespmem:s17+$0x30]  }
0x6e: {  	[tilespmem:s17+$0xFFFFFFD0] =	vst v5;
	v2 =	vmul.f32 v3, v2  }
0x6f: {  	[tilespmem:s17+$0xFFFFFFE0] =	vst v4;
	v3 =	vmul.f32 v7, v1  }
0x70: {  	[tilespmem:s17+$0xFFFFFFF0] =	vst v2;
	v2 =	vmul.f32 v8, v1  }
0x71: {  	[tilespmem:s17+$0x0] =	vst v3;
	v3 =	vmul.f32 v9, v1  }
0x72: {  	s0 =	sshra.s32 s0, $0x2;
	[tilespmem:s17+$0x10] =	vst v2;
	v1 =	vmul.f32 v6, v1  }
0x73: {  	[tilespmem:s17+$0x20] =	vst v3  }
0x74: {  	[tilespmem:s17+$0x30] =	vst v1;
	s17 =	smov.u32 s19  }
0x75: {  	v1 =	vld [tilespmem:s0+$0x110]  }
0x76: {  	v2 =	vld [tilespmem:s0+$0x910];
	_ =	sdelay $0x4  }
0x77: {  	v1 =	vadd.f32 v2, v1;
	_ =	sdelay $0x1  }
0x78: {  	v2 =	vmul.f32 $2.000000030e-01, v1  }
0x79: {  	vm0 =	vge.f32 v1, $0.0e+00  }
0x7a: {  	v1 =	vsel vm0, v1, v2  }
0x7b: {  	v1 =	vsub.f32 v1, v0;
	_ =	sdelay $0x1  }
0x7c: {  	v1 =	vmul.f32 $1.442695020e+00, v1;
	_ =	sdelay $0x1  }
0x7d: {  	(erf) = vpow2.f32 v1;
	_ =	sdelay $0x8  }
0x7e: {  	v1 =	vpop (erf)  }
.Ltmp6:
0x7f: {  	[tilespmem:s0+$0x1110] =	vst v1;
	v2 =	vbroadcast v1, $0x0;
	(pc) =	sbr.rel @p5 .LBB2_8-.Ltmp6, $4  }
0x80: {  	v6 =	vld [tilespmem:s19+$0xFFFFFFC0]  }
0x81: {  	v5 =	vld [tilespmem:s19+$0xFFFFFFD0]  }
0x82: {  	v4 =	vld [tilespmem:s19+$0xFFFFFFE0]  }
0x83: {  	v3 =	vld [tilespmem:s19+$0xFFFFFFF0]  }
0x84: {  	v7 =	vld [tilespmem:s17+$0x0]  }
0x85: {  	v8 =	vld [tilespmem:s17+$0x10];
	v6 =	vmul.f32 v2, v6  }
0x86: {  	v9 =	vld [tilespmem:s17+$0x20];
	v5 =	vmul.f32 v2, v5  }
0x87: {  	v1 =	vbroadcast v1, $0x1;
	v63 =	vld [tilespmem:s17+$0x30];
	[tilespmem:s17+$0xFFFFFFC0] =	vst v6;
	v4 =	vmul.f32 v2, v4  }
0x88: {  	[tilespmem:s17+$0xFFFFFFD0] =	vst v5;
	v2 =	vmul.f32 v3, v2  }
0x89: {  	[tilespmem:s17+$0xFFFFFFE0] =	vst v4;
	v3 =	vmul.f32 v7, v1  }
0x8a: {  	[tilespmem:s17+$0xFFFFFFF0] =	vst v2;
	v2 =	vmul.f32 v8, v1  }
0x8b: {  	[tilespmem:s17+$0x0] =	vst v3;
	v3 =	vmul.f32 v9, v1  }
0x8c: {  	v1 =	vmul.f32 v63, v1;
	[tilespmem:s17+$0x10] =	vst v2  }
0x8d: {  	[tilespmem:s17+$0x20] =	vst v3  }
0x8e: {  	[tilespmem:s17+$0x30] =	vst v1  }
0x8f: {  	[spmem:s2] =	stream.indirect.scatter.add.f32 [tilespmem:s22], [sflag:$0x2], $0x80, s25, s26, $0xb8;
	[tilespmem:$0x1B8A0] =	vst v63  }
0x90: {  	s14 =	sadd.s32 $0x1, s14;
	_ =	swait.ge [sflag:s31], $0x4000  }
0x91: {  	p5 =	sne.s32 s14, $0x9C;
	[sflag:s31] =	ssyncset.done $0x0  }
.Ltmp7:
0x92: {  	[sflag:s31] =	ssyncadd.s32 $0xFFFFC000;
	(pc) =	sbr.rel @p5 .LBB2_7-.Ltmp7, $4  }
0x93: {  	[spmem:s3] =	stream.indirect.scatter.add.f32 [tilespmem:s23], [sflag:$0x2], $0x10, s25, s26, $0xb8;
	[tilespmem:$0x1B8A0] =	vst v63  }
0x94: {  	_ =	swait.ge [sflag:s31], $0x800  }
0x95: {  	[sflag:s31] =	ssyncset.done $0x0  }
0x96: {  	[sflag:s31] =	ssyncadd.s32 $0xFFFFF800  }
.Ltmp8:
0x97: {  	(pc) =	sbr.rel @p3 .LBB2_22-.Ltmp8, $1  }
0x98: {  	_ =	sdelay $0x3  }
0x99: {  	s0 =	simm.s32 $0x0;
	s5 =	rddreg [dreg:$0x8]  }
0x9a: {  	[tilespmem:s21], [sflag:$0x2] =	stream.linear.gather [hbm4b:s5+s0], $0x80, $0x38;
	[tilespmem:$0x1B8A0] =	vst v63  }
0x9b: {  	_ =	swait.ge [sflag:s31], $0x80  }
0x9c: {  	[sflag:s31] =	ssyncset.done $0x0  }
0x9d: {  	s18 =	rddreg [dreg:$0x9];
	[sflag:s31] =	ssyncadd.s32 $0xFFFFFF80  }
0x9e: {  	[tilespmem:s25], [sflag:$0x2] =	stream.linear.gather [hbm4b:s18+s0], $0x80, $0x38;
	[tilespmem:$0x1B8A0] =	vst v63  }
0x9f: {  	_ =	swait.ge [sflag:s31], $0x80  }
0xa0: {  	[sflag:s31] =	ssyncset.done $0x0  }
0xa1: {  	[sflag:s31] =	ssyncadd.s32 $0xFFFFFF80  }
0xa2: {  	[tilespmem:s16], [sflag:$0x1] =	stream.indirect.gather [hbm4b:s8+s26], $0x10, s21, s26, $0xb8;
	[tilespmem:$0x1B8A0] =	vst v63  }
0xa3: {  	_ =	swait.ge [sflag:s24], $0x800  }
0xa4: {  	[sflag:s24] =	ssyncset.done $0x0  }
0xa5: {  	[sflag:s24] =	ssyncadd.s32 $0xFFFFF800  }
0xa6: {  	[tilespmem:s20], [sflag:$0x1] =	stream.indirect.gather [hbm4b:s9+s26], $0x10, s25, s26, $0xb8;
	[tilespmem:$0x1B8A0] =	vst v63  }
0xa7: {  	_ =	swait.ge [sflag:s24], $0x800  }
0xa8: {  	[sflag:s24] =	ssyncset.done $0x0  }
0xa9: {  	[sflag:s24] =	ssyncadd.s32 $0xFFFFF800  }
0xaa: {  	[tilespmem:s22], [sflag:$0x1] =	stream.indirect.gather [hbm4b:s6+s26], $0x80, s21, s26, $0xb8;
	[tilespmem:$0x1B8A0] =	vst v63  }
0xab: {  	_ =	swait.ge [sflag:s24], $0x4000  }
0xac: {  	[sflag:s24] =	ssyncset.done $0x0  }
0xad: {  	s19 =	simm.s32 $0x0;
	[sflag:s24] =	ssyncadd.s32 $0xFFFFC000  }
0xae: {  	v1 =	vld [tilespmem:s19+$0x110]  }
0xaf: {  	v2 =	vld [tilespmem:s19+$0x910];
	_ =	sdelay $0x4  }
0xb0: {  	v1 =	vadd.f32 v2, v1;
	_ =	sdelay $0x1  }
0xb1: {  	v2 =	vmul.f32 $2.000000030e-01, v1  }
0xb2: {  	vm0 =	vge.f32 v1, $0.0e+00  }
0xb3: {  	v1 =	vsel vm0, v1, v2  }
0xb4: {  	v1 =	vsub.f32 v1, v0;
	_ =	sdelay $0x1  }
0xb5: {  	v1 =	vmul.f32 $1.442695020e+00, v1;
	_ =	sdelay $0x1  }
0xb6: {  	(erf) = vpow2.f32 v1;
	_ =	sdelay $0x8  }
0xb7: {  	v1 =	vpop (erf)  }
0xb8: {  	s5 =	simm.s32 $0x1950;
	[tilespmem:s19+$0x1110] =	vst v1  }
0xb9: {  	v6 =	vld [tilespmem:s5+$0xFFFFFFC0]  }
0xba: {  	v5 =	vld [tilespmem:s5+$0xFFFFFFD0]  }
0xbb: {  	v4 =	vld [tilespmem:s5+$0xFFFFFFE0]  }
0xbc: {  	s14 =	simm.s32 $0x40;
	s17 =	simm.s32 $0x1950;
	v2 =	vbroadcast v1, $0x0;
	v3 =	vld [tilespmem:s5+$0xFFFFFFF0]  }
.LBB2_12:
0xbd: {  	p5 =	sne.s32 s14, $0x1FC0  }
0xbe: {  	v7 =	vld [tilespmem:s5+$0x0];
	s17 =	sadd.s32 $0x80, s17;
	s0 =	smov.u32 s14;
	s14 =	sadd.s32 $0x40, s14  }
0xbf: {  	v6 =	vmul.f32 v2, v6;
	v8 =	vld [tilespmem:s5+$0x10]  }
0xc0: {  	v5 =	vmul.f32 v2, v5;
	v9 =	vld [tilespmem:s5+$0x20]  }
0xc1: {  	v1 =	vbroadcast v1, $0x1;
	[tilespmem:s5+$0xFFFFFFC0] =	vst v6;
	v4 =	vmul.f32 v2, v4;
	v6 =	vld [tilespmem:s5+$0x30]  }
0xc2: {  	[tilespmem:s5+$0xFFFFFFD0] =	vst v5;
	v2 =	vmul.f32 v3, v2  }
0xc3: {  	[tilespmem:s5+$0xFFFFFFE0] =	vst v4;
	v3 =	vmul.f32 v7, v1  }
0xc4: {  	[tilespmem:s5+$0xFFFFFFF0] =	vst v2;
	v2 =	vmul.f32 v8, v1  }
0xc5: {  	[tilespmem:s5+$0x0] =	vst v3;
	v3 =	vmul.f32 v9, v1  }
0xc6: {  	s0 =	sshra.s32 s0, $0x2;
	[tilespmem:s5+$0x10] =	vst v2;
	v1 =	vmul.f32 v6, v1  }
0xc7: {  	[tilespmem:s5+$0x20] =	vst v3  }
0xc8: {  	[tilespmem:s5+$0x30] =	vst v1;
	s5 =	smov.u32 s17  }
0xc9: {  	v1 =	vld [tilespmem:s0+$0x110]  }
0xca: {  	v2 =	vld [tilespmem:s0+$0x910];
	_ =	sdelay $0x4  }
0xcb: {  	v1 =	vadd.f32 v2, v1;
	_ =	sdelay $0x1  }
0xcc: {  	v2 =	vmul.f32 $2.000000030e-01, v1  }
0xcd: {  	vm0 =	vge.f32 v1, $0.0e+00  }
0xce: {  	v1 =	vsel vm0, v1, v2  }
0xcf: {  	v1 =	vsub.f32 v1, v0;
	_ =	sdelay $0x1  }
0xd0: {  	v1 =	vmul.f32 $1.442695020e+00, v1;
	_ =	sdelay $0x1  }
0xd1: {  	(erf) = vpow2.f32 v1;
	_ =	sdelay $0x8  }
0xd2: {  	v1 =	vpop (erf)  }
.Ltmp9:
0xd3: {  	[tilespmem:s0+$0x1110] =	vst v1;
	v2 =	vbroadcast v1, $0x0;
	(pc) =	sbr.rel @p5 .LBB2_12-.Ltmp9, $4  }
0xd4: {  	v6 =	vld [tilespmem:s17+$0xFFFFFFC0]  }
0xd5: {  	v5 =	vld [tilespmem:s17+$0xFFFFFFD0]  }
0xd6: {  	v4 =	vld [tilespmem:s17+$0xFFFFFFE0]  }
0xd7: {  	v3 =	vld [tilespmem:s17+$0xFFFFFFF0]  }
0xd8: {  	v0 =	vld [tilespmem:s5+$0x0]  }
0xd9: {  	v7 =	vld [tilespmem:s5+$0x10];
	v6 =	vmul.f32 v2, v6  }
0xda: {  	v8 =	vld [tilespmem:s5+$0x20];
	v5 =	vmul.f32 v2, v5  }
0xdb: {  	v1 =	vbroadcast v1, $0x1;
	v60 =	vld [tilespmem:s5+$0x30];
	[tilespmem:s5+$0xFFFFFFC0] =	vst v6;
	v4 =	vmul.f32 v2, v4  }
0xdc: {  	[tilespmem:s5+$0xFFFFFFD0] =	vst v5;
	v61 =	vmul.f32 v3, v2  }
0xdd: {  	[tilespmem:s5+$0xFFFFFFE0] =	vst v4;
	v0 =	vmul.f32 v0, v1  }
0xde: {  	v62 =	vmul.f32 v7, v1;
	[tilespmem:s5+$0xFFFFFFF0] =	vst v61  }
0xdf: {  	v63 =	vmul.f32 v8, v1;
	[tilespmem:s5+$0x0] =	vst v0  }
0xe0: {  	v1 =	vmul.f32 v60, v1;
	[tilespmem:s5+$0x10] =	vst v62  }
0xe1: {  	[tilespmem:s5+$0x20] =	vst v63  }
0xe2: {  	[tilespmem:s5+$0x30] =	vst v1  }
0xe3: {  	[spmem:s2] =	stream.indirect.scatter.add.f32 [tilespmem:s22], [sflag:$0x2], $0x80, s25, s26, $0xb8;
	[tilespmem:$0x1B8A0] =	vst v63  }
0xe4: {  	_ =	swait.ge [sflag:s31], $0x4000  }
0xe5: {  	[sflag:s31] =	ssyncset.done $0x0  }
0xe6: {  	[sflag:s31] =	ssyncadd.s32 $0xFFFFC000  }
0xe7: {  	[spmem:s3] =	stream.indirect.scatter.add.f32 [tilespmem:s23], [sflag:$0x2], $0x10, s25, s26, $0xb8;
	[tilespmem:$0x1B8A0] =	vst v63  }
.Ltmp10:
0xe8: {  	_ =	swait.ge [sflag:s31], $0x800;
	(pc) =	sbr.rel .LBB2_23-.Ltmp10, $3  }
0xe9: {  	[sflag:s31] =	ssyncset.done $0x0  }
0xea: {  	[sflag:s31] =	ssyncadd.s32 $0xFFFFF800  }
0xeb: {  	[bflag:$0x0] =	sbarrier.arrive $0xFFFF;
	_ =	sdelay $0x1  }
.LBB2_14:
0xec: {  	[bflag:$0x0] =	sbarrier.arrive $0xFFFF  }
0xed: {  	s5 =	simm.s32 $0x0;
	s14 =	simm.s32 $0x0;
	v0 =	vld [tilespmem:$0x0]  }
.LBB2_15:
0xee: {  	s0 =	sshll.u32 s14, $0x8  }
0xef: {  	s0 =	sor.u32 s13, s0  }
0xf0: {  	s17 =	sadd.s32 s11, s0  }
0xf1: {  	[tilespmem:s21], [sflag:$0x2] =	stream.linear.gather [hbm4b:s17+s5], $0x80, $0x38;
	[tilespmem:$0x1B8A0] =	vst v63  }
0xf2: {  	_ =	swait.ge [sflag:s31], $0x80  }
0xf3: {  	[sflag:s31] =	ssyncset.done $0x0  }
0xf4: {  	s0 =	sadd.s32 s1, s0;
	[sflag:s31] =	ssyncadd.s32 $0xFFFFFF80  }
0xf5: {  	[tilespmem:s25], [sflag:$0x2] =	stream.linear.gather [hbm4b:s0+s5], $0x80, $0x38;
	[tilespmem:$0x1B8A0] =	vst v63  }
0xf6: {  	_ =	swait.ge [sflag:s31], $0x80  }
0xf7: {  	[sflag:s31] =	ssyncset.done $0x0  }
0xf8: {  	[sflag:s31] =	ssyncadd.s32 $0xFFFFFF80  }
0xf9: {  	[tilespmem:s16], [sflag:$0x1] =	stream.indirect.gather [hbm4b:s8+s26], $0x10, s21, s26, $0xb8;
	[tilespmem:$0x1B8A0] =	vst v63  }
0xfa: {  	_ =	swait.ge [sflag:s24], $0x800  }
0xfb: {  	[sflag:s24] =	ssyncset.done $0x0  }
0xfc: {  	[sflag:s24] =	ssyncadd.s32 $0xFFFFF800  }
0xfd: {  	[tilespmem:s20], [sflag:$0x1] =	stream.indirect.gather [hbm4b:s9+s26], $0x10, s25, s26, $0xb8;
	[tilespmem:$0x1B8A0] =	vst v63  }
0xfe: {  	_ =	swait.ge [sflag:s24], $0x800  }
0xff: {  	[sflag:s24] =	ssyncset.done $0x0  }
0x100: {  	[sflag:s24] =	ssyncadd.s32 $0xFFFFF800  }
0x101: {  	[tilespmem:s22], [sflag:$0x1] =	stream.indirect.gather [hbm4b:s7+s26], $0x80, s21, s26, $0xb8;
	[tilespmem:$0x1B8A0] =	vst v63  }
0x102: {  	_ =	swait.ge [sflag:s24], $0x4000  }
0x103: {  	[sflag:s24] =	ssyncset.done $0x0  }
0x104: {  	s19 =	simm.s32 $0x0;
	[sflag:s24] =	ssyncadd.s32 $0xFFFFC000  }
0x105: {  	v1 =	vld [tilespmem:s19+$0x910]  }
0x106: {  	v2 =	vld [tilespmem:s19+$0x110];
	_ =	sdelay $0x4  }
0x107: {  	v1 =	vadd.f32 v1, v2;
	_ =	sdelay $0x1  }
0x108: {  	v2 =	vmul.f32 $2.000000030e-01, v1  }
0x109: {  	vm0 =	vge.f32 v1, $0.0e+00  }
0x10a: {  	v1 =	vsel vm0, v1, v2  }
0x10b: {  	v1 =	vsub.f32 v1, v0;
	_ =	sdelay $0x1  }
0x10c: {  	v1 =	vmul.f32 $1.442695020e+00, v1;
	_ =	sdelay $0x1  }
0x10d: {  	(erf) = vpow2.f32 v1;
	_ =	sdelay $0x5  }
0x10e: {  	s17 =	simm.s32 $0x1950  }
0x10f: {  	v1 =	vld [tilespmem:s17+$0x30]  }
0x110: {  	v2 =	vld [tilespmem:s17+$0x20]  }
0x111: {  	v3 =	vld [tilespmem:s17+$0x10];
	v4 =	vpop (erf)  }
0x112: {  	v5 =	vld [tilespmem:s17+$0x0];
	v6 =	vbroadcast v4, $0x3  }
0x113: {  	v7 =	vld [tilespmem:s17+$0xFFFFFFF0]  }
0x114: {  	v8 =	vld [tilespmem:s17+$0xFFFFFFE0];
	v1 =	vmul.f32 v1, v6  }
0x115: {  	v9 =	vld [tilespmem:s17+$0xFFFFFFD0];
	v2 =	vmul.f32 v2, v6  }
0x116: {  	v10 =	vld [tilespmem:s17+$0xFFFFFFC0];
	v4 =	vbroadcast v4, $0x2;
	v3 =	vmul.f32 v3, v6;
	[tilespmem:s17+$0x30] =	vst v1  }
0x117: {  	v1 =	vmul.f32 v5, v6;
	[tilespmem:s17+$0x20] =	vst v2  }
0x118: {  	v2 =	vmul.f32 v4, v7;
	[tilespmem:s17+$0x10] =	vst v3  }
0x119: {  	v3 =	vmul.f32 v4, v8;
	[tilespmem:s17+$0x0] =	vst v1  }
0x11a: {  	v1 =	vmul.f32 v4, v9;
	[tilespmem:s17+$0xFFFFFFF0] =	vst v2  }
0x11b: {  	v2 =	vmul.f32 v4, v10;
	[tilespmem:s17+$0xFFFFFFE0] =	vst v3  }
0x11c: {  	[tilespmem:s17+$0xFFFFFFD0] =	vst v1  }
0x11d: {  	s19 =	simm.s32 $0x10;
	[tilespmem:s17+$0xFFFFFFC0] =	vst v2  }
0x11e: {  	s18 =	simm.s32 $0x80;
	v1 =	vld [tilespmem:s19+$0x910]  }
.LBB2_16:
0x11f: {  	p5 =	sne.s32 s18, $0x1FC0;
	v2 =	vld [tilespmem:s19+$0x110];
	_ =	sdelay $0x4  }
0x120: {  	v1 =	vadd.f32 v1, v2;
	_ =	sdelay $0x1  }
0x121: {  	v2 =	vmul.f32 $2.000000030e-01, v1  }
0x122: {  	vm0 =	vge.f32 v1, $0.0e+00  }
0x123: {  	v1 =	vsel vm0, v1, v2  }
0x124: {  	v1 =	vsub.f32 v1, v0;
	_ =	sdelay $0x1  }
0x125: {  	v1 =	vmul.f32 $1.442695020e+00, v1;
	_ =	sdelay $0x1  }
0x126: {  	(erf) = vpow2.f32 v1;
	_ =	sdelay $0x1  }
0x127: {  	s17 =	sadd.s32 $0x80, s17  }
0x128: {  	v1 =	vld [tilespmem:s17+$0xFFFFFFF0]  }
0x129: {  	v2 =	vld [tilespmem:s17+$0xFFFFFFC0]  }
0x12a: {  	v3 =	vld [tilespmem:s17+$0x30]  }
0x12b: {  	v4 =	vld [tilespmem:s17+$0x20]  }
0x12c: {  	v5 =	vld [tilespmem:s17+$0x10]  }
0x12d: {  	v6 =	vld [tilespmem:s17+$0x0]  }
0x12e: {  	v7 =	vld [tilespmem:s17+$0xFFFFFFE0];
	v8 =	vpop (erf)  }
0x12f: {  	v9 =	vbroadcast v8, $0x2;
	v10 =	vld [tilespmem:s17+$0xFFFFFFD0];
	v8 =	vbroadcast v8, $0x3;
	_ =	sdelay $0x1  }
0x130: {  	v4 =	vmul.f32 v4, v8;
	v3 =	vmul.f32 v3, v8  }
0x131: {  	v5 =	vmul.f32 v5, v8;
	v6 =	vmul.f32 v6, v8  }
0x132: {  	v1 =	vmul.f32 v9, v1;
	v7 =	vmul.f32 v9, v7;
	[tilespmem:s17+$0x30] =	vst v3  }
0x133: {  	v2 =	vmul.f32 v9, v2;
	v3 =	vmul.f32 v9, v10;
	[tilespmem:s17+$0x20] =	vst v4  }
0x134: {  	[tilespmem:s17+$0x10] =	vst v5  }
0x135: {  	[tilespmem:s17+$0x0] =	vst v6  }
.Ltmp11:
0x136: {  	[tilespmem:s17+$0xFFFFFFF0] =	vst v1;
	(pc) =	sbr.rel @p5 .LBB2_16-.Ltmp11, $4  }
0x137: {  	[tilespmem:s17+$0xFFFFFFE0] =	vst v7  }
0x138: {  	[tilespmem:s17+$0xFFFFFFD0] =	vst v3  }
0x139: {  	s19 =	sshra.s32 s18, $0x2;
	[tilespmem:s17+$0xFFFFFFC0] =	vst v2  }
0x13a: {  	s18 =	sadd.s32 $0x40, s18;
	v1 =	vld [tilespmem:s19+$0x910]  }
0x13b: {  	v2 =	vld [tilespmem:s19+$0x110];
	_ =	sdelay $0x4  }
0x13c: {  	v1 =	vadd.f32 v1, v2;
	_ =	sdelay $0x1  }
0x13d: {  	v2 =	vmul.f32 $2.000000030e-01, v1  }
0x13e: {  	vm0 =	vge.f32 v1, $0.0e+00  }
0x13f: {  	v1 =	vsel vm0, v1, v2  }
0x140: {  	v1 =	vsub.f32 v1, v0;
	_ =	sdelay $0x1  }
0x141: {  	v1 =	vmul.f32 $1.442695020e+00, v1;
	_ =	sdelay $0x1  }
0x142: {  	(erf) = vpow2.f32 v1;
	_ =	sdelay $0x5  }
0x143: {  	s0 =	sadd.s32 $0x80, s17  }
0x144: {  	v1 =	vld [tilespmem:s0+$0x30]  }
0x145: {  	v2 =	vld [tilespmem:s0+$0x20]  }
0x146: {  	v3 =	vld [tilespmem:s0+$0x10];
	v4 =	vpop (erf)  }
0x147: {  	v5 =	vld [tilespmem:s0+$0x0];
	v6 =	vbroadcast v4, $0x3  }
0x148: {  	v7 =	vld [tilespmem:s0+$0xFFFFFFF0]  }
0x149: {  	v8 =	vld [tilespmem:s0+$0xFFFFFFE0];
	v1 =	vmul.f32 v1, v6  }
0x14a: {  	v9 =	vld [tilespmem:s0+$0xFFFFFFD0];
	v2 =	vmul.f32 v2, v6  }
0x14b: {  	v10 =	vld [tilespmem:s0+$0xFFFFFFC0];
	v4 =	vbroadcast v4, $0x2;
	v3 =	vmul.f32 v3, v6;
	[tilespmem:s0+$0x30] =	vst v1  }
0x14c: {  	v1 =	vmul.f32 v5, v6;
	[tilespmem:s0+$0x20] =	vst v2  }
0x14d: {  	v2 =	vmul.f32 v4, v7;
	[tilespmem:s0+$0x10] =	vst v3  }
0x14e: {  	v3 =	vmul.f32 v4, v8;
	[tilespmem:s0+$0x0] =	vst v1  }
0x14f: {  	v1 =	vmul.f32 v4, v9;
	[tilespmem:s0+$0xFFFFFFF0] =	vst v2  }
0x150: {  	s14 =	sadd.s32 $0x1, s14;
	v2 =	vmul.f32 v4, v10;
	[tilespmem:s0+$0xFFFFFFE0] =	vst v3  }
0x151: {  	p5 =	sne.s32 s14, $0x9C;
	[tilespmem:s0+$0xFFFFFFD0] =	vst v1  }
.Ltmp12:
0x152: {  	[tilespmem:s0+$0xFFFFFFC0] =	vst v2;
	(pc) =	sbr.rel @p5 .LBB2_15-.Ltmp12, $4  }
0x153: {  	[spmem:s2] =	stream.indirect.scatter.add.f32 [tilespmem:s22], [sflag:$0x2], $0x80, s25, s26, $0xb8;
	[tilespmem:$0x1B8A0] =	vst v63  }
0x154: {  	_ =	swait.ge [sflag:s31], $0x4000  }
0x155: {  	[sflag:s31] =	ssyncset.done $0x0  }
0x156: {  	[sflag:s31] =	ssyncadd.s32 $0xFFFFC000  }
.Ltmp13:
0x157: {  	(pc) =	sbr.rel @p3 .LBB2_25-.Ltmp13, $1  }
0x158: {  	_ =	sdelay $0x3  }
0x159: {  	s0 =	simm.s32 $0x0;
	s5 =	rddreg [dreg:$0x8]  }
0x15a: {  	[tilespmem:s21], [sflag:$0x2] =	stream.linear.gather [hbm4b:s5+s0], $0x80, $0x38;
	[tilespmem:$0x1B8A0] =	vst v63  }
0x15b: {  	_ =	swait.ge [sflag:s31], $0x80  }
0x15c: {  	[sflag:s31] =	ssyncset.done $0x0  }
0x15d: {  	s18 =	rddreg [dreg:$0x9];
	[sflag:s31] =	ssyncadd.s32 $0xFFFFFF80  }
0x15e: {  	[tilespmem:s25], [sflag:$0x2] =	stream.linear.gather [hbm4b:s18+s0], $0x80, $0x38;
	[tilespmem:$0x1B8A0] =	vst v63  }
0x15f: {  	_ =	swait.ge [sflag:s31], $0x80  }
0x160: {  	[sflag:s31] =	ssyncset.done $0x0  }
0x161: {  	[sflag:s31] =	ssyncadd.s32 $0xFFFFFF80  }
0x162: {  	[tilespmem:s16], [sflag:$0x1] =	stream.indirect.gather [hbm4b:s8+s26], $0x10, s21, s26, $0xb8;
	[tilespmem:$0x1B8A0] =	vst v63  }
0x163: {  	_ =	swait.ge [sflag:s24], $0x800  }
0x164: {  	[sflag:s24] =	ssyncset.done $0x0  }
0x165: {  	[sflag:s24] =	ssyncadd.s32 $0xFFFFF800  }
0x166: {  	[tilespmem:s20], [sflag:$0x1] =	stream.indirect.gather [hbm4b:s9+s26], $0x10, s25, s26, $0xb8;
	[tilespmem:$0x1B8A0] =	vst v63  }
0x167: {  	_ =	swait.ge [sflag:s24], $0x800  }
0x168: {  	[sflag:s24] =	ssyncset.done $0x0  }
0x169: {  	[sflag:s24] =	ssyncadd.s32 $0xFFFFF800  }
0x16a: {  	[tilespmem:s22], [sflag:$0x1] =	stream.indirect.gather [hbm4b:s7+s26], $0x80, s21, s26, $0xb8;
	[tilespmem:$0x1B8A0] =	vst v63  }
0x16b: {  	_ =	swait.ge [sflag:s24], $0x4000  }
0x16c: {  	[sflag:s24] =	ssyncset.done $0x0  }
0x16d: {  	s19 =	simm.s32 $0x0;
	[sflag:s24] =	ssyncadd.s32 $0xFFFFC000  }
0x16e: {  	v1 =	vld [tilespmem:s19+$0x910]  }
0x16f: {  	v2 =	vld [tilespmem:s19+$0x110];
	_ =	sdelay $0x4  }
0x170: {  	v1 =	vadd.f32 v1, v2;
	_ =	sdelay $0x1  }
0x171: {  	v2 =	vmul.f32 $2.000000030e-01, v1  }
0x172: {  	vm0 =	vge.f32 v1, $0.0e+00  }
0x173: {  	v1 =	vsel vm0, v1, v2  }
0x174: {  	v1 =	vsub.f32 v1, v0;
	_ =	sdelay $0x1  }
0x175: {  	v1 =	vmul.f32 $1.442695020e+00, v1;
	_ =	sdelay $0x1  }
0x176: {  	(erf) = vpow2.f32 v1;
	_ =	sdelay $0x5  }
0x177: {  	s5 =	simm.s32 $0x1950  }
0x178: {  	v1 =	vld [tilespmem:s5+$0x30]  }
0x179: {  	v2 =	vld [tilespmem:s5+$0x20]  }
0x17a: {  	v3 =	vld [tilespmem:s5+$0x10];
	v4 =	vpop (erf)  }
0x17b: {  	v5 =	vld [tilespmem:s5+$0x0];
	v6 =	vbroadcast v4, $0x3  }
0x17c: {  	v7 =	vld [tilespmem:s5+$0xFFFFFFF0]  }
0x17d: {  	v8 =	vld [tilespmem:s5+$0xFFFFFFE0];
	v1 =	vmul.f32 v1, v6  }
0x17e: {  	v9 =	vld [tilespmem:s5+$0xFFFFFFD0];
	v2 =	vmul.f32 v2, v6  }
0x17f: {  	v10 =	vld [tilespmem:s5+$0xFFFFFFC0];
	v4 =	vbroadcast v4, $0x2;
	v3 =	vmul.f32 v3, v6;
	[tilespmem:s5+$0x30] =	vst v1  }
0x180: {  	v1 =	vmul.f32 v5, v6;
	[tilespmem:s5+$0x20] =	vst v2  }
0x181: {  	v2 =	vmul.f32 v4, v7;
	[tilespmem:s5+$0x10] =	vst v3  }
0x182: {  	v3 =	vmul.f32 v4, v8;
	[tilespmem:s5+$0x0] =	vst v1  }
0x183: {  	v1 =	vmul.f32 v4, v9;
	[tilespmem:s5+$0xFFFFFFF0] =	vst v2  }
0x184: {  	v2 =	vmul.f32 v4, v10;
	[tilespmem:s5+$0xFFFFFFE0] =	vst v3  }
0x185: {  	[tilespmem:s5+$0xFFFFFFD0] =	vst v1  }
0x186: {  	s17 =	simm.s32 $0x10;
	[tilespmem:s5+$0xFFFFFFC0] =	vst v2  }
0x187: {  	s14 =	simm.s32 $0x80;
	v1 =	vld [tilespmem:s17+$0x910]  }
.LBB2_20:
0x188: {  	p5 =	sne.s32 s14, $0x1FC0;
	v2 =	vld [tilespmem:s17+$0x110];
	_ =	sdelay $0x4  }
0x189: {  	v1 =	vadd.f32 v1, v2;
	_ =	sdelay $0x1  }
0x18a: {  	v2 =	vmul.f32 $2.000000030e-01, v1  }
0x18b: {  	vm0 =	vge.f32 v1, $0.0e+00  }
0x18c: {  	v1 =	vsel vm0, v1, v2  }
0x18d: {  	v1 =	vsub.f32 v1, v0;
	_ =	sdelay $0x1  }
0x18e: {  	v1 =	vmul.f32 $1.442695020e+00, v1;
	_ =	sdelay $0x1  }
0x18f: {  	(erf) = vpow2.f32 v1;
	_ =	sdelay $0x1  }
0x190: {  	s5 =	sadd.s32 $0x80, s5  }
0x191: {  	v1 =	vld [tilespmem:s5+$0xFFFFFFF0]  }
0x192: {  	v2 =	vld [tilespmem:s5+$0xFFFFFFC0]  }
0x193: {  	v3 =	vld [tilespmem:s5+$0x30]  }
0x194: {  	v4 =	vld [tilespmem:s5+$0x20]  }
0x195: {  	v5 =	vld [tilespmem:s5+$0x10]  }
0x196: {  	v6 =	vld [tilespmem:s5+$0x0]  }
0x197: {  	v7 =	vld [tilespmem:s5+$0xFFFFFFE0];
	v8 =	vpop (erf)  }
0x198: {  	v9 =	vbroadcast v8, $0x2;
	v10 =	vld [tilespmem:s5+$0xFFFFFFD0];
	v8 =	vbroadcast v8, $0x3;
	_ =	sdelay $0x1  }
0x199: {  	v4 =	vmul.f32 v4, v8;
	v3 =	vmul.f32 v3, v8  }
0x19a: {  	v5 =	vmul.f32 v5, v8;
	v6 =	vmul.f32 v6, v8  }
0x19b: {  	v1 =	vmul.f32 v9, v1;
	v7 =	vmul.f32 v9, v7;
	[tilespmem:s5+$0x30] =	vst v3  }
0x19c: {  	v2 =	vmul.f32 v9, v2;
	v3 =	vmul.f32 v9, v10;
	[tilespmem:s5+$0x20] =	vst v4  }
0x19d: {  	[tilespmem:s5+$0x10] =	vst v5  }
0x19e: {  	[tilespmem:s5+$0x0] =	vst v6  }
.Ltmp14:
0x19f: {  	[tilespmem:s5+$0xFFFFFFF0] =	vst v1;
	(pc) =	sbr.rel @p5 .LBB2_20-.Ltmp14, $4  }
0x1a0: {  	[tilespmem:s5+$0xFFFFFFE0] =	vst v7  }
0x1a1: {  	[tilespmem:s5+$0xFFFFFFD0] =	vst v3  }
0x1a2: {  	s17 =	sshra.s32 s14, $0x2;
	[tilespmem:s5+$0xFFFFFFC0] =	vst v2  }
0x1a3: {  	s14 =	sadd.s32 $0x40, s14;
	v1 =	vld [tilespmem:s17+$0x910]  }
0x1a4: {  	v2 =	vld [tilespmem:s17+$0x110];
	_ =	sdelay $0x4  }
0x1a5: {  	v1 =	vadd.f32 v1, v2;
	_ =	sdelay $0x1  }
0x1a6: {  	v2 =	vmul.f32 $2.000000030e-01, v1  }
0x1a7: {  	vm0 =	vge.f32 v1, $0.0e+00  }
0x1a8: {  	v1 =	vsel vm0, v1, v2  }
0x1a9: {  	v0 =	vsub.f32 v1, v0;
	_ =	sdelay $0x1  }
0x1aa: {  	v0 =	vmul.f32 $1.442695020e+00, v0;
	_ =	sdelay $0x1  }
0x1ab: {  	(erf) = vpow2.f32 v0;
	_ =	sdelay $0x5  }
0x1ac: {  	s0 =	sadd.s32 $0x80, s5  }
0x1ad: {  	v56 =	vld [tilespmem:s0+$0x30]  }
0x1ae: {  	v57 =	vld [tilespmem:s0+$0x20]  }
0x1af: {  	v58 =	vld [tilespmem:s0+$0x10];
	v3 =	vpop (erf)  }
0x1b0: {  	v4 =	vld [tilespmem:s0+$0x0];
	v5 =	vbroadcast v3, $0x3  }
0x1b1: {  	v6 =	vld [tilespmem:s0+$0xFFFFFFF0]  }
0x1b2: {  	v7 =	vld [tilespmem:s0+$0xFFFFFFE0];
	v0 =	vmul.f32 v56, v5  }
0x1b3: {  	v8 =	vld [tilespmem:s0+$0xFFFFFFD0];
	v1 =	vmul.f32 v57, v5  }
0x1b4: {  	v9 =	vld [tilespmem:s0+$0xFFFFFFC0];
	v3 =	vbroadcast v3, $0x2;
	v2 =	vmul.f32 v58, v5;
	[tilespmem:s0+$0x30] =	vst v0  }
0x1b5: {  	v59 =	vmul.f32 v4, v5;
	[tilespmem:s0+$0x20] =	vst v1  }
0x1b6: {  	v60 =	vmul.f32 v3, v6;
	[tilespmem:s0+$0x10] =	vst v2  }
0x1b7: {  	v61 =	vmul.f32 v3, v7;
	[tilespmem:s0+$0x0] =	vst v59  }
0x1b8: {  	v62 =	vmul.f32 v3, v8;
	[tilespmem:s0+$0xFFFFFFF0] =	vst v60  }
0x1b9: {  	v63 =	vmul.f32 v3, v9;
	[tilespmem:s0+$0xFFFFFFE0] =	vst v61  }
0x1ba: {  	[tilespmem:s0+$0xFFFFFFD0] =	vst v62  }
0x1bb: {  	[tilespmem:s0+$0xFFFFFFC0] =	vst v63  }
0x1bc: {  	[spmem:s2] =	stream.indirect.scatter.add.f32 [tilespmem:s22], [sflag:$0x2], $0x80, s25, s26, $0xb8;
	[tilespmem:$0x1B8A0] =	vst v63  }
.Ltmp15:
0x1bd: {  	_ =	swait.ge [sflag:s31], $0x4000;
	(pc) =	sbr.rel .LBB2_26-.Ltmp15, $3  }
0x1be: {  	[sflag:s31] =	ssyncset.done $0x0  }
0x1bf: {  	[sflag:s31] =	ssyncadd.s32 $0xFFFFC000  }
0x1c0: {  	[bflag:$0x0] =	sbarrier.arrive $0xFFFF;
	_ =	sdelay $0x1  }
.LBB2_22:
.Ltmp16:
0x1c1: {  	(pc) =	sbr.rel @!p4 .LBB2_23-.Ltmp16, $2  }
0x1c2: {  	_ =	sdelay $0x1  }
0x1c3: {  	[bflag:$0x0] =	sbarrier.arrive $0xFFFF;
	_ =	sdelay $0x1  }
0x1c4: {  	s0 =	sshrl.u32 s29, $0x3;
	s5 =	rddreg [dreg:$0xf];
	s14 =	simm.s32 $0x1FC2  }
0x1c5: {  	[hbm:s5], [sflag:s14] =	dma.local [spmem:s0], $0x2800  }
0x1c6: {  	_ =	swait.ge [sflag:s31], $0x2800  }
0x1c7: {  	s18 =	rddreg [dreg:$0x11]  }
0x1c8: {  	[sflag:s31] =	ssyncset.done $0x0;
	s19 =	rddreg [dreg:$0x10]  }
.Ltmp17:
0x1c9: {  	[sflag:s31] =	ssyncadd.s32 $0xFFFFD800;
	s0 =	sshrl.u32 s18, $0x3;
	(pc) =	sbr.rel .LBB2_28-.Ltmp17, $4  }
0x1ca: {  	[hbm:s19], [sflag:s14] =	dma.local [spmem:s0], $0x500  }
0x1cb: {  	_ =	swait.ge [sflag:s31], $0x500  }
0x1cc: {  	[sflag:s31] =	ssyncset.done $0x0  }
0x1cd: {  	s15 =	simm.s32 $0x1FC2;
	[sflag:s31] =	ssyncadd.s32 $0xFFFFFB00  }
.LBB2_23:
0x1ce: {  	s0 =	sshll.u32 s4, $0x6  }
0x1cf: {  	s5 =	sshrl.u32 s12, $0x3;
	s14 =	rddreg [dreg:$0xc];
	s0 =	sor.u32 $0x1C02, s0  }
0x1d0: {  	[hbm:s14], [sflag:s0] =	dma.local [spmem:s5], $0x2700  }
0x1d1: {  	_ =	swait.ge [sflag:s31], $0x2700  }
0x1d2: {  	s18 =	rddreg [dreg:$0x12]  }
0x1d3: {  	[sflag:s31] =	ssyncset.done $0x0;
	s19 =	rddreg [dreg:$0xd]  }
.Ltmp18:
0x1d4: {  	[sflag:s31] =	ssyncadd.s32 $0xFFFFD900;
	s5 =	sshrl.u32 s18, $0x3;
	(pc) =	sbr.rel .LBB2_28-.Ltmp18, $4  }
0x1d5: {  	[hbm:s19], [sflag:s0] =	dma.local [spmem:s5], $0x4E0  }
0x1d6: {  	_ =	swait.ge [sflag:s31], $0x4E0  }
0x1d7: {  	[sflag:s31] =	ssyncset.done $0x0  }
0x1d8: {  	[sflag:s31] =	ssyncadd.s32 $0xFFFFFB20  }
.LBB2_25:
.Ltmp19:
0x1d9: {  	(pc) =	sbr.rel @p4 .LBB2_27-.Ltmp19, $2  }
0x1da: {  	_ =	sdelay $0x1  }
0x1db: {  	[bflag:$0x0] =	sbarrier.arrive $0xFFFF;
	_ =	sdelay $0x1  }
.LBB2_26:
0x1dc: {  	s0 =	sshll.u32 s4, $0x6;
	s5 =	sshrl.u32 s12, $0x3  }
.Ltmp20:
0x1dd: {  	s14 =	rddreg [dreg:$0xa];
	s0 =	sor.u32 $0x1C02, s0;
	(pc) =	sbr.rel .LBB2_28-.Ltmp20, $4  }
0x1de: {  	[hbm:s14], [sflag:s0] =	dma.local [spmem:s5], $0x2700  }
0x1df: {  	_ =	swait.ge [sflag:s31], $0x2700  }
0x1e0: {  	[sflag:s31] =	ssyncset.done $0x0  }
0x1e1: {  	[sflag:s31] =	ssyncadd.s32 $0xFFFFD900  }
.LBB2_29:
0x1e2: {  	_ =	sfence.sel $0x180000  }
0x1e3: {  	[bflag:$0x0] =	sbarrier.arrive $0xFFFF  }
0x1e4: {  	_ =	strace $0x90000047  }
0x1e5: {  	[bflag:$0x2] =	sbarrier.arrive $0xFFFF  }
0x1e6: {  	p0 =	sne.s32 s4, $0x0;
	s0 =	rddreg [dreg:$0x4]  }
0x1e7: {  	s0 =	sadd.s32 @!p0 $0x100000, s0  }
0x1e8: {  	[sflag:s0] =	ssyncadd.tile.s32 @!p0 $0x1;
	_ =	shalt  }
.Lfunc_end2:
_tile_overlayer_lowered:
.L_overlay_start_2:
0x1e9: {  	(tag) =	ssettag $0x2  }
0x1ea: {  	s0 =	rddreg [dreg:$0x0];
	s2 =	stileid.u32  }
0x1eb: {  	s1 =	rddreg [dreg:$0x1];
	p0 =	sne.s32 s2, $0x0  }
0x1ec: {  	s3 =	rddreg [dreg:$0x2];
	[bflag:$0x3] =	sbarrier.arrive $0xFFFF;
	s2 =	simm.s32 @!p0 $0x1C02  }
0x1ed: {  	[timem:s3], [sflag:s2] =	dma.local @!p0 [hbm:s0], s1  }
0x1ee: {  	s0 =	simm.s32 @!p0 $0x2  }
0x1ef: {  	_ =	swait.ge @!p0 [sflag:s0], s1  }
0x1f0: {  	s1 =	ssub.s32 @!p0 $0x0, s1;
	[sflag:s0] =	ssyncset.done @!p0 $0x0  }
0x1f1: {  	[sflag:s0] =	ssyncadd.s32 @!p0 s1  }
0x1f2: {  	[bflag:$0x3] =	sbarrier.arrive $0xFFFF  }
0x1f3: {  	_ =	shalt  }

</sc_bundles>
